<compile_context>
chip_gen: v7x
topology: tpu7x:2x2x1
jax: 0.10.2.dev20260603
libtpu: 0.0.44.dev20260713+nightly
codegen_flags: <defaults>
</compile_context>

<pallas_src>
import functools

import numpy as np

import jax
import jax.numpy as jnp
from jax import lax
from jax.experimental import pallas as pl
from jax.experimental.pallas import tpu as pltpu
from jax.experimental.pallas import tpu_sc as plsc

LAMBDA_VAL = 4.0
MARGIN = 0.02
HIGH_CONSTANT = 2.0
EPS = 1e-05

M = 2048
N = 16384
NL = 16
CH = N // NL
NC = 2
NS = 16
NW = NC * NS
RPW = M // NW
INT_MIN = np.int32(-2147483648)


def _digit(k, shift):
    return (k >> shift) & np.int32(255)


NR = 3


SHIFTS = (0, 8, 16)


def _make_ap_body(m_rows):
  rpw = m_rows // NW
  ngrp = rpw // NR
  nrem = rpw - ngrp * NR

  def _ap_body(key_hbm, out_hbm, key_a0, key_b0, key_a1, key_b1,
               key_a2, key_b2, hista0, histb0, hista1, histb1,
               hista2, histb2, out_stage, dma_sem):
      cid = lax.axis_index("c")
      sid = lax.axis_index("s")
      wid = cid * NS + sid
      lanes = lax.iota(jnp.int32, NL)
      lane_base = lanes * (CH + 1)
      zero_i = jnp.zeros_like(lanes)
      zero_f = zero_i.astype(jnp.float32)
      ones_i = zero_i + np.int32(1)

      def zero_hist(hists):
          def zbody(z, _):
              for h in hists:
                  h[pl.ds(z * NL, NL)] = zero_i
              return 0
          lax.fori_loop(0, 256, zbody, 0, unroll=2)

      def scan_hist(hists, zhists):
          def sbody(d, runs):
              vs = [h[pl.ds(d * NL, NL)] for h in hists]
              css = [plsc.cumsum(v) for v in vs]
              for h, v, cs, run in zip(hists, vs, css, runs):
                  h[pl.ds(d * NL, NL)] = cs - v + run
              for h in zhists:
                  h[pl.ds(d * NL, NL)] = zero_i
              return tuple((cs - v + run)[NL - 1] + v[NL - 1]
                           for v, cs, run in zip(vs, css, runs))
          lax.fori_loop(0, 256, sbody, (np.int32(0),) * len(hists), unroll=2)

      def hist_pass(kins, hists, shift):
          def hbody(i, _):
              ks = [kin[pl.ds(i * NL, NL)] for kin in kins]
              hs = [_digit(k, shift) * NL + lanes for k in ks]
              cs = [plsc.load_gather(h, [hx]) for h, hx in zip(hists, hs)]
              for h, hx, c in zip(hists, hs, cs):
                  plsc.store_scatter(h, [hx], c + np.int32(1))
              return 0
          lax.fori_loop(0, CH, hbody, 0, unroll=4)

      def permute_pass(kins, kouts, hists, nhists, shift, nshift, linear, last):
          def load_of(kin, i):
              if linear:
                  return kin[pl.ds(i * NL, NL)]
              return plsc.load_gather(kin, [lane_base + i])

          def pbody(i, _):
              ks = [load_of(kin, i) for kin in kins]
              hs = [_digit(k, shift) * NL + lanes for k in ks]
              ds = [plsc.load_gather(h, [hx]) for h, hx in zip(hists, hs)]
              for h, hx, d in zip(hists, hs, ds):
                  plsc.store_scatter(h, [hx], d + np.int32(1))
              for kout, k, d in zip(kouts, ks, ds):
                  v = (k & np.int32(1)) if last else k
                  pd = d if last else d + (d >> np.int32(10))
                  plsc.store_scatter(kout, [pd], v)
              if nshift is not None:
                  for nh, k, d in zip(nhists, ks, ds):
                      nx = _digit(k, nshift) * NL + (d >> np.int32(10))
                      plsc.addupdate_scatter(nh, [nx], ones_i)
              return 0
          lax.fori_loop(0, CH, pbody, 0, unroll=4)

      def process_rows(row0, a, b, ha, hb, out_idx, pf_row0=None):
          n = len(a)
          for t in range(n):
              if pf_row0 is None:
                  pltpu.sync_copy(key_hbm.at[row0 + t], a[t].at[pl.ds(0, N)])
              else:
                  pltpu.make_async_copy(key_hbm.at[row0 + t],
                                        a[t].at[pl.ds(0, N)], dma_sem).wait()

          zero_hist(ha + hb)
          hist_pass(a, ha, SHIFTS[0])
          scan_hist(ha, ())
          src, dst = a, b
          hcur, hnxt = ha, hb
          for p, sh in enumerate(SHIFTS):
              last = p == len(SHIFTS) - 1
              nshift = None if last else SHIFTS[p + 1]
              permute_pass(src, dst, hcur, hnxt, sh, nshift, p == 0, last)
              if not last:
                  scan_hist(hnxt, hcur)
              src, dst = dst, src
              hcur, hnxt = hnxt, hcur
          fin = src

          if pf_row0 is not None:
              for t in range(n):
                  pltpu.async_copy(key_hbm.at[pf_row0 + t],
                                   a[t].at[pl.ds(0, N)], dma_sem)

          rank0 = lanes + np.int32(1)

          def abody(i, carry):
              accs, cts = carry
              tvs = [ka[pl.ds(i * NL, NL)] for ka in fin]
              css = [plsc.cumsum(tv) + c for tv, c in zip(tvs, cts)]
              r = (rank0 + i * NL).astype(jnp.float32)
              accs = tuple(
                  acc + tv.astype(jnp.float32) * cs.astype(jnp.float32) / r
                  for acc, tv, cs in zip(accs, tvs, css))
              cts = tuple(cs[NL - 1] for cs in css)
              return accs, cts

          accs, cts = lax.fori_loop(
              0, CH, abody, ((zero_f,) * n, (np.int32(0),) * n), unroll=4)
          for t in range(n):
              s = jnp.sum(accs[t])
              denom = cts[t].astype(jnp.float32) + np.float32(EPS)
              prec = jnp.broadcast_to(s, (NL,)) / jnp.broadcast_to(denom, (NL,))
              plsc.store_scatter(out_stage, [zero_i + (out_idx + t)], prec,
                                 mask=lanes < 1)

      a3 = (key_a0, key_a1, key_a2)
      b3 = (key_b0, key_b1, key_b2)
      ha3 = (hista0, hista1, hista2)
      hb3 = (histb0, histb1, histb2)

      for t in range(NR):
          pltpu.async_copy(key_hbm.at[wid * rpw + t],
                           a3[t].at[pl.ds(0, N)], dma_sem)

      def row_body(j, _):
          jn = jnp.minimum(j + 1, ngrp - 1)
          process_rows(wid * rpw + NR * j, a3, b3, ha3, hb3, NR * j,
                       pf_row0=wid * rpw + NR * jn)
          return 0

      lax.fori_loop(0, ngrp, row_body, 0)

      for t in range(NR):
          pltpu.make_async_copy(key_hbm.at[wid * rpw + NR * (ngrp - 1) + t],
                                a3[t].at[pl.ds(0, N)], dma_sem).wait()

      def rem_body(j, _):
          r = ngrp * NR + j
          process_rows(wid * rpw + r, a3[:1], b3[:1], ha3[:1], hb3[:1], r)
          return 0

      if nrem:
          lax.fori_loop(0, nrem, rem_body, 0)

      pltpu.sync_copy(out_stage, out_hbm.at[pl.ds(wid * rpw, rpw)])

  return _ap_body


def _make_ap_kernel(m_rows):
  return functools.partial(
    pl.kernel,
    mesh=plsc.VectorSubcoreMesh(core_axis_name="c", subcore_axis_name="s"),
    out_type=jax.ShapeDtypeStruct((m_rows,), jnp.float32),
    compiler_params=pltpu.CompilerParams(needs_layout_passes=False),
    scratch_types=[
        pltpu.VMEM((N + NL,), jnp.int32),
        pltpu.VMEM((N + NL,), jnp.int32),
        pltpu.VMEM((N + NL,), jnp.int32),
        pltpu.VMEM((N + NL,), jnp.int32),
        pltpu.VMEM((N + NL,), jnp.int32),
        pltpu.VMEM((N + NL,), jnp.int32),
        pltpu.VMEM((256 * NL,), jnp.int32),
        pltpu.VMEM((256 * NL,), jnp.int32),
        pltpu.VMEM((256 * NL,), jnp.int32),
        pltpu.VMEM((256 * NL,), jnp.int32),
        pltpu.VMEM((256 * NL,), jnp.int32),
        pltpu.VMEM((256 * NL,), jnp.int32),
        pltpu.VMEM((m_rows // NW,), jnp.float32),
        pltpu.SemaphoreType.DMA,
    ],
  )(_make_ap_body(m_rows))


NSPLIT = 1
_ap_kernels = [_make_ap_kernel(M // NSPLIT) for _ in range(NSPLIT)]


def kernel(output, target):
    target_f = target.astype(output.dtype)
    kd = jax.random.key(42)
    deviations = jnp.abs(
        jax.random.normal(kd, target_f.shape, dtype=output.dtype)
    ) * (target_f - 0.5)
    scores = output - MARGIN * deviations
    b = lax.bitcast_convert_type(scores, jnp.int32)
    mh = M // NSPLIT
    precs = []
    for h in range(NSPLIT):
        bh = b[h * mh:(h + 1) * mh]
        th = target[h * mh:(h + 1) * mh].astype(jnp.int32)
        mono = jnp.where(bh < 0, bh, ~(bh ^ INT_MIN))
        key = ((mono >> np.int32(8)) & np.int32(-2)) | th
        precs.append(_ap_kernels[h](key))
    prec = jnp.concatenate(precs)
    return 1.0 - jnp.mean(prec)

# --- scband reference (transcript-rebuilt; emitter-appended) ---
"""Pipeline reference for scband-black-box-ap-16226386444749 (READ-ONLY COPY).

The authoritative reference and input builder live on the scoring server;
editing this copy changes nothing except your own understanding.
"""

import jax, jax.numpy as jnp
import numpy as np

LAMBDA_VAL = 4.0
MARGIN = 0.02
HIGH_CONSTANT = 2.0
EPS = 1e-05


def _rank(seq):
    # torch: torch.argsort(torch.argsort(seq).flip(1))
    inner = jnp.argsort(seq, axis=1)
    flipped = jnp.flip(inner, axis=1)
    return jnp.argsort(flipped, axis=1)


def _rank_normalised(seq):
    return (_rank(seq) + 1).astype(jnp.float32) / seq.shape[1]


def setup_inputs(seed: int = 0) -> dict:
    key = jax.random.key(seed)
    k1, k2 = jax.random.split(key)
    output = jax.random.normal(k1, (2048, 16384), dtype=jnp.float32)
    target = jax.random.randint(k2, (2048, 16384), 0, 2)
    return {"output": output, "target": target}


def reference(output, target):
    target_f = target.astype(output.dtype)
    # deviations = |randn_like(targets)| * (targets - 0.5)
    kd = jax.random.key(42)
    deviations = jnp.abs(jax.random.normal(kd, target_f.shape, dtype=output.dtype)) * (target_f - 0.5)
    scores = output - MARGIN * deviations
    # TrueRanker.forward == rank_normalised(scores)
    ranks_of_positive = _rank_normalised(scores)
    scores_for_ranking_positives = -ranks_of_positive + HIGH_CONSTANT * target_f
    ranks_within_positive = _rank_normalised(scores_for_ranking_positives)
    sum_of_precisions_at_j_per_class = jnp.sum(ranks_within_positive / ranks_of_positive * target_f, axis=1)
    precisions_per_class = sum_of_precisions_at_j_per_class / (jnp.sum(target_f, axis=1) + EPS)
    # return_type == '1-mAP'
    return 1.0 - jnp.mean(precisions_per_class)

if __name__ == "__main__":
    import jax
    _d = setup_inputs()
    print(jax.jit(kernel)(*tuple(_d.values())))

</pallas_src>

<mosaic_0001>
#map = affine_map<(d0, d1) -> (0, 0)>
#map1 = affine_map<(d0, d1) -> (0)>
module attributes {stable_mosaic.version = 14 : i64} {
  func.func @_ap_body(%arg0: i32, %arg1: i32, %arg2: memref<2048x16384xi32, #tpu.memory_space<hbm>>, %arg3: memref<2048xf32, #tpu.memory_space<hbm>>, %arg4: memref<16400xi32, #tpu.memory_space<vmem>>, %arg5: memref<16400xi32, #tpu.memory_space<vmem>>, %arg6: memref<16400xi32, #tpu.memory_space<vmem>>, %arg7: memref<16400xi32, #tpu.memory_space<vmem>>, %arg8: memref<16400xi32, #tpu.memory_space<vmem>>, %arg9: memref<16400xi32, #tpu.memory_space<vmem>>, %arg10: memref<4096xi32, #tpu.memory_space<vmem>>, %arg11: memref<4096xi32, #tpu.memory_space<vmem>>, %arg12: memref<4096xi32, #tpu.memory_space<vmem>>, %arg13: memref<4096xi32, #tpu.memory_space<vmem>>, %arg14: memref<4096xi32, #tpu.memory_space<vmem>>, %arg15: memref<4096xi32, #tpu.memory_space<vmem>>, %arg16: memref<64xf32, #tpu.memory_space<vmem>>, %arg17: memref<!tpu.dma_semaphore, #tpu.memory_space<semaphore_mem>>) attributes {dimension_semantics = [#tpu.dimension_semantics<core_parallel>, #tpu.dimension_semantics<subcore_parallel>], iteration_bounds = array<i64: 2, 16>, scalar_prefetch = 0 : i64, scratch_operands = 14 : i64, tpu.core_type = #tpu.core_type<sc_vector_subcore>, window_params = [{transform_indices = #map}, {transform_indices = #map1}]} {
    %mul3A = arith.constant 16 : i32
    %mul3A_0 = arith.muli %arg0, %mul3A : i32
    %add3A = arith.addi %mul3A_0, %arg1 : i32
    %iota3A = tpu.iota {dimensions = array<i32: 0>} : vector<16xi32>
    %mul3A_1 = arith.constant 1025 : i32
    %mul3A_2 = vector.broadcast %mul3A_1 : i32 to vector<16xi32>
    %mul3A_3 = arith.muli %iota3A, %mul3A_2 : vector<16xi32>
    %broadcast_in_dim3A = arith.constant 0 : i32
    %broadcast_in_dim3A_4 = vector.broadcast %broadcast_in_dim3A : i32 to vector<16xi32>
    %convert_element_type3A = arith.sitofp %broadcast_in_dim3A_4 : vector<16xi32> to vector<16xf32>
    %add3A_5 = arith.constant 1 : i32
    %add3A_6 = vector.broadcast %add3A_5 : i32 to vector<16xi32>
    %add3A_7 = arith.addi %broadcast_in_dim3A_4, %add3A_6 : vector<16xi32>
    %mul3A_8 = arith.constant 64 : i32
    %mul3A_9 = arith.muli %add3A, %mul3A_8 : i32
    %add3A_10 = arith.constant 0 : i32
    %add3A_11 = arith.addi %mul3A_9, %add3A_10 : i32
    %dma_start3A = arith.constant 0 : i32
    %dma_start3A_12 = tpu.memref_slice %arg4[%dma_start3A] : memref<16400xi32, #tpu.memory_space<vmem>> -> memref<16384xi32, #tpu.memory_space<vmem>>
    %dma_start3A_13 = arith.constant 0 : i32
    %dma_start3A_14 = tpu.memref_slice %arg2[%add3A_11, %dma_start3A_13] : memref<2048x16384xi32, #tpu.memory_space<hbm>> -> memref<1x16384xi32, #tpu.memory_space<hbm>>
    %dma_start3A_15 = tpu.memref_squeeze %dma_start3A_14 : memref<1x16384xi32, #tpu.memory_space<hbm>> -> memref<16384xi32, #tpu.memory_space<hbm>>
    %dma_start3A_16 = arith.constant 0 : i32
    %dma_start3A_17 = tpu.memref_slice %arg4[%dma_start3A_16] : memref<16400xi32, #tpu.memory_space<vmem>> -> memref<16384xi32, #tpu.memory_space<vmem>>
    %dma_start3A_18 = arith.constant 0 : i32
    %dma_start3A_19 = tpu.memref_slice %arg2[%add3A_11, %dma_start3A_18] : memref<2048x16384xi32, #tpu.memory_space<hbm>> -> memref<1x16384xi32, #tpu.memory_space<hbm>>
    %dma_start3A_20 = tpu.memref_squeeze %dma_start3A_19 : memref<1x16384xi32, #tpu.memory_space<hbm>> -> memref<16384xi32, #tpu.memory_space<hbm>>
    tpu.enqueue_dma source(%dma_start3A_20 : memref<16384xi32, #tpu.memory_space<hbm>>) target(%dma_start3A_17 : memref<16384xi32, #tpu.memory_space<vmem>>) target_semaphore(%arg17 : memref<!tpu.dma_semaphore, #tpu.memory_space<semaphore_mem>>)
    %mul3A_21 = arith.constant 64 : i32
    %mul3A_22 = arith.muli %add3A, %mul3A_21 : i32
    %add3A_23 = arith.constant 1 : i32
    %add3A_24 = arith.addi %mul3A_22, %add3A_23 : i32
    %dma_start3A_25 = arith.constant 0 : i32
    %dma_start3A_26 = tpu.memref_slice %arg6[%dma_start3A_25] : memref<16400xi32, #tpu.memory_space<vmem>> -> memref<16384xi32, #tpu.memory_space<vmem>>
    %dma_start3A_27 = arith.constant 0 : i32
    %dma_start3A_28 = tpu.memref_slice %arg2[%add3A_24, %dma_start3A_27] : memref<2048x16384xi32, #tpu.memory_space<hbm>> -> memref<1x16384xi32, #tpu.memory_space<hbm>>
    %dma_start3A_29 = tpu.memref_squeeze %dma_start3A_28 : memref<1x16384xi32, #tpu.memory_space<hbm>> -> memref<16384xi32, #tpu.memory_space<hbm>>
    %dma_start3A_30 = arith.constant 0 : i32
    %dma_start3A_31 = tpu.memref_slice %arg6[%dma_start3A_30] : memref<16400xi32, #tpu.memory_space<vmem>> -> memref<16384xi32, #tpu.memory_space<vmem>>
    %dma_start3A_32 = arith.constant 0 : i32
    %dma_start3A_33 = tpu.memref_slice %arg2[%add3A_24, %dma_start3A_32] : memref<2048x16384xi32, #tpu.memory_space<hbm>> -> memref<1x16384xi32, #tpu.memory_space<hbm>>
    %dma_start3A_34 = tpu.memref_squeeze %dma_start3A_33 : memref<1x16384xi32, #tpu.memory_space<hbm>> -> memref<16384xi32, #tpu.memory_space<hbm>>
    tpu.enqueue_dma source(%dma_start3A_34 : memref<16384xi32, #tpu.memory_space<hbm>>) target(%dma_start3A_31 : memref<16384xi32, #tpu.memory_space<vmem>>) target_semaphore(%arg17 : memref<!tpu.dma_semaphore, #tpu.memory_space<semaphore_mem>>)
    %mul3A_35 = arith.constant 64 : i32
    %mul3A_36 = arith.muli %add3A, %mul3A_35 : i32
    %add3A_37 = arith.constant 2 : i32
    %add3A_38 = arith.addi %mul3A_36, %add3A_37 : i32
    %dma_start3A_39 = arith.constant 0 : i32
    %dma_start3A_40 = tpu.memref_slice %arg8[%dma_start3A_39] : memref<16400xi32, #tpu.memory_space<vmem>> -> memref<16384xi32, #tpu.memory_space<vmem>>
    %dma_start3A_41 = arith.constant 0 : i32
    %dma_start3A_42 = tpu.memref_slice %arg2[%add3A_38, %dma_start3A_41] : memref<2048x16384xi32, #tpu.memory_space<hbm>> -> memref<1x16384xi32, #tpu.memory_space<hbm>>
    %dma_start3A_43 = tpu.memref_squeeze %dma_start3A_42 : memref<1x16384xi32, #tpu.memory_space<hbm>> -> memref<16384xi32, #tpu.memory_space<hbm>>
    %dma_start3A_44 = arith.constant 0 : i32
    %dma_start3A_45 = tpu.memref_slice %arg8[%dma_start3A_44] : memref<16400xi32, #tpu.memory_space<vmem>> -> memref<16384xi32, #tpu.memory_space<vmem>>
    %dma_start3A_46 = arith.constant 0 : i32
    %dma_start3A_47 = tpu.memref_slice %arg2[%add3A_38, %dma_start3A_46] : memref<2048x16384xi32, #tpu.memory_space<hbm>> -> memref<1x16384xi32, #tpu.memory_space<hbm>>
    %dma_start3A_48 = tpu.memref_squeeze %dma_start3A_47 : memref<1x16384xi32, #tpu.memory_space<hbm>> -> memref<16384xi32, #tpu.memory_space<hbm>>
    tpu.enqueue_dma source(%dma_start3A_48 : memref<16384xi32, #tpu.memory_space<hbm>>) target(%dma_start3A_45 : memref<16384xi32, #tpu.memory_space<vmem>>) target_semaphore(%arg17 : memref<!tpu.dma_semaphore, #tpu.memory_space<semaphore_mem>>)
    %scan3A = arith.constant 0 : i32
    %scan3A_49 = arith.constant 0 : i32
    %scan3A_50 = arith.constant 21 : i32
    %scan3A_51 = arith.addi %scan3A_49, %scan3A_50 : i32
    %scan3A_52 = arith.constant 1 : i32
    %scan3A_53 = scf.for %scan3A_195 = %scan3A_49 to %scan3A_51 step %scan3A_52 iter_args(%scan3A_196 = %scan3A) -> (i32)  : i32 {
      %add3A_197 = arith.constant 1 : i32
      %add3A_198 = arith.addi %scan3A_195, %add3A_197 : i32
      %min3A = arith.constant 20 : i32
      %min3A_199 = arith.minsi %add3A_198, %min3A : i32
      %mul3A_200 = arith.constant 64 : i32
      %mul3A_201 = arith.muli %add3A, %mul3A_200 : i32
      %mul3A_202 = arith.constant 3 : i32
      %mul3A_203 = arith.muli %mul3A_202, %scan3A_195 : i32
      %add3A_204 = arith.addi %mul3A_201, %mul3A_203 : i32
      %mul3A_205 = arith.constant 3 : i32
      %mul3A_206 = arith.muli %mul3A_205, %scan3A_195 : i32
      %mul3A_207 = arith.constant 64 : i32
      %mul3A_208 = arith.muli %add3A, %mul3A_207 : i32
      %mul3A_209 = arith.constant 3 : i32
      %mul3A_210 = arith.muli %mul3A_209, %min3A_199 : i32
      %add3A_211 = arith.addi %mul3A_208, %mul3A_210 : i32
      %add3A_212 = arith.constant 0 : i32
      %add3A_213 = arith.addi %add3A_204, %add3A_212 : i32
      %dma_wait3A_214 = arith.constant 0 : i32
      %dma_wait3A_215 = tpu.memref_slice %arg4[%dma_wait3A_214] : memref<16400xi32, #tpu.memory_space<vmem>> -> memref<16384xi32, #tpu.memory_space<vmem>>
      %dma_wait3A_216 = arith.constant 0 : i32
      %dma_wait3A_217 = tpu.memref_slice %arg2[%add3A_213, %dma_wait3A_216] : memref<2048x16384xi32, #tpu.memory_space<hbm>> -> memref<1x16384xi32, #tpu.memory_space<hbm>>
      %dma_wait3A_218 = tpu.memref_squeeze %dma_wait3A_217 : memref<1x16384xi32, #tpu.memory_space<hbm>> -> memref<16384xi32, #tpu.memory_space<hbm>>
      %dma_wait3A_219 = arith.constant 0 : i32
      %dma_wait3A_220 = tpu.memref_slice %arg4[%dma_wait3A_219] : memref<16400xi32, #tpu.memory_space<vmem>> -> memref<16384xi32, #tpu.memory_space<vmem>>
      %dma_wait3A_221 = arith.constant 0 : i32
      %dma_wait3A_222 = tpu.memref_slice %arg2[%add3A_213, %dma_wait3A_221] : memref<2048x16384xi32, #tpu.memory_space<hbm>> -> memref<1x16384xi32, #tpu.memory_space<hbm>>
      %dma_wait3A_223 = tpu.memref_squeeze %dma_wait3A_222 : memref<1x16384xi32, #tpu.memory_space<hbm>> -> memref<16384xi32, #tpu.memory_space<hbm>>
      tpu.wait_dma2 semaphore(%arg17 : memref<!tpu.dma_semaphore, #tpu.memory_space<semaphore_mem>>) src(%dma_wait3A_223 : memref<16384xi32, #tpu.memory_space<hbm>>) dst(%dma_wait3A_220 : memref<16384xi32, #tpu.memory_space<vmem>>)
      %add3A_224 = arith.constant 1 : i32
      %add3A_225 = arith.addi %add3A_204, %add3A_224 : i32
      %dma_wait3A_226 = arith.constant 0 : i32
      %dma_wait3A_227 = tpu.memref_slice %arg6[%dma_wait3A_226] : memref<16400xi32, #tpu.memory_space<vmem>> -> memref<16384xi32, #tpu.memory_space<vmem>>
      %dma_wait3A_228 = arith.constant 0 : i32
      %dma_wait3A_229 = tpu.memref_slice %arg2[%add3A_225, %dma_wait3A_228] : memref<2048x16384xi32, #tpu.memory_space<hbm>> -> memref<1x16384xi32, #tpu.memory_space<hbm>>
      %dma_wait3A_230 = tpu.memref_squeeze %dma_wait3A_229 : memref<1x16384xi32, #tpu.memory_space<hbm>> -> memref<16384xi32, #tpu.memory_space<hbm>>
      %dma_wait3A_231 = arith.constant 0 : i32
      %dma_wait3A_232 = tpu.memref_slice %arg6[%dma_wait3A_231] : memref<16400xi32, #tpu.memory_space<vmem>> -> memref<16384xi32, #tpu.memory_space<vmem>>
      %dma_wait3A_233 = arith.constant 0 : i32
      %dma_wait3A_234 = tpu.memref_slice %arg2[%add3A_225, %dma_wait3A_233] : memref<2048x16384xi32, #tpu.memory_space<hbm>> -> memref<1x16384xi32, #tpu.memory_space<hbm>>
      %dma_wait3A_235 = tpu.memref_squeeze %dma_wait3A_234 : memref<1x16384xi32, #tpu.memory_space<hbm>> -> memref<16384xi32, #tpu.memory_space<hbm>>
      tpu.wait_dma2 semaphore(%arg17 : memref<!tpu.dma_semaphore, #tpu.memory_space<semaphore_mem>>) src(%dma_wait3A_235 : memref<16384xi32, #tpu.memory_space<hbm>>) dst(%dma_wait3A_232 : memref<16384xi32, #tpu.memory_space<vmem>>)
      %add3A_236 = arith.constant 2 : i32
      %add3A_237 = arith.addi %add3A_204, %add3A_236 : i32
      %dma_wait3A_238 = arith.constant 0 : i32
      %dma_wait3A_239 = tpu.memref_slice %arg8[%dma_wait3A_238] : memref<16400xi32, #tpu.memory_space<vmem>> -> memref<16384xi32, #tpu.memory_space<vmem>>
      %dma_wait3A_240 = arith.constant 0 : i32
      %dma_wait3A_241 = tpu.memref_slice %arg2[%add3A_237, %dma_wait3A_240] : memref<2048x16384xi32, #tpu.memory_space<hbm>> -> memref<1x16384xi32, #tpu.memory_space<hbm>>
      %dma_wait3A_242 = tpu.memref_squeeze %dma_wait3A_241 : memref<1x16384xi32, #tpu.memory_space<hbm>> -> memref<16384xi32, #tpu.memory_space<hbm>>
      %dma_wait3A_243 = arith.constant 0 : i32
      %dma_wait3A_244 = tpu.memref_slice %arg8[%dma_wait3A_243] : memref<16400xi32, #tpu.memory_space<vmem>> -> memref<16384xi32, #tpu.memory_space<vmem>>
      %dma_wait3A_245 = arith.constant 0 : i32
      %dma_wait3A_246 = tpu.memref_slice %arg2[%add3A_237, %dma_wait3A_245] : memref<2048x16384xi32, #tpu.memory_space<hbm>> -> memref<1x16384xi32, #tpu.memory_space<hbm>>
      %dma_wait3A_247 = tpu.memref_squeeze %dma_wait3A_246 : memref<1x16384xi32, #tpu.memory_space<hbm>> -> memref<16384xi32, #tpu.memory_space<hbm>>
      tpu.wait_dma2 semaphore(%arg17 : memref<!tpu.dma_semaphore, #tpu.memory_space<semaphore_mem>>) src(%dma_wait3A_247 : memref<16384xi32, #tpu.memory_space<hbm>>) dst(%dma_wait3A_244 : memref<16384xi32, #tpu.memory_space<vmem>>)
      %scan3A_248 = arith.constant 0 : i32
      %scan3A_249 = arith.constant 0 : i32
      %scan3A_250 = arith.constant 256 : i32
      %scan3A_251 = arith.addi %scan3A_249, %scan3A_250 : i32
      %scan3A_252 = arith.constant 2 : i32
      %scan3A_253 = scf.for %scan3A_410 = %scan3A_249 to %scan3A_251 step %scan3A_252 iter_args(%scan3A_411 = %scan3A_248) -> (i32)  : i32 {
        %mul3A_412 = arith.constant 16 : i32
        %mul3A_413 = arith.muli %scan3A_410, %mul3A_412 : i32
        %swap3A = arith.index_cast %mul3A_413 : i32 to index
        %swap3A_414 = tpu.vector_load %arg10[%swap3A] {strides = array<i32>} : memref<4096xi32, #tpu.memory_space<vmem>>, vector<16xi32>,
        tpu.vector_store %arg10[%swap3A], %broadcast_in_dim3A_4 {strides = array<i32>} : memref<4096xi32, #tpu.memory_space<vmem>>, vector<16xi32>,
        %mul3A_415 = arith.constant 16 : i32
        %mul3A_416 = arith.muli %scan3A_410, %mul3A_415 : i32
        %swap3A_417 = arith.index_cast %mul3A_416 : i32 to index
        %swap3A_418 = tpu.vector_load %arg12[%swap3A_417] {strides = array<i32>} : memref<4096xi32, #tpu.memory_space<vmem>>, vector<16xi32>,
        tpu.vector_store %arg12[%swap3A_417], %broadcast_in_dim3A_4 {strides = array<i32>} : memref<4096xi32, #tpu.memory_space<vmem>>, vector<16xi32>,
        %mul3A_419 = arith.constant 16 : i32
        %mul3A_420 = arith.muli %scan3A_410, %mul3A_419 : i32
        %swap3A_421 = arith.index_cast %mul3A_420 : i32 to index
        %swap3A_422 = tpu.vector_load %arg14[%swap3A_421] {strides = array<i32>} : memref<4096xi32, #tpu.memory_space<vmem>>, vector<16xi32>,
        tpu.vector_store %arg14[%swap3A_421], %broadcast_in_dim3A_4 {strides = array<i32>} : memref<4096xi32, #tpu.memory_space<vmem>>, vector<16xi32>,
        %mul3A_423 = arith.constant 16 : i32
        %mul3A_424 = arith.muli %scan3A_410, %mul3A_423 : i32
        %swap3A_425 = arith.index_cast %mul3A_424 : i32 to index
        %swap3A_426 = tpu.vector_load %arg11[%swap3A_425] {strides = array<i32>} : memref<4096xi32, #tpu.memory_space<vmem>>, vector<16xi32>,
        tpu.vector_store %arg11[%swap3A_425], %broadcast_in_dim3A_4 {strides = array<i32>} : memref<4096xi32, #tpu.memory_space<vmem>>, vector<16xi32>,
        %mul3A_427 = arith.constant 16 : i32
        %mul3A_428 = arith.muli %scan3A_410, %mul3A_427 : i32
        %swap3A_429 = arith.index_cast %mul3A_428 : i32 to index
        %swap3A_430 = tpu.vector_load %arg13[%swap3A_429] {strides = array<i32>} : memref<4096xi32, #tpu.memory_space<vmem>>, vector<16xi32>,
        tpu.vector_store %arg13[%swap3A_429], %broadcast_in_dim3A_4 {strides = array<i32>} : memref<4096xi32, #tpu.memory_space<vmem>>, vector<16xi32>,
        %mul3A_431 = arith.constant 16 : i32
        %mul3A_432 = arith.muli %scan3A_410, %mul3A_431 : i32
        %swap3A_433 = arith.index_cast %mul3A_432 : i32 to index
        %swap3A_434 = tpu.vector_load %arg15[%swap3A_433] {strides = array<i32>} : memref<4096xi32, #tpu.memory_space<vmem>>, vector<16xi32>,
        tpu.vector_store %arg15[%swap3A_433], %broadcast_in_dim3A_4 {strides = array<i32>} : memref<4096xi32, #tpu.memory_space<vmem>>, vector<16xi32>,
        %scan3A_435 = arith.constant 0 : i32
        %scan3A_436 = arith.constant 1 : i32
        %scan3A_437 = arith.addi %scan3A_410, %scan3A_436 : i32
        %mul3A_438 = arith.constant 16 : i32
        %mul3A_439 = arith.muli %scan3A_437, %mul3A_438 : i32
        %swap3A_440 = arith.index_cast %mul3A_439 : i32 to index
        %swap3A_441 = tpu.vector_load %arg10[%swap3A_440] {strides = array<i32>} : memref<4096xi32, #tpu.memory_space<vmem>>, vector<16xi32>,
        tpu.vector_store %arg10[%swap3A_440], %broadcast_in_dim3A_4 {strides = array<i32>} : memref<4096xi32, #tpu.memory_space<vmem>>, vector<16xi32>,
        %mul3A_442 = arith.constant 16 : i32
        %mul3A_443 = arith.muli %scan3A_437, %mul3A_442 : i32
        %swap3A_444 = arith.index_cast %mul3A_443 : i32 to index
        %swap3A_445 = tpu.vector_load %arg12[%swap3A_444] {strides = array<i32>} : memref<4096xi32, #tpu.memory_space<vmem>>, vector<16xi32>,
        tpu.vector_store %arg12[%swap3A_444], %broadcast_in_dim3A_4 {strides = array<i32>} : memref<4096xi32, #tpu.memory_space<vmem>>, vector<16xi32>,
        %mul3A_446 = arith.constant 16 : i32
        %mul3A_447 = arith.muli %scan3A_437, %mul3A_446 : i32
        %swap3A_448 = arith.index_cast %mul3A_447 : i32 to index
        %swap3A_449 = tpu.vector_load %arg14[%swap3A_448] {strides = array<i32>} : memref<4096xi32, #tpu.memory_space<vmem>>, vector<16xi32>,
        tpu.vector_store %arg14[%swap3A_448], %broadcast_in_dim3A_4 {strides = array<i32>} : memref<4096xi32, #tpu.memory_space<vmem>>, vector<16xi32>,
        %mul3A_450 = arith.constant 16 : i32
        %mul3A_451 = arith.muli %scan3A_437, %mul3A_450 : i32
        %swap3A_452 = arith.index_cast %mul3A_451 : i32 to index
        %swap3A_453 = tpu.vector_load %arg11[%swap3A_452] {strides = array<i32>} : memref<4096xi32, #tpu.memory_space<vmem>>, vector<16xi32>,
        tpu.vector_store %arg11[%swap3A_452], %broadcast_in_dim3A_4 {strides = array<i32>} : memref<4096xi32, #tpu.memory_space<vmem>>, vector<16xi32>,
        %mul3A_454 = arith.constant 16 : i32
        %mul3A_455 = arith.muli %scan3A_437, %mul3A_454 : i32
        %swap3A_456 = arith.index_cast %mul3A_455 : i32 to index
        %swap3A_457 = tpu.vector_load %arg13[%swap3A_456] {strides = array<i32>} : memref<4096xi32, #tpu.memory_space<vmem>>, vector<16xi32>,
        tpu.vector_store %arg13[%swap3A_456], %broadcast_in_dim3A_4 {strides = array<i32>} : memref<4096xi32, #tpu.memory_space<vmem>>, vector<16xi32>,
        %mul3A_458 = arith.constant 16 : i32
        %mul3A_459 = arith.muli %scan3A_437, %mul3A_458 : i32
        %swap3A_460 = arith.index_cast %mul3A_459 : i32 to index
        %swap3A_461 = tpu.vector_load %arg15[%swap3A_460] {strides = array<i32>} : memref<4096xi32, #tpu.memory_space<vmem>>, vector<16xi32>,
        tpu.vector_store %arg15[%swap3A_460], %broadcast_in_dim3A_4 {strides = array<i32>} : memref<4096xi32, #tpu.memory_space<vmem>>, vector<16xi32>,
        %scan3A_462 = arith.constant 0 : i32
        scf.yield %scan3A_462 : i32
      }
      %scan3A_254 = arith.constant 256 : i32
      %scan3A_255 = arith.constant 0 : i32
      %scan3A_256 = arith.constant 0 : i32
      %scan3A_257 = arith.constant 1024 : i32
      %scan3A_258 = arith.addi %scan3A_256, %scan3A_257 : i32
      %scan3A_259 = arith.constant 4 : i32
      %scan3A_260 = scf.for %scan3A_410 = %scan3A_256 to %scan3A_258 step %scan3A_259 iter_args(%scan3A_411 = %scan3A_255) -> (i32)  : i32 {
        %mul3A_412 = arith.constant 16 : i32
        %mul3A_413 = arith.muli %scan3A_410, %mul3A_412 : i32
        %get3A = arith.index_cast %mul3A_413 : i32 to index
        %get3A_414 = tpu.vector_load %arg4[%get3A] {strides = array<i32>} : memref<16400xi32, #tpu.memory_space<vmem>>, vector<16xi32>,
        %mul3A_415 = arith.constant 16 : i32
        %mul3A_416 = arith.muli %scan3A_410, %mul3A_415 : i32
        %get3A_417 = arith.index_cast %mul3A_416 : i32 to index
        %get3A_418 = tpu.vector_load %arg6[%get3A_417] {strides = array<i32>} : memref<16400xi32, #tpu.memory_space<vmem>>, vector<16xi32>,
        %mul3A_419 = arith.constant 16 : i32
        %mul3A_420 = arith.muli %scan3A_410, %mul3A_419 : i32
        %get3A_421 = arith.index_cast %mul3A_420 : i32 to index
        %get3A_422 = tpu.vector_load %arg8[%get3A_421] {strides = array<i32>} : memref<16400xi32, #tpu.memory_space<vmem>>, vector<16xi32>,
        %shift_right_arithmetic3A = arith.constant 0 : i32
        %shift_right_arithmetic3A_423 = vector.broadcast %shift_right_arithmetic3A : i32 to vector<16xi32>
        %shift_right_arithmetic3A_424 = arith.shrsi %get3A_414, %shift_right_arithmetic3A_423 : vector<16xi32>
        %and3A = arith.constant 255 : i32
        %and3A_425 = vector.broadcast %and3A : i32 to vector<16xi32>
        %and3A_426 = arith.andi %shift_right_arithmetic3A_424, %and3A_425 : vector<16xi32>
        %mul3A_427 = arith.constant 16 : i32
        %mul3A_428 = vector.broadcast %mul3A_427 : i32 to vector<16xi32>
        %mul3A_429 = arith.muli %and3A_426, %mul3A_428 : vector<16xi32>
        %add3A_430 = arith.addi %mul3A_429, %iota3A : vector<16xi32>
        %shift_right_arithmetic3A_431 = arith.constant 0 : i32
        %shift_right_arithmetic3A_432 = vector.broadcast %shift_right_arithmetic3A_431 : i32 to vector<16xi32>
        %shift_right_arithmetic3A_433 = arith.shrsi %get3A_418, %shift_right_arithmetic3A_432 : vector<16xi32>
        %and3A_434 = arith.constant 255 : i32
        %and3A_435 = vector.broadcast %and3A_434 : i32 to vector<16xi32>
        %and3A_436 = arith.andi %shift_right_arithmetic3A_433, %and3A_435 : vector<16xi32>
        %mul3A_437 = arith.constant 16 : i32
        %mul3A_438 = vector.broadcast %mul3A_437 : i32 to vector<16xi32>
        %mul3A_439 = arith.muli %and3A_436, %mul3A_438 : vector<16xi32>
        %add3A_440 = arith.addi %mul3A_439, %iota3A : vector<16xi32>
        %shift_right_arithmetic3A_441 = arith.constant 0 : i32
        %shift_right_arithmetic3A_442 = vector.broadcast %shift_right_arithmetic3A_441 : i32 to vector<16xi32>
        %shift_right_arithmetic3A_443 = arith.shrsi %get3A_422, %shift_right_arithmetic3A_442 : vector<16xi32>
        %and3A_444 = arith.constant 255 : i32
        %and3A_445 = vector.broadcast %and3A_444 : i32 to vector<16xi32>
        %and3A_446 = arith.andi %shift_right_arithmetic3A_443, %and3A_445 : vector<16xi32>
        %mul3A_447 = arith.constant 16 : i32
        %mul3A_448 = vector.broadcast %mul3A_447 : i32 to vector<16xi32>
        %mul3A_449 = arith.muli %and3A_446, %mul3A_448 : vector<16xi32>
        %add3A_450 = arith.addi %mul3A_449, %iota3A : vector<16xi32>
        %gather3A = tpu.vector_load_idx %arg10[%add3A_430] : memref<4096xi32, #tpu.memory_space<vmem>>[vector<16xi32>], vector<16xi32>,
        %gather3A_451 = tpu.vector_load_idx %arg12[%add3A_440] : memref<4096xi32, #tpu.memory_space<vmem>>[vector<16xi32>], vector<16xi32>,
        %gather3A_452 = tpu.vector_load_idx %arg14[%add3A_450] : memref<4096xi32, #tpu.memory_space<vmem>>[vector<16xi32>], vector<16xi32>,
        %add3A_453 = arith.constant 1 : i32
        %add3A_454 = vector.broadcast %add3A_453 : i32 to vector<16xi32>
        %add3A_455 = arith.addi %gather3A, %add3A_454 : vector<16xi32>
        tpu.vector_store_idx %arg10[%add3A_430], %add3A_455 : memref<4096xi32, #tpu.memory_space<vmem>>[vector<16xi32>], vector<16xi32>,
        %add3A_456 = arith.constant 1 : i32
        %add3A_457 = vector.broadcast %add3A_456 : i32 to vector<16xi32>
        %add3A_458 = arith.addi %gather3A_451, %add3A_457 : vector<16xi32>
        tpu.vector_store_idx %arg12[%add3A_440], %add3A_458 : memref<4096xi32, #tpu.memory_space<vmem>>[vector<16xi32>], vector<16xi32>,
        %add3A_459 = arith.constant 1 : i32
        %add3A_460 = vector.broadcast %add3A_459 : i32 to vector<16xi32>
        %add3A_461 = arith.addi %gather3A_452, %add3A_460 : vector<16xi32>
        tpu.vector_store_idx %arg14[%add3A_450], %add3A_461 : memref<4096xi32, #tpu.memory_space<vmem>>[vector<16xi32>], vector<16xi32>,
        %scan3A_462 = arith.constant 0 : i32
        %scan3A_463 = arith.constant 1 : i32
        %scan3A_464 = arith.addi %scan3A_410, %scan3A_463 : i32
        %mul3A_465 = arith.constant 16 : i32
        %mul3A_466 = arith.muli %scan3A_464, %mul3A_465 : i32
        %get3A_467 = arith.index_cast %mul3A_466 : i32 to index
        %get3A_468 = tpu.vector_load %arg4[%get3A_467] {strides = array<i32>} : memref<16400xi32, #tpu.memory_space<vmem>>, vector<16xi32>,
        %mul3A_469 = arith.constant 16 : i32
        %mul3A_470 = arith.muli %scan3A_464, %mul3A_469 : i32
        %get3A_471 = arith.index_cast %mul3A_470 : i32 to index
        %get3A_472 = tpu.vector_load %arg6[%get3A_471] {strides = array<i32>} : memref<16400xi32, #tpu.memory_space<vmem>>, vector<16xi32>,
        %mul3A_473 = arith.constant 16 : i32
        %mul3A_474 = arith.muli %scan3A_464, %mul3A_473 : i32
        %get3A_475 = arith.index_cast %mul3A_474 : i32 to index
        %get3A_476 = tpu.vector_load %arg8[%get3A_475] {strides = array<i32>} : memref<16400xi32, #tpu.memory_space<vmem>>, vector<16xi32>,
        %shift_right_arithmetic3A_477 = arith.constant 0 : i32
        %shift_right_arithmetic3A_478 = vector.broadcast %shift_right_arithmetic3A_477 : i32 to vector<16xi32>
        %shift_right_arithmetic3A_479 = arith.shrsi %get3A_468, %shift_right_arithmetic3A_478 : vector<16xi32>
        %and3A_480 = arith.constant 255 : i32
        %and3A_481 = vector.broadcast %and3A_480 : i32 to vector<16xi32>
        %and3A_482 = arith.andi %shift_right_arithmetic3A_479, %and3A_481 : vector<16xi32>
        %mul3A_483 = arith.constant 16 : i32
        %mul3A_484 = vector.broadcast %mul3A_483 : i32 to vector<16xi32>
        %mul3A_485 = arith.muli %and3A_482, %mul3A_484 : vector<16xi32>
        %add3A_486 = arith.addi %mul3A_485, %iota3A : vector<16xi32>
        %shift_right_arithmetic3A_487 = arith.constant 0 : i32
        %shift_right_arithmetic3A_488 = vector.broadcast %shift_right_arithmetic3A_487 : i32 to vector<16xi32>
        %shift_right_arithmetic3A_489 = arith.shrsi %get3A_472, %shift_right_arithmetic3A_488 : vector<16xi32>
        %and3A_490 = arith.constant 255 : i32
        %and3A_491 = vector.broadcast %and3A_490 : i32 to vector<16xi32>
        %and3A_492 = arith.andi %shift_right_arithmetic3A_489, %and3A_491 : vector<16xi32>
        %mul3A_493 = arith.constant 16 : i32
        %mul3A_494 = vector.broadcast %mul3A_493 : i32 to vector<16xi32>
        %mul3A_495 = arith.muli %and3A_492, %mul3A_494 : vector<16xi32>
        %add3A_496 = arith.addi %mul3A_495, %iota3A : vector<16xi32>
        %shift_right_arithmetic3A_497 = arith.constant 0 : i32
        %shift_right_arithmetic3A_498 = vector.broadcast %shift_right_arithmetic3A_497 : i32 to vector<16xi32>
        %shift_right_arithmetic3A_499 = arith.shrsi %get3A_476, %shift_right_arithmetic3A_498 : vector<16xi32>
        %and3A_500 = arith.constant 255 : i32
        %and3A_501 = vector.broadcast %and3A_500 : i32 to vector<16xi32>
        %and3A_502 = arith.andi %shift_right_arithmetic3A_499, %and3A_501 : vector<16xi32>
        %mul3A_503 = arith.constant 16 : i32
        %mul3A_504 = vector.broadcast %mul3A_503 : i32 to vector<16xi32>
        %mul3A_505 = arith.muli %and3A_502, %mul3A_504 : vector<16xi32>
        %add3A_506 = arith.addi %mul3A_505, %iota3A : vector<16xi32>
        %gather3A_507 = tpu.vector_load_idx %arg10[%add3A_486] : memref<4096xi32, #tpu.memory_space<vmem>>[vector<16xi32>], vector<16xi32>,
        %gather3A_508 = tpu.vector_load_idx %arg12[%add3A_496] : memref<4096xi32, #tpu.memory_space<vmem>>[vector<16xi32>], vector<16xi32>,
        %gather3A_509 = tpu.vector_load_idx %arg14[%add3A_506] : memref<4096xi32, #tpu.memory_space<vmem>>[vector<16xi32>], vector<16xi32>,
        %add3A_510 = arith.constant 1 : i32
        %add3A_511 = vector.broadcast %add3A_510 : i32 to vector<16xi32>
        %add3A_512 = arith.addi %gather3A_507, %add3A_511 : vector<16xi32>
        tpu.vector_store_idx %arg10[%add3A_486], %add3A_512 : memref<4096xi32, #tpu.memory_space<vmem>>[vector<16xi32>], vector<16xi32>,
        %add3A_513 = arith.constant 1 : i32
        %add3A_514 = vector.broadcast %add3A_513 : i32 to vector<16xi32>
        %add3A_515 = arith.addi %gather3A_508, %add3A_514 : vector<16xi32>
        tpu.vector_store_idx %arg12[%add3A_496], %add3A_515 : memref<4096xi32, #tpu.memory_space<vmem>>[vector<16xi32>], vector<16xi32>,
        %add3A_516 = arith.constant 1 : i32
        %add3A_517 = vector.broadcast %add3A_516 : i32 to vector<16xi32>
        %add3A_518 = arith.addi %gather3A_509, %add3A_517 : vector<16xi32>
        tpu.vector_store_idx %arg14[%add3A_506], %add3A_518 : memref<4096xi32, #tpu.memory_space<vmem>>[vector<16xi32>], vector<16xi32>,
        %scan3A_519 = arith.constant 0 : i32
        %scan3A_520 = arith.constant 2 : i32
        %scan3A_521 = arith.addi %scan3A_410, %scan3A_520 : i32
        %mul3A_522 = arith.constant 16 : i32
        %mul3A_523 = arith.muli %scan3A_521, %mul3A_522 : i32
        %get3A_524 = arith.index_cast %mul3A_523 : i32 to index
        %get3A_525 = tpu.vector_load %arg4[%get3A_524] {strides = array<i32>} : memref<16400xi32, #tpu.memory_space<vmem>>, vector<16xi32>,
        %mul3A_526 = arith.constant 16 : i32
        %mul3A_527 = arith.muli %scan3A_521, %mul3A_526 : i32
        %get3A_528 = arith.index_cast %mul3A_527 : i32 to index
        %get3A_529 = tpu.vector_load %arg6[%get3A_528] {strides = array<i32>} : memref<16400xi32, #tpu.memory_space<vmem>>, vector<16xi32>,
        %mul3A_530 = arith.constant 16 : i32
        %mul3A_531 = arith.muli %scan3A_521, %mul3A_530 : i32
        %get3A_532 = arith.index_cast %mul3A_531 : i32 to index
        %get3A_533 = tpu.vector_load %arg8[%get3A_532] {strides = array<i32>} : memref<16400xi32, #tpu.memory_space<vmem>>, vector<16xi32>,
        %shift_right_arithmetic3A_534 = arith.constant 0 : i32
        %shift_right_arithmetic3A_535 = vector.broadcast %shift_right_arithmetic3A_534 : i32 to vector<16xi32>
        %shift_right_arithmetic3A_536 = arith.shrsi %get3A_525, %shift_right_arithmetic3A_535 : vector<16xi32>
        %and3A_537 = arith.constant 255 : i32
        %and3A_538 = vector.broadcast %and3A_537 : i32 to vector<16xi32>
        %and3A_539 = arith.andi %shift_right_arithmetic3A_536, %and3A_538 : vector<16xi32>
        %mul3A_540 = arith.constant 16 : i32
        %mul3A_541 = vector.broadcast %mul3A_540 : i32 to vector<16xi32>
        %mul3A_542 = arith.muli %and3A_539, %mul3A_541 : vector<16xi32>
        %add3A_543 = arith.addi %mul3A_542, %iota3A : vector<16xi32>
        %shift_right_arithmetic3A_544 = arith.constant 0 : i32
        %shift_right_arithmetic3A_545 = vector.broadcast %shift_right_arithmetic3A_544 : i32 to vector<16xi32>
        %shift_right_arithmetic3A_546 = arith.shrsi %get3A_529, %shift_right_arithmetic3A_545 : vector<16xi32>
        %and3A_547 = arith.constant 255 : i32
        %and3A_548 = vector.broadcast %and3A_547 : i32 to vector<16xi32>
        %and3A_549 = arith.andi %shift_right_arithmetic3A_546, %and3A_548 : vector<16xi32>
        %mul3A_550 = arith.constant 16 : i32
        %mul3A_551 = vector.broadcast %mul3A_550 : i32 to vector<16xi32>
        %mul3A_552 = arith.muli %and3A_549, %mul3A_551 : vector<16xi32>
        %add3A_553 = arith.addi %mul3A_552, %iota3A : vector<16xi32>
        %shift_right_arithmetic3A_554 = arith.constant 0 : i32
        %shift_right_arithmetic3A_555 = vector.broadcast %shift_right_arithmetic3A_554 : i32 to vector<16xi32>
        %shift_right_arithmetic3A_556 = arith.shrsi %get3A_533, %shift_right_arithmetic3A_555 : vector<16xi32>
        %and3A_557 = arith.constant 255 : i32
        %and3A_558 = vector.broadcast %and3A_557 : i32 to vector<16xi32>
        %and3A_559 = arith.andi %shift_right_arithmetic3A_556, %and3A_558 : vector<16xi32>
        %mul3A_560 = arith.constant 16 : i32
        %mul3A_561 = vector.broadcast %mul3A_560 : i32 to vector<16xi32>
        %mul3A_562 = arith.muli %and3A_559, %mul3A_561 : vector<16xi32>
        %add3A_563 = arith.addi %mul3A_562, %iota3A : vector<16xi32>
        %gather3A_564 = tpu.vector_load_idx %arg10[%add3A_543] : memref<4096xi32, #tpu.memory_space<vmem>>[vector<16xi32>], vector<16xi32>,
        %gather3A_565 = tpu.vector_load_idx %arg12[%add3A_553] : memref<4096xi32, #tpu.memory_space<vmem>>[vector<16xi32>], vector<16xi32>,
        %gather3A_566 = tpu.vector_load_idx %arg14[%add3A_563] : memref<4096xi32, #tpu.memory_space<vmem>>[vector<16xi32>], vector<16xi32>,
        %add3A_567 = arith.constant 1 : i32
        %add3A_568 = vector.broadcast %add3A_567 : i32 to vector<16xi32>
        %add3A_569 = arith.addi %gather3A_564, %add3A_568 : vector<16xi32>
        tpu.vector_store_idx %arg10[%add3A_543], %add3A_569 : memref<4096xi32, #tpu.memory_space<vmem>>[vector<16xi32>], vector<16xi32>,
        %add3A_570 = arith.constant 1 : i32
        %add3A_571 = vector.broadcast %add3A_570 : i32 to vector<16xi32>
        %add3A_572 = arith.addi %gather3A_565, %add3A_571 : vector<16xi32>
        tpu.vector_store_idx %arg12[%add3A_553], %add3A_572 : memref<4096xi32, #tpu.memory_space<vmem>>[vector<16xi32>], vector<16xi32>,
        %add3A_573 = arith.constant 1 : i32
        %add3A_574 = vector.broadcast %add3A_573 : i32 to vector<16xi32>
        %add3A_575 = arith.addi %gather3A_566, %add3A_574 : vector<16xi32>
        tpu.vector_store_idx %arg14[%add3A_563], %add3A_575 : memref<4096xi32, #tpu.memory_space<vmem>>[vector<16xi32>], vector<16xi32>,
        %scan3A_576 = arith.constant 0 : i32
        %scan3A_577 = arith.constant 3 : i32
        %scan3A_578 = arith.addi %scan3A_410, %scan3A_577 : i32
        %mul3A_579 = arith.constant 16 : i32
        %mul3A_580 = arith.muli %scan3A_578, %mul3A_579 : i32
        %get3A_581 = arith.index_cast %mul3A_580 : i32 to index
        %get3A_582 = tpu.vector_load %arg4[%get3A_581] {strides = array<i32>} : memref<16400xi32, #tpu.memory_space<vmem>>, vector<16xi32>,
        %mul3A_583 = arith.constant 16 : i32
        %mul3A_584 = arith.muli %scan3A_578, %mul3A_583 : i32
        %get3A_585 = arith.index_cast %mul3A_584 : i32 to index
        %get3A_586 = tpu.vector_load %arg6[%get3A_585] {strides = array<i32>} : memref<16400xi32, #tpu.memory_space<vmem>>, vector<16xi32>,
        %mul3A_587 = arith.constant 16 : i32
        %mul3A_588 = arith.muli %scan3A_578, %mul3A_587 : i32
        %get3A_589 = arith.index_cast %mul3A_588 : i32 to index
        %get3A_590 = tpu.vector_load %arg8[%get3A_589] {strides = array<i32>} : memref<16400xi32, #tpu.memory_space<vmem>>, vector<16xi32>,
        %shift_right_arithmetic3A_591 = arith.constant 0 : i32
        %shift_right_arithmetic3A_592 = vector.broadcast %shift_right_arithmetic3A_591 : i32 to vector<16xi32>
        %shift_right_arithmetic3A_593 = arith.shrsi %get3A_582, %shift_right_arithmetic3A_592 : vector<16xi32>
        %and3A_594 = arith.constant 255 : i32
        %and3A_595 = vector.broadcast %and3A_594 : i32 to vector<16xi32>
        %and3A_596 = arith.andi %shift_right_arithmetic3A_593, %and3A_595 : vector<16xi32>
        %mul3A_597 = arith.constant 16 : i32
        %mul3A_598 = vector.broadcast %mul3A_597 : i32 to vector<16xi32>
        %mul3A_599 = arith.muli %and3A_596, %mul3A_598 : vector<16xi32>
        %add3A_600 = arith.addi %mul3A_599, %iota3A : vector<16xi32>
        %shift_right_arithmetic3A_601 = arith.constant 0 : i32
        %shift_right_arithmetic3A_602 = vector.broadcast %shift_right_arithmetic3A_601 : i32 to vector<16xi32>
        %shift_right_arithmetic3A_603 = arith.shrsi %get3A_586, %shift_right_arithmetic3A_602 : vector<16xi32>
        %and3A_604 = arith.constant 255 : i32
        %and3A_605 = vector.broadcast %and3A_604 : i32 to vector<16xi32>
        %and3A_606 = arith.andi %shift_right_arithmetic3A_603, %and3A_605 : vector<16xi32>
        %mul3A_607 = arith.constant 16 : i32
        %mul3A_608 = vector.broadcast %mul3A_607 : i32 to vector<16xi32>
        %mul3A_609 = arith.muli %and3A_606, %mul3A_608 : vector<16xi32>
        %add3A_610 = arith.addi %mul3A_609, %iota3A : vector<16xi32>
        %shift_right_arithmetic3A_611 = arith.constant 0 : i32
        %shift_right_arithmetic3A_612 = vector.broadcast %shift_right_arithmetic3A_611 : i32 to vector<16xi32>
        %shift_right_arithmetic3A_613 = arith.shrsi %get3A_590, %shift_right_arithmetic3A_612 : vector<16xi32>
        %and3A_614 = arith.constant 255 : i32
        %and3A_615 = vector.broadcast %and3A_614 : i32 to vector<16xi32>
        %and3A_616 = arith.andi %shift_right_arithmetic3A_613, %and3A_615 : vector<16xi32>
        %mul3A_617 = arith.constant 16 : i32
        %mul3A_618 = vector.broadcast %mul3A_617 : i32 to vector<16xi32>
        %mul3A_619 = arith.muli %and3A_616, %mul3A_618 : vector<16xi32>
        %add3A_620 = arith.addi %mul3A_619, %iota3A : vector<16xi32>
        %gather3A_621 = tpu.vector_load_idx %arg10[%add3A_600] : memref<4096xi32, #tpu.memory_space<vmem>>[vector<16xi32>], vector<16xi32>,
        %gather3A_622 = tpu.vector_load_idx %arg12[%add3A_610] : memref<4096xi32, #tpu.memory_space<vmem>>[vector<16xi32>], vector<16xi32>,
        %gather3A_623 = tpu.vector_load_idx %arg14[%add3A_620] : memref<4096xi32, #tpu.memory_space<vmem>>[vector<16xi32>], vector<16xi32>,
        %add3A_624 = arith.constant 1 : i32
        %add3A_625 = vector.broadcast %add3A_624 : i32 to vector<16xi32>
        %add3A_626 = arith.addi %gather3A_621, %add3A_625 : vector<16xi32>
        tpu.vector_store_idx %arg10[%add3A_600], %add3A_626 : memref<4096xi32, #tpu.memory_space<vmem>>[vector<16xi32>], vector<16xi32>,
        %add3A_627 = arith.constant 1 : i32
        %add3A_628 = vector.broadcast %add3A_627 : i32 to vector<16xi32>
        %add3A_629 = arith.addi %gather3A_622, %add3A_628 : vector<16xi32>
        tpu.vector_store_idx %arg12[%add3A_610], %add3A_629 : memref<4096xi32, #tpu.memory_space<vmem>>[vector<16xi32>], vector<16xi32>,
        %add3A_630 = arith.constant 1 : i32
        %add3A_631 = vector.broadcast %add3A_630 : i32 to vector<16xi32>
        %add3A_632 = arith.addi %gather3A_623, %add3A_631 : vector<16xi32>
        tpu.vector_store_idx %arg14[%add3A_620], %add3A_632 : memref<4096xi32, #tpu.memory_space<vmem>>[vector<16xi32>], vector<16xi32>,
        %scan3A_633 = arith.constant 0 : i32
        scf.yield %scan3A_633 : i32
      }
      %scan3A_261 = arith.constant 1024 : i32
      %scan3A_262 = arith.constant 0 : i32
      %scan3A_263 = arith.constant 0 : i32
      %scan3A_264 = arith.constant 0 : i32
      %scan3A_265 = arith.constant 0 : i32
      %scan3A_266 = arith.constant 256 : i32
      %scan3A_267 = arith.addi %scan3A_265, %scan3A_266 : i32
      %scan3A_268 = arith.constant 2 : i32
      %scan3A_269:3 = scf.for %scan3A_410 = %scan3A_265 to %scan3A_267 step %scan3A_268 iter_args(%scan3A_411 = %scan3A_262, %scan3A_412 = %scan3A_263, %scan3A_413 = %scan3A_264) -> (i32, i32, i32)  : i32 {
        %mul3A_414 = arith.constant 16 : i32
        %mul3A_415 = arith.muli %scan3A_410, %mul3A_414 : i32
        %get3A = arith.index_cast %mul3A_415 : i32 to index
        %get3A_416 = tpu.vector_load %arg10[%get3A] {strides = array<i32>} : memref<4096xi32, #tpu.memory_space<vmem>>, vector<16xi32>,
        %mul3A_417 = arith.constant 16 : i32
        %mul3A_418 = arith.muli %scan3A_410, %mul3A_417 : i32
        %get3A_419 = arith.index_cast %mul3A_418 : i32 to index
        %get3A_420 = tpu.vector_load %arg12[%get3A_419] {strides = array<i32>} : memref<4096xi32, #tpu.memory_space<vmem>>, vector<16xi32>,
        %mul3A_421 = arith.constant 16 : i32
        %mul3A_422 = arith.muli %scan3A_410, %mul3A_421 : i32
        %get3A_423 = arith.index_cast %mul3A_422 : i32 to index
        %get3A_424 = tpu.vector_load %arg14[%get3A_423] {strides = array<i32>} : memref<4096xi32, #tpu.memory_space<vmem>>, vector<16xi32>,
        %broadcast_in_dim3A_425 = arith.constant true
        %broadcast_in_dim3A_426 = vector.broadcast %broadcast_in_dim3A_425 : i1 to vector<16xi1>
        %masked_cumsum3A = tpu.scan <sum>, %get3A_416 masked %broadcast_in_dim3A_426 : vector<16xi32>, vector<16xi1> -> vector<16xi32>
        %broadcast_in_dim3A_427 = arith.constant true
        %broadcast_in_dim3A_428 = vector.broadcast %broadcast_in_dim3A_427 : i1 to vector<16xi1>
        %masked_cumsum3A_429 = tpu.scan <sum>, %get3A_420 masked %broadcast_in_dim3A_428 : vector<16xi32>, vector<16xi1> -> vector<16xi32>
        %broadcast_in_dim3A_430 = arith.constant true
        %broadcast_in_dim3A_431 = vector.broadcast %broadcast_in_dim3A_430 : i1 to vector<16xi1>
        %masked_cumsum3A_432 = tpu.scan <sum>, %get3A_424 masked %broadcast_in_dim3A_431 : vector<16xi32>, vector<16xi1> -> vector<16xi32>
        %sub3A = arith.subi %masked_cumsum3A, %get3A_416 : vector<16xi32>
        %add3A_433 = vector.broadcast %scan3A_411 : i32 to vector<16xi32>
        %add3A_434 = arith.addi %sub3A, %add3A_433 : vector<16xi32>
        %mul3A_435 = arith.constant 16 : i32
        %mul3A_436 = arith.muli %scan3A_410, %mul3A_435 : i32
        %swap3A = arith.index_cast %mul3A_436 : i32 to index
        %swap3A_437 = tpu.vector_load %arg10[%swap3A] {strides = array<i32>} : memref<4096xi32, #tpu.memory_space<vmem>>, vector<16xi32>,
        tpu.vector_store %arg10[%swap3A], %add3A_434 {strides = array<i32>} : memref<4096xi32, #tpu.memory_space<vmem>>, vector<16xi32>,
        %sub3A_438 = arith.subi %masked_cumsum3A_429, %get3A_420 : vector<16xi32>
        %add3A_439 = vector.broadcast %scan3A_412 : i32 to vector<16xi32>
        %add3A_440 = arith.addi %sub3A_438, %add3A_439 : vector<16xi32>
        %mul3A_441 = arith.constant 16 : i32
        %mul3A_442 = arith.muli %scan3A_410, %mul3A_441 : i32
        %swap3A_443 = arith.index_cast %mul3A_442 : i32 to index
        %swap3A_444 = tpu.vector_load %arg12[%swap3A_443] {strides = array<i32>} : memref<4096xi32, #tpu.memory_space<vmem>>, vector<16xi32>,
        tpu.vector_store %arg12[%swap3A_443], %add3A_440 {strides = array<i32>} : memref<4096xi32, #tpu.memory_space<vmem>>, vector<16xi32>,
        %sub3A_445 = arith.subi %masked_cumsum3A_432, %get3A_424 : vector<16xi32>
        %add3A_446 = vector.broadcast %scan3A_413 : i32 to vector<16xi32>
        %add3A_447 = arith.addi %sub3A_445, %add3A_446 : vector<16xi32>
        %mul3A_448 = arith.constant 16 : i32
        %mul3A_449 = arith.muli %scan3A_410, %mul3A_448 : i32
        %swap3A_450 = arith.index_cast %mul3A_449 : i32 to index
        %swap3A_451 = tpu.vector_load %arg14[%swap3A_450] {strides = array<i32>} : memref<4096xi32, #tpu.memory_space<vmem>>, vector<16xi32>,
        tpu.vector_store %arg14[%swap3A_450], %add3A_447 {strides = array<i32>} : memref<4096xi32, #tpu.memory_space<vmem>>, vector<16xi32>,
        %sub3A_452 = arith.subi %masked_cumsum3A, %get3A_416 : vector<16xi32>
        %add3A_453 = vector.broadcast %scan3A_411 : i32 to vector<16xi32>
        %add3A_454 = arith.addi %sub3A_452, %add3A_453 : vector<16xi32>
        %slice3A = vector.extract_strided_slice %add3A_454 {offsets = [15], sizes = [1], strides = [1]} : vector<16xi32> to vector<1xi32>
        %squeeze3A = vector.extract %slice3A[0] : i32 from vector<1xi32>
        %slice3A_455 = vector.extract_strided_slice %get3A_416 {offsets = [15], sizes = [1], strides = [1]} : vector<16xi32> to vector<1xi32>
        %squeeze3A_456 = vector.extract %slice3A_455[0] : i32 from vector<1xi32>
        %add3A_457 = arith.addi %squeeze3A, %squeeze3A_456 : i32
        %sub3A_458 = arith.subi %masked_cumsum3A_429, %get3A_420 : vector<16xi32>
        %add3A_459 = vector.broadcast %scan3A_412 : i32 to vector<16xi32>
        %add3A_460 = arith.addi %sub3A_458, %add3A_459 : vector<16xi32>
        %slice3A_461 = vector.extract_strided_slice %add3A_460 {offsets = [15], sizes = [1], strides = [1]} : vector<16xi32> to vector<1xi32>
        %squeeze3A_462 = vector.extract %slice3A_461[0] : i32 from vector<1xi32>
        %slice3A_463 = vector.extract_strided_slice %get3A_420 {offsets = [15], sizes = [1], strides = [1]} : vector<16xi32> to vector<1xi32>
        %squeeze3A_464 = vector.extract %slice3A_463[0] : i32 from vector<1xi32>
        %add3A_465 = arith.addi %squeeze3A_462, %squeeze3A_464 : i32
        %sub3A_466 = arith.subi %masked_cumsum3A_432, %get3A_424 : vector<16xi32>
        %add3A_467 = vector.broadcast %scan3A_413 : i32 to vector<16xi32>
        %add3A_468 = arith.addi %sub3A_466, %add3A_467 : vector<16xi32>
        %slice3A_469 = vector.extract_strided_slice %add3A_468 {offsets = [15], sizes = [1], strides = [1]} : vector<16xi32> to vector<1xi32>
        %squeeze3A_470 = vector.extract %slice3A_469[0] : i32 from vector<1xi32>
        %slice3A_471 = vector.extract_strided_slice %get3A_424 {offsets = [15], sizes = [1], strides = [1]} : vector<16xi32> to vector<1xi32>
        %squeeze3A_472 = vector.extract %slice3A_471[0] : i32 from vector<1xi32>
        %add3A_473 = arith.addi %squeeze3A_470, %squeeze3A_472 : i32
        %scan3A_474 = arith.constant 1 : i32
        %scan3A_475 = arith.addi %scan3A_410, %scan3A_474 : i32
        %mul3A_476 = arith.constant 16 : i32
        %mul3A_477 = arith.muli %scan3A_475, %mul3A_476 : i32
        %get3A_478 = arith.index_cast %mul3A_477 : i32 to index
        %get3A_479 = tpu.vector_load %arg10[%get3A_478] {strides = array<i32>} : memref<4096xi32, #tpu.memory_space<vmem>>, vector<16xi32>,
        %mul3A_480 = arith.constant 16 : i32
        %mul3A_481 = arith.muli %scan3A_475, %mul3A_480 : i32
        %get3A_482 = arith.index_cast %mul3A_481 : i32 to index
        %get3A_483 = tpu.vector_load %arg12[%get3A_482] {strides = array<i32>} : memref<4096xi32, #tpu.memory_space<vmem>>, vector<16xi32>,
        %mul3A_484 = arith.constant 16 : i32
        %mul3A_485 = arith.muli %scan3A_475, %mul3A_484 : i32
        %get3A_486 = arith.index_cast %mul3A_485 : i32 to index
        %get3A_487 = tpu.vector_load %arg14[%get3A_486] {strides = array<i32>} : memref<4096xi32, #tpu.memory_space<vmem>>, vector<16xi32>,
        %broadcast_in_dim3A_488 = arith.constant true
        %broadcast_in_dim3A_489 = vector.broadcast %broadcast_in_dim3A_488 : i1 to vector<16xi1>
        %masked_cumsum3A_490 = tpu.scan <sum>, %get3A_479 masked %broadcast_in_dim3A_489 : vector<16xi32>, vector<16xi1> -> vector<16xi32>
        %broadcast_in_dim3A_491 = arith.constant true
        %broadcast_in_dim3A_492 = vector.broadcast %broadcast_in_dim3A_491 : i1 to vector<16xi1>
        %masked_cumsum3A_493 = tpu.scan <sum>, %get3A_483 masked %broadcast_in_dim3A_492 : vector<16xi32>, vector<16xi1> -> vector<16xi32>
        %broadcast_in_dim3A_494 = arith.constant true
        %broadcast_in_dim3A_495 = vector.broadcast %broadcast_in_dim3A_494 : i1 to vector<16xi1>
        %masked_cumsum3A_496 = tpu.scan <sum>, %get3A_487 masked %broadcast_in_dim3A_495 : vector<16xi32>, vector<16xi1> -> vector<16xi32>
        %sub3A_497 = arith.subi %masked_cumsum3A_490, %get3A_479 : vector<16xi32>
        %add3A_498 = vector.broadcast %add3A_457 : i32 to vector<16xi32>
        %add3A_499 = arith.addi %sub3A_497, %add3A_498 : vector<16xi32>
        %mul3A_500 = arith.constant 16 : i32
        %mul3A_501 = arith.muli %scan3A_475, %mul3A_500 : i32
        %swap3A_502 = arith.index_cast %mul3A_501 : i32 to index
        %swap3A_503 = tpu.vector_load %arg10[%swap3A_502] {strides = array<i32>} : memref<4096xi32, #tpu.memory_space<vmem>>, vector<16xi32>,
        tpu.vector_store %arg10[%swap3A_502], %add3A_499 {strides = array<i32>} : memref<4096xi32, #tpu.memory_space<vmem>>, vector<16xi32>,
        %sub3A_504 = arith.subi %masked_cumsum3A_493, %get3A_483 : vector<16xi32>
        %add3A_505 = vector.broadcast %add3A_465 : i32 to vector<16xi32>
        %add3A_506 = arith.addi %sub3A_504, %add3A_505 : vector<16xi32>
        %mul3A_507 = arith.constant 16 : i32
        %mul3A_508 = arith.muli %scan3A_475, %mul3A_507 : i32
        %swap3A_509 = arith.index_cast %mul3A_508 : i32 to index
        %swap3A_510 = tpu.vector_load %arg12[%swap3A_509] {strides = array<i32>} : memref<4096xi32, #tpu.memory_space<vmem>>, vector<16xi32>,
        tpu.vector_store %arg12[%swap3A_509], %add3A_506 {strides = array<i32>} : memref<4096xi32, #tpu.memory_space<vmem>>, vector<16xi32>,
        %sub3A_511 = arith.subi %masked_cumsum3A_496, %get3A_487 : vector<16xi32>
        %add3A_512 = vector.broadcast %add3A_473 : i32 to vector<16xi32>
        %add3A_513 = arith.addi %sub3A_511, %add3A_512 : vector<16xi32>
        %mul3A_514 = arith.constant 16 : i32
        %mul3A_515 = arith.muli %scan3A_475, %mul3A_514 : i32
        %swap3A_516 = arith.index_cast %mul3A_515 : i32 to index
        %swap3A_517 = tpu.vector_load %arg14[%swap3A_516] {strides = array<i32>} : memref<4096xi32, #tpu.memory_space<vmem>>, vector<16xi32>,
        tpu.vector_store %arg14[%swap3A_516], %add3A_513 {strides = array<i32>} : memref<4096xi32, #tpu.memory_space<vmem>>, vector<16xi32>,
        %sub3A_518 = arith.subi %masked_cumsum3A_490, %get3A_479 : vector<16xi32>
        %add3A_519 = vector.broadcast %add3A_457 : i32 to vector<16xi32>
        %add3A_520 = arith.addi %sub3A_518, %add3A_519 : vector<16xi32>
        %slice3A_521 = vector.extract_strided_slice %add3A_520 {offsets = [15], sizes = [1], strides = [1]} : vector<16xi32> to vector<1xi32>
        %squeeze3A_522 = vector.extract %slice3A_521[0] : i32 from vector<1xi32>
        %slice3A_523 = vector.extract_strided_slice %get3A_479 {offsets = [15], sizes = [1], strides = [1]} : vector<16xi32> to vector<1xi32>
        %squeeze3A_524 = vector.extract %slice3A_523[0] : i32 from vector<1xi32>
        %add3A_525 = arith.addi %squeeze3A_522, %squeeze3A_524 : i32
        %sub3A_526 = arith.subi %masked_cumsum3A_493, %get3A_483 : vector<16xi32>
        %add3A_527 = vector.broadcast %add3A_465 : i32 to vector<16xi32>
        %add3A_528 = arith.addi %sub3A_526, %add3A_527 : vector<16xi32>
        %slice3A_529 = vector.extract_strided_slice %add3A_528 {offsets = [15], sizes = [1], strides = [1]} : vector<16xi32> to vector<1xi32>
        %squeeze3A_530 = vector.extract %slice3A_529[0] : i32 from vector<1xi32>
        %slice3A_531 = vector.extract_strided_slice %get3A_483 {offsets = [15], sizes = [1], strides = [1]} : vector<16xi32> to vector<1xi32>
        %squeeze3A_532 = vector.extract %slice3A_531[0] : i32 from vector<1xi32>
        %add3A_533 = arith.addi %squeeze3A_530, %squeeze3A_532 : i32
        %sub3A_534 = arith.subi %masked_cumsum3A_496, %get3A_487 : vector<16xi32>
        %add3A_535 = vector.broadcast %add3A_473 : i32 to vector<16xi32>
        %add3A_536 = arith.addi %sub3A_534, %add3A_535 : vector<16xi32>
        %slice3A_537 = vector.extract_strided_slice %add3A_536 {offsets = [15], sizes = [1], strides = [1]} : vector<16xi32> to vector<1xi32>
        %squeeze3A_538 = vector.extract %slice3A_537[0] : i32 from vector<1xi32>
        %slice3A_539 = vector.extract_strided_slice %get3A_487 {offsets = [15], sizes = [1], strides = [1]} : vector<16xi32> to vector<1xi32>
        %squeeze3A_540 = vector.extract %slice3A_539[0] : i32 from vector<1xi32>
        %add3A_541 = arith.addi %squeeze3A_538, %squeeze3A_540 : i32
        scf.yield %add3A_525, %add3A_533, %add3A_541 : i32, i32, i32
      }
      %scan3A_270 = arith.constant 256 : i32
      %scan3A_271 = arith.constant 0 : i32
      %scan3A_272 = arith.constant 0 : i32
      %scan3A_273 = arith.constant 1024 : i32
      %scan3A_274 = arith.addi %scan3A_272, %scan3A_273 : i32
      %scan3A_275 = arith.constant 4 : i32
      %scan3A_276 = scf.for %scan3A_410 = %scan3A_272 to %scan3A_274 step %scan3A_275 iter_args(%scan3A_411 = %scan3A_271) -> (i32)  : i32 {
        %mul3A_412 = arith.constant 16 : i32
        %mul3A_413 = arith.muli %scan3A_410, %mul3A_412 : i32
        %get3A = arith.index_cast %mul3A_413 : i32 to index
        %get3A_414 = tpu.vector_load %arg4[%get3A] {strides = array<i32>} : memref<16400xi32, #tpu.memory_space<vmem>>, vector<16xi32>,
        %mul3A_415 = arith.constant 16 : i32
        %mul3A_416 = arith.muli %scan3A_410, %mul3A_415 : i32
        %get3A_417 = arith.index_cast %mul3A_416 : i32 to index
        %get3A_418 = tpu.vector_load %arg6[%get3A_417] {strides = array<i32>} : memref<16400xi32, #tpu.memory_space<vmem>>, vector<16xi32>,
        %mul3A_419 = arith.constant 16 : i32
        %mul3A_420 = arith.muli %scan3A_410, %mul3A_419 : i32
        %get3A_421 = arith.index_cast %mul3A_420 : i32 to index
        %get3A_422 = tpu.vector_load %arg8[%get3A_421] {strides = array<i32>} : memref<16400xi32, #tpu.memory_space<vmem>>, vector<16xi32>,
        %shift_right_arithmetic3A = arith.constant 0 : i32
        %shift_right_arithmetic3A_423 = vector.broadcast %shift_right_arithmetic3A : i32 to vector<16xi32>
        %shift_right_arithmetic3A_424 = arith.shrsi %get3A_414, %shift_right_arithmetic3A_423 : vector<16xi32>
        %and3A = arith.constant 255 : i32
        %and3A_425 = vector.broadcast %and3A : i32 to vector<16xi32>
        %and3A_426 = arith.andi %shift_right_arithmetic3A_424, %and3A_425 : vector<16xi32>
        %mul3A_427 = arith.constant 16 : i32
        %mul3A_428 = vector.broadcast %mul3A_427 : i32 to vector<16xi32>
        %mul3A_429 = arith.muli %and3A_426, %mul3A_428 : vector<16xi32>
        %add3A_430 = arith.addi %mul3A_429, %iota3A : vector<16xi32>
        %shift_right_arithmetic3A_431 = arith.constant 0 : i32
        %shift_right_arithmetic3A_432 = vector.broadcast %shift_right_arithmetic3A_431 : i32 to vector<16xi32>
        %shift_right_arithmetic3A_433 = arith.shrsi %get3A_418, %shift_right_arithmetic3A_432 : vector<16xi32>
        %and3A_434 = arith.constant 255 : i32
        %and3A_435 = vector.broadcast %and3A_434 : i32 to vector<16xi32>
        %and3A_436 = arith.andi %shift_right_arithmetic3A_433, %and3A_435 : vector<16xi32>
        %mul3A_437 = arith.constant 16 : i32
        %mul3A_438 = vector.broadcast %mul3A_437 : i32 to vector<16xi32>
        %mul3A_439 = arith.muli %and3A_436, %mul3A_438 : vector<16xi32>
        %add3A_440 = arith.addi %mul3A_439, %iota3A : vector<16xi32>
        %shift_right_arithmetic3A_441 = arith.constant 0 : i32
        %shift_right_arithmetic3A_442 = vector.broadcast %shift_right_arithmetic3A_441 : i32 to vector<16xi32>
        %shift_right_arithmetic3A_443 = arith.shrsi %get3A_422, %shift_right_arithmetic3A_442 : vector<16xi32>
        %and3A_444 = arith.constant 255 : i32
        %and3A_445 = vector.broadcast %and3A_444 : i32 to vector<16xi32>
        %and3A_446 = arith.andi %shift_right_arithmetic3A_443, %and3A_445 : vector<16xi32>
        %mul3A_447 = arith.constant 16 : i32
        %mul3A_448 = vector.broadcast %mul3A_447 : i32 to vector<16xi32>
        %mul3A_449 = arith.muli %and3A_446, %mul3A_448 : vector<16xi32>
        %add3A_450 = arith.addi %mul3A_449, %iota3A : vector<16xi32>
        %gather3A = tpu.vector_load_idx %arg10[%add3A_430] : memref<4096xi32, #tpu.memory_space<vmem>>[vector<16xi32>], vector<16xi32>,
        %gather3A_451 = tpu.vector_load_idx %arg12[%add3A_440] : memref<4096xi32, #tpu.memory_space<vmem>>[vector<16xi32>], vector<16xi32>,
        %gather3A_452 = tpu.vector_load_idx %arg14[%add3A_450] : memref<4096xi32, #tpu.memory_space<vmem>>[vector<16xi32>], vector<16xi32>,
        %add3A_453 = arith.constant 1 : i32
        %add3A_454 = vector.broadcast %add3A_453 : i32 to vector<16xi32>
        %add3A_455 = arith.addi %gather3A, %add3A_454 : vector<16xi32>
        tpu.vector_store_idx %arg10[%add3A_430], %add3A_455 : memref<4096xi32, #tpu.memory_space<vmem>>[vector<16xi32>], vector<16xi32>,
        %add3A_456 = arith.constant 1 : i32
        %add3A_457 = vector.broadcast %add3A_456 : i32 to vector<16xi32>
        %add3A_458 = arith.addi %gather3A_451, %add3A_457 : vector<16xi32>
        tpu.vector_store_idx %arg12[%add3A_440], %add3A_458 : memref<4096xi32, #tpu.memory_space<vmem>>[vector<16xi32>], vector<16xi32>,
        %add3A_459 = arith.constant 1 : i32
        %add3A_460 = vector.broadcast %add3A_459 : i32 to vector<16xi32>
        %add3A_461 = arith.addi %gather3A_452, %add3A_460 : vector<16xi32>
        tpu.vector_store_idx %arg14[%add3A_450], %add3A_461 : memref<4096xi32, #tpu.memory_space<vmem>>[vector<16xi32>], vector<16xi32>,
        %shift_right_arithmetic3A_462 = arith.constant 10 : i32
        %shift_right_arithmetic3A_463 = vector.broadcast %shift_right_arithmetic3A_462 : i32 to vector<16xi32>
        %shift_right_arithmetic3A_464 = arith.shrsi %gather3A, %shift_right_arithmetic3A_463 : vector<16xi32>
        %add3A_465 = arith.addi %gather3A, %shift_right_arithmetic3A_464 : vector<16xi32>
        tpu.vector_store_idx %arg5[%add3A_465], %get3A_414 : memref<16400xi32, #tpu.memory_space<vmem>>[vector<16xi32>], vector<16xi32>,
        %shift_right_arithmetic3A_466 = arith.constant 10 : i32
        %shift_right_arithmetic3A_467 = vector.broadcast %shift_right_arithmetic3A_466 : i32 to vector<16xi32>
        %shift_right_arithmetic3A_468 = arith.shrsi %gather3A_451, %shift_right_arithmetic3A_467 : vector<16xi32>
        %add3A_469 = arith.addi %gather3A_451, %shift_right_arithmetic3A_468 : vector<16xi32>
        tpu.vector_store_idx %arg7[%add3A_469], %get3A_418 : memref<16400xi32, #tpu.memory_space<vmem>>[vector<16xi32>], vector<16xi32>,
        %shift_right_arithmetic3A_470 = arith.constant 10 : i32
        %shift_right_arithmetic3A_471 = vector.broadcast %shift_right_arithmetic3A_470 : i32 to vector<16xi32>
        %shift_right_arithmetic3A_472 = arith.shrsi %gather3A_452, %shift_right_arithmetic3A_471 : vector<16xi32>
        %add3A_473 = arith.addi %gather3A_452, %shift_right_arithmetic3A_472 : vector<16xi32>
        tpu.vector_store_idx %arg9[%add3A_473], %get3A_422 : memref<16400xi32, #tpu.memory_space<vmem>>[vector<16xi32>], vector<16xi32>,
        %shift_right_arithmetic3A_474 = arith.constant 8 : i32
        %shift_right_arithmetic3A_475 = vector.broadcast %shift_right_arithmetic3A_474 : i32 to vector<16xi32>
        %shift_right_arithmetic3A_476 = arith.shrsi %get3A_414, %shift_right_arithmetic3A_475 : vector<16xi32>
        %and3A_477 = arith.constant 255 : i32
        %and3A_478 = vector.broadcast %and3A_477 : i32 to vector<16xi32>
        %and3A_479 = arith.andi %shift_right_arithmetic3A_476, %and3A_478 : vector<16xi32>
        %mul3A_480 = arith.constant 16 : i32
        %mul3A_481 = vector.broadcast %mul3A_480 : i32 to vector<16xi32>
        %mul3A_482 = arith.muli %and3A_479, %mul3A_481 : vector<16xi32>
        %shift_right_arithmetic3A_483 = arith.constant 10 : i32
        %shift_right_arithmetic3A_484 = vector.broadcast %shift_right_arithmetic3A_483 : i32 to vector<16xi32>
        %shift_right_arithmetic3A_485 = arith.shrsi %gather3A, %shift_right_arithmetic3A_484 : vector<16xi32>
        %add3A_486 = arith.addi %mul3A_482, %shift_right_arithmetic3A_485 : vector<16xi32>
        tpu.vector_store_idx %arg11[%add3A_486], %add3A_7 {add = true} : memref<4096xi32, #tpu.memory_space<vmem>>[vector<16xi32>], vector<16xi32>,
        %shift_right_arithmetic3A_487 = arith.constant 8 : i32
        %shift_right_arithmetic3A_488 = vector.broadcast %shift_right_arithmetic3A_487 : i32 to vector<16xi32>
        %shift_right_arithmetic3A_489 = arith.shrsi %get3A_418, %shift_right_arithmetic3A_488 : vector<16xi32>
        %and3A_490 = arith.constant 255 : i32
        %and3A_491 = vector.broadcast %and3A_490 : i32 to vector<16xi32>
        %and3A_492 = arith.andi %shift_right_arithmetic3A_489, %and3A_491 : vector<16xi32>
        %mul3A_493 = arith.constant 16 : i32
        %mul3A_494 = vector.broadcast %mul3A_493 : i32 to vector<16xi32>
        %mul3A_495 = arith.muli %and3A_492, %mul3A_494 : vector<16xi32>
        %shift_right_arithmetic3A_496 = arith.constant 10 : i32
        %shift_right_arithmetic3A_497 = vector.broadcast %shift_right_arithmetic3A_496 : i32 to vector<16xi32>
        %shift_right_arithmetic3A_498 = arith.shrsi %gather3A_451, %shift_right_arithmetic3A_497 : vector<16xi32>
        %add3A_499 = arith.addi %mul3A_495, %shift_right_arithmetic3A_498 : vector<16xi32>
        tpu.vector_store_idx %arg13[%add3A_499], %add3A_7 {add = true} : memref<4096xi32, #tpu.memory_space<vmem>>[vector<16xi32>], vector<16xi32>,
        %shift_right_arithmetic3A_500 = arith.constant 8 : i32
        %shift_right_arithmetic3A_501 = vector.broadcast %shift_right_arithmetic3A_500 : i32 to vector<16xi32>
        %shift_right_arithmetic3A_502 = arith.shrsi %get3A_422, %shift_right_arithmetic3A_501 : vector<16xi32>
        %and3A_503 = arith.constant 255 : i32
        %and3A_504 = vector.broadcast %and3A_503 : i32 to vector<16xi32>
        %and3A_505 = arith.andi %shift_right_arithmetic3A_502, %and3A_504 : vector<16xi32>
        %mul3A_506 = arith.constant 16 : i32
        %mul3A_507 = vector.broadcast %mul3A_506 : i32 to vector<16xi32>
        %mul3A_508 = arith.muli %and3A_505, %mul3A_507 : vector<16xi32>
        %shift_right_arithmetic3A_509 = arith.constant 10 : i32
        %shift_right_arithmetic3A_510 = vector.broadcast %shift_right_arithmetic3A_509 : i32 to vector<16xi32>
        %shift_right_arithmetic3A_511 = arith.shrsi %gather3A_452, %shift_right_arithmetic3A_510 : vector<16xi32>
        %add3A_512 = arith.addi %mul3A_508, %shift_right_arithmetic3A_511 : vector<16xi32>
        tpu.vector_store_idx %arg15[%add3A_512], %add3A_7 {add = true} : memref<4096xi32, #tpu.memory_space<vmem>>[vector<16xi32>], vector<16xi32>,
        %scan3A_513 = arith.constant 0 : i32
        %scan3A_514 = arith.constant 1 : i32
        %scan3A_515 = arith.addi %scan3A_410, %scan3A_514 : i32
        %mul3A_516 = arith.constant 16 : i32
        %mul3A_517 = arith.muli %scan3A_515, %mul3A_516 : i32
        %get3A_518 = arith.index_cast %mul3A_517 : i32 to index
        %get3A_519 = tpu.vector_load %arg4[%get3A_518] {strides = array<i32>} : memref<16400xi32, #tpu.memory_space<vmem>>, vector<16xi32>,
        %mul3A_520 = arith.constant 16 : i32
        %mul3A_521 = arith.muli %scan3A_515, %mul3A_520 : i32
        %get3A_522 = arith.index_cast %mul3A_521 : i32 to index
        %get3A_523 = tpu.vector_load %arg6[%get3A_522] {strides = array<i32>} : memref<16400xi32, #tpu.memory_space<vmem>>, vector<16xi32>,
        %mul3A_524 = arith.constant 16 : i32
        %mul3A_525 = arith.muli %scan3A_515, %mul3A_524 : i32
        %get3A_526 = arith.index_cast %mul3A_525 : i32 to index
        %get3A_527 = tpu.vector_load %arg8[%get3A_526] {strides = array<i32>} : memref<16400xi32, #tpu.memory_space<vmem>>, vector<16xi32>,
        %shift_right_arithmetic3A_528 = arith.constant 0 : i32
        %shift_right_arithmetic3A_529 = vector.broadcast %shift_right_arithmetic3A_528 : i32 to vector<16xi32>
        %shift_right_arithmetic3A_530 = arith.shrsi %get3A_519, %shift_right_arithmetic3A_529 : vector<16xi32>
        %and3A_531 = arith.constant 255 : i32
        %and3A_532 = vector.broadcast %and3A_531 : i32 to vector<16xi32>
        %and3A_533 = arith.andi %shift_right_arithmetic3A_530, %and3A_532 : vector<16xi32>
        %mul3A_534 = arith.constant 16 : i32
        %mul3A_535 = vector.broadcast %mul3A_534 : i32 to vector<16xi32>
        %mul3A_536 = arith.muli %and3A_533, %mul3A_535 : vector<16xi32>
        %add3A_537 = arith.addi %mul3A_536, %iota3A : vector<16xi32>
        %shift_right_arithmetic3A_538 = arith.constant 0 : i32
        %shift_right_arithmetic3A_539 = vector.broadcast %shift_right_arithmetic3A_538 : i32 to vector<16xi32>
        %shift_right_arithmetic3A_540 = arith.shrsi %get3A_523, %shift_right_arithmetic3A_539 : vector<16xi32>
        %and3A_541 = arith.constant 255 : i32
        %and3A_542 = vector.broadcast %and3A_541 : i32 to vector<16xi32>
        %and3A_543 = arith.andi %shift_right_arithmetic3A_540, %and3A_542 : vector<16xi32>
        %mul3A_544 = arith.constant 16 : i32
        %mul3A_545 = vector.broadcast %mul3A_544 : i32 to vector<16xi32>
        %mul3A_546 = arith.muli %and3A_543, %mul3A_545 : vector<16xi32>
        %add3A_547 = arith.addi %mul3A_546, %iota3A : vector<16xi32>
        %shift_right_arithmetic3A_548 = arith.constant 0 : i32
        %shift_right_arithmetic3A_549 = vector.broadcast %shift_right_arithmetic3A_548 : i32 to vector<16xi32>
        %shift_right_arithmetic3A_550 = arith.shrsi %get3A_527, %shift_right_arithmetic3A_549 : vector<16xi32>
        %and3A_551 = arith.constant 255 : i32
        %and3A_552 = vector.broadcast %and3A_551 : i32 to vector<16xi32>
        %and3A_553 = arith.andi %shift_right_arithmetic3A_550, %and3A_552 : vector<16xi32>
        %mul3A_554 = arith.constant 16 : i32
        %mul3A_555 = vector.broadcast %mul3A_554 : i32 to vector<16xi32>
        %mul3A_556 = arith.muli %and3A_553, %mul3A_555 : vector<16xi32>
        %add3A_557 = arith.addi %mul3A_556, %iota3A : vector<16xi32>
        %gather3A_558 = tpu.vector_load_idx %arg10[%add3A_537] : memref<4096xi32, #tpu.memory_space<vmem>>[vector<16xi32>], vector<16xi32>,
        %gather3A_559 = tpu.vector_load_idx %arg12[%add3A_547] : memref<4096xi32, #tpu.memory_space<vmem>>[vector<16xi32>], vector<16xi32>,
        %gather3A_560 = tpu.vector_load_idx %arg14[%add3A_557] : memref<4096xi32, #tpu.memory_space<vmem>>[vector<16xi32>], vector<16xi32>,
        %add3A_561 = arith.constant 1 : i32
        %add3A_562 = vector.broadcast %add3A_561 : i32 to vector<16xi32>
        %add3A_563 = arith.addi %gather3A_558, %add3A_562 : vector<16xi32>
        tpu.vector_store_idx %arg10[%add3A_537], %add3A_563 : memref<4096xi32, #tpu.memory_space<vmem>>[vector<16xi32>], vector<16xi32>,
        %add3A_564 = arith.constant 1 : i32
        %add3A_565 = vector.broadcast %add3A_564 : i32 to vector<16xi32>
        %add3A_566 = arith.addi %gather3A_559, %add3A_565 : vector<16xi32>
        tpu.vector_store_idx %arg12[%add3A_547], %add3A_566 : memref<4096xi32, #tpu.memory_space<vmem>>[vector<16xi32>], vector<16xi32>,
        %add3A_567 = arith.constant 1 : i32
        %add3A_568 = vector.broadcast %add3A_567 : i32 to vector<16xi32>
        %add3A_569 = arith.addi %gather3A_560, %add3A_568 : vector<16xi32>
        tpu.vector_store_idx %arg14[%add3A_557], %add3A_569 : memref<4096xi32, #tpu.memory_space<vmem>>[vector<16xi32>], vector<16xi32>,
        %shift_right_arithmetic3A_570 = arith.constant 10 : i32
        %shift_right_arithmetic3A_571 = vector.broadcast %shift_right_arithmetic3A_570 : i32 to vector<16xi32>
        %shift_right_arithmetic3A_572 = arith.shrsi %gather3A_558, %shift_right_arithmetic3A_571 : vector<16xi32>
        %add3A_573 = arith.addi %gather3A_558, %shift_right_arithmetic3A_572 : vector<16xi32>
        tpu.vector_store_idx %arg5[%add3A_573], %get3A_519 : memref<16400xi32, #tpu.memory_space<vmem>>[vector<16xi32>], vector<16xi32>,
        %shift_right_arithmetic3A_574 = arith.constant 10 : i32
        %shift_right_arithmetic3A_575 = vector.broadcast %shift_right_arithmetic3A_574 : i32 to vector<16xi32>
        %shift_right_arithmetic3A_576 = arith.shrsi %gather3A_559, %shift_right_arithmetic3A_575 : vector<16xi32>
        %add3A_577 = arith.addi %gather3A_559, %shift_right_arithmetic3A_576 : vector<16xi32>
        tpu.vector_store_idx %arg7[%add3A_577], %get3A_523 : memref<16400xi32, #tpu.memory_space<vmem>>[vector<16xi32>], vector<16xi32>,
        %shift_right_arithmetic3A_578 = arith.constant 10 : i32
        %shift_right_arithmetic3A_579 = vector.broadcast %shift_right_arithmetic3A_578 : i32 to vector<16xi32>
        %shift_right_arithmetic3A_580 = arith.shrsi %gather3A_560, %shift_right_arithmetic3A_579 : vector<16xi32>
        %add3A_581 = arith.addi %gather3A_560, %shift_right_arithmetic3A_580 : vector<16xi32>
        tpu.vector_store_idx %arg9[%add3A_581], %get3A_527 : memref<16400xi32, #tpu.memory_space<vmem>>[vector<16xi32>], vector<16xi32>,
        %shift_right_arithmetic3A_582 = arith.constant 8 : i32
        %shift_right_arithmetic3A_583 = vector.broadcast %shift_right_arithmetic3A_582 : i32 to vector<16xi32>
        %shift_right_arithmetic3A_584 = arith.shrsi %get3A_519, %shift_right_arithmetic3A_583 : vector<16xi32>
        %and3A_585 = arith.constant 255 : i32
        %and3A_586 = vector.broadcast %and3A_585 : i32 to vector<16xi32>
        %and3A_587 = arith.andi %shift_right_arithmetic3A_584, %and3A_586 : vector<16xi32>
        %mul3A_588 = arith.constant 16 : i32
        %mul3A_589 = vector.broadcast %mul3A_588 : i32 to vector<16xi32>
        %mul3A_590 = arith.muli %and3A_587, %mul3A_589 : vector<16xi32>
        %shift_right_arithmetic3A_591 = arith.constant 10 : i32
        %shift_right_arithmetic3A_592 = vector.broadcast %shift_right_arithmetic3A_591 : i32 to vector<16xi32>
        %shift_right_arithmetic3A_593 = arith.shrsi %gather3A_558, %shift_right_arithmetic3A_592 : vector<16xi32>
        %add3A_594 = arith.addi %mul3A_590, %shift_right_arithmetic3A_593 : vector<16xi32>
        tpu.vector_store_idx %arg11[%add3A_594], %add3A_7 {add = true} : memref<4096xi32, #tpu.memory_space<vmem>>[vector<16xi32>], vector<16xi32>,
        %shift_right_arithmetic3A_595 = arith.constant 8 : i32
        %shift_right_arithmetic3A_596 = vector.broadcast %shift_right_arithmetic3A_595 : i32 to vector<16xi32>
        %shift_right_arithmetic3A_597 = arith.shrsi %get3A_523, %shift_right_arithmetic3A_596 : vector<16xi32>
        %and3A_598 = arith.constant 255 : i32
        %and3A_599 = vector.broadcast %and3A_598 : i32 to vector<16xi32>
        %and3A_600 = arith.andi %shift_right_arithmetic3A_597, %and3A_599 : vector<16xi32>
        %mul3A_601 = arith.constant 16 : i32
        %mul3A_602 = vector.broadcast %mul3A_601 : i32 to vector<16xi32>
        %mul3A_603 = arith.muli %and3A_600, %mul3A_602 : vector<16xi32>
        %shift_right_arithmetic3A_604 = arith.constant 10 : i32
        %shift_right_arithmetic3A_605 = vector.broadcast %shift_right_arithmetic3A_604 : i32 to vector<16xi32>
        %shift_right_arithmetic3A_606 = arith.shrsi %gather3A_559, %shift_right_arithmetic3A_605 : vector<16xi32>
        %add3A_607 = arith.addi %mul3A_603, %shift_right_arithmetic3A_606 : vector<16xi32>
        tpu.vector_store_idx %arg13[%add3A_607], %add3A_7 {add = true} : memref<4096xi32, #tpu.memory_space<vmem>>[vector<16xi32>], vector<16xi32>,
        %shift_right_arithmetic3A_608 = arith.constant 8 : i32
        %shift_right_arithmetic3A_609 = vector.broadcast %shift_right_arithmetic3A_608 : i32 to vector<16xi32>
        %shift_right_arithmetic3A_610 = arith.shrsi %get3A_527, %shift_right_arithmetic3A_609 : vector<16xi32>
        %and3A_611 = arith.constant 255 : i32
        %and3A_612 = vector.broadcast %and3A_611 : i32 to vector<16xi32>
        %and3A_613 = arith.andi %shift_right_arithmetic3A_610, %and3A_612 : vector<16xi32>
        %mul3A_614 = arith.constant 16 : i32
        %mul3A_615 = vector.broadcast %mul3A_614 : i32 to vector<16xi32>
        %mul3A_616 = arith.muli %and3A_613, %mul3A_615 : vector<16xi32>
        %shift_right_arithmetic3A_617 = arith.constant 10 : i32
        %shift_right_arithmetic3A_618 = vector.broadcast %shift_right_arithmetic3A_617 : i32 to vector<16xi32>
        %shift_right_arithmetic3A_619 = arith.shrsi %gather3A_560, %shift_right_arithmetic3A_618 : vector<16xi32>
        %add3A_620 = arith.addi %mul3A_616, %shift_right_arithmetic3A_619 : vector<16xi32>
        tpu.vector_store_idx %arg15[%add3A_620], %add3A_7 {add = true} : memref<4096xi32, #tpu.memory_space<vmem>>[vector<16xi32>], vector<16xi32>,
        %scan3A_621 = arith.constant 0 : i32
        %scan3A_622 = arith.constant 2 : i32
        %scan3A_623 = arith.addi %scan3A_410, %scan3A_622 : i32
        %mul3A_624 = arith.constant 16 : i32
        %mul3A_625 = arith.muli %scan3A_623, %mul3A_624 : i32
        %get3A_626 = arith.index_cast %mul3A_625 : i32 to index
        %get3A_627 = tpu.vector_load %arg4[%get3A_626] {strides = array<i32>} : memref<16400xi32, #tpu.memory_space<vmem>>, vector<16xi32>,
        %mul3A_628 = arith.constant 16 : i32
        %mul3A_629 = arith.muli %scan3A_623, %mul3A_628 : i32
        %get3A_630 = arith.index_cast %mul3A_629 : i32 to index
        %get3A_631 = tpu.vector_load %arg6[%get3A_630] {strides = array<i32>} : memref<16400xi32, #tpu.memory_space<vmem>>, vector<16xi32>,
        %mul3A_632 = arith.constant 16 : i32
        %mul3A_633 = arith.muli %scan3A_623, %mul3A_632 : i32
        %get3A_634 = arith.index_cast %mul3A_633 : i32 to index
        %get3A_635 = tpu.vector_load %arg8[%get3A_634] {strides = array<i32>} : memref<16400xi32, #tpu.memory_space<vmem>>, vector<16xi32>,
        %shift_right_arithmetic3A_636 = arith.constant 0 : i32
        %shift_right_arithmetic3A_637 = vector.broadcast %shift_right_arithmetic3A_636 : i32 to vector<16xi32>
        %shift_right_arithmetic3A_638 = arith.shrsi %get3A_627, %shift_right_arithmetic3A_637 : vector<16xi32>
        %and3A_639 = arith.constant 255 : i32
        %and3A_640 = vector.broadcast %and3A_639 : i32 to vector<16xi32>
        %and3A_641 = arith.andi %shift_right_arithmetic3A_638, %and3A_640 : vector<16xi32>
        %mul3A_642 = arith.constant 16 : i32
        %mul3A_643 = vector.broadcast %mul3A_642 : i32 to vector<16xi32>
        %mul3A_644 = arith.muli %and3A_641, %mul3A_643 : vector<16xi32>
        %add3A_645 = arith.addi %mul3A_644, %iota3A : vector<16xi32>
        %shift_right_arithmetic3A_646 = arith.constant 0 : i32
        %shift_right_arithmetic3A_647 = vector.broadcast %shift_right_arithmetic3A_646 : i32 to vector<16xi32>
        %shift_right_arithmetic3A_648 = arith.shrsi %get3A_631, %shift_right_arithmetic3A_647 : vector<16xi32>
        %and3A_649 = arith.constant 255 : i32
        %and3A_650 = vector.broadcast %and3A_649 : i32 to vector<16xi32>
        %and3A_651 = arith.andi %shift_right_arithmetic3A_648, %and3A_650 : vector<16xi32>
        %mul3A_652 = arith.constant 16 : i32
        %mul3A_653 = vector.broadcast %mul3A_652 : i32 to vector<16xi32>
        %mul3A_654 = arith.muli %and3A_651, %mul3A_653 : vector<16xi32>
        %add3A_655 = arith.addi %mul3A_654, %iota3A : vector<16xi32>
        %shift_right_arithmetic3A_656 = arith.constant 0 : i32
        %shift_right_arithmetic3A_657 = vector.broadcast %shift_right_arithmetic3A_656 : i32 to vector<16xi32>
        %shift_right_arithmetic3A_658 = arith.shrsi %get3A_635, %shift_right_arithmetic3A_657 : vector<16xi32>
        %and3A_659 = arith.constant 255 : i32
        %and3A_660 = vector.broadcast %and3A_659 : i32 to vector<16xi32>
        %and3A_661 = arith.andi %shift_right_arithmetic3A_658, %and3A_660 : vector<16xi32>
        %mul3A_662 = arith.constant 16 : i32
        %mul3A_663 = vector.broadcast %mul3A_662 : i32 to vector<16xi32>
        %mul3A_664 = arith.muli %and3A_661, %mul3A_663 : vector<16xi32>
        %add3A_665 = arith.addi %mul3A_664, %iota3A : vector<16xi32>
        %gather3A_666 = tpu.vector_load_idx %arg10[%add3A_645] : memref<4096xi32, #tpu.memory_space<vmem>>[vector<16xi32>], vector<16xi32>,
        %gather3A_667 = tpu.vector_load_idx %arg12[%add3A_655] : memref<4096xi32, #tpu.memory_space<vmem>>[vector<16xi32>], vector<16xi32>,
        %gather3A_668 = tpu.vector_load_idx %arg14[%add3A_665] : memref<4096xi32, #tpu.memory_space<vmem>>[vector<16xi32>], vector<16xi32>,
        %add3A_669 = arith.constant 1 : i32
        %add3A_670 = vector.broadcast %add3A_669 : i32 to vector<16xi32>
        %add3A_671 = arith.addi %gather3A_666, %add3A_670 : vector<16xi32>
        tpu.vector_store_idx %arg10[%add3A_645], %add3A_671 : memref<4096xi32, #tpu.memory_space<vmem>>[vector<16xi32>], vector<16xi32>,
        %add3A_672 = arith.constant 1 : i32
        %add3A_673 = vector.broadcast %add3A_672 : i32 to vector<16xi32>
        %add3A_674 = arith.addi %gather3A_667, %add3A_673 : vector<16xi32>
        tpu.vector_store_idx %arg12[%add3A_655], %add3A_674 : memref<4096xi32, #tpu.memory_space<vmem>>[vector<16xi32>], vector<16xi32>,
        %add3A_675 = arith.constant 1 : i32
        %add3A_676 = vector.broadcast %add3A_675 : i32 to vector<16xi32>
        %add3A_677 = arith.addi %gather3A_668, %add3A_676 : vector<16xi32>
        tpu.vector_store_idx %arg14[%add3A_665], %add3A_677 : memref<4096xi32, #tpu.memory_space<vmem>>[vector<16xi32>], vector<16xi32>,
        %shift_right_arithmetic3A_678 = arith.constant 10 : i32
        %shift_right_arithmetic3A_679 = vector.broadcast %shift_right_arithmetic3A_678 : i32 to vector<16xi32>
        %shift_right_arithmetic3A_680 = arith.shrsi %gather3A_666, %shift_right_arithmetic3A_679 : vector<16xi32>
        %add3A_681 = arith.addi %gather3A_666, %shift_right_arithmetic3A_680 : vector<16xi32>
        tpu.vector_store_idx %arg5[%add3A_681], %get3A_627 : memref<16400xi32, #tpu.memory_space<vmem>>[vector<16xi32>], vector<16xi32>,
        %shift_right_arithmetic3A_682 = arith.constant 10 : i32
        %shift_right_arithmetic3A_683 = vector.broadcast %shift_right_arithmetic3A_682 : i32 to vector<16xi32>
        %shift_right_arithmetic3A_684 = arith.shrsi %gather3A_667, %shift_right_arithmetic3A_683 : vector<16xi32>
        %add3A_685 = arith.addi %gather3A_667, %shift_right_arithmetic3A_684 : vector<16xi32>
        tpu.vector_store_idx %arg7[%add3A_685], %get3A_631 : memref<16400xi32, #tpu.memory_space<vmem>>[vector<16xi32>], vector<16xi32>,
        %shift_right_arithmetic3A_686 = arith.constant 10 : i32
        %shift_right_arithmetic3A_687 = vector.broadcast %shift_right_arithmetic3A_686 : i32 to vector<16xi32>
        %shift_right_arithmetic3A_688 = arith.shrsi %gather3A_668, %shift_right_arithmetic3A_687 : vector<16xi32>
        %add3A_689 = arith.addi %gather3A_668, %shift_right_arithmetic3A_688 : vector<16xi32>
        tpu.vector_store_idx %arg9[%add3A_689], %get3A_635 : memref<16400xi32, #tpu.memory_space<vmem>>[vector<16xi32>], vector<16xi32>,
        %shift_right_arithmetic3A_690 = arith.constant 8 : i32
        %shift_right_arithmetic3A_691 = vector.broadcast %shift_right_arithmetic3A_690 : i32 to vector<16xi32>
        %shift_right_arithmetic3A_692 = arith.shrsi %get3A_627, %shift_right_arithmetic3A_691 : vector<16xi32>
        %and3A_693 = arith.constant 255 : i32
        %and3A_694 = vector.broadcast %and3A_693 : i32 to vector<16xi32>
        %and3A_695 = arith.andi %shift_right_arithmetic3A_692, %and3A_694 : vector<16xi32>
        %mul3A_696 = arith.constant 16 : i32
        %mul3A_697 = vector.broadcast %mul3A_696 : i32 to vector<16xi32>
        %mul3A_698 = arith.muli %and3A_695, %mul3A_697 : vector<16xi32>
        %shift_right_arithmetic3A_699 = arith.constant 10 : i32
        %shift_right_arithmetic3A_700 = vector.broadcast %shift_right_arithmetic3A_699 : i32 to vector<16xi32>
        %shift_right_arithmetic3A_701 = arith.shrsi %gather3A_666, %shift_right_arithmetic3A_700 : vector<16xi32>
        %add3A_702 = arith.addi %mul3A_698, %shift_right_arithmetic3A_701 : vector<16xi32>
        tpu.vector_store_idx %arg11[%add3A_702], %add3A_7 {add = true} : memref<4096xi32, #tpu.memory_space<vmem>>[vector<16xi32>], vector<16xi32>,
        %shift_right_arithmetic3A_703 = arith.constant 8 : i32
        %shift_right_arithmetic3A_704 = vector.broadcast %shift_right_arithmetic3A_703 : i32 to vector<16xi32>
        %shift_right_arithmetic3A_705 = arith.shrsi %get3A_631, %shift_right_arithmetic3A_704 : vector<16xi32>
        %and3A_706 = arith.constant 255 : i32
        %and3A_707 = vector.broadcast %and3A_706 : i32 to vector<16xi32>
        %and3A_708 = arith.andi %shift_right_arithmetic3A_705, %and3A_707 : vector<16xi32>
        %mul3A_709 = arith.constant 16 : i32
        %mul3A_710 = vector.broadcast %mul3A_709 : i32 to vector<16xi32>
        %mul3A_711 = arith.muli %and3A_708, %mul3A_710 : vector<16xi32>
        %shift_right_arithmetic3A_712 = arith.constant 10 : i32
        %shift_right_arithmetic3A_713 = vector.broadcast %shift_right_arithmetic3A_712 : i32 to vector<16xi32>
        %shift_right_arithmetic3A_714 = arith.shrsi %gather3A_667, %shift_right_arithmetic3A_713 : vector<16xi32>
        %add3A_715 = arith.addi %mul3A_711, %shift_right_arithmetic3A_714 : vector<16xi32>
        tpu.vector_store_idx %arg13[%add3A_715], %add3A_7 {add = true} : memref<4096xi32, #tpu.memory_space<vmem>>[vector<16xi32>], vector<16xi32>,
        %shift_right_arithmetic3A_716 = arith.constant 8 : i32
        %shift_right_arithmetic3A_717 = vector.broadcast %shift_right_arithmetic3A_716 : i32 to vector<16xi32>
        %shift_right_arithmetic3A_718 = arith.shrsi %get3A_635, %shift_right_arithmetic3A_717 : vector<16xi32>
        %and3A_719 = arith.constant 255 : i32
        %and3A_720 = vector.broadcast %and3A_719 : i32 to vector<16xi32>
        %and3A_721 = arith.andi %shift_right_arithmetic3A_718, %and3A_720 : vector<16xi32>
        %mul3A_722 = arith.constant 16 : i32
        %mul3A_723 = vector.broadcast %mul3A_722 : i32 to vector<16xi32>
        %mul3A_724 = arith.muli %and3A_721, %mul3A_723 : vector<16xi32>
        %shift_right_arithmetic3A_725 = arith.constant 10 : i32
        %shift_right_arithmetic3A_726 = vector.broadcast %shift_right_arithmetic3A_725 : i32 to vector<16xi32>
        %shift_right_arithmetic3A_727 = arith.shrsi %gather3A_668, %shift_right_arithmetic3A_726 : vector<16xi32>
        %add3A_728 = arith.addi %mul3A_724, %shift_right_arithmetic3A_727 : vector<16xi32>
        tpu.vector_store_idx %arg15[%add3A_728], %add3A_7 {add = true} : memref<4096xi32, #tpu.memory_space<vmem>>[vector<16xi32>], vector<16xi32>,
        %scan3A_729 = arith.constant 0 : i32
        %scan3A_730 = arith.constant 3 : i32
        %scan3A_731 = arith.addi %scan3A_410, %scan3A_730 : i32
        %mul3A_732 = arith.constant 16 : i32
        %mul3A_733 = arith.muli %scan3A_731, %mul3A_732 : i32
        %get3A_734 = arith.index_cast %mul3A_733 : i32 to index
        %get3A_735 = tpu.vector_load %arg4[%get3A_734] {strides = array<i32>} : memref<16400xi32, #tpu.memory_space<vmem>>, vector<16xi32>,
        %mul3A_736 = arith.constant 16 : i32
        %mul3A_737 = arith.muli %scan3A_731, %mul3A_736 : i32
        %get3A_738 = arith.index_cast %mul3A_737 : i32 to index
        %get3A_739 = tpu.vector_load %arg6[%get3A_738] {strides = array<i32>} : memref<16400xi32, #tpu.memory_space<vmem>>, vector<16xi32>,
        %mul3A_740 = arith.constant 16 : i32
        %mul3A_741 = arith.muli %scan3A_731, %mul3A_740 : i32
        %get3A_742 = arith.index_cast %mul3A_741 : i32 to index
        %get3A_743 = tpu.vector_load %arg8[%get3A_742] {strides = array<i32>} : memref<16400xi32, #tpu.memory_space<vmem>>, vector<16xi32>,
        %shift_right_arithmetic3A_744 = arith.constant 0 : i32
        %shift_right_arithmetic3A_745 = vector.broadcast %shift_right_arithmetic3A_744 : i32 to vector<16xi32>
        %shift_right_arithmetic3A_746 = arith.shrsi %get3A_735, %shift_right_arithmetic3A_745 : vector<16xi32>
        %and3A_747 = arith.constant 255 : i32
        %and3A_748 = vector.broadcast %and3A_747 : i32 to vector<16xi32>
        %and3A_749 = arith.andi %shift_right_arithmetic3A_746, %and3A_748 : vector<16xi32>
        %mul3A_750 = arith.constant 16 : i32
        %mul3A_751 = vector.broadcast %mul3A_750 : i32 to vector<16xi32>
        %mul3A_752 = arith.muli %and3A_749, %mul3A_751 : vector<16xi32>
        %add3A_753 = arith.addi %mul3A_752, %iota3A : vector<16xi32>
        %shift_right_arithmetic3A_754 = arith.constant 0 : i32
        %shift_right_arithmetic3A_755 = vector.broadcast %shift_right_arithmetic3A_754 : i32 to vector<16xi32>
        %shift_right_arithmetic3A_756 = arith.shrsi %get3A_739, %shift_right_arithmetic3A_755 : vector<16xi32>
        %and3A_757 = arith.constant 255 : i32
        %and3A_758 = vector.broadcast %and3A_757 : i32 to vector<16xi32>
        %and3A_759 = arith.andi %shift_right_arithmetic3A_756, %and3A_758 : vector<16xi32>
        %mul3A_760 = arith.constant 16 : i32
        %mul3A_761 = vector.broadcast %mul3A_760 : i32 to vector<16xi32>
        %mul3A_762 = arith.muli %and3A_759, %mul3A_761 : vector<16xi32>
        %add3A_763 = arith.addi %mul3A_762, %iota3A : vector<16xi32>
        %shift_right_arithmetic3A_764 = arith.constant 0 : i32
        %shift_right_arithmetic3A_765 = vector.broadcast %shift_right_arithmetic3A_764 : i32 to vector<16xi32>
        %shift_right_arithmetic3A_766 = arith.shrsi %get3A_743, %shift_right_arithmetic3A_765 : vector<16xi32>
        %and3A_767 = arith.constant 255 : i32
        %and3A_768 = vector.broadcast %and3A_767 : i32 to vector<16xi32>
        %and3A_769 = arith.andi %shift_right_arithmetic3A_766, %and3A_768 : vector<16xi32>
        %mul3A_770 = arith.constant 16 : i32
        %mul3A_771 = vector.broadcast %mul3A_770 : i32 to vector<16xi32>
        %mul3A_772 = arith.muli %and3A_769, %mul3A_771 : vector<16xi32>
        %add3A_773 = arith.addi %mul3A_772, %iota3A : vector<16xi32>
        %gather3A_774 = tpu.vector_load_idx %arg10[%add3A_753] : memref<4096xi32, #tpu.memory_space<vmem>>[vector<16xi32>], vector<16xi32>,
        %gather3A_775 = tpu.vector_load_idx %arg12[%add3A_763] : memref<4096xi32, #tpu.memory_space<vmem>>[vector<16xi32>], vector<16xi32>,
        %gather3A_776 = tpu.vector_load_idx %arg14[%add3A_773] : memref<4096xi32, #tpu.memory_space<vmem>>[vector<16xi32>], vector<16xi32>,
        %add3A_777 = arith.constant 1 : i32
        %add3A_778 = vector.broadcast %add3A_777 : i32 to vector<16xi32>
        %add3A_779 = arith.addi %gather3A_774, %add3A_778 : vector<16xi32>
        tpu.vector_store_idx %arg10[%add3A_753], %add3A_779 : memref<4096xi32, #tpu.memory_space<vmem>>[vector<16xi32>], vector<16xi32>,
        %add3A_780 = arith.constant 1 : i32
        %add3A_781 = vector.broadcast %add3A_780 : i32 to vector<16xi32>
        %add3A_782 = arith.addi %gather3A_775, %add3A_781 : vector<16xi32>
        tpu.vector_store_idx %arg12[%add3A_763], %add3A_782 : memref<4096xi32, #tpu.memory_space<vmem>>[vector<16xi32>], vector<16xi32>,
        %add3A_783 = arith.constant 1 : i32
        %add3A_784 = vector.broadcast %add3A_783 : i32 to vector<16xi32>
        %add3A_785 = arith.addi %gather3A_776, %add3A_784 : vector<16xi32>
        tpu.vector_store_idx %arg14[%add3A_773], %add3A_785 : memref<4096xi32, #tpu.memory_space<vmem>>[vector<16xi32>], vector<16xi32>,
        %shift_right_arithmetic3A_786 = arith.constant 10 : i32
        %shift_right_arithmetic3A_787 = vector.broadcast %shift_right_arithmetic3A_786 : i32 to vector<16xi32>
        %shift_right_arithmetic3A_788 = arith.shrsi %gather3A_774, %shift_right_arithmetic3A_787 : vector<16xi32>
        %add3A_789 = arith.addi %gather3A_774, %shift_right_arithmetic3A_788 : vector<16xi32>
        tpu.vector_store_idx %arg5[%add3A_789], %get3A_735 : memref<16400xi32, #tpu.memory_space<vmem>>[vector<16xi32>], vector<16xi32>,
        %shift_right_arithmetic3A_790 = arith.constant 10 : i32
        %shift_right_arithmetic3A_791 = vector.broadcast %shift_right_arithmetic3A_790 : i32 to vector<16xi32>
        %shift_right_arithmetic3A_792 = arith.shrsi %gather3A_775, %shift_right_arithmetic3A_791 : vector<16xi32>
        %add3A_793 = arith.addi %gather3A_775, %shift_right_arithmetic3A_792 : vector<16xi32>
        tpu.vector_store_idx %arg7[%add3A_793], %get3A_739 : memref<16400xi32, #tpu.memory_space<vmem>>[vector<16xi32>], vector<16xi32>,
        %shift_right_arithmetic3A_794 = arith.constant 10 : i32
        %shift_right_arithmetic3A_795 = vector.broadcast %shift_right_arithmetic3A_794 : i32 to vector<16xi32>
        %shift_right_arithmetic3A_796 = arith.shrsi %gather3A_776, %shift_right_arithmetic3A_795 : vector<16xi32>
        %add3A_797 = arith.addi %gather3A_776, %shift_right_arithmetic3A_796 : vector<16xi32>
        tpu.vector_store_idx %arg9[%add3A_797], %get3A_743 : memref<16400xi32, #tpu.memory_space<vmem>>[vector<16xi32>], vector<16xi32>,
        %shift_right_arithmetic3A_798 = arith.constant 8 : i32
        %shift_right_arithmetic3A_799 = vector.broadcast %shift_right_arithmetic3A_798 : i32 to vector<16xi32>
        %shift_right_arithmetic3A_800 = arith.shrsi %get3A_735, %shift_right_arithmetic3A_799 : vector<16xi32>
        %and3A_801 = arith.constant 255 : i32
        %and3A_802 = vector.broadcast %and3A_801 : i32 to vector<16xi32>
        %and3A_803 = arith.andi %shift_right_arithmetic3A_800, %and3A_802 : vector<16xi32>
        %mul3A_804 = arith.constant 16 : i32
        %mul3A_805 = vector.broadcast %mul3A_804 : i32 to vector<16xi32>
        %mul3A_806 = arith.muli %and3A_803, %mul3A_805 : vector<16xi32>
        %shift_right_arithmetic3A_807 = arith.constant 10 : i32
        %shift_right_arithmetic3A_808 = vector.broadcast %shift_right_arithmetic3A_807 : i32 to vector<16xi32>
        %shift_right_arithmetic3A_809 = arith.shrsi %gather3A_774, %shift_right_arithmetic3A_808 : vector<16xi32>
        %add3A_810 = arith.addi %mul3A_806, %shift_right_arithmetic3A_809 : vector<16xi32>
        tpu.vector_store_idx %arg11[%add3A_810], %add3A_7 {add = true} : memref<4096xi32, #tpu.memory_space<vmem>>[vector<16xi32>], vector<16xi32>,
        %shift_right_arithmetic3A_811 = arith.constant 8 : i32
        %shift_right_arithmetic3A_812 = vector.broadcast %shift_right_arithmetic3A_811 : i32 to vector<16xi32>
        %shift_right_arithmetic3A_813 = arith.shrsi %get3A_739, %shift_right_arithmetic3A_812 : vector<16xi32>
        %and3A_814 = arith.constant 255 : i32
        %and3A_815 = vector.broadcast %and3A_814 : i32 to vector<16xi32>
        %and3A_816 = arith.andi %shift_right_arithmetic3A_813, %and3A_815 : vector<16xi32>
        %mul3A_817 = arith.constant 16 : i32
        %mul3A_818 = vector.broadcast %mul3A_817 : i32 to vector<16xi32>
        %mul3A_819 = arith.muli %and3A_816, %mul3A_818 : vector<16xi32>
        %shift_right_arithmetic3A_820 = arith.constant 10 : i32
        %shift_right_arithmetic3A_821 = vector.broadcast %shift_right_arithmetic3A_820 : i32 to vector<16xi32>
        %shift_right_arithmetic3A_822 = arith.shrsi %gather3A_775, %shift_right_arithmetic3A_821 : vector<16xi32>
        %add3A_823 = arith.addi %mul3A_819, %shift_right_arithmetic3A_822 : vector<16xi32>
        tpu.vector_store_idx %arg13[%add3A_823], %add3A_7 {add = true} : memref<4096xi32, #tpu.memory_space<vmem>>[vector<16xi32>], vector<16xi32>,
        %shift_right_arithmetic3A_824 = arith.constant 8 : i32
        %shift_right_arithmetic3A_825 = vector.broadcast %shift_right_arithmetic3A_824 : i32 to vector<16xi32>
        %shift_right_arithmetic3A_826 = arith.shrsi %get3A_743, %shift_right_arithmetic3A_825 : vector<16xi32>
        %and3A_827 = arith.constant 255 : i32
        %and3A_828 = vector.broadcast %and3A_827 : i32 to vector<16xi32>
        %and3A_829 = arith.andi %shift_right_arithmetic3A_826, %and3A_828 : vector<16xi32>
        %mul3A_830 = arith.constant 16 : i32
        %mul3A_831 = vector.broadcast %mul3A_830 : i32 to vector<16xi32>
        %mul3A_832 = arith.muli %and3A_829, %mul3A_831 : vector<16xi32>
        %shift_right_arithmetic3A_833 = arith.constant 10 : i32
        %shift_right_arithmetic3A_834 = vector.broadcast %shift_right_arithmetic3A_833 : i32 to vector<16xi32>
        %shift_right_arithmetic3A_835 = arith.shrsi %gather3A_776, %shift_right_arithmetic3A_834 : vector<16xi32>
        %add3A_836 = arith.addi %mul3A_832, %shift_right_arithmetic3A_835 : vector<16xi32>
        tpu.vector_store_idx %arg15[%add3A_836], %add3A_7 {add = true} : memref<4096xi32, #tpu.memory_space<vmem>>[vector<16xi32>], vector<16xi32>,
        %scan3A_837 = arith.constant 0 : i32
        scf.yield %scan3A_837 : i32
      }
      %scan3A_277 = arith.constant 1024 : i32
      %scan3A_278 = arith.constant 0 : i32
      %scan3A_279 = arith.constant 0 : i32
      %scan3A_280 = arith.constant 0 : i32
      %scan3A_281 = arith.constant 0 : i32
      %scan3A_282 = arith.constant 256 : i32
      %scan3A_283 = arith.addi %scan3A_281, %scan3A_282 : i32
      %scan3A_284 = arith.constant 2 : i32
      %scan3A_285:3 = scf.for %scan3A_410 = %scan3A_281 to %scan3A_283 step %scan3A_284 iter_args(%scan3A_411 = %scan3A_278, %scan3A_412 = %scan3A_279, %scan3A_413 = %scan3A_280) -> (i32, i32, i32)  : i32 {
        %mul3A_414 = arith.constant 16 : i32
        %mul3A_415 = arith.muli %scan3A_410, %mul3A_414 : i32
        %get3A = arith.index_cast %mul3A_415 : i32 to index
        %get3A_416 = tpu.vector_load %arg11[%get3A] {strides = array<i32>} : memref<4096xi32, #tpu.memory_space<vmem>>, vector<16xi32>,
        %mul3A_417 = arith.constant 16 : i32
        %mul3A_418 = arith.muli %scan3A_410, %mul3A_417 : i32
        %get3A_419 = arith.index_cast %mul3A_418 : i32 to index
        %get3A_420 = tpu.vector_load %arg13[%get3A_419] {strides = array<i32>} : memref<4096xi32, #tpu.memory_space<vmem>>, vector<16xi32>,
        %mul3A_421 = arith.constant 16 : i32
        %mul3A_422 = arith.muli %scan3A_410, %mul3A_421 : i32
        %get3A_423 = arith.index_cast %mul3A_422 : i32 to index
        %get3A_424 = tpu.vector_load %arg15[%get3A_423] {strides = array<i32>} : memref<4096xi32, #tpu.memory_space<vmem>>, vector<16xi32>,
        %broadcast_in_dim3A_425 = arith.constant true
        %broadcast_in_dim3A_426 = vector.broadcast %broadcast_in_dim3A_425 : i1 to vector<16xi1>
        %masked_cumsum3A = tpu.scan <sum>, %get3A_416 masked %broadcast_in_dim3A_426 : vector<16xi32>, vector<16xi1> -> vector<16xi32>
        %broadcast_in_dim3A_427 = arith.constant true
        %broadcast_in_dim3A_428 = vector.broadcast %broadcast_in_dim3A_427 : i1 to vector<16xi1>
        %masked_cumsum3A_429 = tpu.scan <sum>, %get3A_420 masked %broadcast_in_dim3A_428 : vector<16xi32>, vector<16xi1> -> vector<16xi32>
        %broadcast_in_dim3A_430 = arith.constant true
        %broadcast_in_dim3A_431 = vector.broadcast %broadcast_in_dim3A_430 : i1 to vector<16xi1>
        %masked_cumsum3A_432 = tpu.scan <sum>, %get3A_424 masked %broadcast_in_dim3A_431 : vector<16xi32>, vector<16xi1> -> vector<16xi32>
        %sub3A = arith.subi %masked_cumsum3A, %get3A_416 : vector<16xi32>
        %add3A_433 = vector.broadcast %scan3A_411 : i32 to vector<16xi32>
        %add3A_434 = arith.addi %sub3A, %add3A_433 : vector<16xi32>
        %mul3A_435 = arith.constant 16 : i32
        %mul3A_436 = arith.muli %scan3A_410, %mul3A_435 : i32
        %swap3A = arith.index_cast %mul3A_436 : i32 to index
        %swap3A_437 = tpu.vector_load %arg11[%swap3A] {strides = array<i32>} : memref<4096xi32, #tpu.memory_space<vmem>>, vector<16xi32>,
        tpu.vector_store %arg11[%swap3A], %add3A_434 {strides = array<i32>} : memref<4096xi32, #tpu.memory_space<vmem>>, vector<16xi32>,
        %sub3A_438 = arith.subi %masked_cumsum3A_429, %get3A_420 : vector<16xi32>
        %add3A_439 = vector.broadcast %scan3A_412 : i32 to vector<16xi32>
        %add3A_440 = arith.addi %sub3A_438, %add3A_439 : vector<16xi32>
        %mul3A_441 = arith.constant 16 : i32
        %mul3A_442 = arith.muli %scan3A_410, %mul3A_441 : i32
        %swap3A_443 = arith.index_cast %mul3A_442 : i32 to index
        %swap3A_444 = tpu.vector_load %arg13[%swap3A_443] {strides = array<i32>} : memref<4096xi32, #tpu.memory_space<vmem>>, vector<16xi32>,
        tpu.vector_store %arg13[%swap3A_443], %add3A_440 {strides = array<i32>} : memref<4096xi32, #tpu.memory_space<vmem>>, vector<16xi32>,
        %sub3A_445 = arith.subi %masked_cumsum3A_432, %get3A_424 : vector<16xi32>
        %add3A_446 = vector.broadcast %scan3A_413 : i32 to vector<16xi32>
        %add3A_447 = arith.addi %sub3A_445, %add3A_446 : vector<16xi32>
        %mul3A_448 = arith.constant 16 : i32
        %mul3A_449 = arith.muli %scan3A_410, %mul3A_448 : i32
        %swap3A_450 = arith.index_cast %mul3A_449 : i32 to index
        %swap3A_451 = tpu.vector_load %arg15[%swap3A_450] {strides = array<i32>} : memref<4096xi32, #tpu.memory_space<vmem>>, vector<16xi32>,
        tpu.vector_store %arg15[%swap3A_450], %add3A_447 {strides = array<i32>} : memref<4096xi32, #tpu.memory_space<vmem>>, vector<16xi32>,
        %mul3A_452 = arith.constant 16 : i32
        %mul3A_453 = arith.muli %scan3A_410, %mul3A_452 : i32
        %swap3A_454 = arith.index_cast %mul3A_453 : i32 to index
        %swap3A_455 = tpu.vector_load %arg10[%swap3A_454] {strides = array<i32>} : memref<4096xi32, #tpu.memory_space<vmem>>, vector<16xi32>,
        tpu.vector_store %arg10[%swap3A_454], %broadcast_in_dim3A_4 {strides = array<i32>} : memref<4096xi32, #tpu.memory_space<vmem>>, vector<16xi32>,
        %mul3A_456 = arith.constant 16 : i32
        %mul3A_457 = arith.muli %scan3A_410, %mul3A_456 : i32
        %swap3A_458 = arith.index_cast %mul3A_457 : i32 to index
        %swap3A_459 = tpu.vector_load %arg12[%swap3A_458] {strides = array<i32>} : memref<4096xi32, #tpu.memory_space<vmem>>, vector<16xi32>,
        tpu.vector_store %arg12[%swap3A_458], %broadcast_in_dim3A_4 {strides = array<i32>} : memref<4096xi32, #tpu.memory_space<vmem>>, vector<16xi32>,
        %mul3A_460 = arith.constant 16 : i32
        %mul3A_461 = arith.muli %scan3A_410, %mul3A_460 : i32
        %swap3A_462 = arith.index_cast %mul3A_461 : i32 to index
        %swap3A_463 = tpu.vector_load %arg14[%swap3A_462] {strides = array<i32>} : memref<4096xi32, #tpu.memory_space<vmem>>, vector<16xi32>,
        tpu.vector_store %arg14[%swap3A_462], %broadcast_in_dim3A_4 {strides = array<i32>} : memref<4096xi32, #tpu.memory_space<vmem>>, vector<16xi32>,
        %sub3A_464 = arith.subi %masked_cumsum3A, %get3A_416 : vector<16xi32>
        %add3A_465 = vector.broadcast %scan3A_411 : i32 to vector<16xi32>
        %add3A_466 = arith.addi %sub3A_464, %add3A_465 : vector<16xi32>
        %slice3A = vector.extract_strided_slice %add3A_466 {offsets = [15], sizes = [1], strides = [1]} : vector<16xi32> to vector<1xi32>
        %squeeze3A = vector.extract %slice3A[0] : i32 from vector<1xi32>
        %slice3A_467 = vector.extract_strided_slice %get3A_416 {offsets = [15], sizes = [1], strides = [1]} : vector<16xi32> to vector<1xi32>
        %squeeze3A_468 = vector.extract %slice3A_467[0] : i32 from vector<1xi32>
        %add3A_469 = arith.addi %squeeze3A, %squeeze3A_468 : i32
        %sub3A_470 = arith.subi %masked_cumsum3A_429, %get3A_420 : vector<16xi32>
        %add3A_471 = vector.broadcast %scan3A_412 : i32 to vector<16xi32>
        %add3A_472 = arith.addi %sub3A_470, %add3A_471 : vector<16xi32>
        %slice3A_473 = vector.extract_strided_slice %add3A_472 {offsets = [15], sizes = [1], strides = [1]} : vector<16xi32> to vector<1xi32>
        %squeeze3A_474 = vector.extract %slice3A_473[0] : i32 from vector<1xi32>
        %slice3A_475 = vector.extract_strided_slice %get3A_420 {offsets = [15], sizes = [1], strides = [1]} : vector<16xi32> to vector<1xi32>
        %squeeze3A_476 = vector.extract %slice3A_475[0] : i32 from vector<1xi32>
        %add3A_477 = arith.addi %squeeze3A_474, %squeeze3A_476 : i32
        %sub3A_478 = arith.subi %masked_cumsum3A_432, %get3A_424 : vector<16xi32>
        %add3A_479 = vector.broadcast %scan3A_413 : i32 to vector<16xi32>
        %add3A_480 = arith.addi %sub3A_478, %add3A_479 : vector<16xi32>
        %slice3A_481 = vector.extract_strided_slice %add3A_480 {offsets = [15], sizes = [1], strides = [1]} : vector<16xi32> to vector<1xi32>
        %squeeze3A_482 = vector.extract %slice3A_481[0] : i32 from vector<1xi32>
        %slice3A_483 = vector.extract_strided_slice %get3A_424 {offsets = [15], sizes = [1], strides = [1]} : vector<16xi32> to vector<1xi32>
        %squeeze3A_484 = vector.extract %slice3A_483[0] : i32 from vector<1xi32>
        %add3A_485 = arith.addi %squeeze3A_482, %squeeze3A_484 : i32
        %scan3A_486 = arith.constant 1 : i32
        %scan3A_487 = arith.addi %scan3A_410, %scan3A_486 : i32
        %mul3A_488 = arith.constant 16 : i32
        %mul3A_489 = arith.muli %scan3A_487, %mul3A_488 : i32
        %get3A_490 = arith.index_cast %mul3A_489 : i32 to index
        %get3A_491 = tpu.vector_load %arg11[%get3A_490] {strides = array<i32>} : memref<4096xi32, #tpu.memory_space<vmem>>, vector<16xi32>,
        %mul3A_492 = arith.constant 16 : i32
        %mul3A_493 = arith.muli %scan3A_487, %mul3A_492 : i32
        %get3A_494 = arith.index_cast %mul3A_493 : i32 to index
        %get3A_495 = tpu.vector_load %arg13[%get3A_494] {strides = array<i32>} : memref<4096xi32, #tpu.memory_space<vmem>>, vector<16xi32>,
        %mul3A_496 = arith.constant 16 : i32
        %mul3A_497 = arith.muli %scan3A_487, %mul3A_496 : i32
        %get3A_498 = arith.index_cast %mul3A_497 : i32 to index
        %get3A_499 = tpu.vector_load %arg15[%get3A_498] {strides = array<i32>} : memref<4096xi32, #tpu.memory_space<vmem>>, vector<16xi32>,
        %broadcast_in_dim3A_500 = arith.constant true
        %broadcast_in_dim3A_501 = vector.broadcast %broadcast_in_dim3A_500 : i1 to vector<16xi1>
        %masked_cumsum3A_502 = tpu.scan <sum>, %get3A_491 masked %broadcast_in_dim3A_501 : vector<16xi32>, vector<16xi1> -> vector<16xi32>
        %broadcast_in_dim3A_503 = arith.constant true
        %broadcast_in_dim3A_504 = vector.broadcast %broadcast_in_dim3A_503 : i1 to vector<16xi1>
        %masked_cumsum3A_505 = tpu.scan <sum>, %get3A_495 masked %broadcast_in_dim3A_504 : vector<16xi32>, vector<16xi1> -> vector<16xi32>
        %broadcast_in_dim3A_506 = arith.constant true
        %broadcast_in_dim3A_507 = vector.broadcast %broadcast_in_dim3A_506 : i1 to vector<16xi1>
        %masked_cumsum3A_508 = tpu.scan <sum>, %get3A_499 masked %broadcast_in_dim3A_507 : vector<16xi32>, vector<16xi1> -> vector<16xi32>
        %sub3A_509 = arith.subi %masked_cumsum3A_502, %get3A_491 : vector<16xi32>
        %add3A_510 = vector.broadcast %add3A_469 : i32 to vector<16xi32>
        %add3A_511 = arith.addi %sub3A_509, %add3A_510 : vector<16xi32>
        %mul3A_512 = arith.constant 16 : i32
        %mul3A_513 = arith.muli %scan3A_487, %mul3A_512 : i32
        %swap3A_514 = arith.index_cast %mul3A_513 : i32 to index
        %swap3A_515 = tpu.vector_load %arg11[%swap3A_514] {strides = array<i32>} : memref<4096xi32, #tpu.memory_space<vmem>>, vector<16xi32>,
        tpu.vector_store %arg11[%swap3A_514], %add3A_511 {strides = array<i32>} : memref<4096xi32, #tpu.memory_space<vmem>>, vector<16xi32>,
        %sub3A_516 = arith.subi %masked_cumsum3A_505, %get3A_495 : vector<16xi32>
        %add3A_517 = vector.broadcast %add3A_477 : i32 to vector<16xi32>
        %add3A_518 = arith.addi %sub3A_516, %add3A_517 : vector<16xi32>
        %mul3A_519 = arith.constant 16 : i32
        %mul3A_520 = arith.muli %scan3A_487, %mul3A_519 : i32
        %swap3A_521 = arith.index_cast %mul3A_520 : i32 to index
        %swap3A_522 = tpu.vector_load %arg13[%swap3A_521] {strides = array<i32>} : memref<4096xi32, #tpu.memory_space<vmem>>, vector<16xi32>,
        tpu.vector_store %arg13[%swap3A_521], %add3A_518 {strides = array<i32>} : memref<4096xi32, #tpu.memory_space<vmem>>, vector<16xi32>,
        %sub3A_523 = arith.subi %masked_cumsum3A_508, %get3A_499 : vector<16xi32>
        %add3A_524 = vector.broadcast %add3A_485 : i32 to vector<16xi32>
        %add3A_525 = arith.addi %sub3A_523, %add3A_524 : vector<16xi32>
        %mul3A_526 = arith.constant 16 : i32
        %mul3A_527 = arith.muli %scan3A_487, %mul3A_526 : i32
        %swap3A_528 = arith.index_cast %mul3A_527 : i32 to index
        %swap3A_529 = tpu.vector_load %arg15[%swap3A_528] {strides = array<i32>} : memref<4096xi32, #tpu.memory_space<vmem>>, vector<16xi32>,
        tpu.vector_store %arg15[%swap3A_528], %add3A_525 {strides = array<i32>} : memref<4096xi32, #tpu.memory_space<vmem>>, vector<16xi32>,
        %mul3A_530 = arith.constant 16 : i32
        %mul3A_531 = arith.muli %scan3A_487, %mul3A_530 : i32
        %swap3A_532 = arith.index_cast %mul3A_531 : i32 to index
        %swap3A_533 = tpu.vector_load %arg10[%swap3A_532] {strides = array<i32>} : memref<4096xi32, #tpu.memory_space<vmem>>, vector<16xi32>,
        tpu.vector_store %arg10[%swap3A_532], %broadcast_in_dim3A_4 {strides = array<i32>} : memref<4096xi32, #tpu.memory_space<vmem>>, vector<16xi32>,
        %mul3A_534 = arith.constant 16 : i32
        %mul3A_535 = arith.muli %scan3A_487, %mul3A_534 : i32
        %swap3A_536 = arith.index_cast %mul3A_535 : i32 to index
        %swap3A_537 = tpu.vector_load %arg12[%swap3A_536] {strides = array<i32>} : memref<4096xi32, #tpu.memory_space<vmem>>, vector<16xi32>,
        tpu.vector_store %arg12[%swap3A_536], %broadcast_in_dim3A_4 {strides = array<i32>} : memref<4096xi32, #tpu.memory_space<vmem>>, vector<16xi32>,
        %mul3A_538 = arith.constant 16 : i32
        %mul3A_539 = arith.muli %scan3A_487, %mul3A_538 : i32
        %swap3A_540 = arith.index_cast %mul3A_539 : i32 to index
        %swap3A_541 = tpu.vector_load %arg14[%swap3A_540] {strides = array<i32>} : memref<4096xi32, #tpu.memory_space<vmem>>, vector<16xi32>,
        tpu.vector_store %arg14[%swap3A_540], %broadcast_in_dim3A_4 {strides = array<i32>} : memref<4096xi32, #tpu.memory_space<vmem>>, vector<16xi32>,
        %sub3A_542 = arith.subi %masked_cumsum3A_502, %get3A_491 : vector<16xi32>
        %add3A_543 = vector.broadcast %add3A_469 : i32 to vector<16xi32>
        %add3A_544 = arith.addi %sub3A_542, %add3A_543 : vector<16xi32>
        %slice3A_545 = vector.extract_strided_slice %add3A_544 {offsets = [15], sizes = [1], strides = [1]} : vector<16xi32> to vector<1xi32>
        %squeeze3A_546 = vector.extract %slice3A_545[0] : i32 from vector<1xi32>
        %slice3A_547 = vector.extract_strided_slice %get3A_491 {offsets = [15], sizes = [1], strides = [1]} : vector<16xi32> to vector<1xi32>
        %squeeze3A_548 = vector.extract %slice3A_547[0] : i32 from vector<1xi32>
        %add3A_549 = arith.addi %squeeze3A_546, %squeeze3A_548 : i32
        %sub3A_550 = arith.subi %masked_cumsum3A_505, %get3A_495 : vector<16xi32>
        %add3A_551 = vector.broadcast %add3A_477 : i32 to vector<16xi32>
        %add3A_552 = arith.addi %sub3A_550, %add3A_551 : vector<16xi32>
        %slice3A_553 = vector.extract_strided_slice %add3A_552 {offsets = [15], sizes = [1], strides = [1]} : vector<16xi32> to vector<1xi32>
        %squeeze3A_554 = vector.extract %slice3A_553[0] : i32 from vector<1xi32>
        %slice3A_555 = vector.extract_strided_slice %get3A_495 {offsets = [15], sizes = [1], strides = [1]} : vector<16xi32> to vector<1xi32>
        %squeeze3A_556 = vector.extract %slice3A_555[0] : i32 from vector<1xi32>
        %add3A_557 = arith.addi %squeeze3A_554, %squeeze3A_556 : i32
        %sub3A_558 = arith.subi %masked_cumsum3A_508, %get3A_499 : vector<16xi32>
        %add3A_559 = vector.broadcast %add3A_485 : i32 to vector<16xi32>
        %add3A_560 = arith.addi %sub3A_558, %add3A_559 : vector<16xi32>
        %slice3A_561 = vector.extract_strided_slice %add3A_560 {offsets = [15], sizes = [1], strides = [1]} : vector<16xi32> to vector<1xi32>
        %squeeze3A_562 = vector.extract %slice3A_561[0] : i32 from vector<1xi32>
        %slice3A_563 = vector.extract_strided_slice %get3A_499 {offsets = [15], sizes = [1], strides = [1]} : vector<16xi32> to vector<1xi32>
        %squeeze3A_564 = vector.extract %slice3A_563[0] : i32 from vector<1xi32>
        %add3A_565 = arith.addi %squeeze3A_562, %squeeze3A_564 : i32
        scf.yield %add3A_549, %add3A_557, %add3A_565 : i32, i32, i32
      }
      %scan3A_286 = arith.constant 256 : i32
      %scan3A_287 = arith.constant 0 : i32
      %scan3A_288 = arith.constant 0 : i32
      %scan3A_289 = arith.constant 1024 : i32
      %scan3A_290 = arith.addi %scan3A_288, %scan3A_289 : i32
      %scan3A_291 = arith.constant 4 : i32
      %scan3A_292 = scf.for %scan3A_410 = %scan3A_288 to %scan3A_290 step %scan3A_291 iter_args(%scan3A_411 = %scan3A_287) -> (i32)  : i32 {
        %add3A_412 = vector.broadcast %scan3A_410 : i32 to vector<16xi32>
        %add3A_413 = arith.addi %mul3A_3, %add3A_412 : vector<16xi32>
        %gather3A = tpu.vector_load_idx %arg5[%add3A_413] : memref<16400xi32, #tpu.memory_space<vmem>>[vector<16xi32>], vector<16xi32>,
        %add3A_414 = vector.broadcast %scan3A_410 : i32 to vector<16xi32>
        %add3A_415 = arith.addi %mul3A_3, %add3A_414 : vector<16xi32>
        %gather3A_416 = tpu.vector_load_idx %arg7[%add3A_415] : memref<16400xi32, #tpu.memory_space<vmem>>[vector<16xi32>], vector<16xi32>,
        %add3A_417 = vector.broadcast %scan3A_410 : i32 to vector<16xi32>
        %add3A_418 = arith.addi %mul3A_3, %add3A_417 : vector<16xi32>
        %gather3A_419 = tpu.vector_load_idx %arg9[%add3A_418] : memref<16400xi32, #tpu.memory_space<vmem>>[vector<16xi32>], vector<16xi32>,
        %shift_right_arithmetic3A = arith.constant 8 : i32
        %shift_right_arithmetic3A_420 = vector.broadcast %shift_right_arithmetic3A : i32 to vector<16xi32>
        %shift_right_arithmetic3A_421 = arith.shrsi %gather3A, %shift_right_arithmetic3A_420 : vector<16xi32>
        %and3A = arith.constant 255 : i32
        %and3A_422 = vector.broadcast %and3A : i32 to vector<16xi32>
        %and3A_423 = arith.andi %shift_right_arithmetic3A_421, %and3A_422 : vector<16xi32>
        %mul3A_424 = arith.constant 16 : i32
        %mul3A_425 = vector.broadcast %mul3A_424 : i32 to vector<16xi32>
        %mul3A_426 = arith.muli %and3A_423, %mul3A_425 : vector<16xi32>
        %add3A_427 = arith.addi %mul3A_426, %iota3A : vector<16xi32>
        %shift_right_arithmetic3A_428 = arith.constant 8 : i32
        %shift_right_arithmetic3A_429 = vector.broadcast %shift_right_arithmetic3A_428 : i32 to vector<16xi32>
        %shift_right_arithmetic3A_430 = arith.shrsi %gather3A_416, %shift_right_arithmetic3A_429 : vector<16xi32>
        %and3A_431 = arith.constant 255 : i32
        %and3A_432 = vector.broadcast %and3A_431 : i32 to vector<16xi32>
        %and3A_433 = arith.andi %shift_right_arithmetic3A_430, %and3A_432 : vector<16xi32>
        %mul3A_434 = arith.constant 16 : i32
        %mul3A_435 = vector.broadcast %mul3A_434 : i32 to vector<16xi32>
        %mul3A_436 = arith.muli %and3A_433, %mul3A_435 : vector<16xi32>
        %add3A_437 = arith.addi %mul3A_436, %iota3A : vector<16xi32>
        %shift_right_arithmetic3A_438 = arith.constant 8 : i32
        %shift_right_arithmetic3A_439 = vector.broadcast %shift_right_arithmetic3A_438 : i32 to vector<16xi32>
        %shift_right_arithmetic3A_440 = arith.shrsi %gather3A_419, %shift_right_arithmetic3A_439 : vector<16xi32>
        %and3A_441 = arith.constant 255 : i32
        %and3A_442 = vector.broadcast %and3A_441 : i32 to vector<16xi32>
        %and3A_443 = arith.andi %shift_right_arithmetic3A_440, %and3A_442 : vector<16xi32>
        %mul3A_444 = arith.constant 16 : i32
        %mul3A_445 = vector.broadcast %mul3A_444 : i32 to vector<16xi32>
        %mul3A_446 = arith.muli %and3A_443, %mul3A_445 : vector<16xi32>
        %add3A_447 = arith.addi %mul3A_446, %iota3A : vector<16xi32>
        %gather3A_448 = tpu.vector_load_idx %arg11[%add3A_427] : memref<4096xi32, #tpu.memory_space<vmem>>[vector<16xi32>], vector<16xi32>,
        %gather3A_449 = tpu.vector_load_idx %arg13[%add3A_437] : memref<4096xi32, #tpu.memory_space<vmem>>[vector<16xi32>], vector<16xi32>,
        %gather3A_450 = tpu.vector_load_idx %arg15[%add3A_447] : memref<4096xi32, #tpu.memory_space<vmem>>[vector<16xi32>], vector<16xi32>,
        %add3A_451 = arith.constant 1 : i32
        %add3A_452 = vector.broadcast %add3A_451 : i32 to vector<16xi32>
        %add3A_453 = arith.addi %gather3A_448, %add3A_452 : vector<16xi32>
        tpu.vector_store_idx %arg11[%add3A_427], %add3A_453 : memref<4096xi32, #tpu.memory_space<vmem>>[vector<16xi32>], vector<16xi32>,
        %add3A_454 = arith.constant 1 : i32
        %add3A_455 = vector.broadcast %add3A_454 : i32 to vector<16xi32>
        %add3A_456 = arith.addi %gather3A_449, %add3A_455 : vector<16xi32>
        tpu.vector_store_idx %arg13[%add3A_437], %add3A_456 : memref<4096xi32, #tpu.memory_space<vmem>>[vector<16xi32>], vector<16xi32>,
        %add3A_457 = arith.constant 1 : i32
        %add3A_458 = vector.broadcast %add3A_457 : i32 to vector<16xi32>
        %add3A_459 = arith.addi %gather3A_450, %add3A_458 : vector<16xi32>
        tpu.vector_store_idx %arg15[%add3A_447], %add3A_459 : memref<4096xi32, #tpu.memory_space<vmem>>[vector<16xi32>], vector<16xi32>,
        %shift_right_arithmetic3A_460 = arith.constant 10 : i32
        %shift_right_arithmetic3A_461 = vector.broadcast %shift_right_arithmetic3A_460 : i32 to vector<16xi32>
        %shift_right_arithmetic3A_462 = arith.shrsi %gather3A_448, %shift_right_arithmetic3A_461 : vector<16xi32>
        %add3A_463 = arith.addi %gather3A_448, %shift_right_arithmetic3A_462 : vector<16xi32>
        tpu.vector_store_idx %arg4[%add3A_463], %gather3A : memref<16400xi32, #tpu.memory_space<vmem>>[vector<16xi32>], vector<16xi32>,
        %shift_right_arithmetic3A_464 = arith.constant 10 : i32
        %shift_right_arithmetic3A_465 = vector.broadcast %shift_right_arithmetic3A_464 : i32 to vector<16xi32>
        %shift_right_arithmetic3A_466 = arith.shrsi %gather3A_449, %shift_right_arithmetic3A_465 : vector<16xi32>
        %add3A_467 = arith.addi %gather3A_449, %shift_right_arithmetic3A_466 : vector<16xi32>
        tpu.vector_store_idx %arg6[%add3A_467], %gather3A_416 : memref<16400xi32, #tpu.memory_space<vmem>>[vector<16xi32>], vector<16xi32>,
        %shift_right_arithmetic3A_468 = arith.constant 10 : i32
        %shift_right_arithmetic3A_469 = vector.broadcast %shift_right_arithmetic3A_468 : i32 to vector<16xi32>
        %shift_right_arithmetic3A_470 = arith.shrsi %gather3A_450, %shift_right_arithmetic3A_469 : vector<16xi32>
        %add3A_471 = arith.addi %gather3A_450, %shift_right_arithmetic3A_470 : vector<16xi32>
        tpu.vector_store_idx %arg8[%add3A_471], %gather3A_419 : memref<16400xi32, #tpu.memory_space<vmem>>[vector<16xi32>], vector<16xi32>,
        %shift_right_arithmetic3A_472 = arith.constant 16 : i32
        %shift_right_arithmetic3A_473 = vector.broadcast %shift_right_arithmetic3A_472 : i32 to vector<16xi32>
        %shift_right_arithmetic3A_474 = arith.shrsi %gather3A, %shift_right_arithmetic3A_473 : vector<16xi32>
        %and3A_475 = arith.constant 255 : i32
        %and3A_476 = vector.broadcast %and3A_475 : i32 to vector<16xi32>
        %and3A_477 = arith.andi %shift_right_arithmetic3A_474, %and3A_476 : vector<16xi32>
        %mul3A_478 = arith.constant 16 : i32
        %mul3A_479 = vector.broadcast %mul3A_478 : i32 to vector<16xi32>
        %mul3A_480 = arith.muli %and3A_477, %mul3A_479 : vector<16xi32>
        %shift_right_arithmetic3A_481 = arith.constant 10 : i32
        %shift_right_arithmetic3A_482 = vector.broadcast %shift_right_arithmetic3A_481 : i32 to vector<16xi32>
        %shift_right_arithmetic3A_483 = arith.shrsi %gather3A_448, %shift_right_arithmetic3A_482 : vector<16xi32>
        %add3A_484 = arith.addi %mul3A_480, %shift_right_arithmetic3A_483 : vector<16xi32>
        tpu.vector_store_idx %arg10[%add3A_484], %add3A_7 {add = true} : memref<4096xi32, #tpu.memory_space<vmem>>[vector<16xi32>], vector<16xi32>,
        %shift_right_arithmetic3A_485 = arith.constant 16 : i32
        %shift_right_arithmetic3A_486 = vector.broadcast %shift_right_arithmetic3A_485 : i32 to vector<16xi32>
        %shift_right_arithmetic3A_487 = arith.shrsi %gather3A_416, %shift_right_arithmetic3A_486 : vector<16xi32>
        %and3A_488 = arith.constant 255 : i32
        %and3A_489 = vector.broadcast %and3A_488 : i32 to vector<16xi32>
        %and3A_490 = arith.andi %shift_right_arithmetic3A_487, %and3A_489 : vector<16xi32>
        %mul3A_491 = arith.constant 16 : i32
        %mul3A_492 = vector.broadcast %mul3A_491 : i32 to vector<16xi32>
        %mul3A_493 = arith.muli %and3A_490, %mul3A_492 : vector<16xi32>
        %shift_right_arithmetic3A_494 = arith.constant 10 : i32
        %shift_right_arithmetic3A_495 = vector.broadcast %shift_right_arithmetic3A_494 : i32 to vector<16xi32>
        %shift_right_arithmetic3A_496 = arith.shrsi %gather3A_449, %shift_right_arithmetic3A_495 : vector<16xi32>
        %add3A_497 = arith.addi %mul3A_493, %shift_right_arithmetic3A_496 : vector<16xi32>
        tpu.vector_store_idx %arg12[%add3A_497], %add3A_7 {add = true} : memref<4096xi32, #tpu.memory_space<vmem>>[vector<16xi32>], vector<16xi32>,
        %shift_right_arithmetic3A_498 = arith.constant 16 : i32
        %shift_right_arithmetic3A_499 = vector.broadcast %shift_right_arithmetic3A_498 : i32 to vector<16xi32>
        %shift_right_arithmetic3A_500 = arith.shrsi %gather3A_419, %shift_right_arithmetic3A_499 : vector<16xi32>
        %and3A_501 = arith.constant 255 : i32
        %and3A_502 = vector.broadcast %and3A_501 : i32 to vector<16xi32>
        %and3A_503 = arith.andi %shift_right_arithmetic3A_500, %and3A_502 : vector<16xi32>
        %mul3A_504 = arith.constant 16 : i32
        %mul3A_505 = vector.broadcast %mul3A_504 : i32 to vector<16xi32>
        %mul3A_506 = arith.muli %and3A_503, %mul3A_505 : vector<16xi32>
        %shift_right_arithmetic3A_507 = arith.constant 10 : i32
        %shift_right_arithmetic3A_508 = vector.broadcast %shift_right_arithmetic3A_507 : i32 to vector<16xi32>
        %shift_right_arithmetic3A_509 = arith.shrsi %gather3A_450, %shift_right_arithmetic3A_508 : vector<16xi32>
        %add3A_510 = arith.addi %mul3A_506, %shift_right_arithmetic3A_509 : vector<16xi32>
        tpu.vector_store_idx %arg14[%add3A_510], %add3A_7 {add = true} : memref<4096xi32, #tpu.memory_space<vmem>>[vector<16xi32>], vector<16xi32>,
        %scan3A_511 = arith.constant 0 : i32
        %scan3A_512 = arith.constant 1 : i32
        %scan3A_513 = arith.addi %scan3A_410, %scan3A_512 : i32
        %add3A_514 = vector.broadcast %scan3A_513 : i32 to vector<16xi32>
        %add3A_515 = arith.addi %mul3A_3, %add3A_514 : vector<16xi32>
        %gather3A_516 = tpu.vector_load_idx %arg5[%add3A_515] : memref<16400xi32, #tpu.memory_space<vmem>>[vector<16xi32>], vector<16xi32>,
        %add3A_517 = vector.broadcast %scan3A_513 : i32 to vector<16xi32>
        %add3A_518 = arith.addi %mul3A_3, %add3A_517 : vector<16xi32>
        %gather3A_519 = tpu.vector_load_idx %arg7[%add3A_518] : memref<16400xi32, #tpu.memory_space<vmem>>[vector<16xi32>], vector<16xi32>,
        %add3A_520 = vector.broadcast %scan3A_513 : i32 to vector<16xi32>
        %add3A_521 = arith.addi %mul3A_3, %add3A_520 : vector<16xi32>
        %gather3A_522 = tpu.vector_load_idx %arg9[%add3A_521] : memref<16400xi32, #tpu.memory_space<vmem>>[vector<16xi32>], vector<16xi32>,
        %shift_right_arithmetic3A_523 = arith.constant 8 : i32
        %shift_right_arithmetic3A_524 = vector.broadcast %shift_right_arithmetic3A_523 : i32 to vector<16xi32>
        %shift_right_arithmetic3A_525 = arith.shrsi %gather3A_516, %shift_right_arithmetic3A_524 : vector<16xi32>
        %and3A_526 = arith.constant 255 : i32
        %and3A_527 = vector.broadcast %and3A_526 : i32 to vector<16xi32>
        %and3A_528 = arith.andi %shift_right_arithmetic3A_525, %and3A_527 : vector<16xi32>
        %mul3A_529 = arith.constant 16 : i32
        %mul3A_530 = vector.broadcast %mul3A_529 : i32 to vector<16xi32>
        %mul3A_531 = arith.muli %and3A_528, %mul3A_530 : vector<16xi32>
        %add3A_532 = arith.addi %mul3A_531, %iota3A : vector<16xi32>
        %shift_right_arithmetic3A_533 = arith.constant 8 : i32
        %shift_right_arithmetic3A_534 = vector.broadcast %shift_right_arithmetic3A_533 : i32 to vector<16xi32>
        %shift_right_arithmetic3A_535 = arith.shrsi %gather3A_519, %shift_right_arithmetic3A_534 : vector<16xi32>
        %and3A_536 = arith.constant 255 : i32
        %and3A_537 = vector.broadcast %and3A_536 : i32 to vector<16xi32>
        %and3A_538 = arith.andi %shift_right_arithmetic3A_535, %and3A_537 : vector<16xi32>
        %mul3A_539 = arith.constant 16 : i32
        %mul3A_540 = vector.broadcast %mul3A_539 : i32 to vector<16xi32>
        %mul3A_541 = arith.muli %and3A_538, %mul3A_540 : vector<16xi32>
        %add3A_542 = arith.addi %mul3A_541, %iota3A : vector<16xi32>
        %shift_right_arithmetic3A_543 = arith.constant 8 : i32
        %shift_right_arithmetic3A_544 = vector.broadcast %shift_right_arithmetic3A_543 : i32 to vector<16xi32>
        %shift_right_arithmetic3A_545 = arith.shrsi %gather3A_522, %shift_right_arithmetic3A_544 : vector<16xi32>
        %and3A_546 = arith.constant 255 : i32
        %and3A_547 = vector.broadcast %and3A_546 : i32 to vector<16xi32>
        %and3A_548 = arith.andi %shift_right_arithmetic3A_545, %and3A_547 : vector<16xi32>
        %mul3A_549 = arith.constant 16 : i32
        %mul3A_550 = vector.broadcast %mul3A_549 : i32 to vector<16xi32>
        %mul3A_551 = arith.muli %and3A_548, %mul3A_550 : vector<16xi32>
        %add3A_552 = arith.addi %mul3A_551, %iota3A : vector<16xi32>
        %gather3A_553 = tpu.vector_load_idx %arg11[%add3A_532] : memref<4096xi32, #tpu.memory_space<vmem>>[vector<16xi32>], vector<16xi32>,
        %gather3A_554 = tpu.vector_load_idx %arg13[%add3A_542] : memref<4096xi32, #tpu.memory_space<vmem>>[vector<16xi32>], vector<16xi32>,
        %gather3A_555 = tpu.vector_load_idx %arg15[%add3A_552] : memref<4096xi32, #tpu.memory_space<vmem>>[vector<16xi32>], vector<16xi32>,
        %add3A_556 = arith.constant 1 : i32
        %add3A_557 = vector.broadcast %add3A_556 : i32 to vector<16xi32>
        %add3A_558 = arith.addi %gather3A_553, %add3A_557 : vector<16xi32>
        tpu.vector_store_idx %arg11[%add3A_532], %add3A_558 : memref<4096xi32, #tpu.memory_space<vmem>>[vector<16xi32>], vector<16xi32>,
        %add3A_559 = arith.constant 1 : i32
        %add3A_560 = vector.broadcast %add3A_559 : i32 to vector<16xi32>
        %add3A_561 = arith.addi %gather3A_554, %add3A_560 : vector<16xi32>
        tpu.vector_store_idx %arg13[%add3A_542], %add3A_561 : memref<4096xi32, #tpu.memory_space<vmem>>[vector<16xi32>], vector<16xi32>,
        %add3A_562 = arith.constant 1 : i32
        %add3A_563 = vector.broadcast %add3A_562 : i32 to vector<16xi32>
        %add3A_564 = arith.addi %gather3A_555, %add3A_563 : vector<16xi32>
        tpu.vector_store_idx %arg15[%add3A_552], %add3A_564 : memref<4096xi32, #tpu.memory_space<vmem>>[vector<16xi32>], vector<16xi32>,
        %shift_right_arithmetic3A_565 = arith.constant 10 : i32
        %shift_right_arithmetic3A_566 = vector.broadcast %shift_right_arithmetic3A_565 : i32 to vector<16xi32>
        %shift_right_arithmetic3A_567 = arith.shrsi %gather3A_553, %shift_right_arithmetic3A_566 : vector<16xi32>
        %add3A_568 = arith.addi %gather3A_553, %shift_right_arithmetic3A_567 : vector<16xi32>
        tpu.vector_store_idx %arg4[%add3A_568], %gather3A_516 : memref<16400xi32, #tpu.memory_space<vmem>>[vector<16xi32>], vector<16xi32>,
        %shift_right_arithmetic3A_569 = arith.constant 10 : i32
        %shift_right_arithmetic3A_570 = vector.broadcast %shift_right_arithmetic3A_569 : i32 to vector<16xi32>
        %shift_right_arithmetic3A_571 = arith.shrsi %gather3A_554, %shift_right_arithmetic3A_570 : vector<16xi32>
        %add3A_572 = arith.addi %gather3A_554, %shift_right_arithmetic3A_571 : vector<16xi32>
        tpu.vector_store_idx %arg6[%add3A_572], %gather3A_519 : memref<16400xi32, #tpu.memory_space<vmem>>[vector<16xi32>], vector<16xi32>,
        %shift_right_arithmetic3A_573 = arith.constant 10 : i32
        %shift_right_arithmetic3A_574 = vector.broadcast %shift_right_arithmetic3A_573 : i32 to vector<16xi32>
        %shift_right_arithmetic3A_575 = arith.shrsi %gather3A_555, %shift_right_arithmetic3A_574 : vector<16xi32>
        %add3A_576 = arith.addi %gather3A_555, %shift_right_arithmetic3A_575 : vector<16xi32>
        tpu.vector_store_idx %arg8[%add3A_576], %gather3A_522 : memref<16400xi32, #tpu.memory_space<vmem>>[vector<16xi32>], vector<16xi32>,
        %shift_right_arithmetic3A_577 = arith.constant 16 : i32
        %shift_right_arithmetic3A_578 = vector.broadcast %shift_right_arithmetic3A_577 : i32 to vector<16xi32>
        %shift_right_arithmetic3A_579 = arith.shrsi %gather3A_516, %shift_right_arithmetic3A_578 : vector<16xi32>
        %and3A_580 = arith.constant 255 : i32
        %and3A_581 = vector.broadcast %and3A_580 : i32 to vector<16xi32>
        %and3A_582 = arith.andi %shift_right_arithmetic3A_579, %and3A_581 : vector<16xi32>
        %mul3A_583 = arith.constant 16 : i32
        %mul3A_584 = vector.broadcast %mul3A_583 : i32 to vector<16xi32>
        %mul3A_585 = arith.muli %and3A_582, %mul3A_584 : vector<16xi32>
        %shift_right_arithmetic3A_586 = arith.constant 10 : i32
        %shift_right_arithmetic3A_587 = vector.broadcast %shift_right_arithmetic3A_586 : i32 to vector<16xi32>
        %shift_right_arithmetic3A_588 = arith.shrsi %gather3A_553, %shift_right_arithmetic3A_587 : vector<16xi32>
        %add3A_589 = arith.addi %mul3A_585, %shift_right_arithmetic3A_588 : vector<16xi32>
        tpu.vector_store_idx %arg10[%add3A_589], %add3A_7 {add = true} : memref<4096xi32, #tpu.memory_space<vmem>>[vector<16xi32>], vector<16xi32>,
        %shift_right_arithmetic3A_590 = arith.constant 16 : i32
        %shift_right_arithmetic3A_591 = vector.broadcast %shift_right_arithmetic3A_590 : i32 to vector<16xi32>
        %shift_right_arithmetic3A_592 = arith.shrsi %gather3A_519, %shift_right_arithmetic3A_591 : vector<16xi32>
        %and3A_593 = arith.constant 255 : i32
        %and3A_594 = vector.broadcast %and3A_593 : i32 to vector<16xi32>
        %and3A_595 = arith.andi %shift_right_arithmetic3A_592, %and3A_594 : vector<16xi32>
        %mul3A_596 = arith.constant 16 : i32
        %mul3A_597 = vector.broadcast %mul3A_596 : i32 to vector<16xi32>
        %mul3A_598 = arith.muli %and3A_595, %mul3A_597 : vector<16xi32>
        %shift_right_arithmetic3A_599 = arith.constant 10 : i32
        %shift_right_arithmetic3A_600 = vector.broadcast %shift_right_arithmetic3A_599 : i32 to vector<16xi32>
        %shift_right_arithmetic3A_601 = arith.shrsi %gather3A_554, %shift_right_arithmetic3A_600 : vector<16xi32>
        %add3A_602 = arith.addi %mul3A_598, %shift_right_arithmetic3A_601 : vector<16xi32>
        tpu.vector_store_idx %arg12[%add3A_602], %add3A_7 {add = true} : memref<4096xi32, #tpu.memory_space<vmem>>[vector<16xi32>], vector<16xi32>,
        %shift_right_arithmetic3A_603 = arith.constant 16 : i32
        %shift_right_arithmetic3A_604 = vector.broadcast %shift_right_arithmetic3A_603 : i32 to vector<16xi32>
        %shift_right_arithmetic3A_605 = arith.shrsi %gather3A_522, %shift_right_arithmetic3A_604 : vector<16xi32>
        %and3A_606 = arith.constant 255 : i32
        %and3A_607 = vector.broadcast %and3A_606 : i32 to vector<16xi32>
        %and3A_608 = arith.andi %shift_right_arithmetic3A_605, %and3A_607 : vector<16xi32>
        %mul3A_609 = arith.constant 16 : i32
        %mul3A_610 = vector.broadcast %mul3A_609 : i32 to vector<16xi32>
        %mul3A_611 = arith.muli %and3A_608, %mul3A_610 : vector<16xi32>
        %shift_right_arithmetic3A_612 = arith.constant 10 : i32
        %shift_right_arithmetic3A_613 = vector.broadcast %shift_right_arithmetic3A_612 : i32 to vector<16xi32>
        %shift_right_arithmetic3A_614 = arith.shrsi %gather3A_555, %shift_right_arithmetic3A_613 : vector<16xi32>
        %add3A_615 = arith.addi %mul3A_611, %shift_right_arithmetic3A_614 : vector<16xi32>
        tpu.vector_store_idx %arg14[%add3A_615], %add3A_7 {add = true} : memref<4096xi32, #tpu.memory_space<vmem>>[vector<16xi32>], vector<16xi32>,
        %scan3A_616 = arith.constant 0 : i32
        %scan3A_617 = arith.constant 2 : i32
        %scan3A_618 = arith.addi %scan3A_410, %scan3A_617 : i32
        %add3A_619 = vector.broadcast %scan3A_618 : i32 to vector<16xi32>
        %add3A_620 = arith.addi %mul3A_3, %add3A_619 : vector<16xi32>
        %gather3A_621 = tpu.vector_load_idx %arg5[%add3A_620] : memref<16400xi32, #tpu.memory_space<vmem>>[vector<16xi32>], vector<16xi32>,
        %add3A_622 = vector.broadcast %scan3A_618 : i32 to vector<16xi32>
        %add3A_623 = arith.addi %mul3A_3, %add3A_622 : vector<16xi32>
        %gather3A_624 = tpu.vector_load_idx %arg7[%add3A_623] : memref<16400xi32, #tpu.memory_space<vmem>>[vector<16xi32>], vector<16xi32>,
        %add3A_625 = vector.broadcast %scan3A_618 : i32 to vector<16xi32>
        %add3A_626 = arith.addi %mul3A_3, %add3A_625 : vector<16xi32>
        %gather3A_627 = tpu.vector_load_idx %arg9[%add3A_626] : memref<16400xi32, #tpu.memory_space<vmem>>[vector<16xi32>], vector<16xi32>,
        %shift_right_arithmetic3A_628 = arith.constant 8 : i32
        %shift_right_arithmetic3A_629 = vector.broadcast %shift_right_arithmetic3A_628 : i32 to vector<16xi32>
        %shift_right_arithmetic3A_630 = arith.shrsi %gather3A_621, %shift_right_arithmetic3A_629 : vector<16xi32>
        %and3A_631 = arith.constant 255 : i32
        %and3A_632 = vector.broadcast %and3A_631 : i32 to vector<16xi32>
        %and3A_633 = arith.andi %shift_right_arithmetic3A_630, %and3A_632 : vector<16xi32>
        %mul3A_634 = arith.constant 16 : i32
        %mul3A_635 = vector.broadcast %mul3A_634 : i32 to vector<16xi32>
        %mul3A_636 = arith.muli %and3A_633, %mul3A_635 : vector<16xi32>
        %add3A_637 = arith.addi %mul3A_636, %iota3A : vector<16xi32>
        %shift_right_arithmetic3A_638 = arith.constant 8 : i32
        %shift_right_arithmetic3A_639 = vector.broadcast %shift_right_arithmetic3A_638 : i32 to vector<16xi32>
        %shift_right_arithmetic3A_640 = arith.shrsi %gather3A_624, %shift_right_arithmetic3A_639 : vector<16xi32>
        %and3A_641 = arith.constant 255 : i32
        %and3A_642 = vector.broadcast %and3A_641 : i32 to vector<16xi32>
        %and3A_643 = arith.andi %shift_right_arithmetic3A_640, %and3A_642 : vector<16xi32>
        %mul3A_644 = arith.constant 16 : i32
        %mul3A_645 = vector.broadcast %mul3A_644 : i32 to vector<16xi32>
        %mul3A_646 = arith.muli %and3A_643, %mul3A_645 : vector<16xi32>
        %add3A_647 = arith.addi %mul3A_646, %iota3A : vector<16xi32>
        %shift_right_arithmetic3A_648 = arith.constant 8 : i32
        %shift_right_arithmetic3A_649 = vector.broadcast %shift_right_arithmetic3A_648 : i32 to vector<16xi32>
        %shift_right_arithmetic3A_650 = arith.shrsi %gather3A_627, %shift_right_arithmetic3A_649 : vector<16xi32>
        %and3A_651 = arith.constant 255 : i32
        %and3A_652 = vector.broadcast %and3A_651 : i32 to vector<16xi32>
        %and3A_653 = arith.andi %shift_right_arithmetic3A_650, %and3A_652 : vector<16xi32>
        %mul3A_654 = arith.constant 16 : i32
        %mul3A_655 = vector.broadcast %mul3A_654 : i32 to vector<16xi32>
        %mul3A_656 = arith.muli %and3A_653, %mul3A_655 : vector<16xi32>
        %add3A_657 = arith.addi %mul3A_656, %iota3A : vector<16xi32>
        %gather3A_658 = tpu.vector_load_idx %arg11[%add3A_637] : memref<4096xi32, #tpu.memory_space<vmem>>[vector<16xi32>], vector<16xi32>,
        %gather3A_659 = tpu.vector_load_idx %arg13[%add3A_647] : memref<4096xi32, #tpu.memory_space<vmem>>[vector<16xi32>], vector<16xi32>,
        %gather3A_660 = tpu.vector_load_idx %arg15[%add3A_657] : memref<4096xi32, #tpu.memory_space<vmem>>[vector<16xi32>], vector<16xi32>,
        %add3A_661 = arith.constant 1 : i32
        %add3A_662 = vector.broadcast %add3A_661 : i32 to vector<16xi32>
        %add3A_663 = arith.addi %gather3A_658, %add3A_662 : vector<16xi32>
        tpu.vector_store_idx %arg11[%add3A_637], %add3A_663 : memref<4096xi32, #tpu.memory_space<vmem>>[vector<16xi32>], vector<16xi32>,
        %add3A_664 = arith.constant 1 : i32
        %add3A_665 = vector.broadcast %add3A_664 : i32 to vector<16xi32>
        %add3A_666 = arith.addi %gather3A_659, %add3A_665 : vector<16xi32>
        tpu.vector_store_idx %arg13[%add3A_647], %add3A_666 : memref<4096xi32, #tpu.memory_space<vmem>>[vector<16xi32>], vector<16xi32>,
        %add3A_667 = arith.constant 1 : i32
        %add3A_668 = vector.broadcast %add3A_667 : i32 to vector<16xi32>
        %add3A_669 = arith.addi %gather3A_660, %add3A_668 : vector<16xi32>
        tpu.vector_store_idx %arg15[%add3A_657], %add3A_669 : memref<4096xi32, #tpu.memory_space<vmem>>[vector<16xi32>], vector<16xi32>,
        %shift_right_arithmetic3A_670 = arith.constant 10 : i32
        %shift_right_arithmetic3A_671 = vector.broadcast %shift_right_arithmetic3A_670 : i32 to vector<16xi32>
        %shift_right_arithmetic3A_672 = arith.shrsi %gather3A_658, %shift_right_arithmetic3A_671 : vector<16xi32>
        %add3A_673 = arith.addi %gather3A_658, %shift_right_arithmetic3A_672 : vector<16xi32>
        tpu.vector_store_idx %arg4[%add3A_673], %gather3A_621 : memref<16400xi32, #tpu.memory_space<vmem>>[vector<16xi32>], vector<16xi32>,
        %shift_right_arithmetic3A_674 = arith.constant 10 : i32
        %shift_right_arithmetic3A_675 = vector.broadcast %shift_right_arithmetic3A_674 : i32 to vector<16xi32>
        %shift_right_arithmetic3A_676 = arith.shrsi %gather3A_659, %shift_right_arithmetic3A_675 : vector<16xi32>
        %add3A_677 = arith.addi %gather3A_659, %shift_right_arithmetic3A_676 : vector<16xi32>
        tpu.vector_store_idx %arg6[%add3A_677], %gather3A_624 : memref<16400xi32, #tpu.memory_space<vmem>>[vector<16xi32>], vector<16xi32>,
        %shift_right_arithmetic3A_678 = arith.constant 10 : i32
        %shift_right_arithmetic3A_679 = vector.broadcast %shift_right_arithmetic3A_678 : i32 to vector<16xi32>
        %shift_right_arithmetic3A_680 = arith.shrsi %gather3A_660, %shift_right_arithmetic3A_679 : vector<16xi32>
        %add3A_681 = arith.addi %gather3A_660, %shift_right_arithmetic3A_680 : vector<16xi32>
        tpu.vector_store_idx %arg8[%add3A_681], %gather3A_627 : memref<16400xi32, #tpu.memory_space<vmem>>[vector<16xi32>], vector<16xi32>,
        %shift_right_arithmetic3A_682 = arith.constant 16 : i32
        %shift_right_arithmetic3A_683 = vector.broadcast %shift_right_arithmetic3A_682 : i32 to vector<16xi32>
        %shift_right_arithmetic3A_684 = arith.shrsi %gather3A_621, %shift_right_arithmetic3A_683 : vector<16xi32>
        %and3A_685 = arith.constant 255 : i32
        %and3A_686 = vector.broadcast %and3A_685 : i32 to vector<16xi32>
        %and3A_687 = arith.andi %shift_right_arithmetic3A_684, %and3A_686 : vector<16xi32>
        %mul3A_688 = arith.constant 16 : i32
        %mul3A_689 = vector.broadcast %mul3A_688 : i32 to vector<16xi32>
        %mul3A_690 = arith.muli %and3A_687, %mul3A_689 : vector<16xi32>
        %shift_right_arithmetic3A_691 = arith.constant 10 : i32
        %shift_right_arithmetic3A_692 = vector.broadcast %shift_right_arithmetic3A_691 : i32 to vector<16xi32>
        %shift_right_arithmetic3A_693 = arith.shrsi %gather3A_658, %shift_right_arithmetic3A_692 : vector<16xi32>
        %add3A_694 = arith.addi %mul3A_690, %shift_right_arithmetic3A_693 : vector<16xi32>
        tpu.vector_store_idx %arg10[%add3A_694], %add3A_7 {add = true} : memref<4096xi32, #tpu.memory_space<vmem>>[vector<16xi32>], vector<16xi32>,
        %shift_right_arithmetic3A_695 = arith.constant 16 : i32
        %shift_right_arithmetic3A_696 = vector.broadcast %shift_right_arithmetic3A_695 : i32 to vector<16xi32>
        %shift_right_arithmetic3A_697 = arith.shrsi %gather3A_624, %shift_right_arithmetic3A_696 : vector<16xi32>
        %and3A_698 = arith.constant 255 : i32
        %and3A_699 = vector.broadcast %and3A_698 : i32 to vector<16xi32>
        %and3A_700 = arith.andi %shift_right_arithmetic3A_697, %and3A_699 : vector<16xi32>
        %mul3A_701 = arith.constant 16 : i32
        %mul3A_702 = vector.broadcast %mul3A_701 : i32 to vector<16xi32>
        %mul3A_703 = arith.muli %and3A_700, %mul3A_702 : vector<16xi32>
        %shift_right_arithmetic3A_704 = arith.constant 10 : i32
        %shift_right_arithmetic3A_705 = vector.broadcast %shift_right_arithmetic3A_704 : i32 to vector<16xi32>
        %shift_right_arithmetic3A_706 = arith.shrsi %gather3A_659, %shift_right_arithmetic3A_705 : vector<16xi32>
        %add3A_707 = arith.addi %mul3A_703, %shift_right_arithmetic3A_706 : vector<16xi32>
        tpu.vector_store_idx %arg12[%add3A_707], %add3A_7 {add = true} : memref<4096xi32, #tpu.memory_space<vmem>>[vector<16xi32>], vector<16xi32>,
        %shift_right_arithmetic3A_708 = arith.constant 16 : i32
        %shift_right_arithmetic3A_709 = vector.broadcast %shift_right_arithmetic3A_708 : i32 to vector<16xi32>
        %shift_right_arithmetic3A_710 = arith.shrsi %gather3A_627, %shift_right_arithmetic3A_709 : vector<16xi32>
        %and3A_711 = arith.constant 255 : i32
        %and3A_712 = vector.broadcast %and3A_711 : i32 to vector<16xi32>
        %and3A_713 = arith.andi %shift_right_arithmetic3A_710, %and3A_712 : vector<16xi32>
        %mul3A_714 = arith.constant 16 : i32
        %mul3A_715 = vector.broadcast %mul3A_714 : i32 to vector<16xi32>
        %mul3A_716 = arith.muli %and3A_713, %mul3A_715 : vector<16xi32>
        %shift_right_arithmetic3A_717 = arith.constant 10 : i32
        %shift_right_arithmetic3A_718 = vector.broadcast %shift_right_arithmetic3A_717 : i32 to vector<16xi32>
        %shift_right_arithmetic3A_719 = arith.shrsi %gather3A_660, %shift_right_arithmetic3A_718 : vector<16xi32>
        %add3A_720 = arith.addi %mul3A_716, %shift_right_arithmetic3A_719 : vector<16xi32>
        tpu.vector_store_idx %arg14[%add3A_720], %add3A_7 {add = true} : memref<4096xi32, #tpu.memory_space<vmem>>[vector<16xi32>], vector<16xi32>,
        %scan3A_721 = arith.constant 0 : i32
        %scan3A_722 = arith.constant 3 : i32
        %scan3A_723 = arith.addi %scan3A_410, %scan3A_722 : i32
        %add3A_724 = vector.broadcast %scan3A_723 : i32 to vector<16xi32>
        %add3A_725 = arith.addi %mul3A_3, %add3A_724 : vector<16xi32>
        %gather3A_726 = tpu.vector_load_idx %arg5[%add3A_725] : memref<16400xi32, #tpu.memory_space<vmem>>[vector<16xi32>], vector<16xi32>,
        %add3A_727 = vector.broadcast %scan3A_723 : i32 to vector<16xi32>
        %add3A_728 = arith.addi %mul3A_3, %add3A_727 : vector<16xi32>
        %gather3A_729 = tpu.vector_load_idx %arg7[%add3A_728] : memref<16400xi32, #tpu.memory_space<vmem>>[vector<16xi32>], vector<16xi32>,
        %add3A_730 = vector.broadcast %scan3A_723 : i32 to vector<16xi32>
        %add3A_731 = arith.addi %mul3A_3, %add3A_730 : vector<16xi32>
        %gather3A_732 = tpu.vector_load_idx %arg9[%add3A_731] : memref<16400xi32, #tpu.memory_space<vmem>>[vector<16xi32>], vector<16xi32>,
        %shift_right_arithmetic3A_733 = arith.constant 8 : i32
        %shift_right_arithmetic3A_734 = vector.broadcast %shift_right_arithmetic3A_733 : i32 to vector<16xi32>
        %shift_right_arithmetic3A_735 = arith.shrsi %gather3A_726, %shift_right_arithmetic3A_734 : vector<16xi32>
        %and3A_736 = arith.constant 255 : i32
        %and3A_737 = vector.broadcast %and3A_736 : i32 to vector<16xi32>
        %and3A_738 = arith.andi %shift_right_arithmetic3A_735, %and3A_737 : vector<16xi32>
        %mul3A_739 = arith.constant 16 : i32
        %mul3A_740 = vector.broadcast %mul3A_739 : i32 to vector<16xi32>
        %mul3A_741 = arith.muli %and3A_738, %mul3A_740 : vector<16xi32>
        %add3A_742 = arith.addi %mul3A_741, %iota3A : vector<16xi32>
        %shift_right_arithmetic3A_743 = arith.constant 8 : i32
        %shift_right_arithmetic3A_744 = vector.broadcast %shift_right_arithmetic3A_743 : i32 to vector<16xi32>
        %shift_right_arithmetic3A_745 = arith.shrsi %gather3A_729, %shift_right_arithmetic3A_744 : vector<16xi32>
        %and3A_746 = arith.constant 255 : i32
        %and3A_747 = vector.broadcast %and3A_746 : i32 to vector<16xi32>
        %and3A_748 = arith.andi %shift_right_arithmetic3A_745, %and3A_747 : vector<16xi32>
        %mul3A_749 = arith.constant 16 : i32
        %mul3A_750 = vector.broadcast %mul3A_749 : i32 to vector<16xi32>
        %mul3A_751 = arith.muli %and3A_748, %mul3A_750 : vector<16xi32>
        %add3A_752 = arith.addi %mul3A_751, %iota3A : vector<16xi32>
        %shift_right_arithmetic3A_753 = arith.constant 8 : i32
        %shift_right_arithmetic3A_754 = vector.broadcast %shift_right_arithmetic3A_753 : i32 to vector<16xi32>
        %shift_right_arithmetic3A_755 = arith.shrsi %gather3A_732, %shift_right_arithmetic3A_754 : vector<16xi32>
        %and3A_756 = arith.constant 255 : i32
        %and3A_757 = vector.broadcast %and3A_756 : i32 to vector<16xi32>
        %and3A_758 = arith.andi %shift_right_arithmetic3A_755, %and3A_757 : vector<16xi32>
        %mul3A_759 = arith.constant 16 : i32
        %mul3A_760 = vector.broadcast %mul3A_759 : i32 to vector<16xi32>
        %mul3A_761 = arith.muli %and3A_758, %mul3A_760 : vector<16xi32>
        %add3A_762 = arith.addi %mul3A_761, %iota3A : vector<16xi32>
        %gather3A_763 = tpu.vector_load_idx %arg11[%add3A_742] : memref<4096xi32, #tpu.memory_space<vmem>>[vector<16xi32>], vector<16xi32>,
        %gather3A_764 = tpu.vector_load_idx %arg13[%add3A_752] : memref<4096xi32, #tpu.memory_space<vmem>>[vector<16xi32>], vector<16xi32>,
        %gather3A_765 = tpu.vector_load_idx %arg15[%add3A_762] : memref<4096xi32, #tpu.memory_space<vmem>>[vector<16xi32>], vector<16xi32>,
        %add3A_766 = arith.constant 1 : i32
        %add3A_767 = vector.broadcast %add3A_766 : i32 to vector<16xi32>
        %add3A_768 = arith.addi %gather3A_763, %add3A_767 : vector<16xi32>
        tpu.vector_store_idx %arg11[%add3A_742], %add3A_768 : memref<4096xi32, #tpu.memory_space<vmem>>[vector<16xi32>], vector<16xi32>,
        %add3A_769 = arith.constant 1 : i32
        %add3A_770 = vector.broadcast %add3A_769 : i32 to vector<16xi32>
        %add3A_771 = arith.addi %gather3A_764, %add3A_770 : vector<16xi32>
        tpu.vector_store_idx %arg13[%add3A_752], %add3A_771 : memref<4096xi32, #tpu.memory_space<vmem>>[vector<16xi32>], vector<16xi32>,
        %add3A_772 = arith.constant 1 : i32
        %add3A_773 = vector.broadcast %add3A_772 : i32 to vector<16xi32>
        %add3A_774 = arith.addi %gather3A_765, %add3A_773 : vector<16xi32>
        tpu.vector_store_idx %arg15[%add3A_762], %add3A_774 : memref<4096xi32, #tpu.memory_space<vmem>>[vector<16xi32>], vector<16xi32>,
        %shift_right_arithmetic3A_775 = arith.constant 10 : i32
        %shift_right_arithmetic3A_776 = vector.broadcast %shift_right_arithmetic3A_775 : i32 to vector<16xi32>
        %shift_right_arithmetic3A_777 = arith.shrsi %gather3A_763, %shift_right_arithmetic3A_776 : vector<16xi32>
        %add3A_778 = arith.addi %gather3A_763, %shift_right_arithmetic3A_777 : vector<16xi32>
        tpu.vector_store_idx %arg4[%add3A_778], %gather3A_726 : memref<16400xi32, #tpu.memory_space<vmem>>[vector<16xi32>], vector<16xi32>,
        %shift_right_arithmetic3A_779 = arith.constant 10 : i32
        %shift_right_arithmetic3A_780 = vector.broadcast %shift_right_arithmetic3A_779 : i32 to vector<16xi32>
        %shift_right_arithmetic3A_781 = arith.shrsi %gather3A_764, %shift_right_arithmetic3A_780 : vector<16xi32>
        %add3A_782 = arith.addi %gather3A_764, %shift_right_arithmetic3A_781 : vector<16xi32>
        tpu.vector_store_idx %arg6[%add3A_782], %gather3A_729 : memref<16400xi32, #tpu.memory_space<vmem>>[vector<16xi32>], vector<16xi32>,
        %shift_right_arithmetic3A_783 = arith.constant 10 : i32
        %shift_right_arithmetic3A_784 = vector.broadcast %shift_right_arithmetic3A_783 : i32 to vector<16xi32>
        %shift_right_arithmetic3A_785 = arith.shrsi %gather3A_765, %shift_right_arithmetic3A_784 : vector<16xi32>
        %add3A_786 = arith.addi %gather3A_765, %shift_right_arithmetic3A_785 : vector<16xi32>
        tpu.vector_store_idx %arg8[%add3A_786], %gather3A_732 : memref<16400xi32, #tpu.memory_space<vmem>>[vector<16xi32>], vector<16xi32>,
        %shift_right_arithmetic3A_787 = arith.constant 16 : i32
        %shift_right_arithmetic3A_788 = vector.broadcast %shift_right_arithmetic3A_787 : i32 to vector<16xi32>
        %shift_right_arithmetic3A_789 = arith.shrsi %gather3A_726, %shift_right_arithmetic3A_788 : vector<16xi32>
        %and3A_790 = arith.constant 255 : i32
        %and3A_791 = vector.broadcast %and3A_790 : i32 to vector<16xi32>
        %and3A_792 = arith.andi %shift_right_arithmetic3A_789, %and3A_791 : vector<16xi32>
        %mul3A_793 = arith.constant 16 : i32
        %mul3A_794 = vector.broadcast %mul3A_793 : i32 to vector<16xi32>
        %mul3A_795 = arith.muli %and3A_792, %mul3A_794 : vector<16xi32>
        %shift_right_arithmetic3A_796 = arith.constant 10 : i32
        %shift_right_arithmetic3A_797 = vector.broadcast %shift_right_arithmetic3A_796 : i32 to vector<16xi32>
        %shift_right_arithmetic3A_798 = arith.shrsi %gather3A_763, %shift_right_arithmetic3A_797 : vector<16xi32>
        %add3A_799 = arith.addi %mul3A_795, %shift_right_arithmetic3A_798 : vector<16xi32>
        tpu.vector_store_idx %arg10[%add3A_799], %add3A_7 {add = true} : memref<4096xi32, #tpu.memory_space<vmem>>[vector<16xi32>], vector<16xi32>,
        %shift_right_arithmetic3A_800 = arith.constant 16 : i32
        %shift_right_arithmetic3A_801 = vector.broadcast %shift_right_arithmetic3A_800 : i32 to vector<16xi32>
        %shift_right_arithmetic3A_802 = arith.shrsi %gather3A_729, %shift_right_arithmetic3A_801 : vector<16xi32>
        %and3A_803 = arith.constant 255 : i32
        %and3A_804 = vector.broadcast %and3A_803 : i32 to vector<16xi32>
        %and3A_805 = arith.andi %shift_right_arithmetic3A_802, %and3A_804 : vector<16xi32>
        %mul3A_806 = arith.constant 16 : i32
        %mul3A_807 = vector.broadcast %mul3A_806 : i32 to vector<16xi32>
        %mul3A_808 = arith.muli %and3A_805, %mul3A_807 : vector<16xi32>
        %shift_right_arithmetic3A_809 = arith.constant 10 : i32
        %shift_right_arithmetic3A_810 = vector.broadcast %shift_right_arithmetic3A_809 : i32 to vector<16xi32>
        %shift_right_arithmetic3A_811 = arith.shrsi %gather3A_764, %shift_right_arithmetic3A_810 : vector<16xi32>
        %add3A_812 = arith.addi %mul3A_808, %shift_right_arithmetic3A_811 : vector<16xi32>
        tpu.vector_store_idx %arg12[%add3A_812], %add3A_7 {add = true} : memref<4096xi32, #tpu.memory_space<vmem>>[vector<16xi32>], vector<16xi32>,
        %shift_right_arithmetic3A_813 = arith.constant 16 : i32
        %shift_right_arithmetic3A_814 = vector.broadcast %shift_right_arithmetic3A_813 : i32 to vector<16xi32>
        %shift_right_arithmetic3A_815 = arith.shrsi %gather3A_732, %shift_right_arithmetic3A_814 : vector<16xi32>
        %and3A_816 = arith.constant 255 : i32
        %and3A_817 = vector.broadcast %and3A_816 : i32 to vector<16xi32>
        %and3A_818 = arith.andi %shift_right_arithmetic3A_815, %and3A_817 : vector<16xi32>
        %mul3A_819 = arith.constant 16 : i32
        %mul3A_820 = vector.broadcast %mul3A_819 : i32 to vector<16xi32>
        %mul3A_821 = arith.muli %and3A_818, %mul3A_820 : vector<16xi32>
        %shift_right_arithmetic3A_822 = arith.constant 10 : i32
        %shift_right_arithmetic3A_823 = vector.broadcast %shift_right_arithmetic3A_822 : i32 to vector<16xi32>
        %shift_right_arithmetic3A_824 = arith.shrsi %gather3A_765, %shift_right_arithmetic3A_823 : vector<16xi32>
        %add3A_825 = arith.addi %mul3A_821, %shift_right_arithmetic3A_824 : vector<16xi32>
        tpu.vector_store_idx %arg14[%add3A_825], %add3A_7 {add = true} : memref<4096xi32, #tpu.memory_space<vmem>>[vector<16xi32>], vector<16xi32>,
        %scan3A_826 = arith.constant 0 : i32
        scf.yield %scan3A_826 : i32
      }
      %scan3A_293 = arith.constant 1024 : i32
      %scan3A_294 = arith.constant 0 : i32
      %scan3A_295 = arith.constant 0 : i32
      %scan3A_296 = arith.constant 0 : i32
      %scan3A_297 = arith.constant 0 : i32
      %scan3A_298 = arith.constant 256 : i32
      %scan3A_299 = arith.addi %scan3A_297, %scan3A_298 : i32
      %scan3A_300 = arith.constant 2 : i32
      %scan3A_301:3 = scf.for %scan3A_410 = %scan3A_297 to %scan3A_299 step %scan3A_300 iter_args(%scan3A_411 = %scan3A_294, %scan3A_412 = %scan3A_295, %scan3A_413 = %scan3A_296) -> (i32, i32, i32)  : i32 {
        %mul3A_414 = arith.constant 16 : i32
        %mul3A_415 = arith.muli %scan3A_410, %mul3A_414 : i32
        %get3A = arith.index_cast %mul3A_415 : i32 to index
        %get3A_416 = tpu.vector_load %arg10[%get3A] {strides = array<i32>} : memref<4096xi32, #tpu.memory_space<vmem>>, vector<16xi32>,
        %mul3A_417 = arith.constant 16 : i32
        %mul3A_418 = arith.muli %scan3A_410, %mul3A_417 : i32
        %get3A_419 = arith.index_cast %mul3A_418 : i32 to index
        %get3A_420 = tpu.vector_load %arg12[%get3A_419] {strides = array<i32>} : memref<4096xi32, #tpu.memory_space<vmem>>, vector<16xi32>,
        %mul3A_421 = arith.constant 16 : i32
        %mul3A_422 = arith.muli %scan3A_410, %mul3A_421 : i32
        %get3A_423 = arith.index_cast %mul3A_422 : i32 to index
        %get3A_424 = tpu.vector_load %arg14[%get3A_423] {strides = array<i32>} : memref<4096xi32, #tpu.memory_space<vmem>>, vector<16xi32>,
        %broadcast_in_dim3A_425 = arith.constant true
        %broadcast_in_dim3A_426 = vector.broadcast %broadcast_in_dim3A_425 : i1 to vector<16xi1>
        %masked_cumsum3A = tpu.scan <sum>, %get3A_416 masked %broadcast_in_dim3A_426 : vector<16xi32>, vector<16xi1> -> vector<16xi32>
        %broadcast_in_dim3A_427 = arith.constant true
        %broadcast_in_dim3A_428 = vector.broadcast %broadcast_in_dim3A_427 : i1 to vector<16xi1>
        %masked_cumsum3A_429 = tpu.scan <sum>, %get3A_420 masked %broadcast_in_dim3A_428 : vector<16xi32>, vector<16xi1> -> vector<16xi32>
        %broadcast_in_dim3A_430 = arith.constant true
        %broadcast_in_dim3A_431 = vector.broadcast %broadcast_in_dim3A_430 : i1 to vector<16xi1>
        %masked_cumsum3A_432 = tpu.scan <sum>, %get3A_424 masked %broadcast_in_dim3A_431 : vector<16xi32>, vector<16xi1> -> vector<16xi32>
        %sub3A = arith.subi %masked_cumsum3A, %get3A_416 : vector<16xi32>
        %add3A_433 = vector.broadcast %scan3A_411 : i32 to vector<16xi32>
        %add3A_434 = arith.addi %sub3A, %add3A_433 : vector<16xi32>
        %mul3A_435 = arith.constant 16 : i32
        %mul3A_436 = arith.muli %scan3A_410, %mul3A_435 : i32
        %swap3A = arith.index_cast %mul3A_436 : i32 to index
        %swap3A_437 = tpu.vector_load %arg10[%swap3A] {strides = array<i32>} : memref<4096xi32, #tpu.memory_space<vmem>>, vector<16xi32>,
        tpu.vector_store %arg10[%swap3A], %add3A_434 {strides = array<i32>} : memref<4096xi32, #tpu.memory_space<vmem>>, vector<16xi32>,
        %sub3A_438 = arith.subi %masked_cumsum3A_429, %get3A_420 : vector<16xi32>
        %add3A_439 = vector.broadcast %scan3A_412 : i32 to vector<16xi32>
        %add3A_440 = arith.addi %sub3A_438, %add3A_439 : vector<16xi32>
        %mul3A_441 = arith.constant 16 : i32
        %mul3A_442 = arith.muli %scan3A_410, %mul3A_441 : i32
        %swap3A_443 = arith.index_cast %mul3A_442 : i32 to index
        %swap3A_444 = tpu.vector_load %arg12[%swap3A_443] {strides = array<i32>} : memref<4096xi32, #tpu.memory_space<vmem>>, vector<16xi32>,
        tpu.vector_store %arg12[%swap3A_443], %add3A_440 {strides = array<i32>} : memref<4096xi32, #tpu.memory_space<vmem>>, vector<16xi32>,
        %sub3A_445 = arith.subi %masked_cumsum3A_432, %get3A_424 : vector<16xi32>
        %add3A_446 = vector.broadcast %scan3A_413 : i32 to vector<16xi32>
        %add3A_447 = arith.addi %sub3A_445, %add3A_446 : vector<16xi32>
        %mul3A_448 = arith.constant 16 : i32
        %mul3A_449 = arith.muli %scan3A_410, %mul3A_448 : i32
        %swap3A_450 = arith.index_cast %mul3A_449 : i32 to index
        %swap3A_451 = tpu.vector_load %arg14[%swap3A_450] {strides = array<i32>} : memref<4096xi32, #tpu.memory_space<vmem>>, vector<16xi32>,
        tpu.vector_store %arg14[%swap3A_450], %add3A_447 {strides = array<i32>} : memref<4096xi32, #tpu.memory_space<vmem>>, vector<16xi32>,
        %mul3A_452 = arith.constant 16 : i32
        %mul3A_453 = arith.muli %scan3A_410, %mul3A_452 : i32
        %swap3A_454 = arith.index_cast %mul3A_453 : i32 to index
        %swap3A_455 = tpu.vector_load %arg11[%swap3A_454] {strides = array<i32>} : memref<4096xi32, #tpu.memory_space<vmem>>, vector<16xi32>,
        tpu.vector_store %arg11[%swap3A_454], %broadcast_in_dim3A_4 {strides = array<i32>} : memref<4096xi32, #tpu.memory_space<vmem>>, vector<16xi32>,
        %mul3A_456 = arith.constant 16 : i32
        %mul3A_457 = arith.muli %scan3A_410, %mul3A_456 : i32
        %swap3A_458 = arith.index_cast %mul3A_457 : i32 to index
        %swap3A_459 = tpu.vector_load %arg13[%swap3A_458] {strides = array<i32>} : memref<4096xi32, #tpu.memory_space<vmem>>, vector<16xi32>,
        tpu.vector_store %arg13[%swap3A_458], %broadcast_in_dim3A_4 {strides = array<i32>} : memref<4096xi32, #tpu.memory_space<vmem>>, vector<16xi32>,
        %mul3A_460 = arith.constant 16 : i32
        %mul3A_461 = arith.muli %scan3A_410, %mul3A_460 : i32
        %swap3A_462 = arith.index_cast %mul3A_461 : i32 to index
        %swap3A_463 = tpu.vector_load %arg15[%swap3A_462] {strides = array<i32>} : memref<4096xi32, #tpu.memory_space<vmem>>, vector<16xi32>,
        tpu.vector_store %arg15[%swap3A_462], %broadcast_in_dim3A_4 {strides = array<i32>} : memref<4096xi32, #tpu.memory_space<vmem>>, vector<16xi32>,
        %sub3A_464 = arith.subi %masked_cumsum3A, %get3A_416 : vector<16xi32>
        %add3A_465 = vector.broadcast %scan3A_411 : i32 to vector<16xi32>
        %add3A_466 = arith.addi %sub3A_464, %add3A_465 : vector<16xi32>
        %slice3A = vector.extract_strided_slice %add3A_466 {offsets = [15], sizes = [1], strides = [1]} : vector<16xi32> to vector<1xi32>
        %squeeze3A = vector.extract %slice3A[0] : i32 from vector<1xi32>
        %slice3A_467 = vector.extract_strided_slice %get3A_416 {offsets = [15], sizes = [1], strides = [1]} : vector<16xi32> to vector<1xi32>
        %squeeze3A_468 = vector.extract %slice3A_467[0] : i32 from vector<1xi32>
        %add3A_469 = arith.addi %squeeze3A, %squeeze3A_468 : i32
        %sub3A_470 = arith.subi %masked_cumsum3A_429, %get3A_420 : vector<16xi32>
        %add3A_471 = vector.broadcast %scan3A_412 : i32 to vector<16xi32>
        %add3A_472 = arith.addi %sub3A_470, %add3A_471 : vector<16xi32>
        %slice3A_473 = vector.extract_strided_slice %add3A_472 {offsets = [15], sizes = [1], strides = [1]} : vector<16xi32> to vector<1xi32>
        %squeeze3A_474 = vector.extract %slice3A_473[0] : i32 from vector<1xi32>
        %slice3A_475 = vector.extract_strided_slice %get3A_420 {offsets = [15], sizes = [1], strides = [1]} : vector<16xi32> to vector<1xi32>
        %squeeze3A_476 = vector.extract %slice3A_475[0] : i32 from vector<1xi32>
        %add3A_477 = arith.addi %squeeze3A_474, %squeeze3A_476 : i32
        %sub3A_478 = arith.subi %masked_cumsum3A_432, %get3A_424 : vector<16xi32>
        %add3A_479 = vector.broadcast %scan3A_413 : i32 to vector<16xi32>
        %add3A_480 = arith.addi %sub3A_478, %add3A_479 : vector<16xi32>
        %slice3A_481 = vector.extract_strided_slice %add3A_480 {offsets = [15], sizes = [1], strides = [1]} : vector<16xi32> to vector<1xi32>
        %squeeze3A_482 = vector.extract %slice3A_481[0] : i32 from vector<1xi32>
        %slice3A_483 = vector.extract_strided_slice %get3A_424 {offsets = [15], sizes = [1], strides = [1]} : vector<16xi32> to vector<1xi32>
        %squeeze3A_484 = vector.extract %slice3A_483[0] : i32 from vector<1xi32>
        %add3A_485 = arith.addi %squeeze3A_482, %squeeze3A_484 : i32
        %scan3A_486 = arith.constant 1 : i32
        %scan3A_487 = arith.addi %scan3A_410, %scan3A_486 : i32
        %mul3A_488 = arith.constant 16 : i32
        %mul3A_489 = arith.muli %scan3A_487, %mul3A_488 : i32
        %get3A_490 = arith.index_cast %mul3A_489 : i32 to index
        %get3A_491 = tpu.vector_load %arg10[%get3A_490] {strides = array<i32>} : memref<4096xi32, #tpu.memory_space<vmem>>, vector<16xi32>,
        %mul3A_492 = arith.constant 16 : i32
        %mul3A_493 = arith.muli %scan3A_487, %mul3A_492 : i32
        %get3A_494 = arith.index_cast %mul3A_493 : i32 to index
        %get3A_495 = tpu.vector_load %arg12[%get3A_494] {strides = array<i32>} : memref<4096xi32, #tpu.memory_space<vmem>>, vector<16xi32>,
        %mul3A_496 = arith.constant 16 : i32
        %mul3A_497 = arith.muli %scan3A_487, %mul3A_496 : i32
        %get3A_498 = arith.index_cast %mul3A_497 : i32 to index
        %get3A_499 = tpu.vector_load %arg14[%get3A_498] {strides = array<i32>} : memref<4096xi32, #tpu.memory_space<vmem>>, vector<16xi32>,
        %broadcast_in_dim3A_500 = arith.constant true
        %broadcast_in_dim3A_501 = vector.broadcast %broadcast_in_dim3A_500 : i1 to vector<16xi1>
        %masked_cumsum3A_502 = tpu.scan <sum>, %get3A_491 masked %broadcast_in_dim3A_501 : vector<16xi32>, vector<16xi1> -> vector<16xi32>
        %broadcast_in_dim3A_503 = arith.constant true
        %broadcast_in_dim3A_504 = vector.broadcast %broadcast_in_dim3A_503 : i1 to vector<16xi1>
        %masked_cumsum3A_505 = tpu.scan <sum>, %get3A_495 masked %broadcast_in_dim3A_504 : vector<16xi32>, vector<16xi1> -> vector<16xi32>
        %broadcast_in_dim3A_506 = arith.constant true
        %broadcast_in_dim3A_507 = vector.broadcast %broadcast_in_dim3A_506 : i1 to vector<16xi1>
        %masked_cumsum3A_508 = tpu.scan <sum>, %get3A_499 masked %broadcast_in_dim3A_507 : vector<16xi32>, vector<16xi1> -> vector<16xi32>
        %sub3A_509 = arith.subi %masked_cumsum3A_502, %get3A_491 : vector<16xi32>
        %add3A_510 = vector.broadcast %add3A_469 : i32 to vector<16xi32>
        %add3A_511 = arith.addi %sub3A_509, %add3A_510 : vector<16xi32>
        %mul3A_512 = arith.constant 16 : i32
        %mul3A_513 = arith.muli %scan3A_487, %mul3A_512 : i32
        %swap3A_514 = arith.index_cast %mul3A_513 : i32 to index
        %swap3A_515 = tpu.vector_load %arg10[%swap3A_514] {strides = array<i32>} : memref<4096xi32, #tpu.memory_space<vmem>>, vector<16xi32>,
        tpu.vector_store %arg10[%swap3A_514], %add3A_511 {strides = array<i32>} : memref<4096xi32, #tpu.memory_space<vmem>>, vector<16xi32>,
        %sub3A_516 = arith.subi %masked_cumsum3A_505, %get3A_495 : vector<16xi32>
        %add3A_517 = vector.broadcast %add3A_477 : i32 to vector<16xi32>
        %add3A_518 = arith.addi %sub3A_516, %add3A_517 : vector<16xi32>
        %mul3A_519 = arith.constant 16 : i32
        %mul3A_520 = arith.muli %scan3A_487, %mul3A_519 : i32
        %swap3A_521 = arith.index_cast %mul3A_520 : i32 to index
        %swap3A_522 = tpu.vector_load %arg12[%swap3A_521] {strides = array<i32>} : memref<4096xi32, #tpu.memory_space<vmem>>, vector<16xi32>,
        tpu.vector_store %arg12[%swap3A_521], %add3A_518 {strides = array<i32>} : memref<4096xi32, #tpu.memory_space<vmem>>, vector<16xi32>,
        %sub3A_523 = arith.subi %masked_cumsum3A_508, %get3A_499 : vector<16xi32>
        %add3A_524 = vector.broadcast %add3A_485 : i32 to vector<16xi32>
        %add3A_525 = arith.addi %sub3A_523, %add3A_524 : vector<16xi32>
        %mul3A_526 = arith.constant 16 : i32
        %mul3A_527 = arith.muli %scan3A_487, %mul3A_526 : i32
        %swap3A_528 = arith.index_cast %mul3A_527 : i32 to index
        %swap3A_529 = tpu.vector_load %arg14[%swap3A_528] {strides = array<i32>} : memref<4096xi32, #tpu.memory_space<vmem>>, vector<16xi32>,
        tpu.vector_store %arg14[%swap3A_528], %add3A_525 {strides = array<i32>} : memref<4096xi32, #tpu.memory_space<vmem>>, vector<16xi32>,
        %mul3A_530 = arith.constant 16 : i32
        %mul3A_531 = arith.muli %scan3A_487, %mul3A_530 : i32
        %swap3A_532 = arith.index_cast %mul3A_531 : i32 to index
        %swap3A_533 = tpu.vector_load %arg11[%swap3A_532] {strides = array<i32>} : memref<4096xi32, #tpu.memory_space<vmem>>, vector<16xi32>,
        tpu.vector_store %arg11[%swap3A_532], %broadcast_in_dim3A_4 {strides = array<i32>} : memref<4096xi32, #tpu.memory_space<vmem>>, vector<16xi32>,
        %mul3A_534 = arith.constant 16 : i32
        %mul3A_535 = arith.muli %scan3A_487, %mul3A_534 : i32
        %swap3A_536 = arith.index_cast %mul3A_535 : i32 to index
        %swap3A_537 = tpu.vector_load %arg13[%swap3A_536] {strides = array<i32>} : memref<4096xi32, #tpu.memory_space<vmem>>, vector<16xi32>,
        tpu.vector_store %arg13[%swap3A_536], %broadcast_in_dim3A_4 {strides = array<i32>} : memref<4096xi32, #tpu.memory_space<vmem>>, vector<16xi32>,
        %mul3A_538 = arith.constant 16 : i32
        %mul3A_539 = arith.muli %scan3A_487, %mul3A_538 : i32
        %swap3A_540 = arith.index_cast %mul3A_539 : i32 to index
        %swap3A_541 = tpu.vector_load %arg15[%swap3A_540] {strides = array<i32>} : memref<4096xi32, #tpu.memory_space<vmem>>, vector<16xi32>,
        tpu.vector_store %arg15[%swap3A_540], %broadcast_in_dim3A_4 {strides = array<i32>} : memref<4096xi32, #tpu.memory_space<vmem>>, vector<16xi32>,
        %sub3A_542 = arith.subi %masked_cumsum3A_502, %get3A_491 : vector<16xi32>
        %add3A_543 = vector.broadcast %add3A_469 : i32 to vector<16xi32>
        %add3A_544 = arith.addi %sub3A_542, %add3A_543 : vector<16xi32>
        %slice3A_545 = vector.extract_strided_slice %add3A_544 {offsets = [15], sizes = [1], strides = [1]} : vector<16xi32> to vector<1xi32>
        %squeeze3A_546 = vector.extract %slice3A_545[0] : i32 from vector<1xi32>
        %slice3A_547 = vector.extract_strided_slice %get3A_491 {offsets = [15], sizes = [1], strides = [1]} : vector<16xi32> to vector<1xi32>
        %squeeze3A_548 = vector.extract %slice3A_547[0] : i32 from vector<1xi32>
        %add3A_549 = arith.addi %squeeze3A_546, %squeeze3A_548 : i32
        %sub3A_550 = arith.subi %masked_cumsum3A_505, %get3A_495 : vector<16xi32>
        %add3A_551 = vector.broadcast %add3A_477 : i32 to vector<16xi32>
        %add3A_552 = arith.addi %sub3A_550, %add3A_551 : vector<16xi32>
        %slice3A_553 = vector.extract_strided_slice %add3A_552 {offsets = [15], sizes = [1], strides = [1]} : vector<16xi32> to vector<1xi32>
        %squeeze3A_554 = vector.extract %slice3A_553[0] : i32 from vector<1xi32>
        %slice3A_555 = vector.extract_strided_slice %get3A_495 {offsets = [15], sizes = [1], strides = [1]} : vector<16xi32> to vector<1xi32>
        %squeeze3A_556 = vector.extract %slice3A_555[0] : i32 from vector<1xi32>
        %add3A_557 = arith.addi %squeeze3A_554, %squeeze3A_556 : i32
        %sub3A_558 = arith.subi %masked_cumsum3A_508, %get3A_499 : vector<16xi32>
        %add3A_559 = vector.broadcast %add3A_485 : i32 to vector<16xi32>
        %add3A_560 = arith.addi %sub3A_558, %add3A_559 : vector<16xi32>
        %slice3A_561 = vector.extract_strided_slice %add3A_560 {offsets = [15], sizes = [1], strides = [1]} : vector<16xi32> to vector<1xi32>
        %squeeze3A_562 = vector.extract %slice3A_561[0] : i32 from vector<1xi32>
        %slice3A_563 = vector.extract_strided_slice %get3A_499 {offsets = [15], sizes = [1], strides = [1]} : vector<16xi32> to vector<1xi32>
        %squeeze3A_564 = vector.extract %slice3A_563[0] : i32 from vector<1xi32>
        %add3A_565 = arith.addi %squeeze3A_562, %squeeze3A_564 : i32
        scf.yield %add3A_549, %add3A_557, %add3A_565 : i32, i32, i32
      }
      %scan3A_302 = arith.constant 256 : i32
      %scan3A_303 = arith.constant 0 : i32
      %scan3A_304 = arith.constant 0 : i32
      %scan3A_305 = arith.constant 1024 : i32
      %scan3A_306 = arith.addi %scan3A_304, %scan3A_305 : i32
      %scan3A_307 = arith.constant 4 : i32
      %scan3A_308 = scf.for %scan3A_410 = %scan3A_304 to %scan3A_306 step %scan3A_307 iter_args(%scan3A_411 = %scan3A_303) -> (i32)  : i32 {
        %add3A_412 = vector.broadcast %scan3A_410 : i32 to vector<16xi32>
        %add3A_413 = arith.addi %mul3A_3, %add3A_412 : vector<16xi32>
        %gather3A = tpu.vector_load_idx %arg4[%add3A_413] : memref<16400xi32, #tpu.memory_space<vmem>>[vector<16xi32>], vector<16xi32>,
        %add3A_414 = vector.broadcast %scan3A_410 : i32 to vector<16xi32>
        %add3A_415 = arith.addi %mul3A_3, %add3A_414 : vector<16xi32>
        %gather3A_416 = tpu.vector_load_idx %arg6[%add3A_415] : memref<16400xi32, #tpu.memory_space<vmem>>[vector<16xi32>], vector<16xi32>,
        %add3A_417 = vector.broadcast %scan3A_410 : i32 to vector<16xi32>
        %add3A_418 = arith.addi %mul3A_3, %add3A_417 : vector<16xi32>
        %gather3A_419 = tpu.vector_load_idx %arg8[%add3A_418] : memref<16400xi32, #tpu.memory_space<vmem>>[vector<16xi32>], vector<16xi32>,
        %shift_right_arithmetic3A = arith.constant 16 : i32
        %shift_right_arithmetic3A_420 = vector.broadcast %shift_right_arithmetic3A : i32 to vector<16xi32>
        %shift_right_arithmetic3A_421 = arith.shrsi %gather3A, %shift_right_arithmetic3A_420 : vector<16xi32>
        %and3A = arith.constant 255 : i32
        %and3A_422 = vector.broadcast %and3A : i32 to vector<16xi32>
        %and3A_423 = arith.andi %shift_right_arithmetic3A_421, %and3A_422 : vector<16xi32>
        %mul3A_424 = arith.constant 16 : i32
        %mul3A_425 = vector.broadcast %mul3A_424 : i32 to vector<16xi32>
        %mul3A_426 = arith.muli %and3A_423, %mul3A_425 : vector<16xi32>
        %add3A_427 = arith.addi %mul3A_426, %iota3A : vector<16xi32>
        %shift_right_arithmetic3A_428 = arith.constant 16 : i32
        %shift_right_arithmetic3A_429 = vector.broadcast %shift_right_arithmetic3A_428 : i32 to vector<16xi32>
        %shift_right_arithmetic3A_430 = arith.shrsi %gather3A_416, %shift_right_arithmetic3A_429 : vector<16xi32>
        %and3A_431 = arith.constant 255 : i32
        %and3A_432 = vector.broadcast %and3A_431 : i32 to vector<16xi32>
        %and3A_433 = arith.andi %shift_right_arithmetic3A_430, %and3A_432 : vector<16xi32>
        %mul3A_434 = arith.constant 16 : i32
        %mul3A_435 = vector.broadcast %mul3A_434 : i32 to vector<16xi32>
        %mul3A_436 = arith.muli %and3A_433, %mul3A_435 : vector<16xi32>
        %add3A_437 = arith.addi %mul3A_436, %iota3A : vector<16xi32>
        %shift_right_arithmetic3A_438 = arith.constant 16 : i32
        %shift_right_arithmetic3A_439 = vector.broadcast %shift_right_arithmetic3A_438 : i32 to vector<16xi32>
        %shift_right_arithmetic3A_440 = arith.shrsi %gather3A_419, %shift_right_arithmetic3A_439 : vector<16xi32>
        %and3A_441 = arith.constant 255 : i32
        %and3A_442 = vector.broadcast %and3A_441 : i32 to vector<16xi32>
        %and3A_443 = arith.andi %shift_right_arithmetic3A_440, %and3A_442 : vector<16xi32>
        %mul3A_444 = arith.constant 16 : i32
        %mul3A_445 = vector.broadcast %mul3A_444 : i32 to vector<16xi32>
        %mul3A_446 = arith.muli %and3A_443, %mul3A_445 : vector<16xi32>
        %add3A_447 = arith.addi %mul3A_446, %iota3A : vector<16xi32>
        %gather3A_448 = tpu.vector_load_idx %arg10[%add3A_427] : memref<4096xi32, #tpu.memory_space<vmem>>[vector<16xi32>], vector<16xi32>,
        %gather3A_449 = tpu.vector_load_idx %arg12[%add3A_437] : memref<4096xi32, #tpu.memory_space<vmem>>[vector<16xi32>], vector<16xi32>,
        %gather3A_450 = tpu.vector_load_idx %arg14[%add3A_447] : memref<4096xi32, #tpu.memory_space<vmem>>[vector<16xi32>], vector<16xi32>,
        %add3A_451 = arith.constant 1 : i32
        %add3A_452 = vector.broadcast %add3A_451 : i32 to vector<16xi32>
        %add3A_453 = arith.addi %gather3A_448, %add3A_452 : vector<16xi32>
        tpu.vector_store_idx %arg10[%add3A_427], %add3A_453 : memref<4096xi32, #tpu.memory_space<vmem>>[vector<16xi32>], vector<16xi32>,
        %add3A_454 = arith.constant 1 : i32
        %add3A_455 = vector.broadcast %add3A_454 : i32 to vector<16xi32>
        %add3A_456 = arith.addi %gather3A_449, %add3A_455 : vector<16xi32>
        tpu.vector_store_idx %arg12[%add3A_437], %add3A_456 : memref<4096xi32, #tpu.memory_space<vmem>>[vector<16xi32>], vector<16xi32>,
        %add3A_457 = arith.constant 1 : i32
        %add3A_458 = vector.broadcast %add3A_457 : i32 to vector<16xi32>
        %add3A_459 = arith.addi %gather3A_450, %add3A_458 : vector<16xi32>
        tpu.vector_store_idx %arg14[%add3A_447], %add3A_459 : memref<4096xi32, #tpu.memory_space<vmem>>[vector<16xi32>], vector<16xi32>,
        %and3A_460 = arith.constant 1 : i32
        %and3A_461 = vector.broadcast %and3A_460 : i32 to vector<16xi32>
        %and3A_462 = arith.andi %gather3A, %and3A_461 : vector<16xi32>
        tpu.vector_store_idx %arg5[%gather3A_448], %and3A_462 : memref<16400xi32, #tpu.memory_space<vmem>>[vector<16xi32>], vector<16xi32>,
        %and3A_463 = arith.constant 1 : i32
        %and3A_464 = vector.broadcast %and3A_463 : i32 to vector<16xi32>
        %and3A_465 = arith.andi %gather3A_416, %and3A_464 : vector<16xi32>
        tpu.vector_store_idx %arg7[%gather3A_449], %and3A_465 : memref<16400xi32, #tpu.memory_space<vmem>>[vector<16xi32>], vector<16xi32>,
        %and3A_466 = arith.constant 1 : i32
        %and3A_467 = vector.broadcast %and3A_466 : i32 to vector<16xi32>
        %and3A_468 = arith.andi %gather3A_419, %and3A_467 : vector<16xi32>
        tpu.vector_store_idx %arg9[%gather3A_450], %and3A_468 : memref<16400xi32, #tpu.memory_space<vmem>>[vector<16xi32>], vector<16xi32>,
        %scan3A_469 = arith.constant 0 : i32
        %scan3A_470 = arith.constant 1 : i32
        %scan3A_471 = arith.addi %scan3A_410, %scan3A_470 : i32
        %add3A_472 = vector.broadcast %scan3A_471 : i32 to vector<16xi32>
        %add3A_473 = arith.addi %mul3A_3, %add3A_472 : vector<16xi32>
        %gather3A_474 = tpu.vector_load_idx %arg4[%add3A_473] : memref<16400xi32, #tpu.memory_space<vmem>>[vector<16xi32>], vector<16xi32>,
        %add3A_475 = vector.broadcast %scan3A_471 : i32 to vector<16xi32>
        %add3A_476 = arith.addi %mul3A_3, %add3A_475 : vector<16xi32>
        %gather3A_477 = tpu.vector_load_idx %arg6[%add3A_476] : memref<16400xi32, #tpu.memory_space<vmem>>[vector<16xi32>], vector<16xi32>,
        %add3A_478 = vector.broadcast %scan3A_471 : i32 to vector<16xi32>
        %add3A_479 = arith.addi %mul3A_3, %add3A_478 : vector<16xi32>
        %gather3A_480 = tpu.vector_load_idx %arg8[%add3A_479] : memref<16400xi32, #tpu.memory_space<vmem>>[vector<16xi32>], vector<16xi32>,
        %shift_right_arithmetic3A_481 = arith.constant 16 : i32
        %shift_right_arithmetic3A_482 = vector.broadcast %shift_right_arithmetic3A_481 : i32 to vector<16xi32>
        %shift_right_arithmetic3A_483 = arith.shrsi %gather3A_474, %shift_right_arithmetic3A_482 : vector<16xi32>
        %and3A_484 = arith.constant 255 : i32
        %and3A_485 = vector.broadcast %and3A_484 : i32 to vector<16xi32>
        %and3A_486 = arith.andi %shift_right_arithmetic3A_483, %and3A_485 : vector<16xi32>
        %mul3A_487 = arith.constant 16 : i32
        %mul3A_488 = vector.broadcast %mul3A_487 : i32 to vector<16xi32>
        %mul3A_489 = arith.muli %and3A_486, %mul3A_488 : vector<16xi32>
        %add3A_490 = arith.addi %mul3A_489, %iota3A : vector<16xi32>
        %shift_right_arithmetic3A_491 = arith.constant 16 : i32
        %shift_right_arithmetic3A_492 = vector.broadcast %shift_right_arithmetic3A_491 : i32 to vector<16xi32>
        %shift_right_arithmetic3A_493 = arith.shrsi %gather3A_477, %shift_right_arithmetic3A_492 : vector<16xi32>
        %and3A_494 = arith.constant 255 : i32
        %and3A_495 = vector.broadcast %and3A_494 : i32 to vector<16xi32>
        %and3A_496 = arith.andi %shift_right_arithmetic3A_493, %and3A_495 : vector<16xi32>
        %mul3A_497 = arith.constant 16 : i32
        %mul3A_498 = vector.broadcast %mul3A_497 : i32 to vector<16xi32>
        %mul3A_499 = arith.muli %and3A_496, %mul3A_498 : vector<16xi32>
        %add3A_500 = arith.addi %mul3A_499, %iota3A : vector<16xi32>
        %shift_right_arithmetic3A_501 = arith.constant 16 : i32
        %shift_right_arithmetic3A_502 = vector.broadcast %shift_right_arithmetic3A_501 : i32 to vector<16xi32>
        %shift_right_arithmetic3A_503 = arith.shrsi %gather3A_480, %shift_right_arithmetic3A_502 : vector<16xi32>
        %and3A_504 = arith.constant 255 : i32
        %and3A_505 = vector.broadcast %and3A_504 : i32 to vector<16xi32>
        %and3A_506 = arith.andi %shift_right_arithmetic3A_503, %and3A_505 : vector<16xi32>
        %mul3A_507 = arith.constant 16 : i32
        %mul3A_508 = vector.broadcast %mul3A_507 : i32 to vector<16xi32>
        %mul3A_509 = arith.muli %and3A_506, %mul3A_508 : vector<16xi32>
        %add3A_510 = arith.addi %mul3A_509, %iota3A : vector<16xi32>
        %gather3A_511 = tpu.vector_load_idx %arg10[%add3A_490] : memref<4096xi32, #tpu.memory_space<vmem>>[vector<16xi32>], vector<16xi32>,
        %gather3A_512 = tpu.vector_load_idx %arg12[%add3A_500] : memref<4096xi32, #tpu.memory_space<vmem>>[vector<16xi32>], vector<16xi32>,
        %gather3A_513 = tpu.vector_load_idx %arg14[%add3A_510] : memref<4096xi32, #tpu.memory_space<vmem>>[vector<16xi32>], vector<16xi32>,
        %add3A_514 = arith.constant 1 : i32
        %add3A_515 = vector.broadcast %add3A_514 : i32 to vector<16xi32>
        %add3A_516 = arith.addi %gather3A_511, %add3A_515 : vector<16xi32>
        tpu.vector_store_idx %arg10[%add3A_490], %add3A_516 : memref<4096xi32, #tpu.memory_space<vmem>>[vector<16xi32>], vector<16xi32>,
        %add3A_517 = arith.constant 1 : i32
        %add3A_518 = vector.broadcast %add3A_517 : i32 to vector<16xi32>
        %add3A_519 = arith.addi %gather3A_512, %add3A_518 : vector<16xi32>
        tpu.vector_store_idx %arg12[%add3A_500], %add3A_519 : memref<4096xi32, #tpu.memory_space<vmem>>[vector<16xi32>], vector<16xi32>,
        %add3A_520 = arith.constant 1 : i32
        %add3A_521 = vector.broadcast %add3A_520 : i32 to vector<16xi32>
        %add3A_522 = arith.addi %gather3A_513, %add3A_521 : vector<16xi32>
        tpu.vector_store_idx %arg14[%add3A_510], %add3A_522 : memref<4096xi32, #tpu.memory_space<vmem>>[vector<16xi32>], vector<16xi32>,
        %and3A_523 = arith.constant 1 : i32
        %and3A_524 = vector.broadcast %and3A_523 : i32 to vector<16xi32>
        %and3A_525 = arith.andi %gather3A_474, %and3A_524 : vector<16xi32>
        tpu.vector_store_idx %arg5[%gather3A_511], %and3A_525 : memref<16400xi32, #tpu.memory_space<vmem>>[vector<16xi32>], vector<16xi32>,
        %and3A_526 = arith.constant 1 : i32
        %and3A_527 = vector.broadcast %and3A_526 : i32 to vector<16xi32>
        %and3A_528 = arith.andi %gather3A_477, %and3A_527 : vector<16xi32>
        tpu.vector_store_idx %arg7[%gather3A_512], %and3A_528 : memref<16400xi32, #tpu.memory_space<vmem>>[vector<16xi32>], vector<16xi32>,
        %and3A_529 = arith.constant 1 : i32
        %and3A_530 = vector.broadcast %and3A_529 : i32 to vector<16xi32>
        %and3A_531 = arith.andi %gather3A_480, %and3A_530 : vector<16xi32>
        tpu.vector_store_idx %arg9[%gather3A_513], %and3A_531 : memref<16400xi32, #tpu.memory_space<vmem>>[vector<16xi32>], vector<16xi32>,
        %scan3A_532 = arith.constant 0 : i32
        %scan3A_533 = arith.constant 2 : i32
        %scan3A_534 = arith.addi %scan3A_410, %scan3A_533 : i32
        %add3A_535 = vector.broadcast %scan3A_534 : i32 to vector<16xi32>
        %add3A_536 = arith.addi %mul3A_3, %add3A_535 : vector<16xi32>
        %gather3A_537 = tpu.vector_load_idx %arg4[%add3A_536] : memref<16400xi32, #tpu.memory_space<vmem>>[vector<16xi32>], vector<16xi32>,
        %add3A_538 = vector.broadcast %scan3A_534 : i32 to vector<16xi32>
        %add3A_539 = arith.addi %mul3A_3, %add3A_538 : vector<16xi32>
        %gather3A_540 = tpu.vector_load_idx %arg6[%add3A_539] : memref<16400xi32, #tpu.memory_space<vmem>>[vector<16xi32>], vector<16xi32>,
        %add3A_541 = vector.broadcast %scan3A_534 : i32 to vector<16xi32>
        %add3A_542 = arith.addi %mul3A_3, %add3A_541 : vector<16xi32>
        %gather3A_543 = tpu.vector_load_idx %arg8[%add3A_542] : memref<16400xi32, #tpu.memory_space<vmem>>[vector<16xi32>], vector<16xi32>,
        %shift_right_arithmetic3A_544 = arith.constant 16 : i32
        %shift_right_arithmetic3A_545 = vector.broadcast %shift_right_arithmetic3A_544 : i32 to vector<16xi32>
        %shift_right_arithmetic3A_546 = arith.shrsi %gather3A_537, %shift_right_arithmetic3A_545 : vector<16xi32>
        %and3A_547 = arith.constant 255 : i32
        %and3A_548 = vector.broadcast %and3A_547 : i32 to vector<16xi32>
        %and3A_549 = arith.andi %shift_right_arithmetic3A_546, %and3A_548 : vector<16xi32>
        %mul3A_550 = arith.constant 16 : i32
        %mul3A_551 = vector.broadcast %mul3A_550 : i32 to vector<16xi32>
        %mul3A_552 = arith.muli %and3A_549, %mul3A_551 : vector<16xi32>
        %add3A_553 = arith.addi %mul3A_552, %iota3A : vector<16xi32>
        %shift_right_arithmetic3A_554 = arith.constant 16 : i32
        %shift_right_arithmetic3A_555 = vector.broadcast %shift_right_arithmetic3A_554 : i32 to vector<16xi32>
        %shift_right_arithmetic3A_556 = arith.shrsi %gather3A_540, %shift_right_arithmetic3A_555 : vector<16xi32>
        %and3A_557 = arith.constant 255 : i32
        %and3A_558 = vector.broadcast %and3A_557 : i32 to vector<16xi32>
        %and3A_559 = arith.andi %shift_right_arithmetic3A_556, %and3A_558 : vector<16xi32>
        %mul3A_560 = arith.constant 16 : i32
        %mul3A_561 = vector.broadcast %mul3A_560 : i32 to vector<16xi32>
        %mul3A_562 = arith.muli %and3A_559, %mul3A_561 : vector<16xi32>
        %add3A_563 = arith.addi %mul3A_562, %iota3A : vector<16xi32>
        %shift_right_arithmetic3A_564 = arith.constant 16 : i32
        %shift_right_arithmetic3A_565 = vector.broadcast %shift_right_arithmetic3A_564 : i32 to vector<16xi32>
        %shift_right_arithmetic3A_566 = arith.shrsi %gather3A_543, %shift_right_arithmetic3A_565 : vector<16xi32>
        %and3A_567 = arith.constant 255 : i32
        %and3A_568 = vector.broadcast %and3A_567 : i32 to vector<16xi32>
        %and3A_569 = arith.andi %shift_right_arithmetic3A_566, %and3A_568 : vector<16xi32>
        %mul3A_570 = arith.constant 16 : i32
        %mul3A_571 = vector.broadcast %mul3A_570 : i32 to vector<16xi32>
        %mul3A_572 = arith.muli %and3A_569, %mul3A_571 : vector<16xi32>
        %add3A_573 = arith.addi %mul3A_572, %iota3A : vector<16xi32>
        %gather3A_574 = tpu.vector_load_idx %arg10[%add3A_553] : memref<4096xi32, #tpu.memory_space<vmem>>[vector<16xi32>], vector<16xi32>,
        %gather3A_575 = tpu.vector_load_idx %arg12[%add3A_563] : memref<4096xi32, #tpu.memory_space<vmem>>[vector<16xi32>], vector<16xi32>,
        %gather3A_576 = tpu.vector_load_idx %arg14[%add3A_573] : memref<4096xi32, #tpu.memory_space<vmem>>[vector<16xi32>], vector<16xi32>,
        %add3A_577 = arith.constant 1 : i32
        %add3A_578 = vector.broadcast %add3A_577 : i32 to vector<16xi32>
        %add3A_579 = arith.addi %gather3A_574, %add3A_578 : vector<16xi32>
        tpu.vector_store_idx %arg10[%add3A_553], %add3A_579 : memref<4096xi32, #tpu.memory_space<vmem>>[vector<16xi32>], vector<16xi32>,
        %add3A_580 = arith.constant 1 : i32
        %add3A_581 = vector.broadcast %add3A_580 : i32 to vector<16xi32>
        %add3A_582 = arith.addi %gather3A_575, %add3A_581 : vector<16xi32>
        tpu.vector_store_idx %arg12[%add3A_563], %add3A_582 : memref<4096xi32, #tpu.memory_space<vmem>>[vector<16xi32>], vector<16xi32>,
        %add3A_583 = arith.constant 1 : i32
        %add3A_584 = vector.broadcast %add3A_583 : i32 to vector<16xi32>
        %add3A_585 = arith.addi %gather3A_576, %add3A_584 : vector<16xi32>
        tpu.vector_store_idx %arg14[%add3A_573], %add3A_585 : memref<4096xi32, #tpu.memory_space<vmem>>[vector<16xi32>], vector<16xi32>,
        %and3A_586 = arith.constant 1 : i32
        %and3A_587 = vector.broadcast %and3A_586 : i32 to vector<16xi32>
        %and3A_588 = arith.andi %gather3A_537, %and3A_587 : vector<16xi32>
        tpu.vector_store_idx %arg5[%gather3A_574], %and3A_588 : memref<16400xi32, #tpu.memory_space<vmem>>[vector<16xi32>], vector<16xi32>,
        %and3A_589 = arith.constant 1 : i32
        %and3A_590 = vector.broadcast %and3A_589 : i32 to vector<16xi32>
        %and3A_591 = arith.andi %gather3A_540, %and3A_590 : vector<16xi32>
        tpu.vector_store_idx %arg7[%gather3A_575], %and3A_591 : memref<16400xi32, #tpu.memory_space<vmem>>[vector<16xi32>], vector<16xi32>,
        %and3A_592 = arith.constant 1 : i32
        %and3A_593 = vector.broadcast %and3A_592 : i32 to vector<16xi32>
        %and3A_594 = arith.andi %gather3A_543, %and3A_593 : vector<16xi32>
        tpu.vector_store_idx %arg9[%gather3A_576], %and3A_594 : memref<16400xi32, #tpu.memory_space<vmem>>[vector<16xi32>], vector<16xi32>,
        %scan3A_595 = arith.constant 0 : i32
        %scan3A_596 = arith.constant 3 : i32
        %scan3A_597 = arith.addi %scan3A_410, %scan3A_596 : i32
        %add3A_598 = vector.broadcast %scan3A_597 : i32 to vector<16xi32>
        %add3A_599 = arith.addi %mul3A_3, %add3A_598 : vector<16xi32>
        %gather3A_600 = tpu.vector_load_idx %arg4[%add3A_599] : memref<16400xi32, #tpu.memory_space<vmem>>[vector<16xi32>], vector<16xi32>,
        %add3A_601 = vector.broadcast %scan3A_597 : i32 to vector<16xi32>
        %add3A_602 = arith.addi %mul3A_3, %add3A_601 : vector<16xi32>
        %gather3A_603 = tpu.vector_load_idx %arg6[%add3A_602] : memref<16400xi32, #tpu.memory_space<vmem>>[vector<16xi32>], vector<16xi32>,
        %add3A_604 = vector.broadcast %scan3A_597 : i32 to vector<16xi32>
        %add3A_605 = arith.addi %mul3A_3, %add3A_604 : vector<16xi32>
        %gather3A_606 = tpu.vector_load_idx %arg8[%add3A_605] : memref<16400xi32, #tpu.memory_space<vmem>>[vector<16xi32>], vector<16xi32>,
        %shift_right_arithmetic3A_607 = arith.constant 16 : i32
        %shift_right_arithmetic3A_608 = vector.broadcast %shift_right_arithmetic3A_607 : i32 to vector<16xi32>
        %shift_right_arithmetic3A_609 = arith.shrsi %gather3A_600, %shift_right_arithmetic3A_608 : vector<16xi32>
        %and3A_610 = arith.constant 255 : i32
        %and3A_611 = vector.broadcast %and3A_610 : i32 to vector<16xi32>
        %and3A_612 = arith.andi %shift_right_arithmetic3A_609, %and3A_611 : vector<16xi32>
        %mul3A_613 = arith.constant 16 : i32
        %mul3A_614 = vector.broadcast %mul3A_613 : i32 to vector<16xi32>
        %mul3A_615 = arith.muli %and3A_612, %mul3A_614 : vector<16xi32>
        %add3A_616 = arith.addi %mul3A_615, %iota3A : vector<16xi32>
        %shift_right_arithmetic3A_617 = arith.constant 16 : i32
        %shift_right_arithmetic3A_618 = vector.broadcast %shift_right_arithmetic3A_617 : i32 to vector<16xi32>
        %shift_right_arithmetic3A_619 = arith.shrsi %gather3A_603, %shift_right_arithmetic3A_618 : vector<16xi32>
        %and3A_620 = arith.constant 255 : i32
        %and3A_621 = vector.broadcast %and3A_620 : i32 to vector<16xi32>
        %and3A_622 = arith.andi %shift_right_arithmetic3A_619, %and3A_621 : vector<16xi32>
        %mul3A_623 = arith.constant 16 : i32
        %mul3A_624 = vector.broadcast %mul3A_623 : i32 to vector<16xi32>
        %mul3A_625 = arith.muli %and3A_622, %mul3A_624 : vector<16xi32>
        %add3A_626 = arith.addi %mul3A_625, %iota3A : vector<16xi32>
        %shift_right_arithmetic3A_627 = arith.constant 16 : i32
        %shift_right_arithmetic3A_628 = vector.broadcast %shift_right_arithmetic3A_627 : i32 to vector<16xi32>
        %shift_right_arithmetic3A_629 = arith.shrsi %gather3A_606, %shift_right_arithmetic3A_628 : vector<16xi32>
        %and3A_630 = arith.constant 255 : i32
        %and3A_631 = vector.broadcast %and3A_630 : i32 to vector<16xi32>
        %and3A_632 = arith.andi %shift_right_arithmetic3A_629, %and3A_631 : vector<16xi32>
        %mul3A_633 = arith.constant 16 : i32
        %mul3A_634 = vector.broadcast %mul3A_633 : i32 to vector<16xi32>
        %mul3A_635 = arith.muli %and3A_632, %mul3A_634 : vector<16xi32>
        %add3A_636 = arith.addi %mul3A_635, %iota3A : vector<16xi32>
        %gather3A_637 = tpu.vector_load_idx %arg10[%add3A_616] : memref<4096xi32, #tpu.memory_space<vmem>>[vector<16xi32>], vector<16xi32>,
        %gather3A_638 = tpu.vector_load_idx %arg12[%add3A_626] : memref<4096xi32, #tpu.memory_space<vmem>>[vector<16xi32>], vector<16xi32>,
        %gather3A_639 = tpu.vector_load_idx %arg14[%add3A_636] : memref<4096xi32, #tpu.memory_space<vmem>>[vector<16xi32>], vector<16xi32>,
        %add3A_640 = arith.constant 1 : i32
        %add3A_641 = vector.broadcast %add3A_640 : i32 to vector<16xi32>
        %add3A_642 = arith.addi %gather3A_637, %add3A_641 : vector<16xi32>
        tpu.vector_store_idx %arg10[%add3A_616], %add3A_642 : memref<4096xi32, #tpu.memory_space<vmem>>[vector<16xi32>], vector<16xi32>,
        %add3A_643 = arith.constant 1 : i32
        %add3A_644 = vector.broadcast %add3A_643 : i32 to vector<16xi32>
        %add3A_645 = arith.addi %gather3A_638, %add3A_644 : vector<16xi32>
        tpu.vector_store_idx %arg12[%add3A_626], %add3A_645 : memref<4096xi32, #tpu.memory_space<vmem>>[vector<16xi32>], vector<16xi32>,
        %add3A_646 = arith.constant 1 : i32
        %add3A_647 = vector.broadcast %add3A_646 : i32 to vector<16xi32>
        %add3A_648 = arith.addi %gather3A_639, %add3A_647 : vector<16xi32>
        tpu.vector_store_idx %arg14[%add3A_636], %add3A_648 : memref<4096xi32, #tpu.memory_space<vmem>>[vector<16xi32>], vector<16xi32>,
        %and3A_649 = arith.constant 1 : i32
        %and3A_650 = vector.broadcast %and3A_649 : i32 to vector<16xi32>
        %and3A_651 = arith.andi %gather3A_600, %and3A_650 : vector<16xi32>
        tpu.vector_store_idx %arg5[%gather3A_637], %and3A_651 : memref<16400xi32, #tpu.memory_space<vmem>>[vector<16xi32>], vector<16xi32>,
        %and3A_652 = arith.constant 1 : i32
        %and3A_653 = vector.broadcast %and3A_652 : i32 to vector<16xi32>
        %and3A_654 = arith.andi %gather3A_603, %and3A_653 : vector<16xi32>
        tpu.vector_store_idx %arg7[%gather3A_638], %and3A_654 : memref<16400xi32, #tpu.memory_space<vmem>>[vector<16xi32>], vector<16xi32>,
        %and3A_655 = arith.constant 1 : i32
        %and3A_656 = vector.broadcast %and3A_655 : i32 to vector<16xi32>
        %and3A_657 = arith.andi %gather3A_606, %and3A_656 : vector<16xi32>
        tpu.vector_store_idx %arg9[%gather3A_639], %and3A_657 : memref<16400xi32, #tpu.memory_space<vmem>>[vector<16xi32>], vector<16xi32>,
        %scan3A_658 = arith.constant 0 : i32
        scf.yield %scan3A_658 : i32
      }
      %scan3A_309 = arith.constant 1024 : i32
      %add3A_310 = arith.constant 0 : i32
      %add3A_311 = arith.addi %add3A_211, %add3A_310 : i32
      %dma_start3A_312 = arith.constant 0 : i32
      %dma_start3A_313 = tpu.memref_slice %arg4[%dma_start3A_312] : memref<16400xi32, #tpu.memory_space<vmem>> -> memref<16384xi32, #tpu.memory_space<vmem>>
      %dma_start3A_314 = arith.constant 0 : i32
      %dma_start3A_315 = tpu.memref_slice %arg2[%add3A_311, %dma_start3A_314] : memref<2048x16384xi32, #tpu.memory_space<hbm>> -> memref<1x16384xi32, #tpu.memory_space<hbm>>
      %dma_start3A_316 = tpu.memref_squeeze %dma_start3A_315 : memref<1x16384xi32, #tpu.memory_space<hbm>> -> memref<16384xi32, #tpu.memory_space<hbm>>
      %dma_start3A_317 = arith.constant 0 : i32
      %dma_start3A_318 = tpu.memref_slice %arg4[%dma_start3A_317] : memref<16400xi32, #tpu.memory_space<vmem>> -> memref<16384xi32, #tpu.memory_space<vmem>>
      %dma_start3A_319 = arith.constant 0 : i32
      %dma_start3A_320 = tpu.memref_slice %arg2[%add3A_311, %dma_start3A_319] : memref<2048x16384xi32, #tpu.memory_space<hbm>> -> memref<1x16384xi32, #tpu.memory_space<hbm>>
      %dma_start3A_321 = tpu.memref_squeeze %dma_start3A_320 : memref<1x16384xi32, #tpu.memory_space<hbm>> -> memref<16384xi32, #tpu.memory_space<hbm>>
      tpu.enqueue_dma source(%dma_start3A_321 : memref<16384xi32, #tpu.memory_space<hbm>>) target(%dma_start3A_318 : memref<16384xi32, #tpu.memory_space<vmem>>) target_semaphore(%arg17 : memref<!tpu.dma_semaphore, #tpu.memory_space<semaphore_mem>>)
      %add3A_322 = arith.constant 1 : i32
      %add3A_323 = arith.addi %add3A_211, %add3A_322 : i32
      %dma_start3A_324 = arith.constant 0 : i32
      %dma_start3A_325 = tpu.memref_slice %arg6[%dma_start3A_324] : memref<16400xi32, #tpu.memory_space<vmem>> -> memref<16384xi32, #tpu.memory_space<vmem>>
      %dma_start3A_326 = arith.constant 0 : i32
      %dma_start3A_327 = tpu.memref_slice %arg2[%add3A_323, %dma_start3A_326] : memref<2048x16384xi32, #tpu.memory_space<hbm>> -> memref<1x16384xi32, #tpu.memory_space<hbm>>
      %dma_start3A_328 = tpu.memref_squeeze %dma_start3A_327 : memref<1x16384xi32, #tpu.memory_space<hbm>> -> memref<16384xi32, #tpu.memory_space<hbm>>
      %dma_start3A_329 = arith.constant 0 : i32
      %dma_start3A_330 = tpu.memref_slice %arg6[%dma_start3A_329] : memref<16400xi32, #tpu.memory_space<vmem>> -> memref<16384xi32, #tpu.memory_space<vmem>>
      %dma_start3A_331 = arith.constant 0 : i32
      %dma_start3A_332 = tpu.memref_slice %arg2[%add3A_323, %dma_start3A_331] : memref<2048x16384xi32, #tpu.memory_space<hbm>> -> memref<1x16384xi32, #tpu.memory_space<hbm>>
      %dma_start3A_333 = tpu.memref_squeeze %dma_start3A_332 : memref<1x16384xi32, #tpu.memory_space<hbm>> -> memref<16384xi32, #tpu.memory_space<hbm>>
      tpu.enqueue_dma source(%dma_start3A_333 : memref<16384xi32, #tpu.memory_space<hbm>>) target(%dma_start3A_330 : memref<16384xi32, #tpu.memory_space<vmem>>) target_semaphore(%arg17 : memref<!tpu.dma_semaphore, #tpu.memory_space<semaphore_mem>>)
      %add3A_334 = arith.constant 2 : i32
      %add3A_335 = arith.addi %add3A_211, %add3A_334 : i32
      %dma_start3A_336 = arith.constant 0 : i32
      %dma_start3A_337 = tpu.memref_slice %arg8[%dma_start3A_336] : memref<16400xi32, #tpu.memory_space<vmem>> -> memref<16384xi32, #tpu.memory_space<vmem>>
      %dma_start3A_338 = arith.constant 0 : i32
      %dma_start3A_339 = tpu.memref_slice %arg2[%add3A_335, %dma_start3A_338] : memref<2048x16384xi32, #tpu.memory_space<hbm>> -> memref<1x16384xi32, #tpu.memory_space<hbm>>
      %dma_start3A_340 = tpu.memref_squeeze %dma_start3A_339 : memref<1x16384xi32, #tpu.memory_space<hbm>> -> memref<16384xi32, #tpu.memory_space<hbm>>
      %dma_start3A_341 = arith.constant 0 : i32
      %dma_start3A_342 = tpu.memref_slice %arg8[%dma_start3A_341] : memref<16400xi32, #tpu.memory_space<vmem>> -> memref<16384xi32, #tpu.memory_space<vmem>>
      %dma_start3A_343 = arith.constant 0 : i32
      %dma_start3A_344 = tpu.memref_slice %arg2[%add3A_335, %dma_start3A_343] : memref<2048x16384xi32, #tpu.memory_space<hbm>> -> memref<1x16384xi32, #tpu.memory_space<hbm>>
      %dma_start3A_345 = tpu.memref_squeeze %dma_start3A_344 : memref<1x16384xi32, #tpu.memory_space<hbm>> -> memref<16384xi32, #tpu.memory_space<hbm>>
      tpu.enqueue_dma source(%dma_start3A_345 : memref<16384xi32, #tpu.memory_space<hbm>>) target(%dma_start3A_342 : memref<16384xi32, #tpu.memory_space<vmem>>) target_semaphore(%arg17 : memref<!tpu.dma_semaphore, #tpu.memory_space<semaphore_mem>>)
      %add3A_346 = arith.constant 1 : i32
      %add3A_347 = vector.broadcast %add3A_346 : i32 to vector<16xi32>
      %add3A_348 = arith.addi %iota3A, %add3A_347 : vector<16xi32>
      %scan3A_349 = arith.constant 0 : i32
      %scan3A_350 = arith.constant 0 : i32
      %scan3A_351 = arith.constant 0 : i32
      %scan3A_352 = arith.constant 0 : i32
      %scan3A_353 = arith.constant 1024 : i32
      %scan3A_354 = arith.addi %scan3A_352, %scan3A_353 : i32
      %scan3A_355 = arith.constant 4 : i32
      %scan3A_356:6 = scf.for %scan3A_410 = %scan3A_352 to %scan3A_354 step %scan3A_355 iter_args(%scan3A_411 = %convert_element_type3A, %scan3A_412 = %convert_element_type3A, %scan3A_413 = %convert_element_type3A, %scan3A_414 = %scan3A_349, %scan3A_415 = %scan3A_350, %scan3A_416 = %scan3A_351) -> (vector<16xf32>, vector<16xf32>, vector<16xf32>, i32, i32, i32)  : i32 {
        %mul3A_417 = arith.constant 16 : i32
        %mul3A_418 = arith.muli %scan3A_410, %mul3A_417 : i32
        %get3A = arith.index_cast %mul3A_418 : i32 to index
        %get3A_419 = tpu.vector_load %arg5[%get3A] {strides = array<i32>} : memref<16400xi32, #tpu.memory_space<vmem>>, vector<16xi32>,
        %mul3A_420 = arith.constant 16 : i32
        %mul3A_421 = arith.muli %scan3A_410, %mul3A_420 : i32
        %get3A_422 = arith.index_cast %mul3A_421 : i32 to index
        %get3A_423 = tpu.vector_load %arg7[%get3A_422] {strides = array<i32>} : memref<16400xi32, #tpu.memory_space<vmem>>, vector<16xi32>,
        %mul3A_424 = arith.constant 16 : i32
        %mul3A_425 = arith.muli %scan3A_410, %mul3A_424 : i32
        %get3A_426 = arith.index_cast %mul3A_425 : i32 to index
        %get3A_427 = tpu.vector_load %arg9[%get3A_426] {strides = array<i32>} : memref<16400xi32, #tpu.memory_space<vmem>>, vector<16xi32>,
        %broadcast_in_dim3A_428 = arith.constant true
        %broadcast_in_dim3A_429 = vector.broadcast %broadcast_in_dim3A_428 : i1 to vector<16xi1>
        %masked_cumsum3A = tpu.scan <sum>, %get3A_419 masked %broadcast_in_dim3A_429 : vector<16xi32>, vector<16xi1> -> vector<16xi32>
        %add3A_430 = vector.broadcast %scan3A_414 : i32 to vector<16xi32>
        %add3A_431 = arith.addi %masked_cumsum3A, %add3A_430 : vector<16xi32>
        %broadcast_in_dim3A_432 = arith.constant true
        %broadcast_in_dim3A_433 = vector.broadcast %broadcast_in_dim3A_432 : i1 to vector<16xi1>
        %masked_cumsum3A_434 = tpu.scan <sum>, %get3A_423 masked %broadcast_in_dim3A_433 : vector<16xi32>, vector<16xi1> -> vector<16xi32>
        %add3A_435 = vector.broadcast %scan3A_415 : i32 to vector<16xi32>
        %add3A_436 = arith.addi %masked_cumsum3A_434, %add3A_435 : vector<16xi32>
        %broadcast_in_dim3A_437 = arith.constant true
        %broadcast_in_dim3A_438 = vector.broadcast %broadcast_in_dim3A_437 : i1 to vector<16xi1>
        %masked_cumsum3A_439 = tpu.scan <sum>, %get3A_427 masked %broadcast_in_dim3A_438 : vector<16xi32>, vector<16xi1> -> vector<16xi32>
        %add3A_440 = vector.broadcast %scan3A_416 : i32 to vector<16xi32>
        %add3A_441 = arith.addi %masked_cumsum3A_439, %add3A_440 : vector<16xi32>
        %mul3A_442 = arith.constant 16 : i32
        %mul3A_443 = arith.muli %scan3A_410, %mul3A_442 : i32
        %add3A_444 = vector.broadcast %mul3A_443 : i32 to vector<16xi32>
        %add3A_445 = arith.addi %add3A_348, %add3A_444 : vector<16xi32>
        %convert_element_type3A_446 = arith.sitofp %add3A_445 : vector<16xi32> to vector<16xf32>
        %convert_element_type3A_447 = arith.sitofp %get3A_419 : vector<16xi32> to vector<16xf32>
        %convert_element_type3A_448 = arith.sitofp %add3A_431 : vector<16xi32> to vector<16xf32>
        %mul3A_449 = arith.mulf %convert_element_type3A_447, %convert_element_type3A_448 : vector<16xf32>
        %div3A_450 = arith.divf %mul3A_449, %convert_element_type3A_446 : vector<16xf32>
        %add3A_451 = arith.addf %scan3A_411, %div3A_450 : vector<16xf32>
        %convert_element_type3A_452 = arith.sitofp %get3A_423 : vector<16xi32> to vector<16xf32>
        %convert_element_type3A_453 = arith.sitofp %add3A_436 : vector<16xi32> to vector<16xf32>
        %mul3A_454 = arith.mulf %convert_element_type3A_452, %convert_element_type3A_453 : vector<16xf32>
        %div3A_455 = arith.divf %mul3A_454, %convert_element_type3A_446 : vector<16xf32>
        %add3A_456 = arith.addf %scan3A_412, %div3A_455 : vector<16xf32>
        %convert_element_type3A_457 = arith.sitofp %get3A_427 : vector<16xi32> to vector<16xf32>
        %convert_element_type3A_458 = arith.sitofp %add3A_441 : vector<16xi32> to vector<16xf32>
        %mul3A_459 = arith.mulf %convert_element_type3A_457, %convert_element_type3A_458 : vector<16xf32>
        %div3A_460 = arith.divf %mul3A_459, %convert_element_type3A_446 : vector<16xf32>
        %add3A_461 = arith.addf %scan3A_413, %div3A_460 : vector<16xf32>
        %slice3A = vector.extract_strided_slice %add3A_431 {offsets = [15], sizes = [1], strides = [1]} : vector<16xi32> to vector<1xi32>
        %squeeze3A = vector.extract %slice3A[0] : i32 from vector<1xi32>
        %slice3A_462 = vector.extract_strided_slice %add3A_436 {offsets = [15], sizes = [1], strides = [1]} : vector<16xi32> to vector<1xi32>
        %squeeze3A_463 = vector.extract %slice3A_462[0] : i32 from vector<1xi32>
        %slice3A_464 = vector.extract_strided_slice %add3A_441 {offsets = [15], sizes = [1], strides = [1]} : vector<16xi32> to vector<1xi32>
        %squeeze3A_465 = vector.extract %slice3A_464[0] : i32 from vector<1xi32>
        %scan3A_466 = arith.constant 1 : i32
        %scan3A_467 = arith.addi %scan3A_410, %scan3A_466 : i32
        %mul3A_468 = arith.constant 16 : i32
        %mul3A_469 = arith.muli %scan3A_467, %mul3A_468 : i32
        %get3A_470 = arith.index_cast %mul3A_469 : i32 to index
        %get3A_471 = tpu.vector_load %arg5[%get3A_470] {strides = array<i32>} : memref<16400xi32, #tpu.memory_space<vmem>>, vector<16xi32>,
        %mul3A_472 = arith.constant 16 : i32
        %mul3A_473 = arith.muli %scan3A_467, %mul3A_472 : i32
        %get3A_474 = arith.index_cast %mul3A_473 : i32 to index
        %get3A_475 = tpu.vector_load %arg7[%get3A_474] {strides = array<i32>} : memref<16400xi32, #tpu.memory_space<vmem>>, vector<16xi32>,
        %mul3A_476 = arith.constant 16 : i32
        %mul3A_477 = arith.muli %scan3A_467, %mul3A_476 : i32
        %get3A_478 = arith.index_cast %mul3A_477 : i32 to index
        %get3A_479 = tpu.vector_load %arg9[%get3A_478] {strides = array<i32>} : memref<16400xi32, #tpu.memory_space<vmem>>, vector<16xi32>,
        %broadcast_in_dim3A_480 = arith.constant true
        %broadcast_in_dim3A_481 = vector.broadcast %broadcast_in_dim3A_480 : i1 to vector<16xi1>
        %masked_cumsum3A_482 = tpu.scan <sum>, %get3A_471 masked %broadcast_in_dim3A_481 : vector<16xi32>, vector<16xi1> -> vector<16xi32>
        %add3A_483 = vector.broadcast %squeeze3A : i32 to vector<16xi32>
        %add3A_484 = arith.addi %masked_cumsum3A_482, %add3A_483 : vector<16xi32>
        %broadcast_in_dim3A_485 = arith.constant true
        %broadcast_in_dim3A_486 = vector.broadcast %broadcast_in_dim3A_485 : i1 to vector<16xi1>
        %masked_cumsum3A_487 = tpu.scan <sum>, %get3A_475 masked %broadcast_in_dim3A_486 : vector<16xi32>, vector<16xi1> -> vector<16xi32>
        %add3A_488 = vector.broadcast %squeeze3A_463 : i32 to vector<16xi32>
        %add3A_489 = arith.addi %masked_cumsum3A_487, %add3A_488 : vector<16xi32>
        %broadcast_in_dim3A_490 = arith.constant true
        %broadcast_in_dim3A_491 = vector.broadcast %broadcast_in_dim3A_490 : i1 to vector<16xi1>
        %masked_cumsum3A_492 = tpu.scan <sum>, %get3A_479 masked %broadcast_in_dim3A_491 : vector<16xi32>, vector<16xi1> -> vector<16xi32>
        %add3A_493 = vector.broadcast %squeeze3A_465 : i32 to vector<16xi32>
        %add3A_494 = arith.addi %masked_cumsum3A_492, %add3A_493 : vector<16xi32>
        %mul3A_495 = arith.constant 16 : i32
        %mul3A_496 = arith.muli %scan3A_467, %mul3A_495 : i32
        %add3A_497 = vector.broadcast %mul3A_496 : i32 to vector<16xi32>
        %add3A_498 = arith.addi %add3A_348, %add3A_497 : vector<16xi32>
        %convert_element_type3A_499 = arith.sitofp %add3A_498 : vector<16xi32> to vector<16xf32>
        %convert_element_type3A_500 = arith.sitofp %get3A_471 : vector<16xi32> to vector<16xf32>
        %convert_element_type3A_501 = arith.sitofp %add3A_484 : vector<16xi32> to vector<16xf32>
        %mul3A_502 = arith.mulf %convert_element_type3A_500, %convert_element_type3A_501 : vector<16xf32>
        %div3A_503 = arith.divf %mul3A_502, %convert_element_type3A_499 : vector<16xf32>
        %add3A_504 = arith.addf %add3A_451, %div3A_503 : vector<16xf32>
        %convert_element_type3A_505 = arith.sitofp %get3A_475 : vector<16xi32> to vector<16xf32>
        %convert_element_type3A_506 = arith.sitofp %add3A_489 : vector<16xi32> to vector<16xf32>
        %mul3A_507 = arith.mulf %convert_element_type3A_505, %convert_element_type3A_506 : vector<16xf32>
        %div3A_508 = arith.divf %mul3A_507, %convert_element_type3A_499 : vector<16xf32>
        %add3A_509 = arith.addf %add3A_456, %div3A_508 : vector<16xf32>
        %convert_element_type3A_510 = arith.sitofp %get3A_479 : vector<16xi32> to vector<16xf32>
        %convert_element_type3A_511 = arith.sitofp %add3A_494 : vector<16xi32> to vector<16xf32>
        %mul3A_512 = arith.mulf %convert_element_type3A_510, %convert_element_type3A_511 : vector<16xf32>
        %div3A_513 = arith.divf %mul3A_512, %convert_element_type3A_499 : vector<16xf32>
        %add3A_514 = arith.addf %add3A_461, %div3A_513 : vector<16xf32>
        %slice3A_515 = vector.extract_strided_slice %add3A_484 {offsets = [15], sizes = [1], strides = [1]} : vector<16xi32> to vector<1xi32>
        %squeeze3A_516 = vector.extract %slice3A_515[0] : i32 from vector<1xi32>
        %slice3A_517 = vector.extract_strided_slice %add3A_489 {offsets = [15], sizes = [1], strides = [1]} : vector<16xi32> to vector<1xi32>
        %squeeze3A_518 = vector.extract %slice3A_517[0] : i32 from vector<1xi32>
        %slice3A_519 = vector.extract_strided_slice %add3A_494 {offsets = [15], sizes = [1], strides = [1]} : vector<16xi32> to vector<1xi32>
        %squeeze3A_520 = vector.extract %slice3A_519[0] : i32 from vector<1xi32>
        %scan3A_521 = arith.constant 2 : i32
        %scan3A_522 = arith.addi %scan3A_410, %scan3A_521 : i32
        %mul3A_523 = arith.constant 16 : i32
        %mul3A_524 = arith.muli %scan3A_522, %mul3A_523 : i32
        %get3A_525 = arith.index_cast %mul3A_524 : i32 to index
        %get3A_526 = tpu.vector_load %arg5[%get3A_525] {strides = array<i32>} : memref<16400xi32, #tpu.memory_space<vmem>>, vector<16xi32>,
        %mul3A_527 = arith.constant 16 : i32
        %mul3A_528 = arith.muli %scan3A_522, %mul3A_527 : i32
        %get3A_529 = arith.index_cast %mul3A_528 : i32 to index
        %get3A_530 = tpu.vector_load %arg7[%get3A_529] {strides = array<i32>} : memref<16400xi32, #tpu.memory_space<vmem>>, vector<16xi32>,
        %mul3A_531 = arith.constant 16 : i32
        %mul3A_532 = arith.muli %scan3A_522, %mul3A_531 : i32
        %get3A_533 = arith.index_cast %mul3A_532 : i32 to index
        %get3A_534 = tpu.vector_load %arg9[%get3A_533] {strides = array<i32>} : memref<16400xi32, #tpu.memory_space<vmem>>, vector<16xi32>,
        %broadcast_in_dim3A_535 = arith.constant true
        %broadcast_in_dim3A_536 = vector.broadcast %broadcast_in_dim3A_535 : i1 to vector<16xi1>
        %masked_cumsum3A_537 = tpu.scan <sum>, %get3A_526 masked %broadcast_in_dim3A_536 : vector<16xi32>, vector<16xi1> -> vector<16xi32>
        %add3A_538 = vector.broadcast %squeeze3A_516 : i32 to vector<16xi32>
        %add3A_539 = arith.addi %masked_cumsum3A_537, %add3A_538 : vector<16xi32>
        %broadcast_in_dim3A_540 = arith.constant true
        %broadcast_in_dim3A_541 = vector.broadcast %broadcast_in_dim3A_540 : i1 to vector<16xi1>
        %masked_cumsum3A_542 = tpu.scan <sum>, %get3A_530 masked %broadcast_in_dim3A_541 : vector<16xi32>, vector<16xi1> -> vector<16xi32>
        %add3A_543 = vector.broadcast %squeeze3A_518 : i32 to vector<16xi32>
        %add3A_544 = arith.addi %masked_cumsum3A_542, %add3A_543 : vector<16xi32>
        %broadcast_in_dim3A_545 = arith.constant true
        %broadcast_in_dim3A_546 = vector.broadcast %broadcast_in_dim3A_545 : i1 to vector<16xi1>
        %masked_cumsum3A_547 = tpu.scan <sum>, %get3A_534 masked %broadcast_in_dim3A_546 : vector<16xi32>, vector<16xi1> -> vector<16xi32>
        %add3A_548 = vector.broadcast %squeeze3A_520 : i32 to vector<16xi32>
        %add3A_549 = arith.addi %masked_cumsum3A_547, %add3A_548 : vector<16xi32>
        %mul3A_550 = arith.constant 16 : i32
        %mul3A_551 = arith.muli %scan3A_522, %mul3A_550 : i32
        %add3A_552 = vector.broadcast %mul3A_551 : i32 to vector<16xi32>
        %add3A_553 = arith.addi %add3A_348, %add3A_552 : vector<16xi32>
        %convert_element_type3A_554 = arith.sitofp %add3A_553 : vector<16xi32> to vector<16xf32>
        %convert_element_type3A_555 = arith.sitofp %get3A_526 : vector<16xi32> to vector<16xf32>
        %convert_element_type3A_556 = arith.sitofp %add3A_539 : vector<16xi32> to vector<16xf32>
        %mul3A_557 = arith.mulf %convert_element_type3A_555, %convert_element_type3A_556 : vector<16xf32>
        %div3A_558 = arith.divf %mul3A_557, %convert_element_type3A_554 : vector<16xf32>
        %add3A_559 = arith.addf %add3A_504, %div3A_558 : vector<16xf32>
        %convert_element_type3A_560 = arith.sitofp %get3A_530 : vector<16xi32> to vector<16xf32>
        %convert_element_type3A_561 = arith.sitofp %add3A_544 : vector<16xi32> to vector<16xf32>
        %mul3A_562 = arith.mulf %convert_element_type3A_560, %convert_element_type3A_561 : vector<16xf32>
        %div3A_563 = arith.divf %mul3A_562, %convert_element_type3A_554 : vector<16xf32>
        %add3A_564 = arith.addf %add3A_509, %div3A_563 : vector<16xf32>
        %convert_element_type3A_565 = arith.sitofp %get3A_534 : vector<16xi32> to vector<16xf32>
        %convert_element_type3A_566 = arith.sitofp %add3A_549 : vector<16xi32> to vector<16xf32>
        %mul3A_567 = arith.mulf %convert_element_type3A_565, %convert_element_type3A_566 : vector<16xf32>
        %div3A_568 = arith.divf %mul3A_567, %convert_element_type3A_554 : vector<16xf32>
        %add3A_569 = arith.addf %add3A_514, %div3A_568 : vector<16xf32>
        %slice3A_570 = vector.extract_strided_slice %add3A_539 {offsets = [15], sizes = [1], strides = [1]} : vector<16xi32> to vector<1xi32>
        %squeeze3A_571 = vector.extract %slice3A_570[0] : i32 from vector<1xi32>
        %slice3A_572 = vector.extract_strided_slice %add3A_544 {offsets = [15], sizes = [1], strides = [1]} : vector<16xi32> to vector<1xi32>
        %squeeze3A_573 = vector.extract %slice3A_572[0] : i32 from vector<1xi32>
        %slice3A_574 = vector.extract_strided_slice %add3A_549 {offsets = [15], sizes = [1], strides = [1]} : vector<16xi32> to vector<1xi32>
        %squeeze3A_575 = vector.extract %slice3A_574[0] : i32 from vector<1xi32>
        %scan3A_576 = arith.constant 3 : i32
        %scan3A_577 = arith.addi %scan3A_410, %scan3A_576 : i32
        %mul3A_578 = arith.constant 16 : i32
        %mul3A_579 = arith.muli %scan3A_577, %mul3A_578 : i32
        %get3A_580 = arith.index_cast %mul3A_579 : i32 to index
        %get3A_581 = tpu.vector_load %arg5[%get3A_580] {strides = array<i32>} : memref<16400xi32, #tpu.memory_space<vmem>>, vector<16xi32>,
        %mul3A_582 = arith.constant 16 : i32
        %mul3A_583 = arith.muli %scan3A_577, %mul3A_582 : i32
        %get3A_584 = arith.index_cast %mul3A_583 : i32 to index
        %get3A_585 = tpu.vector_load %arg7[%get3A_584] {strides = array<i32>} : memref<16400xi32, #tpu.memory_space<vmem>>, vector<16xi32>,
        %mul3A_586 = arith.constant 16 : i32
        %mul3A_587 = arith.muli %scan3A_577, %mul3A_586 : i32
        %get3A_588 = arith.index_cast %mul3A_587 : i32 to index
        %get3A_589 = tpu.vector_load %arg9[%get3A_588] {strides = array<i32>} : memref<16400xi32, #tpu.memory_space<vmem>>, vector<16xi32>,
        %broadcast_in_dim3A_590 = arith.constant true
        %broadcast_in_dim3A_591 = vector.broadcast %broadcast_in_dim3A_590 : i1 to vector<16xi1>
        %masked_cumsum3A_592 = tpu.scan <sum>, %get3A_581 masked %broadcast_in_dim3A_591 : vector<16xi32>, vector<16xi1> -> vector<16xi32>
        %add3A_593 = vector.broadcast %squeeze3A_571 : i32 to vector<16xi32>
        %add3A_594 = arith.addi %masked_cumsum3A_592, %add3A_593 : vector<16xi32>
        %broadcast_in_dim3A_595 = arith.constant true
        %broadcast_in_dim3A_596 = vector.broadcast %broadcast_in_dim3A_595 : i1 to vector<16xi1>
        %masked_cumsum3A_597 = tpu.scan <sum>, %get3A_585 masked %broadcast_in_dim3A_596 : vector<16xi32>, vector<16xi1> -> vector<16xi32>
        %add3A_598 = vector.broadcast %squeeze3A_573 : i32 to vector<16xi32>
        %add3A_599 = arith.addi %masked_cumsum3A_597, %add3A_598 : vector<16xi32>
        %broadcast_in_dim3A_600 = arith.constant true
        %broadcast_in_dim3A_601 = vector.broadcast %broadcast_in_dim3A_600 : i1 to vector<16xi1>
        %masked_cumsum3A_602 = tpu.scan <sum>, %get3A_589 masked %broadcast_in_dim3A_601 : vector<16xi32>, vector<16xi1> -> vector<16xi32>
        %add3A_603 = vector.broadcast %squeeze3A_575 : i32 to vector<16xi32>
        %add3A_604 = arith.addi %masked_cumsum3A_602, %add3A_603 : vector<16xi32>
        %mul3A_605 = arith.constant 16 : i32
        %mul3A_606 = arith.muli %scan3A_577, %mul3A_605 : i32
        %add3A_607 = vector.broadcast %mul3A_606 : i32 to vector<16xi32>
        %add3A_608 = arith.addi %add3A_348, %add3A_607 : vector<16xi32>
        %convert_element_type3A_609 = arith.sitofp %add3A_608 : vector<16xi32> to vector<16xf32>
        %convert_element_type3A_610 = arith.sitofp %get3A_581 : vector<16xi32> to vector<16xf32>
        %convert_element_type3A_611 = arith.sitofp %add3A_594 : vector<16xi32> to vector<16xf32>
        %mul3A_612 = arith.mulf %convert_element_type3A_610, %convert_element_type3A_611 : vector<16xf32>
        %div3A_613 = arith.divf %mul3A_612, %convert_element_type3A_609 : vector<16xf32>
        %add3A_614 = arith.addf %add3A_559, %div3A_613 : vector<16xf32>
        %convert_element_type3A_615 = arith.sitofp %get3A_585 : vector<16xi32> to vector<16xf32>
        %convert_element_type3A_616 = arith.sitofp %add3A_599 : vector<16xi32> to vector<16xf32>
        %mul3A_617 = arith.mulf %convert_element_type3A_615, %convert_element_type3A_616 : vector<16xf32>
        %div3A_618 = arith.divf %mul3A_617, %convert_element_type3A_609 : vector<16xf32>
        %add3A_619 = arith.addf %add3A_564, %div3A_618 : vector<16xf32>
        %convert_element_type3A_620 = arith.sitofp %get3A_589 : vector<16xi32> to vector<16xf32>
        %convert_element_type3A_621 = arith.sitofp %add3A_604 : vector<16xi32> to vector<16xf32>
        %mul3A_622 = arith.mulf %convert_element_type3A_620, %convert_element_type3A_621 : vector<16xf32>
        %div3A_623 = arith.divf %mul3A_622, %convert_element_type3A_609 : vector<16xf32>
        %add3A_624 = arith.addf %add3A_569, %div3A_623 : vector<16xf32>
        %slice3A_625 = vector.extract_strided_slice %add3A_594 {offsets = [15], sizes = [1], strides = [1]} : vector<16xi32> to vector<1xi32>
        %squeeze3A_626 = vector.extract %slice3A_625[0] : i32 from vector<1xi32>
        %slice3A_627 = vector.extract_strided_slice %add3A_599 {offsets = [15], sizes = [1], strides = [1]} : vector<16xi32> to vector<1xi32>
        %squeeze3A_628 = vector.extract %slice3A_627[0] : i32 from vector<1xi32>
        %slice3A_629 = vector.extract_strided_slice %add3A_604 {offsets = [15], sizes = [1], strides = [1]} : vector<16xi32> to vector<1xi32>
        %squeeze3A_630 = vector.extract %slice3A_629[0] : i32 from vector<1xi32>
        scf.yield %add3A_614, %add3A_619, %add3A_624, %squeeze3A_626, %squeeze3A_628, %squeeze3A_630 : vector<16xf32>, vector<16xf32>, vector<16xf32>, i32, i32, i32
      }
      %scan3A_357 = arith.constant 1024 : i32
      %reduce_sum3A_358 = arith.constant true
      %reduce_sum3A_359 = vector.broadcast %reduce_sum3A_358 : i1 to vector<16xi1>
      %reduce_sum3A_360 = tpu.scan <sum>, %scan3A_356#0 masked %reduce_sum3A_359 : vector<16xf32>, vector<16xi1> -> vector<16xf32>
      %reduce_sum3A_361 = vector.extract %reduce_sum3A_360[15] : f32 from vector<16xf32>
      %convert_element_type3A_362 = arith.sitofp %scan3A_356#3 : i32 to f32
      %add3A_363 = arith.constant 9.99999974E-6 : f32
      %add3A_364 = arith.addf %convert_element_type3A_362, %add3A_363 : f32
      %broadcast_in_dim3A_365 = vector.broadcast %reduce_sum3A_361 : f32 to vector<16xf32>
      %broadcast_in_dim3A_366 = vector.broadcast %add3A_364 : f32 to vector<16xf32>
      %div3A_367 = arith.divf %broadcast_in_dim3A_365, %broadcast_in_dim3A_366 : vector<16xf32>
      %add3A_368 = arith.constant 0 : i32
      %add3A_369 = arith.addi %mul3A_206, %add3A_368 : i32
      %add3A_370 = vector.broadcast %add3A_369 : i32 to vector<16xi32>
      %add3A_371 = arith.addi %broadcast_in_dim3A_4, %add3A_370 : vector<16xi32>
      %lt3A_372 = arith.constant 1 : i32
      %lt3A_373 = vector.broadcast %lt3A_372 : i32 to vector<16xi32>
      %lt3A_374 = arith.cmpi slt, %iota3A, %lt3A_373 : vector<16xi32>
      tpu.vector_store_idx %arg16[%add3A_371], %div3A_367 masked %lt3A_374 : memref<64xf32, #tpu.memory_space<vmem>>[vector<16xi32>], vector<16xf32>, vector<16xi1>
      %reduce_sum3A_375 = arith.constant true
      %reduce_sum3A_376 = vector.broadcast %reduce_sum3A_375 : i1 to vector<16xi1>
      %reduce_sum3A_377 = tpu.scan <sum>, %scan3A_356#1 masked %reduce_sum3A_376 : vector<16xf32>, vector<16xi1> -> vector<16xf32>
      %reduce_sum3A_378 = vector.extract %reduce_sum3A_377[15] : f32 from vector<16xf32>
      %convert_element_type3A_379 = arith.sitofp %scan3A_356#4 : i32 to f32
      %add3A_380 = arith.constant 9.99999974E-6 : f32
      %add3A_381 = arith.addf %convert_element_type3A_379, %add3A_380 : f32
      %broadcast_in_dim3A_382 = vector.broadcast %reduce_sum3A_378 : f32 to vector<16xf32>
      %broadcast_in_dim3A_383 = vector.broadcast %add3A_381 : f32 to vector<16xf32>
      %div3A_384 = arith.divf %broadcast_in_dim3A_382, %broadcast_in_dim3A_383 : vector<16xf32>
      %add3A_385 = arith.constant 1 : i32
      %add3A_386 = arith.addi %mul3A_206, %add3A_385 : i32
      %add3A_387 = vector.broadcast %add3A_386 : i32 to vector<16xi32>
      %add3A_388 = arith.addi %broadcast_in_dim3A_4, %add3A_387 : vector<16xi32>
      %lt3A_389 = arith.constant 1 : i32
      %lt3A_390 = vector.broadcast %lt3A_389 : i32 to vector<16xi32>
      %lt3A_391 = arith.cmpi slt, %iota3A, %lt3A_390 : vector<16xi32>
      tpu.vector_store_idx %arg16[%add3A_388], %div3A_384 masked %lt3A_391 : memref<64xf32, #tpu.memory_space<vmem>>[vector<16xi32>], vector<16xf32>, vector<16xi1>
      %reduce_sum3A_392 = arith.constant true
      %reduce_sum3A_393 = vector.broadcast %reduce_sum3A_392 : i1 to vector<16xi1>
      %reduce_sum3A_394 = tpu.scan <sum>, %scan3A_356#2 masked %reduce_sum3A_393 : vector<16xf32>, vector<16xi1> -> vector<16xf32>
      %reduce_sum3A_395 = vector.extract %reduce_sum3A_394[15] : f32 from vector<16xf32>
      %convert_element_type3A_396 = arith.sitofp %scan3A_356#5 : i32 to f32
      %add3A_397 = arith.constant 9.99999974E-6 : f32
      %add3A_398 = arith.addf %convert_element_type3A_396, %add3A_397 : f32
      %broadcast_in_dim3A_399 = vector.broadcast %reduce_sum3A_395 : f32 to vector<16xf32>
      %broadcast_in_dim3A_400 = vector.broadcast %add3A_398 : f32 to vector<16xf32>
      %div3A_401 = arith.divf %broadcast_in_dim3A_399, %broadcast_in_dim3A_400 : vector<16xf32>
      %add3A_402 = arith.constant 2 : i32
      %add3A_403 = arith.addi %mul3A_206, %add3A_402 : i32
      %add3A_404 = vector.broadcast %add3A_403 : i32 to vector<16xi32>
      %add3A_405 = arith.addi %broadcast_in_dim3A_4, %add3A_404 : vector<16xi32>
      %lt3A_406 = arith.constant 1 : i32
      %lt3A_407 = vector.broadcast %lt3A_406 : i32 to vector<16xi32>
      %lt3A_408 = arith.cmpi slt, %iota3A, %lt3A_407 : vector<16xi32>
      tpu.vector_store_idx %arg16[%add3A_405], %div3A_401 masked %lt3A_408 : memref<64xf32, #tpu.memory_space<vmem>>[vector<16xi32>], vector<16xf32>, vector<16xi1>
      %scan3A_409 = arith.constant 0 : i32
      scf.yield %scan3A_409 : i32
    }
    %scan3A_54 = arith.constant 21 : i32
    %mul3A_55 = arith.constant 64 : i32
    %mul3A_56 = arith.muli %add3A, %mul3A_55 : i32
    %add3A_57 = arith.constant 60 : i32
    %add3A_58 = arith.addi %mul3A_56, %add3A_57 : i32
    %add3A_59 = arith.constant 0 : i32
    %add3A_60 = arith.addi %add3A_58, %add3A_59 : i32
    %dma_wait3A = arith.constant 0 : i32
    %dma_wait3A_61 = tpu.memref_slice %arg4[%dma_wait3A] : memref<16400xi32, #tpu.memory_space<vmem>> -> memref<16384xi32, #tpu.memory_space<vmem>>
    %dma_wait3A_62 = arith.constant 0 : i32
    %dma_wait3A_63 = tpu.memref_slice %arg2[%add3A_60, %dma_wait3A_62] : memref<2048x16384xi32, #tpu.memory_space<hbm>> -> memref<1x16384xi32, #tpu.memory_space<hbm>>
    %dma_wait3A_64 = tpu.memref_squeeze %dma_wait3A_63 : memref<1x16384xi32, #tpu.memory_space<hbm>> -> memref<16384xi32, #tpu.memory_space<hbm>>
    %dma_wait3A_65 = arith.constant 0 : i32
    %dma_wait3A_66 = tpu.memref_slice %arg4[%dma_wait3A_65] : memref<16400xi32, #tpu.memory_space<vmem>> -> memref<16384xi32, #tpu.memory_space<vmem>>
    %dma_wait3A_67 = arith.constant 0 : i32
    %dma_wait3A_68 = tpu.memref_slice %arg2[%add3A_60, %dma_wait3A_67] : memref<2048x16384xi32, #tpu.memory_space<hbm>> -> memref<1x16384xi32, #tpu.memory_space<hbm>>
    %dma_wait3A_69 = tpu.memref_squeeze %dma_wait3A_68 : memref<1x16384xi32, #tpu.memory_space<hbm>> -> memref<16384xi32, #tpu.memory_space<hbm>>
    tpu.wait_dma2 semaphore(%arg17 : memref<!tpu.dma_semaphore, #tpu.memory_space<semaphore_mem>>) src(%dma_wait3A_69 : memref<16384xi32, #tpu.memory_space<hbm>>) dst(%dma_wait3A_66 : memref<16384xi32, #tpu.memory_space<vmem>>)
    %mul3A_70 = arith.constant 64 : i32
    %mul3A_71 = arith.muli %add3A, %mul3A_70 : i32
    %add3A_72 = arith.constant 60 : i32
    %add3A_73 = arith.addi %mul3A_71, %add3A_72 : i32
    %add3A_74 = arith.constant 1 : i32
    %add3A_75 = arith.addi %add3A_73, %add3A_74 : i32
    %dma_wait3A_76 = arith.constant 0 : i32
    %dma_wait3A_77 = tpu.memref_slice %arg6[%dma_wait3A_76] : memref<16400xi32, #tpu.memory_space<vmem>> -> memref<16384xi32, #tpu.memory_space<vmem>>
    %dma_wait3A_78 = arith.constant 0 : i32
    %dma_wait3A_79 = tpu.memref_slice %arg2[%add3A_75, %dma_wait3A_78] : memref<2048x16384xi32, #tpu.memory_space<hbm>> -> memref<1x16384xi32, #tpu.memory_space<hbm>>
    %dma_wait3A_80 = tpu.memref_squeeze %dma_wait3A_79 : memref<1x16384xi32, #tpu.memory_space<hbm>> -> memref<16384xi32, #tpu.memory_space<hbm>>
    %dma_wait3A_81 = arith.constant 0 : i32
    %dma_wait3A_82 = tpu.memref_slice %arg6[%dma_wait3A_81] : memref<16400xi32, #tpu.memory_space<vmem>> -> memref<16384xi32, #tpu.memory_space<vmem>>
    %dma_wait3A_83 = arith.constant 0 : i32
    %dma_wait3A_84 = tpu.memref_slice %arg2[%add3A_75, %dma_wait3A_83] : memref<2048x16384xi32, #tpu.memory_space<hbm>> -> memref<1x16384xi32, #tpu.memory_space<hbm>>
    %dma_wait3A_85 = tpu.memref_squeeze %dma_wait3A_84 : memref<1x16384xi32, #tpu.memory_space<hbm>> -> memref<16384xi32, #tpu.memory_space<hbm>>
    tpu.wait_dma2 semaphore(%arg17 : memref<!tpu.dma_semaphore, #tpu.memory_space<semaphore_mem>>) src(%dma_wait3A_85 : memref<16384xi32, #tpu.memory_space<hbm>>) dst(%dma_wait3A_82 : memref<16384xi32, #tpu.memory_space<vmem>>)
    %mul3A_86 = arith.constant 64 : i32
    %mul3A_87 = arith.muli %add3A, %mul3A_86 : i32
    %add3A_88 = arith.constant 60 : i32
    %add3A_89 = arith.addi %mul3A_87, %add3A_88 : i32
    %add3A_90 = arith.constant 2 : i32
    %add3A_91 = arith.addi %add3A_89, %add3A_90 : i32
    %dma_wait3A_92 = arith.constant 0 : i32
    %dma_wait3A_93 = tpu.memref_slice %arg8[%dma_wait3A_92] : memref<16400xi32, #tpu.memory_space<vmem>> -> memref<16384xi32, #tpu.memory_space<vmem>>
    %dma_wait3A_94 = arith.constant 0 : i32
    %dma_wait3A_95 = tpu.memref_slice %arg2[%add3A_91, %dma_wait3A_94] : memref<2048x16384xi32, #tpu.memory_space<hbm>> -> memref<1x16384xi32, #tpu.memory_space<hbm>>
    %dma_wait3A_96 = tpu.memref_squeeze %dma_wait3A_95 : memref<1x16384xi32, #tpu.memory_space<hbm>> -> memref<16384xi32, #tpu.memory_space<hbm>>
    %dma_wait3A_97 = arith.constant 0 : i32
    %dma_wait3A_98 = tpu.memref_slice %arg8[%dma_wait3A_97] : memref<16400xi32, #tpu.memory_space<vmem>> -> memref<16384xi32, #tpu.memory_space<vmem>>
    %dma_wait3A_99 = arith.constant 0 : i32
    %dma_wait3A_100 = tpu.memref_slice %arg2[%add3A_91, %dma_wait3A_99] : memref<2048x16384xi32, #tpu.memory_space<hbm>> -> memref<1x16384xi32, #tpu.memory_space<hbm>>
    %dma_wait3A_101 = tpu.memref_squeeze %dma_wait3A_100 : memref<1x16384xi32, #tpu.memory_space<hbm>> -> memref<16384xi32, #tpu.memory_space<hbm>>
    tpu.wait_dma2 semaphore(%arg17 : memref<!tpu.dma_semaphore, #tpu.memory_space<semaphore_mem>>) src(%dma_wait3A_101 : memref<16384xi32, #tpu.memory_space<hbm>>) dst(%dma_wait3A_98 : memref<16384xi32, #tpu.memory_space<vmem>>)
    %scan3A_102 = arith.constant 0 : i32
    %scan3A_103 = arith.constant 0 : i32
    %add3A_104 = arith.constant 63 : i32
    %add3A_105 = arith.addi %add3A_104, %scan3A_103 : i32
    %mul3A_106 = arith.constant 64 : i32
    %mul3A_107 = arith.muli %add3A, %mul3A_106 : i32
    %add3A_108 = arith.addi %mul3A_107, %add3A_105 : i32
    %add3A_109 = arith.constant 0 : i32
    %add3A_110 = arith.addi %add3A_108, %add3A_109 : i32
    "tpu.region"() ({
      %run_scoped3A = tpu.sem_alloc : memref<!tpu.dma_semaphore, #tpu.memory_space<semaphore_mem>>
      %dma_start3A_195 = arith.constant 0 : i32
      %dma_start3A_196 = tpu.memref_slice %arg4[%dma_start3A_195] : memref<16400xi32, #tpu.memory_space<vmem>> -> memref<16384xi32, #tpu.memory_space<vmem>>
      %dma_start3A_197 = arith.constant 0 : i32
      %dma_start3A_198 = tpu.memref_slice %arg2[%add3A_110, %dma_start3A_197] : memref<2048x16384xi32, #tpu.memory_space<hbm>> -> memref<1x16384xi32, #tpu.memory_space<hbm>>
      %dma_start3A_199 = tpu.memref_squeeze %dma_start3A_198 : memref<1x16384xi32, #tpu.memory_space<hbm>> -> memref<16384xi32, #tpu.memory_space<hbm>>
      %dma_start3A_200 = arith.constant 0 : i32
      %dma_start3A_201 = tpu.memref_slice %arg4[%dma_start3A_200] : memref<16400xi32, #tpu.memory_space<vmem>> -> memref<16384xi32, #tpu.memory_space<vmem>>
      %dma_start3A_202 = arith.constant 0 : i32
      %dma_start3A_203 = tpu.memref_slice %arg2[%add3A_110, %dma_start3A_202] : memref<2048x16384xi32, #tpu.memory_space<hbm>> -> memref<1x16384xi32, #tpu.memory_space<hbm>>
      %dma_start3A_204 = tpu.memref_squeeze %dma_start3A_203 : memref<1x16384xi32, #tpu.memory_space<hbm>> -> memref<16384xi32, #tpu.memory_space<hbm>>
      tpu.enqueue_dma source(%dma_start3A_204 : memref<16384xi32, #tpu.memory_space<hbm>>) target(%dma_start3A_201 : memref<16384xi32, #tpu.memory_space<vmem>>) target_semaphore(%run_scoped3A : memref<!tpu.dma_semaphore, #tpu.memory_space<semaphore_mem>>)
      %dma_wait3A_205 = arith.constant 0 : i32
      %dma_wait3A_206 = tpu.memref_slice %arg4[%dma_wait3A_205] : memref<16400xi32, #tpu.memory_space<vmem>> -> memref<16384xi32, #tpu.memory_space<vmem>>
      %dma_wait3A_207 = arith.constant 0 : i32
      %dma_wait3A_208 = tpu.memref_slice %arg2[%add3A_110, %dma_wait3A_207] : memref<2048x16384xi32, #tpu.memory_space<hbm>> -> memref<1x16384xi32, #tpu.memory_space<hbm>>
      %dma_wait3A_209 = tpu.memref_squeeze %dma_wait3A_208 : memref<1x16384xi32, #tpu.memory_space<hbm>> -> memref<16384xi32, #tpu.memory_space<hbm>>
      %dma_wait3A_210 = arith.constant 0 : i32
      %dma_wait3A_211 = tpu.memref_slice %arg4[%dma_wait3A_210] : memref<16400xi32, #tpu.memory_space<vmem>> -> memref<16384xi32, #tpu.memory_space<vmem>>
      %dma_wait3A_212 = arith.constant 0 : i32
      %dma_wait3A_213 = tpu.memref_slice %arg2[%add3A_110, %dma_wait3A_212] : memref<2048x16384xi32, #tpu.memory_space<hbm>> -> memref<1x16384xi32, #tpu.memory_space<hbm>>
      %dma_wait3A_214 = tpu.memref_squeeze %dma_wait3A_213 : memref<1x16384xi32, #tpu.memory_space<hbm>> -> memref<16384xi32, #tpu.memory_space<hbm>>
      tpu.wait_dma2 semaphore(%run_scoped3A : memref<!tpu.dma_semaphore, #tpu.memory_space<semaphore_mem>>) src(%dma_wait3A_214 : memref<16384xi32, #tpu.memory_space<hbm>>) dst(%dma_wait3A_211 : memref<16384xi32, #tpu.memory_space<vmem>>)
      tpu.yield
    }) : () -> ()
    %scan3A_111 = arith.constant 0 : i32
    %scan3A_112 = arith.constant 0 : i32
    %scan3A_113 = arith.constant 256 : i32
    %scan3A_114 = arith.addi %scan3A_112, %scan3A_113 : i32
    %scan3A_115 = arith.constant 2 : i32
    %scan3A_116 = scf.for %scan3A_195 = %scan3A_112 to %scan3A_114 step %scan3A_115 iter_args(%scan3A_196 = %scan3A_111) -> (i32)  : i32 {
      %mul3A_197 = arith.constant 16 : i32
      %mul3A_198 = arith.muli %scan3A_195, %mul3A_197 : i32
      %swap3A = arith.index_cast %mul3A_198 : i32 to index
      %swap3A_199 = tpu.vector_load %arg10[%swap3A] {strides = array<i32>} : memref<4096xi32, #tpu.memory_space<vmem>>, vector<16xi32>,
      tpu.vector_store %arg10[%swap3A], %broadcast_in_dim3A_4 {strides = array<i32>} : memref<4096xi32, #tpu.memory_space<vmem>>, vector<16xi32>,
      %mul3A_200 = arith.constant 16 : i32
      %mul3A_201 = arith.muli %scan3A_195, %mul3A_200 : i32
      %swap3A_202 = arith.index_cast %mul3A_201 : i32 to index
      %swap3A_203 = tpu.vector_load %arg11[%swap3A_202] {strides = array<i32>} : memref<4096xi32, #tpu.memory_space<vmem>>, vector<16xi32>,
      tpu.vector_store %arg11[%swap3A_202], %broadcast_in_dim3A_4 {strides = array<i32>} : memref<4096xi32, #tpu.memory_space<vmem>>, vector<16xi32>,
      %scan3A_204 = arith.constant 0 : i32
      %scan3A_205 = arith.constant 1 : i32
      %scan3A_206 = arith.addi %scan3A_195, %scan3A_205 : i32
      %mul3A_207 = arith.constant 16 : i32
      %mul3A_208 = arith.muli %scan3A_206, %mul3A_207 : i32
      %swap3A_209 = arith.index_cast %mul3A_208 : i32 to index
      %swap3A_210 = tpu.vector_load %arg10[%swap3A_209] {strides = array<i32>} : memref<4096xi32, #tpu.memory_space<vmem>>, vector<16xi32>,
      tpu.vector_store %arg10[%swap3A_209], %broadcast_in_dim3A_4 {strides = array<i32>} : memref<4096xi32, #tpu.memory_space<vmem>>, vector<16xi32>,
      %mul3A_211 = arith.constant 16 : i32
      %mul3A_212 = arith.muli %scan3A_206, %mul3A_211 : i32
      %swap3A_213 = arith.index_cast %mul3A_212 : i32 to index
      %swap3A_214 = tpu.vector_load %arg11[%swap3A_213] {strides = array<i32>} : memref<4096xi32, #tpu.memory_space<vmem>>, vector<16xi32>,
      tpu.vector_store %arg11[%swap3A_213], %broadcast_in_dim3A_4 {strides = array<i32>} : memref<4096xi32, #tpu.memory_space<vmem>>, vector<16xi32>,
      %scan3A_215 = arith.constant 0 : i32
      scf.yield %scan3A_215 : i32
    }
    %scan3A_117 = arith.constant 256 : i32
    %scan3A_118 = arith.constant 0 : i32
    %scan3A_119 = arith.constant 0 : i32
    %scan3A_120 = arith.constant 1024 : i32
    %scan3A_121 = arith.addi %scan3A_119, %scan3A_120 : i32
    %scan3A_122 = arith.constant 4 : i32
    %scan3A_123 = scf.for %scan3A_195 = %scan3A_119 to %scan3A_121 step %scan3A_122 iter_args(%scan3A_196 = %scan3A_118) -> (i32)  : i32 {
      %mul3A_197 = arith.constant 16 : i32
      %mul3A_198 = arith.muli %scan3A_195, %mul3A_197 : i32
      %get3A = arith.index_cast %mul3A_198 : i32 to index
      %get3A_199 = tpu.vector_load %arg4[%get3A] {strides = array<i32>} : memref<16400xi32, #tpu.memory_space<vmem>>, vector<16xi32>,
      %shift_right_arithmetic3A = arith.constant 0 : i32
      %shift_right_arithmetic3A_200 = vector.broadcast %shift_right_arithmetic3A : i32 to vector<16xi32>
      %shift_right_arithmetic3A_201 = arith.shrsi %get3A_199, %shift_right_arithmetic3A_200 : vector<16xi32>
      %and3A = arith.constant 255 : i32
      %and3A_202 = vector.broadcast %and3A : i32 to vector<16xi32>
      %and3A_203 = arith.andi %shift_right_arithmetic3A_201, %and3A_202 : vector<16xi32>
      %mul3A_204 = arith.constant 16 : i32
      %mul3A_205 = vector.broadcast %mul3A_204 : i32 to vector<16xi32>
      %mul3A_206 = arith.muli %and3A_203, %mul3A_205 : vector<16xi32>
      %add3A_207 = arith.addi %mul3A_206, %iota3A : vector<16xi32>
      %gather3A = tpu.vector_load_idx %arg10[%add3A_207] : memref<4096xi32, #tpu.memory_space<vmem>>[vector<16xi32>], vector<16xi32>,
      %add3A_208 = arith.constant 1 : i32
      %add3A_209 = vector.broadcast %add3A_208 : i32 to vector<16xi32>
      %add3A_210 = arith.addi %gather3A, %add3A_209 : vector<16xi32>
      tpu.vector_store_idx %arg10[%add3A_207], %add3A_210 : memref<4096xi32, #tpu.memory_space<vmem>>[vector<16xi32>], vector<16xi32>,
      %scan3A_211 = arith.constant 0 : i32
      %scan3A_212 = arith.constant 1 : i32
      %scan3A_213 = arith.addi %scan3A_195, %scan3A_212 : i32
      %mul3A_214 = arith.constant 16 : i32
      %mul3A_215 = arith.muli %scan3A_213, %mul3A_214 : i32
      %get3A_216 = arith.index_cast %mul3A_215 : i32 to index
      %get3A_217 = tpu.vector_load %arg4[%get3A_216] {strides = array<i32>} : memref<16400xi32, #tpu.memory_space<vmem>>, vector<16xi32>,
      %shift_right_arithmetic3A_218 = arith.constant 0 : i32
      %shift_right_arithmetic3A_219 = vector.broadcast %shift_right_arithmetic3A_218 : i32 to vector<16xi32>
      %shift_right_arithmetic3A_220 = arith.shrsi %get3A_217, %shift_right_arithmetic3A_219 : vector<16xi32>
      %and3A_221 = arith.constant 255 : i32
      %and3A_222 = vector.broadcast %and3A_221 : i32 to vector<16xi32>
      %and3A_223 = arith.andi %shift_right_arithmetic3A_220, %and3A_222 : vector<16xi32>
      %mul3A_224 = arith.constant 16 : i32
      %mul3A_225 = vector.broadcast %mul3A_224 : i32 to vector<16xi32>
      %mul3A_226 = arith.muli %and3A_223, %mul3A_225 : vector<16xi32>
      %add3A_227 = arith.addi %mul3A_226, %iota3A : vector<16xi32>
      %gather3A_228 = tpu.vector_load_idx %arg10[%add3A_227] : memref<4096xi32, #tpu.memory_space<vmem>>[vector<16xi32>], vector<16xi32>,
      %add3A_229 = arith.constant 1 : i32
      %add3A_230 = vector.broadcast %add3A_229 : i32 to vector<16xi32>
      %add3A_231 = arith.addi %gather3A_228, %add3A_230 : vector<16xi32>
      tpu.vector_store_idx %arg10[%add3A_227], %add3A_231 : memref<4096xi32, #tpu.memory_space<vmem>>[vector<16xi32>], vector<16xi32>,
      %scan3A_232 = arith.constant 0 : i32
      %scan3A_233 = arith.constant 2 : i32
      %scan3A_234 = arith.addi %scan3A_195, %scan3A_233 : i32
      %mul3A_235 = arith.constant 16 : i32
      %mul3A_236 = arith.muli %scan3A_234, %mul3A_235 : i32
      %get3A_237 = arith.index_cast %mul3A_236 : i32 to index
      %get3A_238 = tpu.vector_load %arg4[%get3A_237] {strides = array<i32>} : memref<16400xi32, #tpu.memory_space<vmem>>, vector<16xi32>,
      %shift_right_arithmetic3A_239 = arith.constant 0 : i32
      %shift_right_arithmetic3A_240 = vector.broadcast %shift_right_arithmetic3A_239 : i32 to vector<16xi32>
      %shift_right_arithmetic3A_241 = arith.shrsi %get3A_238, %shift_right_arithmetic3A_240 : vector<16xi32>
      %and3A_242 = arith.constant 255 : i32
      %and3A_243 = vector.broadcast %and3A_242 : i32 to vector<16xi32>
      %and3A_244 = arith.andi %shift_right_arithmetic3A_241, %and3A_243 : vector<16xi32>
      %mul3A_245 = arith.constant 16 : i32
      %mul3A_246 = vector.broadcast %mul3A_245 : i32 to vector<16xi32>
      %mul3A_247 = arith.muli %and3A_244, %mul3A_246 : vector<16xi32>
      %add3A_248 = arith.addi %mul3A_247, %iota3A : vector<16xi32>
      %gather3A_249 = tpu.vector_load_idx %arg10[%add3A_248] : memref<4096xi32, #tpu.memory_space<vmem>>[vector<16xi32>], vector<16xi32>,
      %add3A_250 = arith.constant 1 : i32
      %add3A_251 = vector.broadcast %add3A_250 : i32 to vector<16xi32>
      %add3A_252 = arith.addi %gather3A_249, %add3A_251 : vector<16xi32>
      tpu.vector_store_idx %arg10[%add3A_248], %add3A_252 : memref<4096xi32, #tpu.memory_space<vmem>>[vector<16xi32>], vector<16xi32>,
      %scan3A_253 = arith.constant 0 : i32
      %scan3A_254 = arith.constant 3 : i32
      %scan3A_255 = arith.addi %scan3A_195, %scan3A_254 : i32
      %mul3A_256 = arith.constant 16 : i32
      %mul3A_257 = arith.muli %scan3A_255, %mul3A_256 : i32
      %get3A_258 = arith.index_cast %mul3A_257 : i32 to index
      %get3A_259 = tpu.vector_load %arg4[%get3A_258] {strides = array<i32>} : memref<16400xi32, #tpu.memory_space<vmem>>, vector<16xi32>,
      %shift_right_arithmetic3A_260 = arith.constant 0 : i32
      %shift_right_arithmetic3A_261 = vector.broadcast %shift_right_arithmetic3A_260 : i32 to vector<16xi32>
      %shift_right_arithmetic3A_262 = arith.shrsi %get3A_259, %shift_right_arithmetic3A_261 : vector<16xi32>
      %and3A_263 = arith.constant 255 : i32
      %and3A_264 = vector.broadcast %and3A_263 : i32 to vector<16xi32>
      %and3A_265 = arith.andi %shift_right_arithmetic3A_262, %and3A_264 : vector<16xi32>
      %mul3A_266 = arith.constant 16 : i32
      %mul3A_267 = vector.broadcast %mul3A_266 : i32 to vector<16xi32>
      %mul3A_268 = arith.muli %and3A_265, %mul3A_267 : vector<16xi32>
      %add3A_269 = arith.addi %mul3A_268, %iota3A : vector<16xi32>
      %gather3A_270 = tpu.vector_load_idx %arg10[%add3A_269] : memref<4096xi32, #tpu.memory_space<vmem>>[vector<16xi32>], vector<16xi32>,
      %add3A_271 = arith.constant 1 : i32
      %add3A_272 = vector.broadcast %add3A_271 : i32 to vector<16xi32>
      %add3A_273 = arith.addi %gather3A_270, %add3A_272 : vector<16xi32>
      tpu.vector_store_idx %arg10[%add3A_269], %add3A_273 : memref<4096xi32, #tpu.memory_space<vmem>>[vector<16xi32>], vector<16xi32>,
      %scan3A_274 = arith.constant 0 : i32
      scf.yield %scan3A_274 : i32
    }
    %scan3A_124 = arith.constant 1024 : i32
    %scan3A_125 = arith.constant 0 : i32
    %scan3A_126 = arith.constant 0 : i32
    %scan3A_127 = arith.constant 256 : i32
    %scan3A_128 = arith.addi %scan3A_126, %scan3A_127 : i32
    %scan3A_129 = arith.constant 2 : i32
    %scan3A_130 = scf.for %scan3A_195 = %scan3A_126 to %scan3A_128 step %scan3A_129 iter_args(%scan3A_196 = %scan3A_125) -> (i32)  : i32 {
      %mul3A_197 = arith.constant 16 : i32
      %mul3A_198 = arith.muli %scan3A_195, %mul3A_197 : i32
      %get3A = arith.index_cast %mul3A_198 : i32 to index
      %get3A_199 = tpu.vector_load %arg10[%get3A] {strides = array<i32>} : memref<4096xi32, #tpu.memory_space<vmem>>, vector<16xi32>,
      %broadcast_in_dim3A_200 = arith.constant true
      %broadcast_in_dim3A_201 = vector.broadcast %broadcast_in_dim3A_200 : i1 to vector<16xi1>
      %masked_cumsum3A = tpu.scan <sum>, %get3A_199 masked %broadcast_in_dim3A_201 : vector<16xi32>, vector<16xi1> -> vector<16xi32>
      %sub3A = arith.subi %masked_cumsum3A, %get3A_199 : vector<16xi32>
      %add3A_202 = vector.broadcast %scan3A_196 : i32 to vector<16xi32>
      %add3A_203 = arith.addi %sub3A, %add3A_202 : vector<16xi32>
      %mul3A_204 = arith.constant 16 : i32
      %mul3A_205 = arith.muli %scan3A_195, %mul3A_204 : i32
      %swap3A = arith.index_cast %mul3A_205 : i32 to index
      %swap3A_206 = tpu.vector_load %arg10[%swap3A] {strides = array<i32>} : memref<4096xi32, #tpu.memory_space<vmem>>, vector<16xi32>,
      tpu.vector_store %arg10[%swap3A], %add3A_203 {strides = array<i32>} : memref<4096xi32, #tpu.memory_space<vmem>>, vector<16xi32>,
      %sub3A_207 = arith.subi %masked_cumsum3A, %get3A_199 : vector<16xi32>
      %add3A_208 = vector.broadcast %scan3A_196 : i32 to vector<16xi32>
      %add3A_209 = arith.addi %sub3A_207, %add3A_208 : vector<16xi32>
      %slice3A = vector.extract_strided_slice %add3A_209 {offsets = [15], sizes = [1], strides = [1]} : vector<16xi32> to vector<1xi32>
      %squeeze3A = vector.extract %slice3A[0] : i32 from vector<1xi32>
      %slice3A_210 = vector.extract_strided_slice %get3A_199 {offsets = [15], sizes = [1], strides = [1]} : vector<16xi32> to vector<1xi32>
      %squeeze3A_211 = vector.extract %slice3A_210[0] : i32 from vector<1xi32>
      %add3A_212 = arith.addi %squeeze3A, %squeeze3A_211 : i32
      %scan3A_213 = arith.constant 1 : i32
      %scan3A_214 = arith.addi %scan3A_195, %scan3A_213 : i32
      %mul3A_215 = arith.constant 16 : i32
      %mul3A_216 = arith.muli %scan3A_214, %mul3A_215 : i32
      %get3A_217 = arith.index_cast %mul3A_216 : i32 to index
      %get3A_218 = tpu.vector_load %arg10[%get3A_217] {strides = array<i32>} : memref<4096xi32, #tpu.memory_space<vmem>>, vector<16xi32>,
      %broadcast_in_dim3A_219 = arith.constant true
      %broadcast_in_dim3A_220 = vector.broadcast %broadcast_in_dim3A_219 : i1 to vector<16xi1>
      %masked_cumsum3A_221 = tpu.scan <sum>, %get3A_218 masked %broadcast_in_dim3A_220 : vector<16xi32>, vector<16xi1> -> vector<16xi32>
      %sub3A_222 = arith.subi %masked_cumsum3A_221, %get3A_218 : vector<16xi32>
      %add3A_223 = vector.broadcast %add3A_212 : i32 to vector<16xi32>
      %add3A_224 = arith.addi %sub3A_222, %add3A_223 : vector<16xi32>
      %mul3A_225 = arith.constant 16 : i32
      %mul3A_226 = arith.muli %scan3A_214, %mul3A_225 : i32
      %swap3A_227 = arith.index_cast %mul3A_226 : i32 to index
      %swap3A_228 = tpu.vector_load %arg10[%swap3A_227] {strides = array<i32>} : memref<4096xi32, #tpu.memory_space<vmem>>, vector<16xi32>,
      tpu.vector_store %arg10[%swap3A_227], %add3A_224 {strides = array<i32>} : memref<4096xi32, #tpu.memory_space<vmem>>, vector<16xi32>,
      %sub3A_229 = arith.subi %masked_cumsum3A_221, %get3A_218 : vector<16xi32>
      %add3A_230 = vector.broadcast %add3A_212 : i32 to vector<16xi32>
      %add3A_231 = arith.addi %sub3A_229, %add3A_230 : vector<16xi32>
      %slice3A_232 = vector.extract_strided_slice %add3A_231 {offsets = [15], sizes = [1], strides = [1]} : vector<16xi32> to vector<1xi32>
      %squeeze3A_233 = vector.extract %slice3A_232[0] : i32 from vector<1xi32>
      %slice3A_234 = vector.extract_strided_slice %get3A_218 {offsets = [15], sizes = [1], strides = [1]} : vector<16xi32> to vector<1xi32>
      %squeeze3A_235 = vector.extract %slice3A_234[0] : i32 from vector<1xi32>
      %add3A_236 = arith.addi %squeeze3A_233, %squeeze3A_235 : i32
      scf.yield %add3A_236 : i32
    }
    %scan3A_131 = arith.constant 256 : i32
    %scan3A_132 = arith.constant 0 : i32
    %scan3A_133 = arith.constant 0 : i32
    %scan3A_134 = arith.constant 1024 : i32
    %scan3A_135 = arith.addi %scan3A_133, %scan3A_134 : i32
    %scan3A_136 = arith.constant 4 : i32
    %scan3A_137 = scf.for %scan3A_195 = %scan3A_133 to %scan3A_135 step %scan3A_136 iter_args(%scan3A_196 = %scan3A_132) -> (i32)  : i32 {
      %mul3A_197 = arith.constant 16 : i32
      %mul3A_198 = arith.muli %scan3A_195, %mul3A_197 : i32
      %get3A = arith.index_cast %mul3A_198 : i32 to index
      %get3A_199 = tpu.vector_load %arg4[%get3A] {strides = array<i32>} : memref<16400xi32, #tpu.memory_space<vmem>>, vector<16xi32>,
      %shift_right_arithmetic3A = arith.constant 0 : i32
      %shift_right_arithmetic3A_200 = vector.broadcast %shift_right_arithmetic3A : i32 to vector<16xi32>
      %shift_right_arithmetic3A_201 = arith.shrsi %get3A_199, %shift_right_arithmetic3A_200 : vector<16xi32>
      %and3A = arith.constant 255 : i32
      %and3A_202 = vector.broadcast %and3A : i32 to vector<16xi32>
      %and3A_203 = arith.andi %shift_right_arithmetic3A_201, %and3A_202 : vector<16xi32>
      %mul3A_204 = arith.constant 16 : i32
      %mul3A_205 = vector.broadcast %mul3A_204 : i32 to vector<16xi32>
      %mul3A_206 = arith.muli %and3A_203, %mul3A_205 : vector<16xi32>
      %add3A_207 = arith.addi %mul3A_206, %iota3A : vector<16xi32>
      %gather3A = tpu.vector_load_idx %arg10[%add3A_207] : memref<4096xi32, #tpu.memory_space<vmem>>[vector<16xi32>], vector<16xi32>,
      %add3A_208 = arith.constant 1 : i32
      %add3A_209 = vector.broadcast %add3A_208 : i32 to vector<16xi32>
      %add3A_210 = arith.addi %gather3A, %add3A_209 : vector<16xi32>
      tpu.vector_store_idx %arg10[%add3A_207], %add3A_210 : memref<4096xi32, #tpu.memory_space<vmem>>[vector<16xi32>], vector<16xi32>,
      %shift_right_arithmetic3A_211 = arith.constant 10 : i32
      %shift_right_arithmetic3A_212 = vector.broadcast %shift_right_arithmetic3A_211 : i32 to vector<16xi32>
      %shift_right_arithmetic3A_213 = arith.shrsi %gather3A, %shift_right_arithmetic3A_212 : vector<16xi32>
      %add3A_214 = arith.addi %gather3A, %shift_right_arithmetic3A_213 : vector<16xi32>
      tpu.vector_store_idx %arg5[%add3A_214], %get3A_199 : memref<16400xi32, #tpu.memory_space<vmem>>[vector<16xi32>], vector<16xi32>,
      %shift_right_arithmetic3A_215 = arith.constant 8 : i32
      %shift_right_arithmetic3A_216 = vector.broadcast %shift_right_arithmetic3A_215 : i32 to vector<16xi32>
      %shift_right_arithmetic3A_217 = arith.shrsi %get3A_199, %shift_right_arithmetic3A_216 : vector<16xi32>
      %and3A_218 = arith.constant 255 : i32
      %and3A_219 = vector.broadcast %and3A_218 : i32 to vector<16xi32>
      %and3A_220 = arith.andi %shift_right_arithmetic3A_217, %and3A_219 : vector<16xi32>
      %mul3A_221 = arith.constant 16 : i32
      %mul3A_222 = vector.broadcast %mul3A_221 : i32 to vector<16xi32>
      %mul3A_223 = arith.muli %and3A_220, %mul3A_222 : vector<16xi32>
      %shift_right_arithmetic3A_224 = arith.constant 10 : i32
      %shift_right_arithmetic3A_225 = vector.broadcast %shift_right_arithmetic3A_224 : i32 to vector<16xi32>
      %shift_right_arithmetic3A_226 = arith.shrsi %gather3A, %shift_right_arithmetic3A_225 : vector<16xi32>
      %add3A_227 = arith.addi %mul3A_223, %shift_right_arithmetic3A_226 : vector<16xi32>
      tpu.vector_store_idx %arg11[%add3A_227], %add3A_7 {add = true} : memref<4096xi32, #tpu.memory_space<vmem>>[vector<16xi32>], vector<16xi32>,
      %scan3A_228 = arith.constant 0 : i32
      %scan3A_229 = arith.constant 1 : i32
      %scan3A_230 = arith.addi %scan3A_195, %scan3A_229 : i32
      %mul3A_231 = arith.constant 16 : i32
      %mul3A_232 = arith.muli %scan3A_230, %mul3A_231 : i32
      %get3A_233 = arith.index_cast %mul3A_232 : i32 to index
      %get3A_234 = tpu.vector_load %arg4[%get3A_233] {strides = array<i32>} : memref<16400xi32, #tpu.memory_space<vmem>>, vector<16xi32>,
      %shift_right_arithmetic3A_235 = arith.constant 0 : i32
      %shift_right_arithmetic3A_236 = vector.broadcast %shift_right_arithmetic3A_235 : i32 to vector<16xi32>
      %shift_right_arithmetic3A_237 = arith.shrsi %get3A_234, %shift_right_arithmetic3A_236 : vector<16xi32>
      %and3A_238 = arith.constant 255 : i32
      %and3A_239 = vector.broadcast %and3A_238 : i32 to vector<16xi32>
      %and3A_240 = arith.andi %shift_right_arithmetic3A_237, %and3A_239 : vector<16xi32>
      %mul3A_241 = arith.constant 16 : i32
      %mul3A_242 = vector.broadcast %mul3A_241 : i32 to vector<16xi32>
      %mul3A_243 = arith.muli %and3A_240, %mul3A_242 : vector<16xi32>
      %add3A_244 = arith.addi %mul3A_243, %iota3A : vector<16xi32>
      %gather3A_245 = tpu.vector_load_idx %arg10[%add3A_244] : memref<4096xi32, #tpu.memory_space<vmem>>[vector<16xi32>], vector<16xi32>,
      %add3A_246 = arith.constant 1 : i32
      %add3A_247 = vector.broadcast %add3A_246 : i32 to vector<16xi32>
      %add3A_248 = arith.addi %gather3A_245, %add3A_247 : vector<16xi32>
      tpu.vector_store_idx %arg10[%add3A_244], %add3A_248 : memref<4096xi32, #tpu.memory_space<vmem>>[vector<16xi32>], vector<16xi32>,
      %shift_right_arithmetic3A_249 = arith.constant 10 : i32
      %shift_right_arithmetic3A_250 = vector.broadcast %shift_right_arithmetic3A_249 : i32 to vector<16xi32>
      %shift_right_arithmetic3A_251 = arith.shrsi %gather3A_245, %shift_right_arithmetic3A_250 : vector<16xi32>
      %add3A_252 = arith.addi %gather3A_245, %shift_right_arithmetic3A_251 : vector<16xi32>
      tpu.vector_store_idx %arg5[%add3A_252], %get3A_234 : memref<16400xi32, #tpu.memory_space<vmem>>[vector<16xi32>], vector<16xi32>,
      %shift_right_arithmetic3A_253 = arith.constant 8 : i32
      %shift_right_arithmetic3A_254 = vector.broadcast %shift_right_arithmetic3A_253 : i32 to vector<16xi32>
      %shift_right_arithmetic3A_255 = arith.shrsi %get3A_234, %shift_right_arithmetic3A_254 : vector<16xi32>
      %and3A_256 = arith.constant 255 : i32
      %and3A_257 = vector.broadcast %and3A_256 : i32 to vector<16xi32>
      %and3A_258 = arith.andi %shift_right_arithmetic3A_255, %and3A_257 : vector<16xi32>
      %mul3A_259 = arith.constant 16 : i32
      %mul3A_260 = vector.broadcast %mul3A_259 : i32 to vector<16xi32>
      %mul3A_261 = arith.muli %and3A_258, %mul3A_260 : vector<16xi32>
      %shift_right_arithmetic3A_262 = arith.constant 10 : i32
      %shift_right_arithmetic3A_263 = vector.broadcast %shift_right_arithmetic3A_262 : i32 to vector<16xi32>
      %shift_right_arithmetic3A_264 = arith.shrsi %gather3A_245, %shift_right_arithmetic3A_263 : vector<16xi32>
      %add3A_265 = arith.addi %mul3A_261, %shift_right_arithmetic3A_264 : vector<16xi32>
      tpu.vector_store_idx %arg11[%add3A_265], %add3A_7 {add = true} : memref<4096xi32, #tpu.memory_space<vmem>>[vector<16xi32>], vector<16xi32>,
      %scan3A_266 = arith.constant 0 : i32
      %scan3A_267 = arith.constant 2 : i32
      %scan3A_268 = arith.addi %scan3A_195, %scan3A_267 : i32
      %mul3A_269 = arith.constant 16 : i32
      %mul3A_270 = arith.muli %scan3A_268, %mul3A_269 : i32
      %get3A_271 = arith.index_cast %mul3A_270 : i32 to index
      %get3A_272 = tpu.vector_load %arg4[%get3A_271] {strides = array<i32>} : memref<16400xi32, #tpu.memory_space<vmem>>, vector<16xi32>,
      %shift_right_arithmetic3A_273 = arith.constant 0 : i32
      %shift_right_arithmetic3A_274 = vector.broadcast %shift_right_arithmetic3A_273 : i32 to vector<16xi32>
      %shift_right_arithmetic3A_275 = arith.shrsi %get3A_272, %shift_right_arithmetic3A_274 : vector<16xi32>
      %and3A_276 = arith.constant 255 : i32
      %and3A_277 = vector.broadcast %and3A_276 : i32 to vector<16xi32>
      %and3A_278 = arith.andi %shift_right_arithmetic3A_275, %and3A_277 : vector<16xi32>
      %mul3A_279 = arith.constant 16 : i32
      %mul3A_280 = vector.broadcast %mul3A_279 : i32 to vector<16xi32>
      %mul3A_281 = arith.muli %and3A_278, %mul3A_280 : vector<16xi32>
      %add3A_282 = arith.addi %mul3A_281, %iota3A : vector<16xi32>
      %gather3A_283 = tpu.vector_load_idx %arg10[%add3A_282] : memref<4096xi32, #tpu.memory_space<vmem>>[vector<16xi32>], vector<16xi32>,
      %add3A_284 = arith.constant 1 : i32
      %add3A_285 = vector.broadcast %add3A_284 : i32 to vector<16xi32>
      %add3A_286 = arith.addi %gather3A_283, %add3A_285 : vector<16xi32>
      tpu.vector_store_idx %arg10[%add3A_282], %add3A_286 : memref<4096xi32, #tpu.memory_space<vmem>>[vector<16xi32>], vector<16xi32>,
      %shift_right_arithmetic3A_287 = arith.constant 10 : i32
      %shift_right_arithmetic3A_288 = vector.broadcast %shift_right_arithmetic3A_287 : i32 to vector<16xi32>
      %shift_right_arithmetic3A_289 = arith.shrsi %gather3A_283, %shift_right_arithmetic3A_288 : vector<16xi32>
      %add3A_290 = arith.addi %gather3A_283, %shift_right_arithmetic3A_289 : vector<16xi32>
      tpu.vector_store_idx %arg5[%add3A_290], %get3A_272 : memref<16400xi32, #tpu.memory_space<vmem>>[vector<16xi32>], vector<16xi32>,
      %shift_right_arithmetic3A_291 = arith.constant 8 : i32
      %shift_right_arithmetic3A_292 = vector.broadcast %shift_right_arithmetic3A_291 : i32 to vector<16xi32>
      %shift_right_arithmetic3A_293 = arith.shrsi %get3A_272, %shift_right_arithmetic3A_292 : vector<16xi32>
      %and3A_294 = arith.constant 255 : i32
      %and3A_295 = vector.broadcast %and3A_294 : i32 to vector<16xi32>
      %and3A_296 = arith.andi %shift_right_arithmetic3A_293, %and3A_295 : vector<16xi32>
      %mul3A_297 = arith.constant 16 : i32
      %mul3A_298 = vector.broadcast %mul3A_297 : i32 to vector<16xi32>
      %mul3A_299 = arith.muli %and3A_296, %mul3A_298 : vector<16xi32>
      %shift_right_arithmetic3A_300 = arith.constant 10 : i32
      %shift_right_arithmetic3A_301 = vector.broadcast %shift_right_arithmetic3A_300 : i32 to vector<16xi32>
      %shift_right_arithmetic3A_302 = arith.shrsi %gather3A_283, %shift_right_arithmetic3A_301 : vector<16xi32>
      %add3A_303 = arith.addi %mul3A_299, %shift_right_arithmetic3A_302 : vector<16xi32>
      tpu.vector_store_idx %arg11[%add3A_303], %add3A_7 {add = true} : memref<4096xi32, #tpu.memory_space<vmem>>[vector<16xi32>], vector<16xi32>,
      %scan3A_304 = arith.constant 0 : i32
      %scan3A_305 = arith.constant 3 : i32
      %scan3A_306 = arith.addi %scan3A_195, %scan3A_305 : i32
      %mul3A_307 = arith.constant 16 : i32
      %mul3A_308 = arith.muli %scan3A_306, %mul3A_307 : i32
      %get3A_309 = arith.index_cast %mul3A_308 : i32 to index
      %get3A_310 = tpu.vector_load %arg4[%get3A_309] {strides = array<i32>} : memref<16400xi32, #tpu.memory_space<vmem>>, vector<16xi32>,
      %shift_right_arithmetic3A_311 = arith.constant 0 : i32
      %shift_right_arithmetic3A_312 = vector.broadcast %shift_right_arithmetic3A_311 : i32 to vector<16xi32>
      %shift_right_arithmetic3A_313 = arith.shrsi %get3A_310, %shift_right_arithmetic3A_312 : vector<16xi32>
      %and3A_314 = arith.constant 255 : i32
      %and3A_315 = vector.broadcast %and3A_314 : i32 to vector<16xi32>
      %and3A_316 = arith.andi %shift_right_arithmetic3A_313, %and3A_315 : vector<16xi32>
      %mul3A_317 = arith.constant 16 : i32
      %mul3A_318 = vector.broadcast %mul3A_317 : i32 to vector<16xi32>
      %mul3A_319 = arith.muli %and3A_316, %mul3A_318 : vector<16xi32>
      %add3A_320 = arith.addi %mul3A_319, %iota3A : vector<16xi32>
      %gather3A_321 = tpu.vector_load_idx %arg10[%add3A_320] : memref<4096xi32, #tpu.memory_space<vmem>>[vector<16xi32>], vector<16xi32>,
      %add3A_322 = arith.constant 1 : i32
      %add3A_323 = vector.broadcast %add3A_322 : i32 to vector<16xi32>
      %add3A_324 = arith.addi %gather3A_321, %add3A_323 : vector<16xi32>
      tpu.vector_store_idx %arg10[%add3A_320], %add3A_324 : memref<4096xi32, #tpu.memory_space<vmem>>[vector<16xi32>], vector<16xi32>,
      %shift_right_arithmetic3A_325 = arith.constant 10 : i32
      %shift_right_arithmetic3A_326 = vector.broadcast %shift_right_arithmetic3A_325 : i32 to vector<16xi32>
      %shift_right_arithmetic3A_327 = arith.shrsi %gather3A_321, %shift_right_arithmetic3A_326 : vector<16xi32>
      %add3A_328 = arith.addi %gather3A_321, %shift_right_arithmetic3A_327 : vector<16xi32>
      tpu.vector_store_idx %arg5[%add3A_328], %get3A_310 : memref<16400xi32, #tpu.memory_space<vmem>>[vector<16xi32>], vector<16xi32>,
      %shift_right_arithmetic3A_329 = arith.constant 8 : i32
      %shift_right_arithmetic3A_330 = vector.broadcast %shift_right_arithmetic3A_329 : i32 to vector<16xi32>
      %shift_right_arithmetic3A_331 = arith.shrsi %get3A_310, %shift_right_arithmetic3A_330 : vector<16xi32>
      %and3A_332 = arith.constant 255 : i32
      %and3A_333 = vector.broadcast %and3A_332 : i32 to vector<16xi32>
      %and3A_334 = arith.andi %shift_right_arithmetic3A_331, %and3A_333 : vector<16xi32>
      %mul3A_335 = arith.constant 16 : i32
      %mul3A_336 = vector.broadcast %mul3A_335 : i32 to vector<16xi32>
      %mul3A_337 = arith.muli %and3A_334, %mul3A_336 : vector<16xi32>
      %shift_right_arithmetic3A_338 = arith.constant 10 : i32
      %shift_right_arithmetic3A_339 = vector.broadcast %shift_right_arithmetic3A_338 : i32 to vector<16xi32>
      %shift_right_arithmetic3A_340 = arith.shrsi %gather3A_321, %shift_right_arithmetic3A_339 : vector<16xi32>
      %add3A_341 = arith.addi %mul3A_337, %shift_right_arithmetic3A_340 : vector<16xi32>
      tpu.vector_store_idx %arg11[%add3A_341], %add3A_7 {add = true} : memref<4096xi32, #tpu.memory_space<vmem>>[vector<16xi32>], vector<16xi32>,
      %scan3A_342 = arith.constant 0 : i32
      scf.yield %scan3A_342 : i32
    }
    %scan3A_138 = arith.constant 1024 : i32
    %scan3A_139 = arith.constant 0 : i32
    %scan3A_140 = arith.constant 0 : i32
    %scan3A_141 = arith.constant 256 : i32
    %scan3A_142 = arith.addi %scan3A_140, %scan3A_141 : i32
    %scan3A_143 = arith.constant 2 : i32
    %scan3A_144 = scf.for %scan3A_195 = %scan3A_140 to %scan3A_142 step %scan3A_143 iter_args(%scan3A_196 = %scan3A_139) -> (i32)  : i32 {
      %mul3A_197 = arith.constant 16 : i32
      %mul3A_198 = arith.muli %scan3A_195, %mul3A_197 : i32
      %get3A = arith.index_cast %mul3A_198 : i32 to index
      %get3A_199 = tpu.vector_load %arg11[%get3A] {strides = array<i32>} : memref<4096xi32, #tpu.memory_space<vmem>>, vector<16xi32>,
      %broadcast_in_dim3A_200 = arith.constant true
      %broadcast_in_dim3A_201 = vector.broadcast %broadcast_in_dim3A_200 : i1 to vector<16xi1>
      %masked_cumsum3A = tpu.scan <sum>, %get3A_199 masked %broadcast_in_dim3A_201 : vector<16xi32>, vector<16xi1> -> vector<16xi32>
      %sub3A = arith.subi %masked_cumsum3A, %get3A_199 : vector<16xi32>
      %add3A_202 = vector.broadcast %scan3A_196 : i32 to vector<16xi32>
      %add3A_203 = arith.addi %sub3A, %add3A_202 : vector<16xi32>
      %mul3A_204 = arith.constant 16 : i32
      %mul3A_205 = arith.muli %scan3A_195, %mul3A_204 : i32
      %swap3A = arith.index_cast %mul3A_205 : i32 to index
      %swap3A_206 = tpu.vector_load %arg11[%swap3A] {strides = array<i32>} : memref<4096xi32, #tpu.memory_space<vmem>>, vector<16xi32>,
      tpu.vector_store %arg11[%swap3A], %add3A_203 {strides = array<i32>} : memref<4096xi32, #tpu.memory_space<vmem>>, vector<16xi32>,
      %mul3A_207 = arith.constant 16 : i32
      %mul3A_208 = arith.muli %scan3A_195, %mul3A_207 : i32
      %swap3A_209 = arith.index_cast %mul3A_208 : i32 to index
      %swap3A_210 = tpu.vector_load %arg10[%swap3A_209] {strides = array<i32>} : memref<4096xi32, #tpu.memory_space<vmem>>, vector<16xi32>,
      tpu.vector_store %arg10[%swap3A_209], %broadcast_in_dim3A_4 {strides = array<i32>} : memref<4096xi32, #tpu.memory_space<vmem>>, vector<16xi32>,
      %sub3A_211 = arith.subi %masked_cumsum3A, %get3A_199 : vector<16xi32>
      %add3A_212 = vector.broadcast %scan3A_196 : i32 to vector<16xi32>
      %add3A_213 = arith.addi %sub3A_211, %add3A_212 : vector<16xi32>
      %slice3A = vector.extract_strided_slice %add3A_213 {offsets = [15], sizes = [1], strides = [1]} : vector<16xi32> to vector<1xi32>
      %squeeze3A = vector.extract %slice3A[0] : i32 from vector<1xi32>
      %slice3A_214 = vector.extract_strided_slice %get3A_199 {offsets = [15], sizes = [1], strides = [1]} : vector<16xi32> to vector<1xi32>
      %squeeze3A_215 = vector.extract %slice3A_214[0] : i32 from vector<1xi32>
      %add3A_216 = arith.addi %squeeze3A, %squeeze3A_215 : i32
      %scan3A_217 = arith.constant 1 : i32
      %scan3A_218 = arith.addi %scan3A_195, %scan3A_217 : i32
      %mul3A_219 = arith.constant 16 : i32
      %mul3A_220 = arith.muli %scan3A_218, %mul3A_219 : i32
      %get3A_221 = arith.index_cast %mul3A_220 : i32 to index
      %get3A_222 = tpu.vector_load %arg11[%get3A_221] {strides = array<i32>} : memref<4096xi32, #tpu.memory_space<vmem>>, vector<16xi32>,
      %broadcast_in_dim3A_223 = arith.constant true
      %broadcast_in_dim3A_224 = vector.broadcast %broadcast_in_dim3A_223 : i1 to vector<16xi1>
      %masked_cumsum3A_225 = tpu.scan <sum>, %get3A_222 masked %broadcast_in_dim3A_224 : vector<16xi32>, vector<16xi1> -> vector<16xi32>
      %sub3A_226 = arith.subi %masked_cumsum3A_225, %get3A_222 : vector<16xi32>
      %add3A_227 = vector.broadcast %add3A_216 : i32 to vector<16xi32>
      %add3A_228 = arith.addi %sub3A_226, %add3A_227 : vector<16xi32>
      %mul3A_229 = arith.constant 16 : i32
      %mul3A_230 = arith.muli %scan3A_218, %mul3A_229 : i32
      %swap3A_231 = arith.index_cast %mul3A_230 : i32 to index
      %swap3A_232 = tpu.vector_load %arg11[%swap3A_231] {strides = array<i32>} : memref<4096xi32, #tpu.memory_space<vmem>>, vector<16xi32>,
      tpu.vector_store %arg11[%swap3A_231], %add3A_228 {strides = array<i32>} : memref<4096xi32, #tpu.memory_space<vmem>>, vector<16xi32>,
      %mul3A_233 = arith.constant 16 : i32
      %mul3A_234 = arith.muli %scan3A_218, %mul3A_233 : i32
      %swap3A_235 = arith.index_cast %mul3A_234 : i32 to index
      %swap3A_236 = tpu.vector_load %arg10[%swap3A_235] {strides = array<i32>} : memref<4096xi32, #tpu.memory_space<vmem>>, vector<16xi32>,
      tpu.vector_store %arg10[%swap3A_235], %broadcast_in_dim3A_4 {strides = array<i32>} : memref<4096xi32, #tpu.memory_space<vmem>>, vector<16xi32>,
      %sub3A_237 = arith.subi %masked_cumsum3A_225, %get3A_222 : vector<16xi32>
      %add3A_238 = vector.broadcast %add3A_216 : i32 to vector<16xi32>
      %add3A_239 = arith.addi %sub3A_237, %add3A_238 : vector<16xi32>
      %slice3A_240 = vector.extract_strided_slice %add3A_239 {offsets = [15], sizes = [1], strides = [1]} : vector<16xi32> to vector<1xi32>
      %squeeze3A_241 = vector.extract %slice3A_240[0] : i32 from vector<1xi32>
      %slice3A_242 = vector.extract_strided_slice %get3A_222 {offsets = [15], sizes = [1], strides = [1]} : vector<16xi32> to vector<1xi32>
      %squeeze3A_243 = vector.extract %slice3A_242[0] : i32 from vector<1xi32>
      %add3A_244 = arith.addi %squeeze3A_241, %squeeze3A_243 : i32
      scf.yield %add3A_244 : i32
    }
    %scan3A_145 = arith.constant 256 : i32
    %scan3A_146 = arith.constant 0 : i32
    %scan3A_147 = arith.constant 0 : i32
    %scan3A_148 = arith.constant 1024 : i32
    %scan3A_149 = arith.addi %scan3A_147, %scan3A_148 : i32
    %scan3A_150 = arith.constant 4 : i32
    %scan3A_151 = scf.for %scan3A_195 = %scan3A_147 to %scan3A_149 step %scan3A_150 iter_args(%scan3A_196 = %scan3A_146) -> (i32)  : i32 {
      %add3A_197 = vector.broadcast %scan3A_195 : i32 to vector<16xi32>
      %add3A_198 = arith.addi %mul3A_3, %add3A_197 : vector<16xi32>
      %gather3A = tpu.vector_load_idx %arg5[%add3A_198] : memref<16400xi32, #tpu.memory_space<vmem>>[vector<16xi32>], vector<16xi32>,
      %shift_right_arithmetic3A = arith.constant 8 : i32
      %shift_right_arithmetic3A_199 = vector.broadcast %shift_right_arithmetic3A : i32 to vector<16xi32>
      %shift_right_arithmetic3A_200 = arith.shrsi %gather3A, %shift_right_arithmetic3A_199 : vector<16xi32>
      %and3A = arith.constant 255 : i32
      %and3A_201 = vector.broadcast %and3A : i32 to vector<16xi32>
      %and3A_202 = arith.andi %shift_right_arithmetic3A_200, %and3A_201 : vector<16xi32>
      %mul3A_203 = arith.constant 16 : i32
      %mul3A_204 = vector.broadcast %mul3A_203 : i32 to vector<16xi32>
      %mul3A_205 = arith.muli %and3A_202, %mul3A_204 : vector<16xi32>
      %add3A_206 = arith.addi %mul3A_205, %iota3A : vector<16xi32>
      %gather3A_207 = tpu.vector_load_idx %arg11[%add3A_206] : memref<4096xi32, #tpu.memory_space<vmem>>[vector<16xi32>], vector<16xi32>,
      %add3A_208 = arith.constant 1 : i32
      %add3A_209 = vector.broadcast %add3A_208 : i32 to vector<16xi32>
      %add3A_210 = arith.addi %gather3A_207, %add3A_209 : vector<16xi32>
      tpu.vector_store_idx %arg11[%add3A_206], %add3A_210 : memref<4096xi32, #tpu.memory_space<vmem>>[vector<16xi32>], vector<16xi32>,
      %shift_right_arithmetic3A_211 = arith.constant 10 : i32
      %shift_right_arithmetic3A_212 = vector.broadcast %shift_right_arithmetic3A_211 : i32 to vector<16xi32>
      %shift_right_arithmetic3A_213 = arith.shrsi %gather3A_207, %shift_right_arithmetic3A_212 : vector<16xi32>
      %add3A_214 = arith.addi %gather3A_207, %shift_right_arithmetic3A_213 : vector<16xi32>
      tpu.vector_store_idx %arg4[%add3A_214], %gather3A : memref<16400xi32, #tpu.memory_space<vmem>>[vector<16xi32>], vector<16xi32>,
      %shift_right_arithmetic3A_215 = arith.constant 16 : i32
      %shift_right_arithmetic3A_216 = vector.broadcast %shift_right_arithmetic3A_215 : i32 to vector<16xi32>
      %shift_right_arithmetic3A_217 = arith.shrsi %gather3A, %shift_right_arithmetic3A_216 : vector<16xi32>
      %and3A_218 = arith.constant 255 : i32
      %and3A_219 = vector.broadcast %and3A_218 : i32 to vector<16xi32>
      %and3A_220 = arith.andi %shift_right_arithmetic3A_217, %and3A_219 : vector<16xi32>
      %mul3A_221 = arith.constant 16 : i32
      %mul3A_222 = vector.broadcast %mul3A_221 : i32 to vector<16xi32>
      %mul3A_223 = arith.muli %and3A_220, %mul3A_222 : vector<16xi32>
      %shift_right_arithmetic3A_224 = arith.constant 10 : i32
      %shift_right_arithmetic3A_225 = vector.broadcast %shift_right_arithmetic3A_224 : i32 to vector<16xi32>
      %shift_right_arithmetic3A_226 = arith.shrsi %gather3A_207, %shift_right_arithmetic3A_225 : vector<16xi32>
      %add3A_227 = arith.addi %mul3A_223, %shift_right_arithmetic3A_226 : vector<16xi32>
      tpu.vector_store_idx %arg10[%add3A_227], %add3A_7 {add = true} : memref<4096xi32, #tpu.memory_space<vmem>>[vector<16xi32>], vector<16xi32>,
      %scan3A_228 = arith.constant 0 : i32
      %scan3A_229 = arith.constant 1 : i32
      %scan3A_230 = arith.addi %scan3A_195, %scan3A_229 : i32
      %add3A_231 = vector.broadcast %scan3A_230 : i32 to vector<16xi32>
      %add3A_232 = arith.addi %mul3A_3, %add3A_231 : vector<16xi32>
      %gather3A_233 = tpu.vector_load_idx %arg5[%add3A_232] : memref<16400xi32, #tpu.memory_space<vmem>>[vector<16xi32>], vector<16xi32>,
      %shift_right_arithmetic3A_234 = arith.constant 8 : i32
      %shift_right_arithmetic3A_235 = vector.broadcast %shift_right_arithmetic3A_234 : i32 to vector<16xi32>
      %shift_right_arithmetic3A_236 = arith.shrsi %gather3A_233, %shift_right_arithmetic3A_235 : vector<16xi32>
      %and3A_237 = arith.constant 255 : i32
      %and3A_238 = vector.broadcast %and3A_237 : i32 to vector<16xi32>
      %and3A_239 = arith.andi %shift_right_arithmetic3A_236, %and3A_238 : vector<16xi32>
      %mul3A_240 = arith.constant 16 : i32
      %mul3A_241 = vector.broadcast %mul3A_240 : i32 to vector<16xi32>
      %mul3A_242 = arith.muli %and3A_239, %mul3A_241 : vector<16xi32>
      %add3A_243 = arith.addi %mul3A_242, %iota3A : vector<16xi32>
      %gather3A_244 = tpu.vector_load_idx %arg11[%add3A_243] : memref<4096xi32, #tpu.memory_space<vmem>>[vector<16xi32>], vector<16xi32>,
      %add3A_245 = arith.constant 1 : i32
      %add3A_246 = vector.broadcast %add3A_245 : i32 to vector<16xi32>
      %add3A_247 = arith.addi %gather3A_244, %add3A_246 : vector<16xi32>
      tpu.vector_store_idx %arg11[%add3A_243], %add3A_247 : memref<4096xi32, #tpu.memory_space<vmem>>[vector<16xi32>], vector<16xi32>,
      %shift_right_arithmetic3A_248 = arith.constant 10 : i32
      %shift_right_arithmetic3A_249 = vector.broadcast %shift_right_arithmetic3A_248 : i32 to vector<16xi32>
      %shift_right_arithmetic3A_250 = arith.shrsi %gather3A_244, %shift_right_arithmetic3A_249 : vector<16xi32>
      %add3A_251 = arith.addi %gather3A_244, %shift_right_arithmetic3A_250 : vector<16xi32>
      tpu.vector_store_idx %arg4[%add3A_251], %gather3A_233 : memref<16400xi32, #tpu.memory_space<vmem>>[vector<16xi32>], vector<16xi32>,
      %shift_right_arithmetic3A_252 = arith.constant 16 : i32
      %shift_right_arithmetic3A_253 = vector.broadcast %shift_right_arithmetic3A_252 : i32 to vector<16xi32>
      %shift_right_arithmetic3A_254 = arith.shrsi %gather3A_233, %shift_right_arithmetic3A_253 : vector<16xi32>
      %and3A_255 = arith.constant 255 : i32
      %and3A_256 = vector.broadcast %and3A_255 : i32 to vector<16xi32>
      %and3A_257 = arith.andi %shift_right_arithmetic3A_254, %and3A_256 : vector<16xi32>
      %mul3A_258 = arith.constant 16 : i32
      %mul3A_259 = vector.broadcast %mul3A_258 : i32 to vector<16xi32>
      %mul3A_260 = arith.muli %and3A_257, %mul3A_259 : vector<16xi32>
      %shift_right_arithmetic3A_261 = arith.constant 10 : i32
      %shift_right_arithmetic3A_262 = vector.broadcast %shift_right_arithmetic3A_261 : i32 to vector<16xi32>
      %shift_right_arithmetic3A_263 = arith.shrsi %gather3A_244, %shift_right_arithmetic3A_262 : vector<16xi32>
      %add3A_264 = arith.addi %mul3A_260, %shift_right_arithmetic3A_263 : vector<16xi32>
      tpu.vector_store_idx %arg10[%add3A_264], %add3A_7 {add = true} : memref<4096xi32, #tpu.memory_space<vmem>>[vector<16xi32>], vector<16xi32>,
      %scan3A_265 = arith.constant 0 : i32
      %scan3A_266 = arith.constant 2 : i32
      %scan3A_267 = arith.addi %scan3A_195, %scan3A_266 : i32
      %add3A_268 = vector.broadcast %scan3A_267 : i32 to vector<16xi32>
      %add3A_269 = arith.addi %mul3A_3, %add3A_268 : vector<16xi32>
      %gather3A_270 = tpu.vector_load_idx %arg5[%add3A_269] : memref<16400xi32, #tpu.memory_space<vmem>>[vector<16xi32>], vector<16xi32>,
      %shift_right_arithmetic3A_271 = arith.constant 8 : i32
      %shift_right_arithmetic3A_272 = vector.broadcast %shift_right_arithmetic3A_271 : i32 to vector<16xi32>
      %shift_right_arithmetic3A_273 = arith.shrsi %gather3A_270, %shift_right_arithmetic3A_272 : vector<16xi32>
      %and3A_274 = arith.constant 255 : i32
      %and3A_275 = vector.broadcast %and3A_274 : i32 to vector<16xi32>
      %and3A_276 = arith.andi %shift_right_arithmetic3A_273, %and3A_275 : vector<16xi32>
      %mul3A_277 = arith.constant 16 : i32
      %mul3A_278 = vector.broadcast %mul3A_277 : i32 to vector<16xi32>
      %mul3A_279 = arith.muli %and3A_276, %mul3A_278 : vector<16xi32>
      %add3A_280 = arith.addi %mul3A_279, %iota3A : vector<16xi32>
      %gather3A_281 = tpu.vector_load_idx %arg11[%add3A_280] : memref<4096xi32, #tpu.memory_space<vmem>>[vector<16xi32>], vector<16xi32>,
      %add3A_282 = arith.constant 1 : i32
      %add3A_283 = vector.broadcast %add3A_282 : i32 to vector<16xi32>
      %add3A_284 = arith.addi %gather3A_281, %add3A_283 : vector<16xi32>
      tpu.vector_store_idx %arg11[%add3A_280], %add3A_284 : memref<4096xi32, #tpu.memory_space<vmem>>[vector<16xi32>], vector<16xi32>,
      %shift_right_arithmetic3A_285 = arith.constant 10 : i32
      %shift_right_arithmetic3A_286 = vector.broadcast %shift_right_arithmetic3A_285 : i32 to vector<16xi32>
      %shift_right_arithmetic3A_287 = arith.shrsi %gather3A_281, %shift_right_arithmetic3A_286 : vector<16xi32>
      %add3A_288 = arith.addi %gather3A_281, %shift_right_arithmetic3A_287 : vector<16xi32>
      tpu.vector_store_idx %arg4[%add3A_288], %gather3A_270 : memref<16400xi32, #tpu.memory_space<vmem>>[vector<16xi32>], vector<16xi32>,
      %shift_right_arithmetic3A_289 = arith.constant 16 : i32
      %shift_right_arithmetic3A_290 = vector.broadcast %shift_right_arithmetic3A_289 : i32 to vector<16xi32>
      %shift_right_arithmetic3A_291 = arith.shrsi %gather3A_270, %shift_right_arithmetic3A_290 : vector<16xi32>
      %and3A_292 = arith.constant 255 : i32
      %and3A_293 = vector.broadcast %and3A_292 : i32 to vector<16xi32>
      %and3A_294 = arith.andi %shift_right_arithmetic3A_291, %and3A_293 : vector<16xi32>
      %mul3A_295 = arith.constant 16 : i32
      %mul3A_296 = vector.broadcast %mul3A_295 : i32 to vector<16xi32>
      %mul3A_297 = arith.muli %and3A_294, %mul3A_296 : vector<16xi32>
      %shift_right_arithmetic3A_298 = arith.constant 10 : i32
      %shift_right_arithmetic3A_299 = vector.broadcast %shift_right_arithmetic3A_298 : i32 to vector<16xi32>
      %shift_right_arithmetic3A_300 = arith.shrsi %gather3A_281, %shift_right_arithmetic3A_299 : vector<16xi32>
      %add3A_301 = arith.addi %mul3A_297, %shift_right_arithmetic3A_300 : vector<16xi32>
      tpu.vector_store_idx %arg10[%add3A_301], %add3A_7 {add = true} : memref<4096xi32, #tpu.memory_space<vmem>>[vector<16xi32>], vector<16xi32>,
      %scan3A_302 = arith.constant 0 : i32
      %scan3A_303 = arith.constant 3 : i32
      %scan3A_304 = arith.addi %scan3A_195, %scan3A_303 : i32
      %add3A_305 = vector.broadcast %scan3A_304 : i32 to vector<16xi32>
      %add3A_306 = arith.addi %mul3A_3, %add3A_305 : vector<16xi32>
      %gather3A_307 = tpu.vector_load_idx %arg5[%add3A_306] : memref<16400xi32, #tpu.memory_space<vmem>>[vector<16xi32>], vector<16xi32>,
      %shift_right_arithmetic3A_308 = arith.constant 8 : i32
      %shift_right_arithmetic3A_309 = vector.broadcast %shift_right_arithmetic3A_308 : i32 to vector<16xi32>
      %shift_right_arithmetic3A_310 = arith.shrsi %gather3A_307, %shift_right_arithmetic3A_309 : vector<16xi32>
      %and3A_311 = arith.constant 255 : i32
      %and3A_312 = vector.broadcast %and3A_311 : i32 to vector<16xi32>
      %and3A_313 = arith.andi %shift_right_arithmetic3A_310, %and3A_312 : vector<16xi32>
      %mul3A_314 = arith.constant 16 : i32
      %mul3A_315 = vector.broadcast %mul3A_314 : i32 to vector<16xi32>
      %mul3A_316 = arith.muli %and3A_313, %mul3A_315 : vector<16xi32>
      %add3A_317 = arith.addi %mul3A_316, %iota3A : vector<16xi32>
      %gather3A_318 = tpu.vector_load_idx %arg11[%add3A_317] : memref<4096xi32, #tpu.memory_space<vmem>>[vector<16xi32>], vector<16xi32>,
      %add3A_319 = arith.constant 1 : i32
      %add3A_320 = vector.broadcast %add3A_319 : i32 to vector<16xi32>
      %add3A_321 = arith.addi %gather3A_318, %add3A_320 : vector<16xi32>
      tpu.vector_store_idx %arg11[%add3A_317], %add3A_321 : memref<4096xi32, #tpu.memory_space<vmem>>[vector<16xi32>], vector<16xi32>,
      %shift_right_arithmetic3A_322 = arith.constant 10 : i32
      %shift_right_arithmetic3A_323 = vector.broadcast %shift_right_arithmetic3A_322 : i32 to vector<16xi32>
      %shift_right_arithmetic3A_324 = arith.shrsi %gather3A_318, %shift_right_arithmetic3A_323 : vector<16xi32>
      %add3A_325 = arith.addi %gather3A_318, %shift_right_arithmetic3A_324 : vector<16xi32>
      tpu.vector_store_idx %arg4[%add3A_325], %gather3A_307 : memref<16400xi32, #tpu.memory_space<vmem>>[vector<16xi32>], vector<16xi32>,
      %shift_right_arithmetic3A_326 = arith.constant 16 : i32
      %shift_right_arithmetic3A_327 = vector.broadcast %shift_right_arithmetic3A_326 : i32 to vector<16xi32>
      %shift_right_arithmetic3A_328 = arith.shrsi %gather3A_307, %shift_right_arithmetic3A_327 : vector<16xi32>
      %and3A_329 = arith.constant 255 : i32
      %and3A_330 = vector.broadcast %and3A_329 : i32 to vector<16xi32>
      %and3A_331 = arith.andi %shift_right_arithmetic3A_328, %and3A_330 : vector<16xi32>
      %mul3A_332 = arith.constant 16 : i32
      %mul3A_333 = vector.broadcast %mul3A_332 : i32 to vector<16xi32>
      %mul3A_334 = arith.muli %and3A_331, %mul3A_333 : vector<16xi32>
      %shift_right_arithmetic3A_335 = arith.constant 10 : i32
      %shift_right_arithmetic3A_336 = vector.broadcast %shift_right_arithmetic3A_335 : i32 to vector<16xi32>
      %shift_right_arithmetic3A_337 = arith.shrsi %gather3A_318, %shift_right_arithmetic3A_336 : vector<16xi32>
      %add3A_338 = arith.addi %mul3A_334, %shift_right_arithmetic3A_337 : vector<16xi32>
      tpu.vector_store_idx %arg10[%add3A_338], %add3A_7 {add = true} : memref<4096xi32, #tpu.memory_space<vmem>>[vector<16xi32>], vector<16xi32>,
      %scan3A_339 = arith.constant 0 : i32
      scf.yield %scan3A_339 : i32
    }
    %scan3A_152 = arith.constant 1024 : i32
    %scan3A_153 = arith.constant 0 : i32
    %scan3A_154 = arith.constant 0 : i32
    %scan3A_155 = arith.constant 256 : i32
    %scan3A_156 = arith.addi %scan3A_154, %scan3A_155 : i32
    %scan3A_157 = arith.constant 2 : i32
    %scan3A_158 = scf.for %scan3A_195 = %scan3A_154 to %scan3A_156 step %scan3A_157 iter_args(%scan3A_196 = %scan3A_153) -> (i32)  : i32 {
      %mul3A_197 = arith.constant 16 : i32
      %mul3A_198 = arith.muli %scan3A_195, %mul3A_197 : i32
      %get3A = arith.index_cast %mul3A_198 : i32 to index
      %get3A_199 = tpu.vector_load %arg10[%get3A] {strides = array<i32>} : memref<4096xi32, #tpu.memory_space<vmem>>, vector<16xi32>,
      %broadcast_in_dim3A_200 = arith.constant true
      %broadcast_in_dim3A_201 = vector.broadcast %broadcast_in_dim3A_200 : i1 to vector<16xi1>
      %masked_cumsum3A = tpu.scan <sum>, %get3A_199 masked %broadcast_in_dim3A_201 : vector<16xi32>, vector<16xi1> -> vector<16xi32>
      %sub3A = arith.subi %masked_cumsum3A, %get3A_199 : vector<16xi32>
      %add3A_202 = vector.broadcast %scan3A_196 : i32 to vector<16xi32>
      %add3A_203 = arith.addi %sub3A, %add3A_202 : vector<16xi32>
      %mul3A_204 = arith.constant 16 : i32
      %mul3A_205 = arith.muli %scan3A_195, %mul3A_204 : i32
      %swap3A = arith.index_cast %mul3A_205 : i32 to index
      %swap3A_206 = tpu.vector_load %arg10[%swap3A] {strides = array<i32>} : memref<4096xi32, #tpu.memory_space<vmem>>, vector<16xi32>,
      tpu.vector_store %arg10[%swap3A], %add3A_203 {strides = array<i32>} : memref<4096xi32, #tpu.memory_space<vmem>>, vector<16xi32>,
      %mul3A_207 = arith.constant 16 : i32
      %mul3A_208 = arith.muli %scan3A_195, %mul3A_207 : i32
      %swap3A_209 = arith.index_cast %mul3A_208 : i32 to index
      %swap3A_210 = tpu.vector_load %arg11[%swap3A_209] {strides = array<i32>} : memref<4096xi32, #tpu.memory_space<vmem>>, vector<16xi32>,
      tpu.vector_store %arg11[%swap3A_209], %broadcast_in_dim3A_4 {strides = array<i32>} : memref<4096xi32, #tpu.memory_space<vmem>>, vector<16xi32>,
      %sub3A_211 = arith.subi %masked_cumsum3A, %get3A_199 : vector<16xi32>
      %add3A_212 = vector.broadcast %scan3A_196 : i32 to vector<16xi32>
      %add3A_213 = arith.addi %sub3A_211, %add3A_212 : vector<16xi32>
      %slice3A = vector.extract_strided_slice %add3A_213 {offsets = [15], sizes = [1], strides = [1]} : vector<16xi32> to vector<1xi32>
      %squeeze3A = vector.extract %slice3A[0] : i32 from vector<1xi32>
      %slice3A_214 = vector.extract_strided_slice %get3A_199 {offsets = [15], sizes = [1], strides = [1]} : vector<16xi32> to vector<1xi32>
      %squeeze3A_215 = vector.extract %slice3A_214[0] : i32 from vector<1xi32>
      %add3A_216 = arith.addi %squeeze3A, %squeeze3A_215 : i32
      %scan3A_217 = arith.constant 1 : i32
      %scan3A_218 = arith.addi %scan3A_195, %scan3A_217 : i32
      %mul3A_219 = arith.constant 16 : i32
      %mul3A_220 = arith.muli %scan3A_218, %mul3A_219 : i32
      %get3A_221 = arith.index_cast %mul3A_220 : i32 to index
      %get3A_222 = tpu.vector_load %arg10[%get3A_221] {strides = array<i32>} : memref<4096xi32, #tpu.memory_space<vmem>>, vector<16xi32>,
      %broadcast_in_dim3A_223 = arith.constant true
      %broadcast_in_dim3A_224 = vector.broadcast %broadcast_in_dim3A_223 : i1 to vector<16xi1>
      %masked_cumsum3A_225 = tpu.scan <sum>, %get3A_222 masked %broadcast_in_dim3A_224 : vector<16xi32>, vector<16xi1> -> vector<16xi32>
      %sub3A_226 = arith.subi %masked_cumsum3A_225, %get3A_222 : vector<16xi32>
      %add3A_227 = vector.broadcast %add3A_216 : i32 to vector<16xi32>
      %add3A_228 = arith.addi %sub3A_226, %add3A_227 : vector<16xi32>
      %mul3A_229 = arith.constant 16 : i32
      %mul3A_230 = arith.muli %scan3A_218, %mul3A_229 : i32
      %swap3A_231 = arith.index_cast %mul3A_230 : i32 to index
      %swap3A_232 = tpu.vector_load %arg10[%swap3A_231] {strides = array<i32>} : memref<4096xi32, #tpu.memory_space<vmem>>, vector<16xi32>,
      tpu.vector_store %arg10[%swap3A_231], %add3A_228 {strides = array<i32>} : memref<4096xi32, #tpu.memory_space<vmem>>, vector<16xi32>,
      %mul3A_233 = arith.constant 16 : i32
      %mul3A_234 = arith.muli %scan3A_218, %mul3A_233 : i32
      %swap3A_235 = arith.index_cast %mul3A_234 : i32 to index
      %swap3A_236 = tpu.vector_load %arg11[%swap3A_235] {strides = array<i32>} : memref<4096xi32, #tpu.memory_space<vmem>>, vector<16xi32>,
      tpu.vector_store %arg11[%swap3A_235], %broadcast_in_dim3A_4 {strides = array<i32>} : memref<4096xi32, #tpu.memory_space<vmem>>, vector<16xi32>,
      %sub3A_237 = arith.subi %masked_cumsum3A_225, %get3A_222 : vector<16xi32>
      %add3A_238 = vector.broadcast %add3A_216 : i32 to vector<16xi32>
      %add3A_239 = arith.addi %sub3A_237, %add3A_238 : vector<16xi32>
      %slice3A_240 = vector.extract_strided_slice %add3A_239 {offsets = [15], sizes = [1], strides = [1]} : vector<16xi32> to vector<1xi32>
      %squeeze3A_241 = vector.extract %slice3A_240[0] : i32 from vector<1xi32>
      %slice3A_242 = vector.extract_strided_slice %get3A_222 {offsets = [15], sizes = [1], strides = [1]} : vector<16xi32> to vector<1xi32>
      %squeeze3A_243 = vector.extract %slice3A_242[0] : i32 from vector<1xi32>
      %add3A_244 = arith.addi %squeeze3A_241, %squeeze3A_243 : i32
      scf.yield %add3A_244 : i32
    }
    %scan3A_159 = arith.constant 256 : i32
    %scan3A_160 = arith.constant 0 : i32
    %scan3A_161 = arith.constant 0 : i32
    %scan3A_162 = arith.constant 1024 : i32
    %scan3A_163 = arith.addi %scan3A_161, %scan3A_162 : i32
    %scan3A_164 = arith.constant 4 : i32
    %scan3A_165 = scf.for %scan3A_195 = %scan3A_161 to %scan3A_163 step %scan3A_164 iter_args(%scan3A_196 = %scan3A_160) -> (i32)  : i32 {
      %add3A_197 = vector.broadcast %scan3A_195 : i32 to vector<16xi32>
      %add3A_198 = arith.addi %mul3A_3, %add3A_197 : vector<16xi32>
      %gather3A = tpu.vector_load_idx %arg4[%add3A_198] : memref<16400xi32, #tpu.memory_space<vmem>>[vector<16xi32>], vector<16xi32>,
      %shift_right_arithmetic3A = arith.constant 16 : i32
      %shift_right_arithmetic3A_199 = vector.broadcast %shift_right_arithmetic3A : i32 to vector<16xi32>
      %shift_right_arithmetic3A_200 = arith.shrsi %gather3A, %shift_right_arithmetic3A_199 : vector<16xi32>
      %and3A = arith.constant 255 : i32
      %and3A_201 = vector.broadcast %and3A : i32 to vector<16xi32>
      %and3A_202 = arith.andi %shift_right_arithmetic3A_200, %and3A_201 : vector<16xi32>
      %mul3A_203 = arith.constant 16 : i32
      %mul3A_204 = vector.broadcast %mul3A_203 : i32 to vector<16xi32>
      %mul3A_205 = arith.muli %and3A_202, %mul3A_204 : vector<16xi32>
      %add3A_206 = arith.addi %mul3A_205, %iota3A : vector<16xi32>
      %gather3A_207 = tpu.vector_load_idx %arg10[%add3A_206] : memref<4096xi32, #tpu.memory_space<vmem>>[vector<16xi32>], vector<16xi32>,
      %add3A_208 = arith.constant 1 : i32
      %add3A_209 = vector.broadcast %add3A_208 : i32 to vector<16xi32>
      %add3A_210 = arith.addi %gather3A_207, %add3A_209 : vector<16xi32>
      tpu.vector_store_idx %arg10[%add3A_206], %add3A_210 : memref<4096xi32, #tpu.memory_space<vmem>>[vector<16xi32>], vector<16xi32>,
      %and3A_211 = arith.constant 1 : i32
      %and3A_212 = vector.broadcast %and3A_211 : i32 to vector<16xi32>
      %and3A_213 = arith.andi %gather3A, %and3A_212 : vector<16xi32>
      tpu.vector_store_idx %arg5[%gather3A_207], %and3A_213 : memref<16400xi32, #tpu.memory_space<vmem>>[vector<16xi32>], vector<16xi32>,
      %scan3A_214 = arith.constant 0 : i32
      %scan3A_215 = arith.constant 1 : i32
      %scan3A_216 = arith.addi %scan3A_195, %scan3A_215 : i32
      %add3A_217 = vector.broadcast %scan3A_216 : i32 to vector<16xi32>
      %add3A_218 = arith.addi %mul3A_3, %add3A_217 : vector<16xi32>
      %gather3A_219 = tpu.vector_load_idx %arg4[%add3A_218] : memref<16400xi32, #tpu.memory_space<vmem>>[vector<16xi32>], vector<16xi32>,
      %shift_right_arithmetic3A_220 = arith.constant 16 : i32
      %shift_right_arithmetic3A_221 = vector.broadcast %shift_right_arithmetic3A_220 : i32 to vector<16xi32>
      %shift_right_arithmetic3A_222 = arith.shrsi %gather3A_219, %shift_right_arithmetic3A_221 : vector<16xi32>
      %and3A_223 = arith.constant 255 : i32
      %and3A_224 = vector.broadcast %and3A_223 : i32 to vector<16xi32>
      %and3A_225 = arith.andi %shift_right_arithmetic3A_222, %and3A_224 : vector<16xi32>
      %mul3A_226 = arith.constant 16 : i32
      %mul3A_227 = vector.broadcast %mul3A_226 : i32 to vector<16xi32>
      %mul3A_228 = arith.muli %and3A_225, %mul3A_227 : vector<16xi32>
      %add3A_229 = arith.addi %mul3A_228, %iota3A : vector<16xi32>
      %gather3A_230 = tpu.vector_load_idx %arg10[%add3A_229] : memref<4096xi32, #tpu.memory_space<vmem>>[vector<16xi32>], vector<16xi32>,
      %add3A_231 = arith.constant 1 : i32
      %add3A_232 = vector.broadcast %add3A_231 : i32 to vector<16xi32>
      %add3A_233 = arith.addi %gather3A_230, %add3A_232 : vector<16xi32>
      tpu.vector_store_idx %arg10[%add3A_229], %add3A_233 : memref<4096xi32, #tpu.memory_space<vmem>>[vector<16xi32>], vector<16xi32>,
      %and3A_234 = arith.constant 1 : i32
      %and3A_235 = vector.broadcast %and3A_234 : i32 to vector<16xi32>
      %and3A_236 = arith.andi %gather3A_219, %and3A_235 : vector<16xi32>
      tpu.vector_store_idx %arg5[%gather3A_230], %and3A_236 : memref<16400xi32, #tpu.memory_space<vmem>>[vector<16xi32>], vector<16xi32>,
      %scan3A_237 = arith.constant 0 : i32
      %scan3A_238 = arith.constant 2 : i32
      %scan3A_239 = arith.addi %scan3A_195, %scan3A_238 : i32
      %add3A_240 = vector.broadcast %scan3A_239 : i32 to vector<16xi32>
      %add3A_241 = arith.addi %mul3A_3, %add3A_240 : vector<16xi32>
      %gather3A_242 = tpu.vector_load_idx %arg4[%add3A_241] : memref<16400xi32, #tpu.memory_space<vmem>>[vector<16xi32>], vector<16xi32>,
      %shift_right_arithmetic3A_243 = arith.constant 16 : i32
      %shift_right_arithmetic3A_244 = vector.broadcast %shift_right_arithmetic3A_243 : i32 to vector<16xi32>
      %shift_right_arithmetic3A_245 = arith.shrsi %gather3A_242, %shift_right_arithmetic3A_244 : vector<16xi32>
      %and3A_246 = arith.constant 255 : i32
      %and3A_247 = vector.broadcast %and3A_246 : i32 to vector<16xi32>
      %and3A_248 = arith.andi %shift_right_arithmetic3A_245, %and3A_247 : vector<16xi32>
      %mul3A_249 = arith.constant 16 : i32
      %mul3A_250 = vector.broadcast %mul3A_249 : i32 to vector<16xi32>
      %mul3A_251 = arith.muli %and3A_248, %mul3A_250 : vector<16xi32>
      %add3A_252 = arith.addi %mul3A_251, %iota3A : vector<16xi32>
      %gather3A_253 = tpu.vector_load_idx %arg10[%add3A_252] : memref<4096xi32, #tpu.memory_space<vmem>>[vector<16xi32>], vector<16xi32>,
      %add3A_254 = arith.constant 1 : i32
      %add3A_255 = vector.broadcast %add3A_254 : i32 to vector<16xi32>
      %add3A_256 = arith.addi %gather3A_253, %add3A_255 : vector<16xi32>
      tpu.vector_store_idx %arg10[%add3A_252], %add3A_256 : memref<4096xi32, #tpu.memory_space<vmem>>[vector<16xi32>], vector<16xi32>,
      %and3A_257 = arith.constant 1 : i32
      %and3A_258 = vector.broadcast %and3A_257 : i32 to vector<16xi32>
      %and3A_259 = arith.andi %gather3A_242, %and3A_258 : vector<16xi32>
      tpu.vector_store_idx %arg5[%gather3A_253], %and3A_259 : memref<16400xi32, #tpu.memory_space<vmem>>[vector<16xi32>], vector<16xi32>,
      %scan3A_260 = arith.constant 0 : i32
      %scan3A_261 = arith.constant 3 : i32
      %scan3A_262 = arith.addi %scan3A_195, %scan3A_261 : i32
      %add3A_263 = vector.broadcast %scan3A_262 : i32 to vector<16xi32>
      %add3A_264 = arith.addi %mul3A_3, %add3A_263 : vector<16xi32>
      %gather3A_265 = tpu.vector_load_idx %arg4[%add3A_264] : memref<16400xi32, #tpu.memory_space<vmem>>[vector<16xi32>], vector<16xi32>,
      %shift_right_arithmetic3A_266 = arith.constant 16 : i32
      %shift_right_arithmetic3A_267 = vector.broadcast %shift_right_arithmetic3A_266 : i32 to vector<16xi32>
      %shift_right_arithmetic3A_268 = arith.shrsi %gather3A_265, %shift_right_arithmetic3A_267 : vector<16xi32>
      %and3A_269 = arith.constant 255 : i32
      %and3A_270 = vector.broadcast %and3A_269 : i32 to vector<16xi32>
      %and3A_271 = arith.andi %shift_right_arithmetic3A_268, %and3A_270 : vector<16xi32>
      %mul3A_272 = arith.constant 16 : i32
      %mul3A_273 = vector.broadcast %mul3A_272 : i32 to vector<16xi32>
      %mul3A_274 = arith.muli %and3A_271, %mul3A_273 : vector<16xi32>
      %add3A_275 = arith.addi %mul3A_274, %iota3A : vector<16xi32>
      %gather3A_276 = tpu.vector_load_idx %arg10[%add3A_275] : memref<4096xi32, #tpu.memory_space<vmem>>[vector<16xi32>], vector<16xi32>,
      %add3A_277 = arith.constant 1 : i32
      %add3A_278 = vector.broadcast %add3A_277 : i32 to vector<16xi32>
      %add3A_279 = arith.addi %gather3A_276, %add3A_278 : vector<16xi32>
      tpu.vector_store_idx %arg10[%add3A_275], %add3A_279 : memref<4096xi32, #tpu.memory_space<vmem>>[vector<16xi32>], vector<16xi32>,
      %and3A_280 = arith.constant 1 : i32
      %and3A_281 = vector.broadcast %and3A_280 : i32 to vector<16xi32>
      %and3A_282 = arith.andi %gather3A_265, %and3A_281 : vector<16xi32>
      tpu.vector_store_idx %arg5[%gather3A_276], %and3A_282 : memref<16400xi32, #tpu.memory_space<vmem>>[vector<16xi32>], vector<16xi32>,
      %scan3A_283 = arith.constant 0 : i32
      scf.yield %scan3A_283 : i32
    }
    %scan3A_166 = arith.constant 1024 : i32
    %add3A_167 = arith.constant 1 : i32
    %add3A_168 = vector.broadcast %add3A_167 : i32 to vector<16xi32>
    %add3A_169 = arith.addi %iota3A, %add3A_168 : vector<16xi32>
    %scan3A_170 = arith.constant 0 : i32
    %scan3A_171 = arith.constant 0 : i32
    %scan3A_172 = arith.constant 1024 : i32
    %scan3A_173 = arith.addi %scan3A_171, %scan3A_172 : i32
    %scan3A_174 = arith.constant 4 : i32
    %scan3A_175:2 = scf.for %scan3A_195 = %scan3A_171 to %scan3A_173 step %scan3A_174 iter_args(%scan3A_196 = %convert_element_type3A, %scan3A_197 = %scan3A_170) -> (vector<16xf32>, i32)  : i32 {
      %mul3A_198 = arith.constant 16 : i32
      %mul3A_199 = arith.muli %scan3A_195, %mul3A_198 : i32
      %get3A = arith.index_cast %mul3A_199 : i32 to index
      %get3A_200 = tpu.vector_load %arg5[%get3A] {strides = array<i32>} : memref<16400xi32, #tpu.memory_space<vmem>>, vector<16xi32>,
      %broadcast_in_dim3A_201 = arith.constant true
      %broadcast_in_dim3A_202 = vector.broadcast %broadcast_in_dim3A_201 : i1 to vector<16xi1>
      %masked_cumsum3A = tpu.scan <sum>, %get3A_200 masked %broadcast_in_dim3A_202 : vector<16xi32>, vector<16xi1> -> vector<16xi32>
      %add3A_203 = vector.broadcast %scan3A_197 : i32 to vector<16xi32>
      %add3A_204 = arith.addi %masked_cumsum3A, %add3A_203 : vector<16xi32>
      %mul3A_205 = arith.constant 16 : i32
      %mul3A_206 = arith.muli %scan3A_195, %mul3A_205 : i32
      %add3A_207 = vector.broadcast %mul3A_206 : i32 to vector<16xi32>
      %add3A_208 = arith.addi %add3A_169, %add3A_207 : vector<16xi32>
      %convert_element_type3A_209 = arith.sitofp %add3A_208 : vector<16xi32> to vector<16xf32>
      %convert_element_type3A_210 = arith.sitofp %get3A_200 : vector<16xi32> to vector<16xf32>
      %convert_element_type3A_211 = arith.sitofp %add3A_204 : vector<16xi32> to vector<16xf32>
      %mul3A_212 = arith.mulf %convert_element_type3A_210, %convert_element_type3A_211 : vector<16xf32>
      %div3A_213 = arith.divf %mul3A_212, %convert_element_type3A_209 : vector<16xf32>
      %add3A_214 = arith.addf %scan3A_196, %div3A_213 : vector<16xf32>
      %slice3A = vector.extract_strided_slice %add3A_204 {offsets = [15], sizes = [1], strides = [1]} : vector<16xi32> to vector<1xi32>
      %squeeze3A = vector.extract %slice3A[0] : i32 from vector<1xi32>
      %scan3A_215 = arith.constant 1 : i32
      %scan3A_216 = arith.addi %scan3A_195, %scan3A_215 : i32
      %mul3A_217 = arith.constant 16 : i32
      %mul3A_218 = arith.muli %scan3A_216, %mul3A_217 : i32
      %get3A_219 = arith.index_cast %mul3A_218 : i32 to index
      %get3A_220 = tpu.vector_load %arg5[%get3A_219] {strides = array<i32>} : memref<16400xi32, #tpu.memory_space<vmem>>, vector<16xi32>,
      %broadcast_in_dim3A_221 = arith.constant true
      %broadcast_in_dim3A_222 = vector.broadcast %broadcast_in_dim3A_221 : i1 to vector<16xi1>
      %masked_cumsum3A_223 = tpu.scan <sum>, %get3A_220 masked %broadcast_in_dim3A_222 : vector<16xi32>, vector<16xi1> -> vector<16xi32>
      %add3A_224 = vector.broadcast %squeeze3A : i32 to vector<16xi32>
      %add3A_225 = arith.addi %masked_cumsum3A_223, %add3A_224 : vector<16xi32>
      %mul3A_226 = arith.constant 16 : i32
      %mul3A_227 = arith.muli %scan3A_216, %mul3A_226 : i32
      %add3A_228 = vector.broadcast %mul3A_227 : i32 to vector<16xi32>
      %add3A_229 = arith.addi %add3A_169, %add3A_228 : vector<16xi32>
      %convert_element_type3A_230 = arith.sitofp %add3A_229 : vector<16xi32> to vector<16xf32>
      %convert_element_type3A_231 = arith.sitofp %get3A_220 : vector<16xi32> to vector<16xf32>
      %convert_element_type3A_232 = arith.sitofp %add3A_225 : vector<16xi32> to vector<16xf32>
      %mul3A_233 = arith.mulf %convert_element_type3A_231, %convert_element_type3A_232 : vector<16xf32>
      %div3A_234 = arith.divf %mul3A_233, %convert_element_type3A_230 : vector<16xf32>
      %add3A_235 = arith.addf %add3A_214, %div3A_234 : vector<16xf32>
      %slice3A_236 = vector.extract_strided_slice %add3A_225 {offsets = [15], sizes = [1], strides = [1]} : vector<16xi32> to vector<1xi32>
      %squeeze3A_237 = vector.extract %slice3A_236[0] : i32 from vector<1xi32>
      %scan3A_238 = arith.constant 2 : i32
      %scan3A_239 = arith.addi %scan3A_195, %scan3A_238 : i32
      %mul3A_240 = arith.constant 16 : i32
      %mul3A_241 = arith.muli %scan3A_239, %mul3A_240 : i32
      %get3A_242 = arith.index_cast %mul3A_241 : i32 to index
      %get3A_243 = tpu.vector_load %arg5[%get3A_242] {strides = array<i32>} : memref<16400xi32, #tpu.memory_space<vmem>>, vector<16xi32>,
      %broadcast_in_dim3A_244 = arith.constant true
      %broadcast_in_dim3A_245 = vector.broadcast %broadcast_in_dim3A_244 : i1 to vector<16xi1>
      %masked_cumsum3A_246 = tpu.scan <sum>, %get3A_243 masked %broadcast_in_dim3A_245 : vector<16xi32>, vector<16xi1> -> vector<16xi32>
      %add3A_247 = vector.broadcast %squeeze3A_237 : i32 to vector<16xi32>
      %add3A_248 = arith.addi %masked_cumsum3A_246, %add3A_247 : vector<16xi32>
      %mul3A_249 = arith.constant 16 : i32
      %mul3A_250 = arith.muli %scan3A_239, %mul3A_249 : i32
      %add3A_251 = vector.broadcast %mul3A_250 : i32 to vector<16xi32>
      %add3A_252 = arith.addi %add3A_169, %add3A_251 : vector<16xi32>
      %convert_element_type3A_253 = arith.sitofp %add3A_252 : vector<16xi32> to vector<16xf32>
      %convert_element_type3A_254 = arith.sitofp %get3A_243 : vector<16xi32> to vector<16xf32>
      %convert_element_type3A_255 = arith.sitofp %add3A_248 : vector<16xi32> to vector<16xf32>
      %mul3A_256 = arith.mulf %convert_element_type3A_254, %convert_element_type3A_255 : vector<16xf32>
      %div3A_257 = arith.divf %mul3A_256, %convert_element_type3A_253 : vector<16xf32>
      %add3A_258 = arith.addf %add3A_235, %div3A_257 : vector<16xf32>
      %slice3A_259 = vector.extract_strided_slice %add3A_248 {offsets = [15], sizes = [1], strides = [1]} : vector<16xi32> to vector<1xi32>
      %squeeze3A_260 = vector.extract %slice3A_259[0] : i32 from vector<1xi32>
      %scan3A_261 = arith.constant 3 : i32
      %scan3A_262 = arith.addi %scan3A_195, %scan3A_261 : i32
      %mul3A_263 = arith.constant 16 : i32
      %mul3A_264 = arith.muli %scan3A_262, %mul3A_263 : i32
      %get3A_265 = arith.index_cast %mul3A_264 : i32 to index
      %get3A_266 = tpu.vector_load %arg5[%get3A_265] {strides = array<i32>} : memref<16400xi32, #tpu.memory_space<vmem>>, vector<16xi32>,
      %broadcast_in_dim3A_267 = arith.constant true
      %broadcast_in_dim3A_268 = vector.broadcast %broadcast_in_dim3A_267 : i1 to vector<16xi1>
      %masked_cumsum3A_269 = tpu.scan <sum>, %get3A_266 masked %broadcast_in_dim3A_268 : vector<16xi32>, vector<16xi1> -> vector<16xi32>
      %add3A_270 = vector.broadcast %squeeze3A_260 : i32 to vector<16xi32>
      %add3A_271 = arith.addi %masked_cumsum3A_269, %add3A_270 : vector<16xi32>
      %mul3A_272 = arith.constant 16 : i32
      %mul3A_273 = arith.muli %scan3A_262, %mul3A_272 : i32
      %add3A_274 = vector.broadcast %mul3A_273 : i32 to vector<16xi32>
      %add3A_275 = arith.addi %add3A_169, %add3A_274 : vector<16xi32>
      %convert_element_type3A_276 = arith.sitofp %add3A_275 : vector<16xi32> to vector<16xf32>
      %convert_element_type3A_277 = arith.sitofp %get3A_266 : vector<16xi32> to vector<16xf32>
      %convert_element_type3A_278 = arith.sitofp %add3A_271 : vector<16xi32> to vector<16xf32>
      %mul3A_279 = arith.mulf %convert_element_type3A_277, %convert_element_type3A_278 : vector<16xf32>
      %div3A_280 = arith.divf %mul3A_279, %convert_element_type3A_276 : vector<16xf32>
      %add3A_281 = arith.addf %add3A_258, %div3A_280 : vector<16xf32>
      %slice3A_282 = vector.extract_strided_slice %add3A_271 {offsets = [15], sizes = [1], strides = [1]} : vector<16xi32> to vector<1xi32>
      %squeeze3A_283 = vector.extract %slice3A_282[0] : i32 from vector<1xi32>
      scf.yield %add3A_281, %squeeze3A_283 : vector<16xf32>, i32
    }
    %scan3A_176 = arith.constant 1024 : i32
    %reduce_sum3A = arith.constant true
    %reduce_sum3A_177 = vector.broadcast %reduce_sum3A : i1 to vector<16xi1>
    %reduce_sum3A_178 = tpu.scan <sum>, %scan3A_175#0 masked %reduce_sum3A_177 : vector<16xf32>, vector<16xi1> -> vector<16xf32>
    %reduce_sum3A_179 = vector.extract %reduce_sum3A_178[15] : f32 from vector<16xf32>
    %convert_element_type3A_180 = arith.sitofp %scan3A_175#1 : i32 to f32
    %add3A_181 = arith.constant 9.99999974E-6 : f32
    %add3A_182 = arith.addf %convert_element_type3A_180, %add3A_181 : f32
    %broadcast_in_dim3A_183 = vector.broadcast %reduce_sum3A_179 : f32 to vector<16xf32>
    %broadcast_in_dim3A_184 = vector.broadcast %add3A_182 : f32 to vector<16xf32>
    %div3A = arith.divf %broadcast_in_dim3A_183, %broadcast_in_dim3A_184 : vector<16xf32>
    %add3A_185 = arith.constant 0 : i32
    %add3A_186 = arith.addi %add3A_105, %add3A_185 : i32
    %add3A_187 = vector.broadcast %add3A_186 : i32 to vector<16xi32>
    %add3A_188 = arith.addi %broadcast_in_dim3A_4, %add3A_187 : vector<16xi32>
    %lt3A = arith.constant 1 : i32
    %lt3A_189 = vector.broadcast %lt3A : i32 to vector<16xi32>
    %lt3A_190 = arith.cmpi slt, %iota3A, %lt3A_189 : vector<16xi32>
    tpu.vector_store_idx %arg16[%add3A_188], %div3A masked %lt3A_190 : memref<64xf32, #tpu.memory_space<vmem>>[vector<16xi32>], vector<16xf32>, vector<16xi1>
    %scan3A_191 = arith.constant 0 : i32
    %scan3A_192 = arith.constant 1 : i32
    %mul3A_193 = arith.constant 64 : i32
    %mul3A_194 = arith.muli %add3A, %mul3A_193 : i32
    "tpu.region"() ({
      %run_scoped3A = tpu.sem_alloc : memref<!tpu.dma_semaphore, #tpu.memory_space<semaphore_mem>>
      %dma_start3A_195 = tpu.memref_slice %arg3[%mul3A_194] : memref<2048xf32, #tpu.memory_space<hbm>> -> memref<64xf32, #tpu.memory_space<hbm>>
      %dma_start3A_196 = tpu.memref_slice %arg3[%mul3A_194] : memref<2048xf32, #tpu.memory_space<hbm>> -> memref<64xf32, #tpu.memory_space<hbm>>
      tpu.enqueue_dma source(%arg16 : memref<64xf32, #tpu.memory_space<vmem>>) target(%dma_start3A_196 : memref<64xf32, #tpu.memory_space<hbm>>) target_semaphore(%run_scoped3A : memref<!tpu.dma_semaphore, #tpu.memory_space<semaphore_mem>>)
      %dma_wait3A_197 = tpu.memref_slice %arg3[%mul3A_194] : memref<2048xf32, #tpu.memory_space<hbm>> -> memref<64xf32, #tpu.memory_space<hbm>>
      %dma_wait3A_198 = tpu.memref_slice %arg3[%mul3A_194] : memref<2048xf32, #tpu.memory_space<hbm>> -> memref<64xf32, #tpu.memory_space<hbm>>
      tpu.wait_dma2 semaphore(%run_scoped3A : memref<!tpu.dma_semaphore, #tpu.memory_space<semaphore_mem>>) src(%arg16 : memref<64xf32, #tpu.memory_space<vmem>>) dst(%dma_wait3A_198 : memref<64xf32, #tpu.memory_space<hbm>>)
      tpu.yield
    }) : () -> ()
    return
  }
}

</mosaic_0001>

<sc_bundles>
// kernel: kernel.3.cloned.1.call-start
scs
__scs_entry_jumppad:
0x0: {  	(pc) =	sbr.rel $0x88, $3  }
0x1: {  	(tag) =	ssettag $0x0;
	lr =	simm.s32 $0x1  }
0x2: {  	[smem:$0x3F9F] =	sst lr;
	_ =	strace $0xD0000000  }
0x3: {  	_ = 	snop  }
0x4: {  	_ = 	snop  }
0x5: {  	_ = 	snop  }
0x6: {  	_ = 	snop  }
0x7: {  	_ = 	snop  }
__scs_overlays_trampoline_lowered:
0x8: {  	[smem:$0x3FAE] =	sst s0  }
0x9: {  	[smem:$0x3FAF] =	sst s1  }
0xa: {  	[smem:$0x3FB0] =	sst s2  }
0xb: {  	[smem:$0x3FB1] =	sst s3  }
0xc: {  	[smem:$0x3FB2] =	sst s4  }
0xd: {  	[smem:$0x3FB3] =	sst s5  }
0xe: {  	[smem:$0x3FB4] =	sst s6  }
0xf: {  	[smem:$0x3FB5] =	sst s7  }
0x10: {  	[smem:$0x3FB6] =	sst s8  }
0x11: {  	[smem:$0x3FB7] =	sst s9;
	s0 =	simm.s32 @!p0 $0x0  }
0x12: {  	s1 =	sld [smem:$0x3F9D];
	s0 =	simm.s32 @p0 $0x1  }
0x13: {  	[smem:$0x3FB8] =	sst s0;
	s0 =	simm.s32 @!p1 $0x0  }
0x14: {  	s2 =	sld [smem:$0x3F9C];
	s0 =	simm.s32 @p1 $0x1  }
0x15: {  	[smem:$0x3FB9] =	sst s0;
	s0 =	simm.s32 @!p2 $0x0  }
0x16: {  	s3 =	sld [smem:$0x3FDB];
	s0 =	simm.s32 @p2 $0x1  }
0x17: {  	s4 =	simm.s32 $0x1BF5;
	[smem:$0x3FBB] =	sst s0  }
0x18: {  	s0 =	sld [smem:$0x3F9E];
	_ =	swait.ge [sflag:s4], $0x0  }
0x19: {  	s7 =	sld [smem:$0x3F9F]  }
0x1a: {  	s8 =	sadd.s32 $0xFFFFE003, lr  }
0x1b: {  	s9 =	sadd.s32 $0xFFFFFEF7, lr;
	s5 =	simm.s32 $0xFFFFFFFF;
	p2 =	slt.u32 s8, $0xFFFFF086  }
0x1c: {  	p1 =	slt.u32 s9, $0xF7A;
	s5 =	simm.s32 @!p2 $0x0  }
0x1d: {  	s5 =	simm.s32 @p1 $0x1;
	p0 =	seq.s32 s7, s2  }
0x1e: {  	s7 =	smul.u32 @!p0 $0xF7A, s2;
	p2 =	seq.s32 @!p0 s5, $0x0  }
0x1f: {  	s9 =	smul.u32 $0xF7A, s1;
	s8 =	simm.s32 @!p0 $0x1BF5;
	p2 =	por !p2, p0  }
0x20: {  	[sflag:s8] =	ssyncset.s32 @!p0 $0xFFFFF086;
	s6 =	sadd.s32 @!p0 s3, s7;
	s7 =	simm.s32 @!p0 $0x108  }
0x21: {  	s3 =	sadd.s32 s3, s9;
	s6 =	sadd.s32 @!p0 $0x88, s6;
	s7 =	simm.s32 @p2 $0x1082  }
0x22: {  	[simem:s7], [sflag:s8] =	dma.local @!p0 [hbm:s6], $0xF7A  }
0x23: {  	s9 =	sor.u32 $0xD0000000, s2;
	s6 =	simm.s32 $0x108;
	_ =	swait.ge @!p0 [sflag:s8], $0x0  }
0x24: {  	s3 =	sadd.s32 $0x88, s3;
	s6 =	simm.s32 @!p1 $0x1082;
	[sflag:s4] =	ssyncset.s32 $0xFFFFF086  }
0x25: {  	[simem:s6], [sflag:s4] =	dma.local [hbm:s3], $0xF7A  }
0x26: {  	[smem:$0x3F9F] =	sst s1;
	(tag) =	ssettag s2;
	_ =	strace s9  }
0x27: {  	s1 =	sld [smem:$0x3FAF]  }
0x28: {  	s2 =	sld [smem:$0x3FB0]  }
0x29: {  	s4 =	sld [smem:$0x3FB2]  }
0x2a: {  	p0 =	seq.s32 s5, $0x0;
	s5 =	sld [smem:$0x3FB3]  }
0x2b: {  	s6 =	sld [smem:$0x3FB4]  }
0x2c: {  	s7 =	sld [smem:$0x3FB5]  }
0x2d: {  	s3 =	simm.s32 $0x108;
	s8 =	sld [smem:$0x3FB6]  }
0x2e: {  	s3 =	simm.s32 @!p0 $0x1082;
	s9 =	sld [smem:$0x3FB7]  }
0x2f: {  	lr =	sadd.s32 s0, s3;
	s0 =	sld [smem:$0x3FAE]  }
0x30: {  	s3 =	sld [smem:$0x3FB1]  }
0x31: {  	[smem:$0x3FBA] =	sst s10  }
0x32: {  	s10 =	sld [smem:$0x3FB8];
	_ =	sdelay $0x3  }
0x33: {  	p0 =	seq.s32 s10, $0x1;
	s10 =	sld [smem:$0x3FBA];
	_ =	sdelay $0x3  }
0x34: {  	[smem:$0x3FBA] =	sst s10  }
0x35: {  	s10 =	sld [smem:$0x3FB9];
	_ =	sdelay $0x3  }
0x36: {  	p1 =	seq.s32 s10, $0x1;
	s10 =	sld [smem:$0x3FBA];
	_ =	sdelay $0x3  }
0x37: {  	[smem:$0x3FBA] =	sst s10  }
0x38: {  	s10 =	sld [smem:$0x3FBB]  }
0x39: {  	_ = 	snop;
	(pc) =	sbr.ind lr, $3  }
0x3a: {  	_ = 	snop  }
0x3b: {  	_ = 	snop  }
0x3c: {  	p2 =	seq.s32 s10, $0x1;
	s10 =	sld [smem:$0x3FBA]  }
0x3d: {  	_ =	shalt  }
0x3e: {  	_ =	shalt  }
0x3f: {  	_ =	shalt  }
0x40: {  	_ =	shalt  }
0x41: {  	_ =	shalt  }
0x42: {  	_ =	shalt  }
0x43: {  	_ =	shalt  }
0x44: {  	_ =	shalt  }
0x45: {  	_ =	shalt  }
0x46: {  	_ =	shalt  }
0x47: {  	_ =	shalt  }
0x48: {  	_ =	shalt  }
0x49: {  	_ =	shalt  }
0x4a: {  	_ =	shalt  }
0x4b: {  	_ =	shalt  }
0x4c: {  	_ =	shalt  }
0x4d: {  	_ =	shalt  }
0x4e: {  	_ =	shalt  }
0x4f: {  	_ =	shalt  }
0x50: {  	_ =	shalt  }
0x51: {  	_ =	shalt  }
0x52: {  	_ =	shalt  }
0x53: {  	_ =	shalt  }
0x54: {  	_ =	shalt  }
0x55: {  	_ =	shalt  }
0x56: {  	_ =	shalt  }
0x57: {  	_ =	shalt  }
0x58: {  	_ =	shalt  }
0x59: {  	_ =	shalt  }
0x5a: {  	_ =	shalt  }
0x5b: {  	_ =	shalt  }
0x5c: {  	_ =	shalt  }
0x5d: {  	_ =	shalt  }
0x5e: {  	_ =	shalt  }
0x5f: {  	_ =	shalt  }
0x60: {  	_ =	shalt  }
0x61: {  	_ =	shalt  }
0x62: {  	_ =	shalt  }
0x63: {  	_ =	shalt  }
0x64: {  	_ =	shalt  }
0x65: {  	_ =	shalt  }
0x66: {  	_ =	shalt  }
0x67: {  	_ =	shalt  }
0x68: {  	_ =	shalt  }
0x69: {  	_ =	shalt  }
0x6a: {  	_ =	shalt  }
0x6b: {  	_ =	shalt  }
0x6c: {  	_ =	shalt  }
0x6d: {  	_ =	shalt  }
0x6e: {  	_ =	shalt  }
0x6f: {  	_ =	shalt  }
0x70: {  	_ =	shalt  }
0x71: {  	_ =	shalt  }
0x72: {  	_ =	shalt  }
0x73: {  	_ =	shalt  }
0x74: {  	_ =	shalt  }
0x75: {  	_ =	shalt  }
0x76: {  	_ =	shalt  }
0x77: {  	_ =	shalt  }
0x78: {  	_ =	shalt  }
0x79: {  	_ =	shalt  }
0x7a: {  	_ =	shalt  }
0x7b: {  	_ =	shalt  }
0x7c: {  	_ =	shalt  }
0x7d: {  	_ =	shalt  }
0x7e: {  	_ =	shalt  }
0x7f: {  	_ =	shalt  }
0x80: {  	_ =	shalt  }
0x81: {  	_ =	shalt  }
0x82: {  	_ =	shalt  }
0x83: {  	_ =	shalt  }
0x84: {  	_ =	shalt  }
0x85: {  	_ =	shalt  }
0x86: {  	_ =	shalt  }
0x87: {  	_ =	shalt  }
.Lfunc_end0:
.L_simem_size_0:
called_computation_lowered:
.L_overlay_start_0:
0x88: {  	s2 =	sld [smem:$0x3FD9]  }
0x89: {  	s3 =	sld [smem:$0x3FFE];
	_ =	sdelay $0x1  }
0x8a: {  	s1 =	srdreg.scid  }
0x8b: {  	s0 =	sand.u32 $0x1, s1  }
0x8c: {  	s16 =	sshll.u32 s0, $0xA;
	s2 =	sadd.s32 s3, s2  }
0x8d: {  	s2 =	sadd.s32 s2, s16  }
0x8e: {  	[smem:$0x3FC6] =	sst s2  }
0x8f: {  	_ = 	snop  }
0x90: {  	(tm) =	ssettm $0x1  }
0x91: {  	s17 =	sld [smem:$0x3FFB];
	_ =	sdelay $0x3  }
0x92: {  	_ =	strace s17  }
0x93: {  	s2 =	sld [smem:$0x3FFC];
	_ =	sdelay $0x3  }
0x94: {  	_ =	strace s2  }
0x95: {  	s2 =	sld [smem:$0x3FFD];
	_ =	sdelay $0x3  }
0x96: {  	_ =	strace s2  }
0x97: {  	_ =	strace $0x8FFFFFFF  }
0x98: {  	s18 =	sld [smem:$0x3FDB];
	_ =	sdelay $0x1  }
0x99: {  	s19 =	simm.s32 $_scs_section_size  }
0x9a: {  	s4 =	simm.s32 $_size__tile_overlayer_lowered;
	s5 =	simm.s32 $_tile_overlayer_lowered  }
0x9b: {  	s22 =	simm.s32 $0x1BFF;
	s21 =	sshll.u32 s5, $0x1;
	s2 =	sadd.s32 s19, s18  }
0x9c: {  	s6 =	simm.s32 $0x0;
	s20 =	sshll.u32 s4, $0x1;
	s4 =	sadd.s32 s21, s2  }
0x9d: {  	[timem:s6], [sflag:s22] =	dma.local [hbm:s4], s20  }
0x9e: {  	_ =	swait.ge [sflag:s22], s20  }
0x9f: {  	s3 =	ssub.s32 $0x0, s20;
	[sflag:s22] =	ssyncset.done $0x0  }
0xa0: {  	[sflag:s22] =	ssyncadd.s32 s3;
	_ =	sdelay $0x1  }
0xa1: {  	s23 =	simm.s32 $0x1B8B  }
0xa2: {  	_ =	swait.ge [sflag:s23], $0x1  }
0xa3: {  	[sflag:s23] =	ssyncset.done $0x0  }
0xa4: {  	s25 =	simm.s32 $0x1B8E;
	s24 =	sld [smem:$0x3FFE];
	[sflag:s23] =	ssyncadd.s32 $0xFFFFFFFF  }
0xa5: {  	s26 =	simm.s32 $execute0_lowered;
	[smem:$0x3FD2] =	sst s25  }
0xa6: {  	s4 =	sshll.u32 s26, $0x1;
	_ =	strace $0x80000046;
	[dreg:$0x1] =	wrdreg $0xFFFFFFFF  }
0xa7: {  	s28 =	simm.s32 $_size_execute0_lowered;
	s2 =	sadd.s32 s2, s4;
	[dreg:$0x0] =	wrdreg $0x0  }
0xa8: {  	s4 =	sshll.u32 s28, $0x1;
	[dreg:$0x2] =	wrdreg s2  }
0xa9: {  	[dreg:$0x3] =	wrdreg s4  }
0xaa: {  	[dreg:$0x4] =	wrdreg $0xC0  }
0xab: {  	_ =	task [dreg:s6], $0x5FFFF  }
0xac: {  	[dreg:$0x1] =	wrdreg $0xFFFFFFFF  }
0xad: {  	[dreg:$0x0] =	wrdreg $0x60  }
0xae: {  	[dreg:$0x2] =	wrdreg s24  }
0xaf: {  	[dreg:$0x3] =	wrdreg $0x9  }
0xb0: {  	_ =	task.clear_ibuf [dreg:s6], $0x4FFFF;
	_ =	strace $0x90000046  }
0xb1: {  	s29 =	simm.s32 $0x9;
	_ =	strace $0x80000048  }
0xb2: {  	_ =	swait.ge [sflag:s29], $0x1  }
0xb3: {  	[sflag:s29] =	ssyncadd.s32 $0xFFFFFFFF  }
0xb4: {  	_ =	strace $0x90000048  }
0xb5: {  	_ =	sfence  }
0xb6: {  	s30 =	sld [smem:$0x0];
	_ =	sdelay $0x2  }
0xb7: {  	s31 =	sshll.u32 s1, $0xD;
	s1 =	sshrl.u32 s1, $0x2  }
0xb8: {  	s3 =	sand.u32 $0x4000, s31;
	s1 =	sadd.s32 s1, s30  }
0xb9: {  	s0 =	sor.u32 s3, s0;
	s1 =	sshll.u32 s1, $0x11  }
0xba: {  	s0 =	sor.u32 s1, s0  }
0xbb: {  	s0 =	sadd.s32 $0x8F2B, s0  }
0xbc: {  	[sflag:s0] =	ssyncadd.remote.s32 $0x1  }
0xbd: {  	_ =	sfence.sel $0xFFFF  }
0xbe: {  	[dreg:$0x0] =	wrdreg $0xFFFFFFFF;
	(pc) =	sbr.abs _section_cstart, $3  }
0xbf: {  	[dreg:$0x1] =	wrdreg $0xFFFFFFFF  }
0xc0: {  	_ =	task.clear_ibuf [dreg:s6], $0x2FFFF;
	_ =	strace $0x9FFFFFFF  }
0xc1: {  	(tm) =	ssettm $0x7FFFFFFF  }
tec
execute0_lowered:
.L_overlay_start_1:
0x0: {  	(tag) =	ssettag $0x1  }
0x1: {  	s0 =	rddreg [dreg:$0x0];
	s1 =	srdreg.scid;
	s2 =	simm.s32 $0x0  }
0x2: {  	s4 =	stileid.u32;
	s11 =	simm.s32 $0x80;
	s12 =	simm.s32 $0x400  }
0x3: {  	s13 =	simm.s32 $0x8100;
	s14 =	simm.s32 $0x10200;
	s15 =	simm.s32 $0x1  }
0x4: {  	s16 =	simm.s32 $0x18300;
	s17 =	simm.s32 $0x1A300;
	s18 =	simm.s32 $0x1C300  }
0x5: {  	s19 =	simm.s32 $0x4080;
	s20 =	simm.s32 $0xC180;
	s1 =	sand.u32 $0x1, s1  }
0x6: {  	[smem:$0x7FF] =	sst s2;
	s4 =	sshll.u32 s4, $0x6;
	s3 =	sshll.u32 s1, $0xA  }
0x7: {  	_ =	strace $0x80000047;
	s1 =	ssub.s32 $0x2, s1;
	s5 =	sor.u32 s4, s3  }
0x8: {  	s4 =	sadd.s32 $0x200, s0;
	s6 =	sshrl.u32 s1, $0x1;
	s3 =	sshll.u32 s5, $0xB  }
0x9: {  	[dreg:$0x2] =	wrdreg s5;
	s1 =	ssub.s32 s1, s6;
	s3 =	sadd.s32 s4, s3  }
0xa: {  	s21 =	simm.s32 $0x14280;
	s31 =	smax.u32 s1, $0x1;
	[dreg:$0x3] =	wrdreg s3  }
0xb: {  	s22 =	simm.s32 $0x19300;
	s29 =	sadd.s32 $0x10, s3;
	[dreg:$0x8] =	wrdreg s31  }
0xc: {  	s5 =	sshrl.u32 s5, $0x3;
	s30 =	sadd.s32 $0x20, s3;
	[dreg:$0x4] =	wrdreg s29  }
0xd: {  	s0 =	sadd.s32 s5, s0;
	s3 =	sadd.s32 $0x1C070, s3;
	[dreg:$0x5] =	wrdreg s30  }
0xe: {  	v0 =	vimm.s32 $0x0;
	s23 =	simm.s32 $0x1B300;
	s0 =	sadd.s32 $0x400200, s0;
	[dreg:$0x6] =	wrdreg s3  }
0xf: {  	s24 =	simm.s32 $0x1D300;
	v1 =	vlaneseq.u32;
	v2 =	vimm.s32 $0x1;
	v3 =	vimm.s32 $0x3F;
	s1 =	simm.s32 $0x0;
	[dreg:$0x7] =	wrdreg s0  }
.LBB2_1:
0x10: {  	[dreg:$0x9] =	wrdreg s1  }
0x11: {  	s0 =	rddreg [dreg:$0x3]  }
0x12: {  	[tilespmem:s2], [sflag:$0x1] =	stream.strided.gather [hbm4b:s0+s11], $0x4000, s12, s11, $0x38;
	[tilespmem:$0x1E380] =	vst v63  }
0x13: {  	s30 =	rddreg [dreg:$0x4]  }
0x14: {  	[tilespmem:s13], [sflag:$0x1] =	stream.strided.gather [hbm4b:s30+s11], $0x4000, s12, s11, $0x38;
	[tilespmem:$0x1E380] =	vst v63  }
0x15: {  	s31 =	rddreg [dreg:$0x5];
	s29 =	simm.s32 $0x0  }
0x16: {  	[tilespmem:s14], [sflag:$0x1] =	stream.strided.gather [hbm4b:s31+s11], $0x4000, s12, s11, $0x38;
	[tilespmem:$0x1E380] =	vst v63  }
.LBB2_2:
0x17: {  	_ =	swait.ge [sflag:s15], $0x4000  }
0x18: {  	[sflag:s15] =	ssyncset.done $0x0  }
0x19: {  	[sflag:s15] =	ssyncadd.s32 $0xFFFFC000  }
0x1a: {  	_ =	swait.ge [sflag:s15], $0x4000  }
0x1b: {  	[sflag:s15] =	ssyncset.done $0x0  }
0x1c: {  	[sflag:s15] =	ssyncadd.s32 $0xFFFFC000  }
0x1d: {  	_ =	swait.ge [sflag:s15], $0x4000  }
0x1e: {  	[sflag:s15] =	ssyncset.done $0x0  }
0x1f: {  	s0 =	simm.s32 $0x18310;
	[sflag:s15] =	ssyncadd.s32 $0xFFFFC000  }
0x20: {  	s1 =	simm.s32 $0x1A310;
	[tilespmem:s0+$0xFFFFFFF0] =	vst v0  }
0x21: {  	s3 =	simm.s32 $0x1C310;
	[tilespmem:s1+$0xFFFFFFF0] =	vst v0  }
0x22: {  	s6 =	simm.s32 $0x19310;
	[tilespmem:s3+$0xFFFFFFF0] =	vst v0  }
0x23: {  	s5 =	simm.s32 $0x1B310;
	[tilespmem:s6+$0xFFFFFFF0] =	vst v0  }
0x24: {  	s8 =	simm.s32 $0x1D310;
	[tilespmem:s5+$0xFFFFFFF0] =	vst v0  }
0x25: {  	[tilespmem:s8+$0xFFFFFFF0] =	vst v0  }
0x26: {  	[tilespmem:s0+$0x0] =	vst v0  }
0x27: {  	[tilespmem:s1+$0x0] =	vst v0  }
0x28: {  	s9 =	simm.s32 $0x0;
	s10 =	simm.s32 $0x18330;
	s7 =	simm.s32 $0x10220;
	[tilespmem:s3+$0x0] =	vst v0  }
0x29: {  	s26 =	simm.s32 $0x19330;
	s28 =	simm.s32 $0x1C330;
	s30 =	simm.s32 $0x1A330;
	[tilespmem:s6+$0x0] =	vst v0  }
0x2a: {  	s0 =	simm.s32 $0x8120;
	s1 =	simm.s32 $0x20;
	s6 =	simm.s32 $0xFFFFFFFC;
	[tilespmem:s5+$0x0] =	vst v0  }
.LBB2_3:
0x2b: {  	s9 =	sadd.s32 $0x2, s9;
	[tilespmem:s8+$0x0] =	vst v0;
	s8 =	sadd.s32 $0x20, s8;
	s5 =	sadd.s32 $0x20, s5  }
0x2c: {  	[tilespmem:s10+$0xFFFFFFF0] =	vst v0;
	p0 =	slt.u32 s9, $0xFE  }
0x2d: {  	[tilespmem:s30+$0xFFFFFFF0] =	vst v0  }
0x2e: {  	[tilespmem:s28+$0xFFFFFFF0] =	vst v0  }
0x2f: {  	[tilespmem:s26+$0xFFFFFFF0] =	vst v0  }
0x30: {  	[tilespmem:s5+$0xFFFFFFF0] =	vst v0  }
0x31: {  	[tilespmem:s8+$0xFFFFFFF0] =	vst v0  }
.Ltmp0:
0x32: {  	[tilespmem:s10+$0x0] =	vst v0;
	(pc) =	sbr.rel @p0 .LBB2_3-.Ltmp0, $4  }
0x33: {  	[tilespmem:s30+$0x0] =	vst v0  }
0x34: {  	[tilespmem:s28+$0x0] =	vst v0  }
0x35: {  	s10 =	sadd.s32 $0x20, s10;
	[tilespmem:s26+$0x0] =	vst v0  }
0x36: {  	s30 =	sadd.s32 $0x20, s30;
	s28 =	sadd.s32 $0x20, s28;
	s26 =	sadd.s32 $0x20, s26;
	[tilespmem:s5+$0x0] =	vst v0  }
0x37: {  	[tilespmem:s8+$0x0] =	vst v0  }
.LBB2_5:
0x38: {  	v4 =	vld [tilespmem:s1+$0xFFFFFFE0]  }
0x39: {  	v5 =	vld [tilespmem:s0+$0xFFFFFFE0]  }
0x3a: {  	v6 =	vld [tilespmem:s7+$0xFFFFFFE0];
	_ =	sdelay $0x2  }
0x3b: {  	v4 =	vshll.u32 v4, $0x4  }
0x3c: {  	v5 =	vshll.u32 v5, $0x4;
	v4 =	vor.u32 v1, v4  }
0x3d: {  	v6 =	vshll.u32 v6, $0x4;
	v5 =	vor.u32 v1, v5;
	v4 =	vand.u32 $0xFFF, v4  }
0x3e: {  	v6 =	vor.u32 v1, v6;
	v5 =	vand.u32 $0xFFF, v5  }
0x3f: {  	v6 =	vand.u32 $0xFFF, v6;
	_ =	sdelay $0x2  }
0x40: {  	v7 =	vld.idx.msk [tilespmem:v4+s16+$0x0], $0xffff  }
0x41: {  	v8 =	vld.idx.msk [tilespmem:v5+s17+$0x0], $0xffff  }
0x42: {  	v9 =	vld.idx.msk [tilespmem:v6+s18+$0x0], $0xffff;
	_ =	sdelay $0x2  }
0x43: {  	v7 =	vadd.s32 $0x1, v7  }
0x44: {  	[tilespmem:v4+s16+$0x0] =	vst.idx.msk $0xffff, v7;
	v4 =	vadd.s32 $0x1, v8  }
0x45: {  	[tilespmem:v5+s17+$0x0] =	vst.idx.msk $0xffff, v4;
	v4 =	vadd.s32 $0x1, v9  }
0x46: {  	[tilespmem:v6+s18+$0x0] =	vst.idx.msk $0xffff, v4  }
0x47: {  	v4 =	vld [tilespmem:s1+$0xFFFFFFF0]  }
0x48: {  	v5 =	vld [tilespmem:s0+$0xFFFFFFF0]  }
0x49: {  	v6 =	vld [tilespmem:s7+$0xFFFFFFF0];
	_ =	sdelay $0x2  }
0x4a: {  	v4 =	vshll.u32 v4, $0x4  }
0x4b: {  	v5 =	vshll.u32 v5, $0x4;
	v4 =	vor.u32 v1, v4  }
0x4c: {  	v6 =	vshll.u32 v6, $0x4;
	v5 =	vor.u32 v1, v5;
	v4 =	vand.u32 $0xFFF, v4  }
0x4d: {  	v6 =	vor.u32 v1, v6;
	v5 =	vand.u32 $0xFFF, v5  }
0x4e: {  	v6 =	vand.u32 $0xFFF, v6;
	_ =	sdelay $0x2  }
0x4f: {  	v7 =	vld.idx.msk [tilespmem:v4+s16+$0x0], $0xffff  }
0x50: {  	v58 =	vld.idx.msk [tilespmem:v5+s17+$0x0], $0xffff  }
0x51: {  	v59 =	vld.idx.msk [tilespmem:v6+s18+$0x0], $0xffff;
	_ =	sdelay $0x2  }
0x52: {  	v7 =	vadd.s32 $0x1, v7  }
0x53: {  	[tilespmem:v4+s16+$0x0] =	vst.idx.msk $0xffff, v7;
	v4 =	vadd.s32 $0x1, v58  }
0x54: {  	[tilespmem:v5+s17+$0x0] =	vst.idx.msk $0xffff, v4;
	v4 =	vadd.s32 $0x1, v59  }
0x55: {  	[tilespmem:v6+s18+$0x0] =	vst.idx.msk $0xffff, v4  }
0x56: {  	v4 =	vld [tilespmem:s1+$0x0]  }
0x57: {  	v5 =	vld [tilespmem:s0+$0x0]  }
0x58: {  	v6 =	vld [tilespmem:s7+$0x0];
	_ =	sdelay $0x2  }
0x59: {  	v4 =	vshll.u32 v4, $0x4  }
0x5a: {  	v5 =	vshll.u32 v5, $0x4;
	v4 =	vor.u32 v1, v4  }
0x5b: {  	v6 =	vshll.u32 v6, $0x4;
	v5 =	vor.u32 v1, v5;
	v4 =	vand.u32 $0xFFF, v4  }
0x5c: {  	v6 =	vor.u32 v1, v6;
	v5 =	vand.u32 $0xFFF, v5  }
0x5d: {  	v6 =	vand.u32 $0xFFF, v6;
	_ =	sdelay $0x2  }
0x5e: {  	v7 =	vld.idx.msk [tilespmem:v4+s16+$0x0], $0xffff  }
0x5f: {  	v60 =	vld.idx.msk [tilespmem:v5+s17+$0x0], $0xffff  }
0x60: {  	v61 =	vld.idx.msk [tilespmem:v6+s18+$0x0], $0xffff;
	_ =	sdelay $0x2  }
0x61: {  	v7 =	vadd.s32 $0x1, v7  }
0x62: {  	[tilespmem:v4+s16+$0x0] =	vst.idx.msk $0xffff, v7;
	v4 =	vadd.s32 $0x1, v60  }
0x63: {  	[tilespmem:v5+s17+$0x0] =	vst.idx.msk $0xffff, v4;
	v4 =	vadd.s32 $0x1, v61  }
0x64: {  	[tilespmem:v6+s18+$0x0] =	vst.idx.msk $0xffff, v4  }
0x65: {  	v4 =	vld [tilespmem:s1+$0x10]  }
0x66: {  	v5 =	vld [tilespmem:s0+$0x10]  }
0x67: {  	v6 =	vld [tilespmem:s7+$0x10];
	_ =	sdelay $0x2  }
0x68: {  	v4 =	vshll.u32 v4, $0x4  }
0x69: {  	v5 =	vshll.u32 v5, $0x4;
	v4 =	vor.u32 v1, v4  }
0x6a: {  	v6 =	vshll.u32 v6, $0x4;
	v5 =	vor.u32 v1, v5;
	v4 =	vand.u32 $0xFFF, v4  }
0x6b: {  	v6 =	vor.u32 v1, v6;
	v5 =	vand.u32 $0xFFF, v5  }
0x6c: {  	v6 =	vand.u32 $0xFFF, v6;
	_ =	sdelay $0x2  }
0x6d: {  	v7 =	vld.idx.msk [tilespmem:v4+s16+$0x0], $0xffff  }
0x6e: {  	v62 =	vld.idx.msk [tilespmem:v5+s17+$0x0], $0xffff  }
0x6f: {  	s6 =	sadd.s32 $0x4, s6;
	v63 =	vld.idx.msk [tilespmem:v6+s18+$0x0], $0xffff  }
0x70: {  	p0 =	slt.u32 s6, $0x3FC  }
.Ltmp1:
0x71: {  	_ = 	snop;
	(pc) =	sbr.rel @p0 .LBB2_5-.Ltmp1, $4  }
0x72: {  	v7 =	vadd.s32 $0x1, v7  }
0x73: {  	s26 =	simm.s32 $0x0;
	s5 =	simm.s32 $0xFFFFFFFE;
	[tilespmem:v4+s16+$0x0] =	vst.idx.msk $0xffff, v7;
	v4 =	vadd.s32 $0x1, v62  }
0x74: {  	s9 =	simm.s32 $0x1C310;
	s8 =	simm.s32 $0x1A310;
	s10 =	simm.s32 $0x18310;
	[tilespmem:v5+s17+$0x0] =	vst.idx.msk $0xffff, v4;
	v4 =	vadd.s32 $0x1, v63  }
0x75: {  	s7 =	sadd.s32 $0x40, s7;
	s0 =	sadd.s32 $0x40, s0;
	s1 =	sadd.s32 $0x40, s1;
	[tilespmem:v6+s18+$0x0] =	vst.idx.msk $0xffff, v4  }
0x76: {  	v4 =	vld [tilespmem:s10+$0xFFFFFFF0];
	_ =	sdelay $0x4  }
0x77: {  	(xrf0) =	vadd.scan.msk.s32 $0xffff, v4;
	_ =	sdelay $0x1  }
0x78: {  	v5 =	vld [tilespmem:s9+$0xFFFFFFF0]  }
0x79: {  	v6 =	vld [tilespmem:s8+$0xFFFFFFF0];
	_ =	sdelay $0x2  }
0x7a: {  	v7, _, _ =	vpop (xrf0)  }
0x7b: {  	(v2sf) =	vpush v4, $0xF;
	(xrf0) =	vadd.scan.msk.s32 $0xffff, v5;
	v4 =	vsub.s32 v7, v4  }
0x7c: {  	(v2sf) =	vpush v5, $0xF;
	(xrf0) =	vadd.scan.msk.s32 $0xffff, v6;
	v4 =	vadd.s32 s26, v4  }
0x7d: {  	(v2sf) =	vpush v4, $0xF;
	_ =	sdelay $0x3  }
0x7e: {  	v7, _, _ =	vpop (xrf0)  }
0x7f: {  	v8, _, _ =	vpop (xrf0)  }
0x80: {  	v8 =	vsub.s32 v8, v6  }
0x81: {  	v5 =	vsub.s32 v7, v5;
	[tilespmem:s10+$0xFFFFFFF0] =	vst v4;
	v4 =	vadd.s32 s26, v8;
	(v2sf) =	vpush v6, $0xF  }
0x82: {  	v5 =	vadd.s32 s26, v5;
	[tilespmem:s8+$0xFFFFFFF0] =	vst v4;
	(v2sf) =	vpush v4, $0xF  }
0x83: {  	[tilespmem:s9+$0xFFFFFFF0] =	vst v5;
	(v2sf) =	vpush v5, $0xF;
	v5 =	vld [tilespmem:s9+$0x0]  }
0x84: {  	v4 =	vld [tilespmem:s10+$0x0];
	_ =	sdelay $0x2  }
0x85: {  	s0 =	spop (v2sf)  }
0x86: {  	s1 =	spop (v2sf);
	(v2sf) =	vpush v5, $0xF  }
0x87: {  	v6 =	vld [tilespmem:s8+$0x0];
	s3 =	spop (v2sf);
	(v2sf) =	vpush v4, $0xF;
	_ =	sdelay $0x2  }
0x88: {  	(xrf0) =	vadd.scan.msk.s32 $0xffff, v4  }
0x89: {  	(xrf0) =	vadd.scan.msk.s32 $0xffff, v5  }
0x8a: {  	(xrf0) =	vadd.scan.msk.s32 $0xffff, v6;
	_ =	sdelay $0x3  }
0x8b: {  	v7, _, _ =	vpop (xrf0)  }
0x8c: {  	s0 =	sadd.s32 s0, s3;
	v7 =	vsub.s32 v7, v4;
	s25 =	spop (v2sf);
	v8, _, _ =	vpop (xrf0)  }
0x8d: {  	v7 =	vadd.s32 s0, v7;
	s26 =	spop (v2sf);
	v4, _, _ =	vpop (xrf0)  }
0x8e: {  	s0 =	sadd.s32 s25, s26;
	v4 =	vsub.s32 v4, v6;
	s28 =	spop (v2sf);
	(v2sf) =	vpush v7, $0xF  }
0x8f: {  	v5 =	vsub.s32 v8, v5;
	[tilespmem:s10+$0x0] =	vst v7;
	s1 =	sadd.s32 s1, s28;
	v4 =	vadd.s32 s0, v4;
	(v2sf) =	vpush v6, $0xF  }
0x90: {  	s6 =	sadd.s32 $0x20, s8;
	[tilespmem:s8+$0x0] =	vst v4;
	v5 =	vadd.s32 s1, v5;
	(v2sf) =	vpush v4, $0xF;
	s8 =	spop (v2sf)  }
0x91: {  	s1 =	sadd.s32 $0x20, s10;
	[tilespmem:s9+$0x0] =	vst v5;
	s30 =	spop (v2sf);
	(v2sf) =	vpush v5, $0xF  }
0x92: {  	s0 =	sadd.s32 $0x20, s9;
	v6 =	vld [tilespmem:s1+$0xFFFFFFF0]  }
0x93: {  	v8 =	vld [tilespmem:s0+$0xFFFFFFF0]  }
0x94: {  	v4 =	vld [tilespmem:s6+$0xFFFFFFF0];
	_ =	sdelay $0x2  }
0x95: {  	(xrf0) =	vadd.scan.msk.s32 $0xffff, v6;
	(v2sf) =	vpush v6, $0xF  }
0x96: {  	(xrf0) =	vadd.scan.msk.s32 $0xffff, v8  }
0x97: {  	(xrf0) =	vadd.scan.msk.s32 $0xffff, v4;
	_ =	sdelay $0x3  }
0x98: {  	v5, _, _ =	vpop (xrf0);
	s7 =	spop (v2sf)  }
0x99: {  	s31 =	sadd.s32 $0x2, s5;
	v5 =	vsub.s32 v5, v6;
	v7, _, _ =	vpop (xrf0);
	s3 =	sadd.s32 s30, s7;
	s5 =	spop (v2sf)  }
0x9a: {  	(v2sf) =	vpush v8, $0xF;
	s7 =	sadd.s32 $0x2, s31;
	v6 =	vadd.s32 s3, v5;
	v5 =	vsub.s32 v7, v8;
	v7, _, _ =	vpop (xrf0);
	s3 =	spop (v2sf)  }
.LBB2_7:
0x9b: {  	s7 =	sadd.s32 $0x2, s7;
	v7 =	vsub.s32 v7, v4;
	(v2sf) =	vpush v6, $0xF;
	s3 =	sadd.s32 s5, s3;
	s5 =	spop (v2sf)  }
0x9c: {  	p0 =	slt.u32 s7, $0xFE;
	[tilespmem:s1+$0xFFFFFFF0] =	vst v6;
	v6 =	vadd.s32 s3, v7;
	(v2sf) =	vpush v4, $0xF;
	s3 =	sadd.s32 s8, s5  }
0x9d: {  	[tilespmem:s6+$0xFFFFFFF0] =	vst v6;
	v4 =	vadd.s32 s3, v5;
	(v2sf) =	vpush v6, $0xF  }
0x9e: {  	[tilespmem:s0+$0xFFFFFFF0] =	vst v4;
	(v2sf) =	vpush v4, $0xF  }
0x9f: {  	v4 =	vld [tilespmem:s1+$0x0]  }
0xa0: {  	v5 =	vld [tilespmem:s0+$0x0]  }
0xa1: {  	v6 =	vld [tilespmem:s6+$0x0];
	s3 =	spop (v2sf);
	_ =	sdelay $0x2  }
0xa2: {  	(xrf0) =	vadd.scan.msk.s32 $0xffff, v4  }
0xa3: {  	(xrf0) =	vadd.scan.msk.s32 $0xffff, v5  }
0xa4: {  	(xrf0) =	vadd.scan.msk.s32 $0xffff, v6;
	_ =	sdelay $0x2  }
0xa5: {  	s5 =	spop (v2sf)  }
0xa6: {  	s8 =	spop (v2sf);
	v7, _, _ =	vpop (xrf0)  }
0xa7: {  	s3 =	sadd.s32 s3, s8;
	v7 =	vsub.s32 v7, v4;
	s8 =	spop (v2sf);
	v8, _, _ =	vpop (xrf0);
	(v2sf) =	vpush v5, $0xF  }
0xa8: {  	v7 =	vadd.s32 s3, v7;
	v5 =	vsub.s32 v8, v5;
	s3 =	spop (v2sf);
	v8, _, _ =	vpop (xrf0);
	(v2sf) =	vpush v4, $0xF  }
0xa9: {  	s3 =	sadd.s32 s8, s3;
	[tilespmem:s1+$0x0] =	vst v7;
	v4 =	vsub.s32 v8, v6;
	s8 =	spop (v2sf);
	(v2sf) =	vpush v7, $0xF  }
0xaa: {  	s5 =	sadd.s32 s5, s8;
	v4 =	vadd.s32 s3, v4;
	(v2sf) =	vpush v6, $0xF  }
0xab: {  	[tilespmem:s6+$0x0] =	vst v4;
	v5 =	vadd.s32 s5, v5;
	(v2sf) =	vpush v4, $0xF  }
0xac: {  	s1 =	sadd.s32 $0x20, s1;
	[tilespmem:s0+$0x0] =	vst v5;
	(v2sf) =	vpush v5, $0xF  }
0xad: {  	s0 =	sadd.s32 $0x20, s0;
	v5 =	vld [tilespmem:s1+$0xFFFFFFF0]  }
0xae: {  	s6 =	sadd.s32 $0x20, s6;
	v8 =	vld [tilespmem:s0+$0xFFFFFFF0]  }
0xaf: {  	v4 =	vld [tilespmem:s6+$0xFFFFFFF0];
	_ =	sdelay $0x2  }
0xb0: {  	(xrf0) =	vadd.scan.msk.s32 $0xffff, v5;
	(v2sf) =	vpush v5, $0xF  }
0xb1: {  	(xrf0) =	vadd.scan.msk.s32 $0xffff, v8  }
0xb2: {  	(xrf0) =	vadd.scan.msk.s32 $0xffff, v4;
	_ =	sdelay $0x1  }
.Ltmp2:
0xb3: {  	s8 =	spop (v2sf);
	(pc) =	sbr.rel @p0 .LBB2_7-.Ltmp2, $4  }
0xb4: {  	s3 =	spop (v2sf)  }
0xb5: {  	v6, _, _ =	vpop (xrf0);
	s5 =	spop (v2sf)  }
0xb6: {  	v5 =	vsub.s32 v6, v5;
	v7, _, _ =	vpop (xrf0);
	s3 =	sadd.s32 s3, s5;
	s5 =	spop (v2sf)  }
0xb7: {  	v6 =	vadd.s32 s3, v5;
	v5 =	vsub.s32 v7, v8;
	v7, _, _ =	vpop (xrf0);
	(v2sf) =	vpush v8, $0xF;
	s3 =	spop (v2sf)  }
0xb8: {  	v7 =	vsub.s32 v7, v4;
	(v2sf) =	vpush v6, $0xF;
	s3 =	sadd.s32 s5, s3;
	s25 =	spop (v2sf)  }
0xb9: {  	[tilespmem:s1+$0xFFFFFFF0] =	vst v6;
	v61 =	vadd.s32 s3, v7;
	(v2sf) =	vpush v4, $0xF;
	s26 =	sadd.s32 s8, s25  }
0xba: {  	[tilespmem:s6+$0xFFFFFFF0] =	vst v61;
	v4 =	vadd.s32 s26, v5;
	(v2sf) =	vpush v61, $0xF  }
0xbb: {  	[tilespmem:s0+$0xFFFFFFF0] =	vst v4;
	(v2sf) =	vpush v4, $0xF  }
0xbc: {  	v4 =	vld [tilespmem:s1+$0x0]  }
0xbd: {  	v5 =	vld [tilespmem:s0+$0x0]  }
0xbe: {  	v62 =	vld [tilespmem:s6+$0x0];
	_ =	sdelay $0x2  }
0xbf: {  	(xrf0) =	vadd.scan.msk.s32 $0xffff, v4  }
0xc0: {  	(xrf0) =	vadd.scan.msk.s32 $0xffff, v5  }
0xc1: {  	(xrf0) =	vadd.scan.msk.s32 $0xffff, v62;
	_ =	sdelay $0x1  }
0xc2: {  	s28 =	spop (v2sf)  }
0xc3: {  	s30 =	spop (v2sf)  }
0xc4: {  	s7 =	spop (v2sf);
	v63, _, _ =	vpop (xrf0)  }
0xc5: {  	(v2sf) =	vpush v5, $0xF;
	s3 =	sadd.s32 s28, s7;
	v7 =	vsub.s32 v63, v4;
	s31 =	spop (v2sf);
	v8, _, _ =	vpop (xrf0)  }
0xc6: {  	(v2sf) =	vpush v4, $0xF;
	v7 =	vadd.s32 s3, v7;
	s8 =	spop (v2sf);
	v4, _, _ =	vpop (xrf0)  }
0xc7: {  	s3 =	sadd.s32 s31, s8;
	v4 =	vsub.s32 v4, v62;
	s9 =	spop (v2sf);
	(v2sf) =	vpush v7, $0xF  }
0xc8: {  	v5 =	vsub.s32 v8, v5;
	s5 =	sadd.s32 s30, s9;
	v4 =	vadd.s32 s3, v4;
	(v2sf) =	vpush v62, $0xF  }
0xc9: {  	v5 =	vadd.s32 s5, v5;
	(v2sf) =	vpush v4, $0xF  }
0xca: {  	(v2sf) =	vpush v5, $0xF;
	_ =	sdelay $0x9  }
0xcb: {  	s10 =	spop (v2sf)  }
0xcc: {  	s25 =	spop (v2sf)  }
0xcd: {  	s26 =	spop (v2sf)  }
0xce: {  	[tilespmem:s1+$0x0] =	vst v7;
	s28 =	spop (v2sf)  }
0xcf: {  	s7 =	simm.s32 $0xFFFFFFFC;
	s1 =	simm.s32 $0x20;
	[tilespmem:s6+$0x0] =	vst v4;
	s30 =	spop (v2sf)  }
0xd0: {  	s8 =	simm.s32 $0x10220;
	s6 =	simm.s32 $0x8120;
	[tilespmem:s0+$0x0] =	vst v5;
	s31 =	spop (v2sf)  }
.LBB2_9:
0xd1: {  	v4 =	vld [tilespmem:s1+$0xFFFFFFE0]  }
0xd2: {  	v5 =	vld [tilespmem:s6+$0xFFFFFFE0]  }
0xd3: {  	v6 =	vld [tilespmem:s8+$0xFFFFFFE0];
	_ =	sdelay $0x2  }
0xd4: {  	v7 =	vshll.u32 v4, $0x4  }
0xd5: {  	v8 =	vshll.u32 v5, $0x4;
	v7 =	vor.u32 v1, v7  }
0xd6: {  	v9 =	vshll.u32 v6, $0x4;
	v8 =	vor.u32 v1, v8;
	v7 =	vand.u32 $0xFFF, v7  }
0xd7: {  	v9 =	vor.u32 v1, v9;
	v8 =	vand.u32 $0xFFF, v8  }
0xd8: {  	v9 =	vand.u32 $0xFFF, v9;
	_ =	sdelay $0x2  }
0xd9: {  	v10 =	vld.idx.msk [tilespmem:v7+s16+$0x0], $0xffff  }
0xda: {  	v11 =	vld.idx.msk [tilespmem:v8+s17+$0x0], $0xffff  }
0xdb: {  	v12 =	vld.idx.msk [tilespmem:v9+s18+$0x0], $0xffff;
	_ =	sdelay $0x2  }
0xdc: {  	v19 =	vshrl.u32 v4, $0x4;
	v46 =	vshrl.u32 v5, $0x4;
	v15 =	vshra.s32 v10, $0xA  }
0xdd: {  	v13 =	vadd.s32 $0x1, v10;
	v17 =	vshra.s32 v11, $0xA;
	v10 =	vadd.s32 v10, v15  }
0xde: {  	v14 =	vadd.s32 $0x1, v11;
	v18 =	vshra.s32 v12, $0xA;
	v11 =	vadd.s32 v11, v17  }
0xdf: {  	v49 =	vshrl.u32 v6, $0x4;
	v45 =	vand.u32 $0xFF0, v19;
	[tilespmem:v7+s16+$0x0] =	vst.idx.msk $0xffff, v13;
	v44 =	vadd.s32 v12, v18  }
0xe0: {  	v48 =	vand.u32 $0xFF0, v46;
	v16 =	vadd.s32 $0x1, v12;
	v47 =	vadd.s32 v45, v15;
	[tilespmem:v8+s17+$0x0] =	vst.idx.msk $0xffff, v14  }
0xe1: {  	v51 =	vand.u32 $0xFF0, v49;
	v50 =	vadd.s32 v48, v17;
	[tilespmem:v9+s18+$0x0] =	vst.idx.msk $0xffff, v16  }
0xe2: {  	[tilespmem:v10+s19+$0x0] =	vst.idx.msk $0xffff, v4;
	v4 =	vadd.s32 v51, v18  }
0xe3: {  	[tilespmem:v11+s20+$0x0] =	vst.idx.msk $0xffff, v5  }
0xe4: {  	[tilespmem:v44+s21+$0x0] =	vst.idx.msk $0xffff, v6  }
0xe5: {  	[tilespmem:v47+s22+$0x0] =	vst.idx.add.s32.msk $0xffff, v2  }
0xe6: {  	[tilespmem:v50+s23+$0x0] =	vst.idx.add.s32.msk $0xffff, v2  }
0xe7: {  	[tilespmem:v4+s24+$0x0] =	vst.idx.add.s32.msk $0xffff, v2  }
0xe8: {  	v4 =	vld [tilespmem:s1+$0xFFFFFFF0]  }
0xe9: {  	v5 =	vld [tilespmem:s6+$0xFFFFFFF0]  }
0xea: {  	v6 =	vld [tilespmem:s8+$0xFFFFFFF0];
	_ =	sdelay $0x2  }
0xeb: {  	v52 =	vshll.u32 v4, $0x4  }
0xec: {  	v53 =	vshll.u32 v5, $0x4;
	v7 =	vor.u32 v1, v52  }
0xed: {  	v54 =	vshll.u32 v6, $0x4;
	v8 =	vor.u32 v1, v53;
	v7 =	vand.u32 $0xFFF, v7  }
0xee: {  	v9 =	vor.u32 v1, v54;
	v8 =	vand.u32 $0xFFF, v8  }
0xef: {  	v9 =	vand.u32 $0xFFF, v9;
	_ =	sdelay $0x2  }
0xf0: {  	v10 =	vld.idx.msk [tilespmem:v7+s16+$0x0], $0xffff  }
0xf1: {  	v11 =	vld.idx.msk [tilespmem:v8+s17+$0x0], $0xffff  }
0xf2: {  	v55 =	vld.idx.msk [tilespmem:v9+s18+$0x0], $0xffff;
	_ =	sdelay $0x2  }
0xf3: {  	v62 =	vshrl.u32 v4, $0x4;
	v20 =	vshrl.u32 v5, $0x4;
	v58 =	vshra.s32 v10, $0xA  }
0xf4: {  	v56 =	vadd.s32 $0x1, v10;
	v60 =	vshra.s32 v11, $0xA;
	v10 =	vadd.s32 v10, v58  }
0xf5: {  	v57 =	vadd.s32 $0x1, v11;
	v61 =	vshra.s32 v55, $0xA;
	v11 =	vadd.s32 v11, v60  }
0xf6: {  	v23 =	vshrl.u32 v6, $0x4;
	v19 =	vand.u32 $0xFF0, v62;
	[tilespmem:v7+s16+$0x0] =	vst.idx.msk $0xffff, v56;
	v63 =	vadd.s32 v55, v61  }
0xf7: {  	v22 =	vand.u32 $0xFF0, v20;
	v59 =	vadd.s32 $0x1, v55;
	v21 =	vadd.s32 v19, v58;
	[tilespmem:v8+s17+$0x0] =	vst.idx.msk $0xffff, v57  }
0xf8: {  	v25 =	vand.u32 $0xFF0, v23;
	v24 =	vadd.s32 v22, v60;
	[tilespmem:v9+s18+$0x0] =	vst.idx.msk $0xffff, v59  }
0xf9: {  	[tilespmem:v10+s19+$0x0] =	vst.idx.msk $0xffff, v4;
	v4 =	vadd.s32 v25, v61  }
0xfa: {  	[tilespmem:v11+s20+$0x0] =	vst.idx.msk $0xffff, v5  }
0xfb: {  	[tilespmem:v63+s21+$0x0] =	vst.idx.msk $0xffff, v6  }
0xfc: {  	[tilespmem:v21+s22+$0x0] =	vst.idx.add.s32.msk $0xffff, v2  }
0xfd: {  	[tilespmem:v24+s23+$0x0] =	vst.idx.add.s32.msk $0xffff, v2  }
0xfe: {  	[tilespmem:v4+s24+$0x0] =	vst.idx.add.s32.msk $0xffff, v2  }
0xff: {  	v4 =	vld [tilespmem:s1+$0x0]  }
0x100: {  	v5 =	vld [tilespmem:s6+$0x0]  }
0x101: {  	v6 =	vld [tilespmem:s8+$0x0];
	_ =	sdelay $0x2  }
0x102: {  	v26 =	vshll.u32 v4, $0x4  }
0x103: {  	v27 =	vshll.u32 v5, $0x4;
	v7 =	vor.u32 v1, v26  }
0x104: {  	v28 =	vshll.u32 v6, $0x4;
	v8 =	vor.u32 v1, v27;
	v7 =	vand.u32 $0xFFF, v7  }
0x105: {  	v9 =	vor.u32 v1, v28;
	v8 =	vand.u32 $0xFFF, v8  }
0x106: {  	v9 =	vand.u32 $0xFFF, v9;
	_ =	sdelay $0x2  }
0x107: {  	v10 =	vld.idx.msk [tilespmem:v7+s16+$0x0], $0xffff  }
0x108: {  	v11 =	vld.idx.msk [tilespmem:v8+s17+$0x0], $0xffff  }
0x109: {  	v29 =	vld.idx.msk [tilespmem:v9+s18+$0x0], $0xffff;
	_ =	sdelay $0x2  }
0x10a: {  	v36 =	vshrl.u32 v4, $0x4;
	v39 =	vshrl.u32 v5, $0x4;
	v32 =	vshra.s32 v10, $0xA  }
0x10b: {  	v30 =	vadd.s32 $0x1, v10;
	v34 =	vshra.s32 v11, $0xA;
	v10 =	vadd.s32 v10, v32  }
0x10c: {  	v31 =	vadd.s32 $0x1, v11;
	v35 =	vshra.s32 v29, $0xA;
	v11 =	vadd.s32 v11, v34  }
0x10d: {  	v42 =	vshrl.u32 v6, $0x4;
	v38 =	vand.u32 $0xFF0, v36;
	[tilespmem:v7+s16+$0x0] =	vst.idx.msk $0xffff, v30;
	v37 =	vadd.s32 v29, v35  }
0x10e: {  	v41 =	vand.u32 $0xFF0, v39;
	v33 =	vadd.s32 $0x1, v29;
	v40 =	vadd.s32 v38, v32;
	[tilespmem:v8+s17+$0x0] =	vst.idx.msk $0xffff, v31  }
0x10f: {  	v44 =	vand.u32 $0xFF0, v42;
	v43 =	vadd.s32 v41, v34;
	[tilespmem:v9+s18+$0x0] =	vst.idx.msk $0xffff, v33  }
0x110: {  	[tilespmem:v10+s19+$0x0] =	vst.idx.msk $0xffff, v4;
	v4 =	vadd.s32 v44, v35  }
0x111: {  	[tilespmem:v11+s20+$0x0] =	vst.idx.msk $0xffff, v5  }
0x112: {  	[tilespmem:v37+s21+$0x0] =	vst.idx.msk $0xffff, v6  }
0x113: {  	[tilespmem:v40+s22+$0x0] =	vst.idx.add.s32.msk $0xffff, v2  }
0x114: {  	[tilespmem:v43+s23+$0x0] =	vst.idx.add.s32.msk $0xffff, v2  }
0x115: {  	[tilespmem:v4+s24+$0x0] =	vst.idx.add.s32.msk $0xffff, v2  }
0x116: {  	v4 =	vld [tilespmem:s1+$0x10]  }
0x117: {  	v5 =	vld [tilespmem:s6+$0x10]  }
0x118: {  	v6 =	vld [tilespmem:s8+$0x10];
	_ =	sdelay $0x2  }
0x119: {  	v45 =	vshll.u32 v4, $0x4  }
0x11a: {  	v46 =	vshll.u32 v5, $0x4;
	v7 =	vor.u32 v1, v45  }
0x11b: {  	v47 =	vshll.u32 v6, $0x4;
	v8 =	vor.u32 v1, v46;
	v7 =	vand.u32 $0xFFF, v7  }
0x11c: {  	v9 =	vor.u32 v1, v47;
	v8 =	vand.u32 $0xFFF, v8  }
0x11d: {  	v9 =	vand.u32 $0xFFF, v9;
	_ =	sdelay $0x2  }
0x11e: {  	v10 =	vld.idx.msk [tilespmem:v7+s16+$0x0], $0xffff  }
0x11f: {  	v11 =	vld.idx.msk [tilespmem:v8+s17+$0x0], $0xffff  }
0x120: {  	v48 =	vld.idx.msk [tilespmem:v9+s18+$0x0], $0xffff;
	_ =	sdelay $0x2  }
0x121: {  	v55 =	vshrl.u32 v4, $0x4;
	v58 =	vshrl.u32 v5, $0x4;
	v51 =	vshra.s32 v10, $0xA  }
0x122: {  	v49 =	vadd.s32 $0x1, v10;
	v53 =	vshra.s32 v11, $0xA;
	v10 =	vadd.s32 v10, v51  }
0x123: {  	v50 =	vadd.s32 $0x1, v11;
	v54 =	vshra.s32 v48, $0xA;
	v11 =	vadd.s32 v11, v53  }
0x124: {  	v61 =	vshrl.u32 v6, $0x4;
	v57 =	vand.u32 $0xFF0, v55;
	[tilespmem:v7+s16+$0x0] =	vst.idx.msk $0xffff, v49;
	v56 =	vadd.s32 v48, v54  }
0x125: {  	v60 =	vand.u32 $0xFF0, v58;
	v52 =	vadd.s32 $0x1, v48;
	v59 =	vadd.s32 v57, v51;
	[tilespmem:v8+s17+$0x0] =	vst.idx.msk $0xffff, v50  }
0x126: {  	s7 =	sadd.s32 $0x4, s7;
	v63 =	vand.u32 $0xFF0, v61;
	v62 =	vadd.s32 v60, v53;
	[tilespmem:v9+s18+$0x0] =	vst.idx.msk $0xffff, v52  }
0x127: {  	p0 =	slt.u32 s7, $0x3FC;
	[tilespmem:v10+s19+$0x0] =	vst.idx.msk $0xffff, v4;
	v4 =	vadd.s32 v63, v54  }
.Ltmp3:
0x128: {  	[tilespmem:v11+s20+$0x0] =	vst.idx.msk $0xffff, v5;
	(pc) =	sbr.rel @p0 .LBB2_9-.Ltmp3, $4  }
0x129: {  	s31 =	simm.s32 $0x0;
	s9 =	simm.s32 $0xFFFFFFFE;
	[tilespmem:v56+s21+$0x0] =	vst.idx.msk $0xffff, v6  }
0x12a: {  	s0 =	simm.s32 $0x1C310;
	s5 =	simm.s32 $0x1A310;
	s10 =	simm.s32 $0x18310;
	[tilespmem:v59+s22+$0x0] =	vst.idx.add.s32.msk $0xffff, v2  }
0x12b: {  	s26 =	simm.s32 $0x1D310;
	s28 =	simm.s32 $0x1B310;
	s30 =	simm.s32 $0x19310;
	[tilespmem:v62+s23+$0x0] =	vst.idx.add.s32.msk $0xffff, v2  }
0x12c: {  	s8 =	sadd.s32 $0x40, s8;
	s6 =	sadd.s32 $0x40, s6;
	s1 =	sadd.s32 $0x40, s1;
	[tilespmem:v4+s24+$0x0] =	vst.idx.add.s32.msk $0xffff, v2  }
0x12d: {  	v4 =	vld [tilespmem:s30+$0xFFFFFFF0];
	_ =	sdelay $0x4  }
0x12e: {  	v5 =	vld [tilespmem:s28+$0xFFFFFFF0];
	(xrf0) =	vadd.scan.msk.s32 $0xffff, v4  }
0x12f: {  	v6 =	vld [tilespmem:s26+$0xFFFFFFF0];
	_ =	sdelay $0x3  }
0x130: {  	(xrf0) =	vadd.scan.msk.s32 $0xffff, v5  }
0x131: {  	(xrf0) =	vadd.scan.msk.s32 $0xffff, v6;
	v7, _, _ =	vpop (xrf0)  }
0x132: {  	(v2sf) =	vpush v4, $0xF;
	v7 =	vsub.s32 v7, v4  }
0x133: {  	(v2sf) =	vpush v5, $0xF;
	v7 =	vadd.s32 s31, v7  }
0x134: {  	(v2sf) =	vpush v7, $0xF;
	_ =	sdelay $0x1  }
0x135: {  	v8, _, _ =	vpop (xrf0)  }
0x136: {  	v8 =	vsub.s32 v8, v5;
	v9, _, _ =	vpop (xrf0)  }
0x137: {  	[tilespmem:s30+$0xFFFFFFF0] =	vst v7;
	v4 =	vadd.s32 s31, v8;
	v8 =	vsub.s32 v9, v6  }
0x138: {  	[tilespmem:s28+$0xFFFFFFF0] =	vst v4;
	v5 =	vadd.s32 s31, v8  }
0x139: {  	[tilespmem:s26+$0xFFFFFFF0] =	vst v5  }
0x13a: {  	[tilespmem:s10+$0xFFFFFFF0] =	vst v0  }
0x13b: {  	[tilespmem:s5+$0xFFFFFFF0] =	vst v0  }
0x13c: {  	[tilespmem:s0+$0xFFFFFFF0] =	vst v0  }
0x13d: {  	(v2sf) =	vpush v4, $0xF;
	v4 =	vld [tilespmem:s26+$0x0]  }
0x13e: {  	(v2sf) =	vpush v6, $0xF  }
0x13f: {  	(v2sf) =	vpush v5, $0xF  }
0x140: {  	s1 =	spop (v2sf)  }
0x141: {  	v5 =	vld [tilespmem:s30+$0x0];
	s3 =	spop (v2sf)  }
0x142: {  	v6 =	vld [tilespmem:s28+$0x0];
	s6 =	spop (v2sf);
	(v2sf) =	vpush v4, $0xF;
	_ =	sdelay $0x2  }
0x143: {  	(xrf0) =	vadd.scan.msk.s32 $0xffff, v4  }
0x144: {  	(xrf0) =	vadd.scan.msk.s32 $0xffff, v5  }
0x145: {  	(xrf0) =	vadd.scan.msk.s32 $0xffff, v6;
	_ =	sdelay $0x3  }
0x146: {  	v7, _, _ =	vpop (xrf0)  }
0x147: {  	s7 =	spop (v2sf);
	v8, _, _ =	vpop (xrf0)  }
0x148: {  	(v2sf) =	vpush v6, $0xF;
	s1 =	sadd.s32 s1, s6;
	s8 =	spop (v2sf);
	v8 =	vsub.s32 v8, v5;
	v62, _, _ =	vpop (xrf0)  }
0x149: {  	(v2sf) =	vpush v5, $0xF;
	s3 =	sadd.s32 s3, s7;
	s25 =	spop (v2sf);
	v8 =	vadd.s32 s1, v8;
	v5 =	vsub.s32 v62, v6  }
0x14a: {  	v4 =	vsub.s32 v7, v4;
	s8 =	sadd.s32 s8, s25;
	[tilespmem:s30+$0x0] =	vst v8;
	v7 =	vadd.s32 s3, v5  }
0x14b: {  	v63 =	vadd.s32 s8, v4;
	(v2sf) =	vpush v8, $0xF;
	[tilespmem:s28+$0x0] =	vst v7  }
0x14c: {  	s6 =	sadd.s32 $0x20, s26;
	[tilespmem:s26+$0x0] =	vst v63;
	s26 =	spop (v2sf);
	(v2sf) =	vpush v7, $0xF  }
0x14d: {  	(v2sf) =	vpush v63, $0xF  }
0x14e: {  	[tilespmem:s10+$0x0] =	vst v0  }
0x14f: {  	[tilespmem:s5+$0x0] =	vst v0  }
0x150: {  	s30 =	sadd.s32 $0x20, s30;
	[tilespmem:s0+$0x0] =	vst v0  }
0x151: {  	s1 =	sadd.s32 $0x20, s28;
	v6 =	vld [tilespmem:s30+$0xFFFFFFF0]  }
0x152: {  	v5 =	vld [tilespmem:s1+$0xFFFFFFF0]  }
0x153: {  	v4 =	vld [tilespmem:s6+$0xFFFFFFF0];
	_ =	sdelay $0x2  }
0x154: {  	(xrf0) =	vadd.scan.msk.s32 $0xffff, v6  }
0x155: {  	(xrf0) =	vadd.scan.msk.s32 $0xffff, v5  }
0x156: {  	s7 =	sadd.s32 $0x20, s5;
	s25 =	sadd.s32 $0x2, s9;
	s28 =	spop (v2sf);
	(xrf0) =	vadd.scan.msk.s32 $0xffff, v4  }
0x157: {  	s9 =	sadd.s32 $0x2, s25;
	s8 =	sadd.s32 $0x20, s10;
	s3 =	spop (v2sf)  }
.LBB2_11:
0x158: {  	s9 =	sadd.s32 $0x2, s9;
	s0 =	sadd.s32 $0x20, s0;
	s5 =	spop (v2sf)  }
0x159: {  	p0 =	slt.u32 s9, $0xFE;
	s3 =	sadd.s32 s3, s5;
	s5 =	spop (v2sf)  }
0x15a: {  	v7, _, _ =	vpop (xrf0);
	s5 =	sadd.s32 s28, s5;
	s10 =	spop (v2sf)  }
0x15b: {  	v7 =	vsub.s32 v7, v6;
	v8, _, _ =	vpop (xrf0);
	(v2sf) =	vpush v6, $0xF;
	s10 =	sadd.s32 s26, s10  }
0x15c: {  	v6 =	vadd.s32 s3, v7;
	v7 =	vsub.s32 v8, v5;
	v8, _, _ =	vpop (xrf0);
	(v2sf) =	vpush v5, $0xF  }
0x15d: {  	[tilespmem:s30+$0xFFFFFFF0] =	vst v6;
	v5 =	vadd.s32 s5, v7;
	v7 =	vsub.s32 v8, v4;
	(v2sf) =	vpush v6, $0xF  }
0x15e: {  	[tilespmem:s1+$0xFFFFFFF0] =	vst v5;
	v6 =	vadd.s32 s10, v7;
	(v2sf) =	vpush v5, $0xF  }
0x15f: {  	[tilespmem:s6+$0xFFFFFFF0] =	vst v6;
	(v2sf) =	vpush v4, $0xF  }
0x160: {  	[tilespmem:s8+$0xFFFFFFF0] =	vst v0;
	(v2sf) =	vpush v6, $0xF  }
0x161: {  	[tilespmem:s7+$0xFFFFFFF0] =	vst v0  }
0x162: {  	[tilespmem:s0+$0xFFFFFFF0] =	vst v0  }
0x163: {  	v4 =	vld [tilespmem:s6+$0x0]  }
0x164: {  	v5 =	vld [tilespmem:s30+$0x0]  }
0x165: {  	v6 =	vld [tilespmem:s1+$0x0];
	_ =	sdelay $0x2  }
0x166: {  	(xrf0) =	vadd.scan.msk.s32 $0xffff, v4  }
0x167: {  	(xrf0) =	vadd.scan.msk.s32 $0xffff, v5  }
0x168: {  	s3 =	spop (v2sf);
	(xrf0) =	vadd.scan.msk.s32 $0xffff, v6  }
0x169: {  	s5 =	spop (v2sf)  }
0x16a: {  	s10 =	spop (v2sf)  }
0x16b: {  	s26 =	spop (v2sf)  }
0x16c: {  	s28 =	spop (v2sf);
	v7, _, _ =	vpop (xrf0);
	(v2sf) =	vpush v4, $0xF  }
0x16d: {  	v4 =	vsub.s32 v7, v4;
	s25 =	spop (v2sf);
	v7, _, _ =	vpop (xrf0);
	(v2sf) =	vpush v6, $0xF  }
0x16e: {  	s3 =	sadd.s32 s3, s10;
	s5 =	sadd.s32 s5, s26;
	s10 =	sadd.s32 s28, s25;
	v7 =	vsub.s32 v7, v5;
	v8, _, _ =	vpop (xrf0);
	(v2sf) =	vpush v5, $0xF  }
0x16f: {  	v5 =	vadd.s32 s3, v7;
	v6 =	vsub.s32 v8, v6;
	v4 =	vadd.s32 s10, v4  }
0x170: {  	[tilespmem:s30+$0x0] =	vst v5;
	v6 =	vadd.s32 s5, v6;
	(v2sf) =	vpush v5, $0xF  }
0x171: {  	[tilespmem:s1+$0x0] =	vst v6;
	(v2sf) =	vpush v6, $0xF  }
0x172: {  	[tilespmem:s6+$0x0] =	vst v4;
	(v2sf) =	vpush v4, $0xF  }
0x173: {  	[tilespmem:s8+$0x0] =	vst v0  }
0x174: {  	[tilespmem:s7+$0x0] =	vst v0  }
0x175: {  	s30 =	sadd.s32 $0x20, s30;
	[tilespmem:s0+$0x0] =	vst v0  }
0x176: {  	s1 =	sadd.s32 $0x20, s1;
	v6 =	vld [tilespmem:s30+$0xFFFFFFF0]  }
0x177: {  	s6 =	sadd.s32 $0x20, s6;
	v5 =	vld [tilespmem:s1+$0xFFFFFFF0]  }
0x178: {  	v4 =	vld [tilespmem:s6+$0xFFFFFFF0];
	_ =	sdelay $0x1  }
.Ltmp4:
0x179: {  	(pc) =	sbr.rel @p0 .LBB2_11-.Ltmp4, $4  }
0x17a: {  	(xrf0) =	vadd.scan.msk.s32 $0xffff, v6;
	s26 =	spop (v2sf)  }
0x17b: {  	(xrf0) =	vadd.scan.msk.s32 $0xffff, v5;
	s28 =	spop (v2sf)  }
0x17c: {  	(xrf0) =	vadd.scan.msk.s32 $0xffff, v4;
	s3 =	spop (v2sf)  }
0x17d: {  	s8 =	sadd.s32 $0x20, s8;
	s7 =	sadd.s32 $0x20, s7  }
0x17e: {  	_ =	sdelay $0x1  }
0x17f: {  	s5 =	spop (v2sf);
	v7, _, _ =	vpop (xrf0)  }
0x180: {  	s3 =	sadd.s32 s3, s5;
	s10 =	spop (v2sf);
	v7 =	vsub.s32 v7, v6;
	v8, _, _ =	vpop (xrf0)  }
0x181: {  	s5 =	sadd.s32 s28, s10;
	s9 =	spop (v2sf);
	v7 =	vadd.s32 s3, v7;
	v8 =	vsub.s32 v8, v5;
	v9, _, _ =	vpop (xrf0)  }
0x182: {  	(v2sf) =	vpush v6, $0xF;
	s25 =	sadd.s32 s26, s9;
	[tilespmem:s30+$0xFFFFFFF0] =	vst v7;
	v58 =	vadd.s32 s5, v8;
	v59 =	vsub.s32 v9, v4  }
0x183: {  	(v2sf) =	vpush v5, $0xF;
	[tilespmem:s1+$0xFFFFFFF0] =	vst v58;
	v5 =	vadd.s32 s25, v59  }
0x184: {  	(v2sf) =	vpush v7, $0xF;
	[tilespmem:s6+$0xFFFFFFF0] =	vst v5  }
0x185: {  	(v2sf) =	vpush v58, $0xF;
	[tilespmem:s8+$0xFFFFFFF0] =	vst v0  }
0x186: {  	s0 =	sadd.s32 $0x20, s0;
	(v2sf) =	vpush v4, $0xF;
	[tilespmem:s7+$0xFFFFFFF0] =	vst v0  }
0x187: {  	(v2sf) =	vpush v5, $0xF;
	[tilespmem:s0+$0xFFFFFFF0] =	vst v0  }
0x188: {  	v4 =	vld [tilespmem:s6+$0x0]  }
0x189: {  	v5 =	vld [tilespmem:s30+$0x0]  }
0x18a: {  	v60 =	vld [tilespmem:s1+$0x0];
	_ =	sdelay $0x2  }
0x18b: {  	(xrf0) =	vadd.scan.msk.s32 $0xffff, v4  }
0x18c: {  	(xrf0) =	vadd.scan.msk.s32 $0xffff, v5  }
0x18d: {  	(xrf0) =	vadd.scan.msk.s32 $0xffff, v60;
	_ =	sdelay $0x1  }
0x18e: {  	s26 =	spop (v2sf)  }
0x18f: {  	s5 =	spop (v2sf)  }
0x190: {  	s28 =	spop (v2sf);
	v61, _, _ =	vpop (xrf0)  }
0x191: {  	(v2sf) =	vpush v4, $0xF;
	s10 =	spop (v2sf);
	v62, _, _ =	vpop (xrf0)  }
0x192: {  	(v2sf) =	vpush v60, $0xF;
	s3 =	sadd.s32 s26, s28;
	s25 =	spop (v2sf);
	v8 =	vsub.s32 v62, v5;
	v63, _, _ =	vpop (xrf0)  }
0x193: {  	(v2sf) =	vpush v5, $0xF;
	s5 =	sadd.s32 s5, s10;
	s26 =	spop (v2sf);
	v5 =	vadd.s32 s3, v8;
	v6 =	vsub.s32 v63, v60  }
0x194: {  	v4 =	vsub.s32 v61, v4;
	s28 =	sadd.s32 s25, s26;
	v6 =	vadd.s32 s5, v6;
	(v2sf) =	vpush v5, $0xF  }
0x195: {  	v4 =	vadd.s32 s28, v4;
	(v2sf) =	vpush v6, $0xF  }
0x196: {  	(v2sf) =	vpush v4, $0xF;
	_ =	sdelay $0x9  }
0x197: {  	[tilespmem:s30+$0x0] =	vst v5;
	s9 =	spop (v2sf)  }
0x198: {  	[tilespmem:s1+$0x0] =	vst v6;
	s10 =	spop (v2sf)  }
0x199: {  	[tilespmem:s6+$0x0] =	vst v4;
	s25 =	spop (v2sf)  }
0x19a: {  	[tilespmem:s8+$0x0] =	vst v0;
	s26 =	spop (v2sf)  }
0x19b: {  	[tilespmem:s7+$0x0] =	vst v0;
	s28 =	spop (v2sf)  }
0x19c: {  	[tilespmem:s0+$0x0] =	vst v0;
	s30 =	spop (v2sf)  }
.LBB2_13:
0x19d: {  	v4 =	vmul.u32 $0x401, v1;
	_ =	sdelay $0x1  }
0x19e: {  	v5 =	vadd.s32 s31, v4;
	_ =	sdelay $0x4  }
0x19f: {  	v6 =	vld.idx.msk [tilespmem:v5+s19+$0x0], $0xffff  }
0x1a0: {  	v7 =	vld.idx.msk [tilespmem:v5+s20+$0x0], $0xffff  }
0x1a1: {  	v5 =	vld.idx.msk [tilespmem:v5+s21+$0x0], $0xffff;
	_ =	sdelay $0x2  }
0x1a2: {  	v8 =	vshrl.u32 v6, $0x4  }
0x1a3: {  	v9 =	vshrl.u32 v7, $0x4;
	v8 =	vand.u32 $0xFF0, v8  }
0x1a4: {  	v10 =	vshrl.u32 v5, $0x4;
	v9 =	vand.u32 $0xFF0, v9;
	v8 =	vor.u32 v1, v8  }
0x1a5: {  	v10 =	vand.u32 $0xFF0, v10;
	v9 =	vor.u32 v1, v9  }
0x1a6: {  	v10 =	vor.u32 v1, v10;
	_ =	sdelay $0x2  }
0x1a7: {  	v11 =	vld.idx.msk [tilespmem:v8+s22+$0x0], $0xffff  }
0x1a8: {  	v12 =	vld.idx.msk [tilespmem:v9+s23+$0x0], $0xffff  }
0x1a9: {  	v13 =	vld.idx.msk [tilespmem:v10+s24+$0x0], $0xffff;
	_ =	sdelay $0x2  }
0x1aa: {  	v20 =	vshrl.u32 v6, $0xC;
	v45 =	vshrl.u32 v7, $0xC;
	v16 =	vshra.s32 v11, $0xA  }
0x1ab: {  	v14 =	vadd.s32 $0x1, v11;
	v18 =	vshra.s32 v12, $0xA;
	v11 =	vadd.s32 v11, v16  }
0x1ac: {  	v15 =	vadd.s32 $0x1, v12;
	v19 =	vshra.s32 v13, $0xA;
	v12 =	vadd.s32 v12, v18  }
0x1ad: {  	v48 =	vshrl.u32 v5, $0xC;
	v44 =	vand.u32 $0xFF0, v20;
	[tilespmem:v8+s22+$0x0] =	vst.idx.msk $0xffff, v14;
	v43 =	vadd.s32 v13, v19  }
0x1ae: {  	v47 =	vand.u32 $0xFF0, v45;
	v17 =	vadd.s32 $0x1, v13;
	v46 =	vadd.s32 v44, v16;
	[tilespmem:v9+s23+$0x0] =	vst.idx.msk $0xffff, v15  }
0x1af: {  	s30 =	simm.s32 $0x0;
	v50 =	vand.u32 $0xFF0, v48;
	v49 =	vadd.s32 v47, v18;
	[tilespmem:v10+s24+$0x0] =	vst.idx.msk $0xffff, v17  }
0x1b0: {  	s0 =	sadd.s32 $0x1, s31;
	[tilespmem:v11+s30+$0x0] =	vst.idx.msk $0xffff, v6;
	v6 =	vadd.s32 v50, v19  }
0x1b1: {  	[tilespmem:v12+s13+$0x0] =	vst.idx.msk $0xffff, v7;
	v7 =	vadd.s32 s0, v4  }
0x1b2: {  	[tilespmem:v43+s14+$0x0] =	vst.idx.msk $0xffff, v5  }
0x1b3: {  	[tilespmem:v46+s16+$0x0] =	vst.idx.add.s32.msk $0xffff, v2  }
0x1b4: {  	[tilespmem:v49+s17+$0x0] =	vst.idx.add.s32.msk $0xffff, v2  }
0x1b5: {  	[tilespmem:v6+s18+$0x0] =	vst.idx.add.s32.msk $0xffff, v2  }
0x1b6: {  	v5 =	vld.idx.msk [tilespmem:v7+s19+$0x0], $0xffff  }
0x1b7: {  	v6 =	vld.idx.msk [tilespmem:v7+s20+$0x0], $0xffff  }
0x1b8: {  	v7 =	vld.idx.msk [tilespmem:v7+s21+$0x0], $0xffff;
	_ =	sdelay $0x2  }
0x1b9: {  	v51 =	vshrl.u32 v5, $0x4  }
0x1ba: {  	v52 =	vshrl.u32 v6, $0x4;
	v8 =	vand.u32 $0xFF0, v51  }
0x1bb: {  	v53 =	vshrl.u32 v7, $0x4;
	v9 =	vand.u32 $0xFF0, v52;
	v8 =	vor.u32 v1, v8  }
0x1bc: {  	v10 =	vand.u32 $0xFF0, v53;
	v9 =	vor.u32 v1, v9  }
0x1bd: {  	v10 =	vor.u32 v1, v10;
	_ =	sdelay $0x2  }
0x1be: {  	v11 =	vld.idx.msk [tilespmem:v8+s22+$0x0], $0xffff  }
0x1bf: {  	v12 =	vld.idx.msk [tilespmem:v9+s23+$0x0], $0xffff  }
0x1c0: {  	v54 =	vld.idx.msk [tilespmem:v10+s24+$0x0], $0xffff;
	_ =	sdelay $0x2  }
0x1c1: {  	v61 =	vshrl.u32 v5, $0xC;
	v20 =	vshrl.u32 v6, $0xC;
	v57 =	vshra.s32 v11, $0xA  }
0x1c2: {  	v55 =	vadd.s32 $0x1, v11;
	v59 =	vshra.s32 v12, $0xA;
	v11 =	vadd.s32 v11, v57  }
0x1c3: {  	v56 =	vadd.s32 $0x1, v12;
	v60 =	vshra.s32 v54, $0xA;
	v12 =	vadd.s32 v12, v59  }
0x1c4: {  	v23 =	vshrl.u32 v7, $0xC;
	v63 =	vand.u32 $0xFF0, v61;
	[tilespmem:v8+s22+$0x0] =	vst.idx.msk $0xffff, v55;
	v62 =	vadd.s32 v54, v60  }
0x1c5: {  	v22 =	vand.u32 $0xFF0, v20;
	v58 =	vadd.s32 $0x1, v54;
	v21 =	vadd.s32 v63, v57;
	[tilespmem:v9+s23+$0x0] =	vst.idx.msk $0xffff, v56  }
0x1c6: {  	v25 =	vand.u32 $0xFF0, v23;
	v24 =	vadd.s32 v22, v59;
	[tilespmem:v10+s24+$0x0] =	vst.idx.msk $0xffff, v58  }
0x1c7: {  	s26 =	sadd.s32 $0x2, s31;
	[tilespmem:v11+s30+$0x0] =	vst.idx.msk $0xffff, v5;
	v5 =	vadd.s32 v25, v60  }
0x1c8: {  	[tilespmem:v12+s13+$0x0] =	vst.idx.msk $0xffff, v6;
	v6 =	vadd.s32 s26, v4  }
0x1c9: {  	[tilespmem:v62+s14+$0x0] =	vst.idx.msk $0xffff, v7  }
0x1ca: {  	[tilespmem:v21+s16+$0x0] =	vst.idx.add.s32.msk $0xffff, v2  }
0x1cb: {  	[tilespmem:v24+s17+$0x0] =	vst.idx.add.s32.msk $0xffff, v2  }
0x1cc: {  	[tilespmem:v5+s18+$0x0] =	vst.idx.add.s32.msk $0xffff, v2  }
0x1cd: {  	v5 =	vld.idx.msk [tilespmem:v6+s19+$0x0], $0xffff  }
0x1ce: {  	v7 =	vld.idx.msk [tilespmem:v6+s20+$0x0], $0xffff  }
0x1cf: {  	v6 =	vld.idx.msk [tilespmem:v6+s21+$0x0], $0xffff;
	_ =	sdelay $0x2  }
0x1d0: {  	v26 =	vshrl.u32 v5, $0x4  }
0x1d1: {  	v27 =	vshrl.u32 v7, $0x4;
	v8 =	vand.u32 $0xFF0, v26  }
0x1d2: {  	v28 =	vshrl.u32 v6, $0x4;
	v9 =	vand.u32 $0xFF0, v27;
	v8 =	vor.u32 v1, v8  }
0x1d3: {  	v10 =	vand.u32 $0xFF0, v28;
	v9 =	vor.u32 v1, v9  }
0x1d4: {  	v10 =	vor.u32 v1, v10;
	_ =	sdelay $0x2  }
0x1d5: {  	v11 =	vld.idx.msk [tilespmem:v8+s22+$0x0], $0xffff  }
0x1d6: {  	v12 =	vld.idx.msk [tilespmem:v9+s23+$0x0], $0xffff  }
0x1d7: {  	v29 =	vld.idx.msk [tilespmem:v10+s24+$0x0], $0xffff;
	_ =	sdelay $0x2  }
0x1d8: {  	v36 =	vshrl.u32 v5, $0xC;
	v39 =	vshrl.u32 v7, $0xC;
	v32 =	vshra.s32 v11, $0xA  }
0x1d9: {  	v30 =	vadd.s32 $0x1, v11;
	v34 =	vshra.s32 v12, $0xA;
	v11 =	vadd.s32 v11, v32  }
0x1da: {  	v31 =	vadd.s32 $0x1, v12;
	v35 =	vshra.s32 v29, $0xA;
	v12 =	vadd.s32 v12, v34  }
0x1db: {  	v42 =	vshrl.u32 v6, $0xC;
	v38 =	vand.u32 $0xFF0, v36;
	[tilespmem:v8+s22+$0x0] =	vst.idx.msk $0xffff, v30;
	v37 =	vadd.s32 v29, v35  }
0x1dc: {  	v41 =	vand.u32 $0xFF0, v39;
	v33 =	vadd.s32 $0x1, v29;
	v40 =	vadd.s32 v38, v32;
	[tilespmem:v9+s23+$0x0] =	vst.idx.msk $0xffff, v31  }
0x1dd: {  	v44 =	vand.u32 $0xFF0, v42;
	v43 =	vadd.s32 v41, v34;
	[tilespmem:v10+s24+$0x0] =	vst.idx.msk $0xffff, v33  }
0x1de: {  	s28 =	sadd.s32 $0x3, s31;
	[tilespmem:v11+s30+$0x0] =	vst.idx.msk $0xffff, v5;
	v5 =	vadd.s32 v44, v35  }
0x1df: {  	[tilespmem:v12+s13+$0x0] =	vst.idx.msk $0xffff, v7;
	v7 =	vadd.s32 s28, v4  }
0x1e0: {  	[tilespmem:v37+s14+$0x0] =	vst.idx.msk $0xffff, v6  }
0x1e1: {  	[tilespmem:v40+s16+$0x0] =	vst.idx.add.s32.msk $0xffff, v2  }
0x1e2: {  	[tilespmem:v43+s17+$0x0] =	vst.idx.add.s32.msk $0xffff, v2  }
0x1e3: {  	[tilespmem:v5+s18+$0x0] =	vst.idx.add.s32.msk $0xffff, v2  }
0x1e4: {  	v5 =	vld.idx.msk [tilespmem:v7+s19+$0x0], $0xffff  }
0x1e5: {  	v6 =	vld.idx.msk [tilespmem:v7+s20+$0x0], $0xffff  }
0x1e6: {  	v7 =	vld.idx.msk [tilespmem:v7+s21+$0x0], $0xffff;
	_ =	sdelay $0x2  }
0x1e7: {  	v45 =	vshrl.u32 v5, $0x4  }
0x1e8: {  	v46 =	vshrl.u32 v6, $0x4;
	v8 =	vand.u32 $0xFF0, v45  }
0x1e9: {  	v47 =	vshrl.u32 v7, $0x4;
	v9 =	vand.u32 $0xFF0, v46;
	v8 =	vor.u32 v1, v8  }
0x1ea: {  	v10 =	vand.u32 $0xFF0, v47;
	v9 =	vor.u32 v1, v9  }
0x1eb: {  	v10 =	vor.u32 v1, v10;
	_ =	sdelay $0x2  }
0x1ec: {  	v11 =	vld.idx.msk [tilespmem:v8+s22+$0x0], $0xffff  }
0x1ed: {  	v12 =	vld.idx.msk [tilespmem:v9+s23+$0x0], $0xffff  }
0x1ee: {  	v48 =	vld.idx.msk [tilespmem:v10+s24+$0x0], $0xffff;
	_ =	sdelay $0x2  }
0x1ef: {  	v55 =	vshrl.u32 v5, $0xC;
	v58 =	vshrl.u32 v6, $0xC;
	v51 =	vshra.s32 v11, $0xA  }
0x1f0: {  	v49 =	vadd.s32 $0x1, v11;
	v53 =	vshra.s32 v12, $0xA;
	v11 =	vadd.s32 v11, v51  }
0x1f1: {  	v50 =	vadd.s32 $0x1, v12;
	v54 =	vshra.s32 v48, $0xA;
	v12 =	vadd.s32 v12, v53  }
0x1f2: {  	v61 =	vshrl.u32 v7, $0xC;
	v57 =	vand.u32 $0xFF0, v55;
	[tilespmem:v8+s22+$0x0] =	vst.idx.msk $0xffff, v49;
	v56 =	vadd.s32 v48, v54  }
0x1f3: {  	v60 =	vand.u32 $0xFF0, v58;
	v52 =	vadd.s32 $0x1, v48;
	v59 =	vadd.s32 v57, v51;
	[tilespmem:v9+s23+$0x0] =	vst.idx.msk $0xffff, v50  }
0x1f4: {  	v63 =	vand.u32 $0xFF0, v61;
	v62 =	vadd.s32 v60, v53;
	[tilespmem:v10+s24+$0x0] =	vst.idx.msk $0xffff, v52  }
0x1f5: {  	p0 =	slt.u32 s31, $0x3FC;
	[tilespmem:v11+s30+$0x0] =	vst.idx.msk $0xffff, v5;
	v5 =	vadd.s32 v63, v54  }
.Ltmp5:
0x1f6: {  	[tilespmem:v12+s13+$0x0] =	vst.idx.msk $0xffff, v6;
	(pc) =	sbr.rel @p0 .LBB2_13-.Ltmp5, $4  }
0x1f7: {  	[tilespmem:v56+s14+$0x0] =	vst.idx.msk $0xffff, v7  }
0x1f8: {  	s8 =	simm.s32 $0xFFFFFFFE;
	s7 =	simm.s32 $0x1B310;
	[tilespmem:v59+s16+$0x0] =	vst.idx.add.s32.msk $0xffff, v2  }
0x1f9: {  	s5 =	simm.s32 $0x19310;
	s9 =	simm.s32 $0x1C310;
	s6 =	simm.s32 $0x1A310;
	[tilespmem:v62+s17+$0x0] =	vst.idx.add.s32.msk $0xffff, v2  }
0x1fa: {  	s1 =	simm.s32 $0x18310;
	s31 =	sadd.s32 $0x4, s31;
	s0 =	simm.s32 $0x1D310;
	[tilespmem:v5+s18+$0x0] =	vst.idx.add.s32.msk $0xffff, v2  }
0x1fb: {  	v5 =	vld [tilespmem:s1+$0xFFFFFFF0];
	_ =	sdelay $0x4  }
0x1fc: {  	v6 =	vld [tilespmem:s6+$0xFFFFFFF0];
	(xrf0) =	vadd.scan.msk.s32 $0xffff, v5  }
0x1fd: {  	v7 =	vld [tilespmem:s9+$0xFFFFFFF0];
	_ =	sdelay $0x3  }
0x1fe: {  	(xrf0) =	vadd.scan.msk.s32 $0xffff, v6  }
0x1ff: {  	(xrf0) =	vadd.scan.msk.s32 $0xffff, v7;
	v8, _, _ =	vpop (xrf0)  }
0x200: {  	(v2sf) =	vpush v5, $0xF;
	v8 =	vsub.s32 v8, v5  }
0x201: {  	(v2sf) =	vpush v6, $0xF;
	v8 =	vadd.s32 s30, v8  }
0x202: {  	(v2sf) =	vpush v8, $0xF;
	_ =	sdelay $0x1  }
0x203: {  	v9, _, _ =	vpop (xrf0)  }
0x204: {  	v9 =	vsub.s32 v9, v6;
	v10, _, _ =	vpop (xrf0)  }
0x205: {  	[tilespmem:s1+$0xFFFFFFF0] =	vst v8;
	v5 =	vadd.s32 s30, v9;
	v60 =	vsub.s32 v10, v7  }
0x206: {  	[tilespmem:s6+$0xFFFFFFF0] =	vst v5;
	v6 =	vadd.s32 s30, v60  }
0x207: {  	[tilespmem:s9+$0xFFFFFFF0] =	vst v6  }
0x208: {  	[tilespmem:s5+$0xFFFFFFF0] =	vst v0  }
0x209: {  	[tilespmem:s7+$0xFFFFFFF0] =	vst v0  }
0x20a: {  	[tilespmem:s0+$0xFFFFFFF0] =	vst v0  }
0x20b: {  	(v2sf) =	vpush v5, $0xF;
	v5 =	vld [tilespmem:s9+$0x0];
	_ =	sdelay $0x1  }
0x20c: {  	(v2sf) =	vpush v7, $0xF  }
0x20d: {  	(v2sf) =	vpush v6, $0xF;
	s3 =	spop (v2sf)  }
0x20e: {  	s10 =	spop (v2sf)  }
0x20f: {  	v6 =	vld [tilespmem:s1+$0x0];
	s25 =	spop (v2sf);
	(v2sf) =	vpush v5, $0xF  }
0x210: {  	v7 =	vld [tilespmem:s6+$0x0];
	_ =	sdelay $0x2  }
0x211: {  	(xrf0) =	vadd.scan.msk.s32 $0xffff, v5  }
0x212: {  	(xrf0) =	vadd.scan.msk.s32 $0xffff, v6  }
0x213: {  	(xrf0) =	vadd.scan.msk.s32 $0xffff, v7;
	_ =	sdelay $0x3  }
0x214: {  	v8, _, _ =	vpop (xrf0)  }
0x215: {  	s26 =	spop (v2sf);
	v61, _, _ =	vpop (xrf0)  }
0x216: {  	(v2sf) =	vpush v7, $0xF;
	s3 =	sadd.s32 s3, s25;
	s28 =	spop (v2sf);
	v9 =	vsub.s32 v61, v6;
	v62, _, _ =	vpop (xrf0)  }
0x217: {  	(v2sf) =	vpush v6, $0xF;
	s10 =	sadd.s32 s10, s26;
	s25 =	spop (v2sf);
	v9 =	vadd.s32 s3, v9;
	v6 =	vsub.s32 v62, v7  }
0x218: {  	v5 =	vsub.s32 v8, v5;
	s26 =	sadd.s32 s28, s25;
	[tilespmem:s1+$0x0] =	vst v9;
	v8 =	vadd.s32 s10, v6;
	(v2sf) =	vpush v9, $0xF  }
0x219: {  	v63 =	vadd.s32 s26, v5;
	[tilespmem:s6+$0x0] =	vst v8;
	s10 =	spop (v2sf);
	(v2sf) =	vpush v8, $0xF  }
0x21a: {  	[tilespmem:s9+$0x0] =	vst v63;
	(v2sf) =	vpush v63, $0xF  }
0x21b: {  	[tilespmem:s5+$0x0] =	vst v0  }
0x21c: {  	[tilespmem:s7+$0x0] =	vst v0  }
0x21d: {  	s1 =	sadd.s32 $0x20, s1;
	[tilespmem:s0+$0x0] =	vst v0  }
0x21e: {  	s6 =	sadd.s32 $0x20, s6;
	v7 =	vld [tilespmem:s1+$0xFFFFFFF0]  }
0x21f: {  	s31 =	sadd.s32 $0x20, s9;
	v6 =	vld [tilespmem:s6+$0xFFFFFFF0]  }
0x220: {  	v5 =	vld [tilespmem:s31+$0xFFFFFFF0];
	_ =	sdelay $0x2  }
0x221: {  	(xrf0) =	vadd.scan.msk.s32 $0xffff, v7  }
0x222: {  	(xrf0) =	vadd.scan.msk.s32 $0xffff, v6  }
0x223: {  	s28 =	sadd.s32 $0x2, s8;
	s8 =	sadd.s32 $0x20, s5;
	s26 =	spop (v2sf);
	(xrf0) =	vadd.scan.msk.s32 $0xffff, v5  }
0x224: {  	s9 =	sadd.s32 $0x2, s28;
	s7 =	sadd.s32 $0x20, s7;
	s3 =	spop (v2sf)  }
.LBB2_15:
0x225: {  	s9 =	sadd.s32 $0x2, s9;
	s0 =	sadd.s32 $0x20, s0;
	s5 =	spop (v2sf)  }
0x226: {  	p0 =	slt.u32 s9, $0xFE;
	s3 =	sadd.s32 s3, s5;
	s5 =	spop (v2sf)  }
0x227: {  	v8, _, _ =	vpop (xrf0);
	s5 =	sadd.s32 s26, s5;
	s25 =	spop (v2sf)  }
0x228: {  	v8 =	vsub.s32 v8, v7;
	v9, _, _ =	vpop (xrf0);
	(v2sf) =	vpush v7, $0xF;
	s10 =	sadd.s32 s10, s25  }
0x229: {  	v7 =	vadd.s32 s3, v8;
	v8 =	vsub.s32 v9, v6;
	v9, _, _ =	vpop (xrf0);
	(v2sf) =	vpush v6, $0xF  }
0x22a: {  	[tilespmem:s1+$0xFFFFFFF0] =	vst v7;
	v6 =	vadd.s32 s5, v8;
	v8 =	vsub.s32 v9, v5;
	(v2sf) =	vpush v7, $0xF  }
0x22b: {  	[tilespmem:s6+$0xFFFFFFF0] =	vst v6;
	v7 =	vadd.s32 s10, v8;
	(v2sf) =	vpush v6, $0xF  }
0x22c: {  	[tilespmem:s31+$0xFFFFFFF0] =	vst v7;
	(v2sf) =	vpush v5, $0xF  }
0x22d: {  	[tilespmem:s8+$0xFFFFFFF0] =	vst v0;
	(v2sf) =	vpush v7, $0xF  }
0x22e: {  	[tilespmem:s7+$0xFFFFFFF0] =	vst v0  }
0x22f: {  	[tilespmem:s0+$0xFFFFFFF0] =	vst v0  }
0x230: {  	v5 =	vld [tilespmem:s31+$0x0]  }
0x231: {  	v6 =	vld [tilespmem:s1+$0x0]  }
0x232: {  	v7 =	vld [tilespmem:s6+$0x0];
	_ =	sdelay $0x2  }
0x233: {  	(xrf0) =	vadd.scan.msk.s32 $0xffff, v5  }
0x234: {  	(xrf0) =	vadd.scan.msk.s32 $0xffff, v6  }
0x235: {  	s3 =	spop (v2sf);
	(xrf0) =	vadd.scan.msk.s32 $0xffff, v7  }
0x236: {  	s5 =	spop (v2sf)  }
0x237: {  	s10 =	spop (v2sf)  }
0x238: {  	s25 =	spop (v2sf)  }
0x239: {  	s26 =	spop (v2sf);
	v8, _, _ =	vpop (xrf0);
	(v2sf) =	vpush v5, $0xF  }
0x23a: {  	v5 =	vsub.s32 v8, v5;
	s28 =	spop (v2sf);
	v8, _, _ =	vpop (xrf0);
	(v2sf) =	vpush v7, $0xF  }
0x23b: {  	s3 =	sadd.s32 s3, s10;
	s5 =	sadd.s32 s5, s25;
	s10 =	sadd.s32 s26, s28;
	v8 =	vsub.s32 v8, v6;
	v9, _, _ =	vpop (xrf0);
	(v2sf) =	vpush v6, $0xF  }
0x23c: {  	v6 =	vadd.s32 s3, v8;
	v7 =	vsub.s32 v9, v7;
	v5 =	vadd.s32 s10, v5  }
0x23d: {  	[tilespmem:s1+$0x0] =	vst v6;
	v7 =	vadd.s32 s5, v7;
	(v2sf) =	vpush v6, $0xF  }
0x23e: {  	[tilespmem:s6+$0x0] =	vst v7;
	(v2sf) =	vpush v7, $0xF  }
0x23f: {  	[tilespmem:s31+$0x0] =	vst v5;
	(v2sf) =	vpush v5, $0xF  }
0x240: {  	[tilespmem:s8+$0x0] =	vst v0  }
0x241: {  	[tilespmem:s7+$0x0] =	vst v0  }
0x242: {  	s1 =	sadd.s32 $0x20, s1;
	[tilespmem:s0+$0x0] =	vst v0  }
0x243: {  	s6 =	sadd.s32 $0x20, s6;
	v7 =	vld [tilespmem:s1+$0xFFFFFFF0]  }
0x244: {  	s31 =	sadd.s32 $0x20, s31;
	v6 =	vld [tilespmem:s6+$0xFFFFFFF0]  }
0x245: {  	v5 =	vld [tilespmem:s31+$0xFFFFFFF0];
	_ =	sdelay $0x1  }
.Ltmp6:
0x246: {  	(pc) =	sbr.rel @p0 .LBB2_15-.Ltmp6, $4  }
0x247: {  	(xrf0) =	vadd.scan.msk.s32 $0xffff, v7;
	s10 =	spop (v2sf)  }
0x248: {  	(xrf0) =	vadd.scan.msk.s32 $0xffff, v6;
	s26 =	spop (v2sf)  }
0x249: {  	(xrf0) =	vadd.scan.msk.s32 $0xffff, v5;
	s3 =	spop (v2sf)  }
0x24a: {  	s8 =	sadd.s32 $0x20, s8;
	s7 =	sadd.s32 $0x20, s7  }
0x24b: {  	_ =	sdelay $0x1  }
0x24c: {  	s5 =	spop (v2sf);
	v8, _, _ =	vpop (xrf0)  }
0x24d: {  	s3 =	sadd.s32 s3, s5;
	s25 =	spop (v2sf);
	v8 =	vsub.s32 v8, v7;
	v9, _, _ =	vpop (xrf0)  }
0x24e: {  	s5 =	sadd.s32 s26, s25;
	s9 =	spop (v2sf);
	v8 =	vadd.s32 s3, v8;
	v9 =	vsub.s32 v9, v6;
	v10, _, _ =	vpop (xrf0)  }
0x24f: {  	(v2sf) =	vpush v7, $0xF;
	s28 =	sadd.s32 s10, s9;
	[tilespmem:s1+$0xFFFFFFF0] =	vst v8;
	v7 =	vadd.s32 s5, v9;
	v60 =	vsub.s32 v10, v5  }
0x250: {  	(v2sf) =	vpush v6, $0xF;
	[tilespmem:s6+$0xFFFFFFF0] =	vst v7;
	v6 =	vadd.s32 s28, v60  }
0x251: {  	(v2sf) =	vpush v8, $0xF;
	[tilespmem:s31+$0xFFFFFFF0] =	vst v6  }
0x252: {  	(v2sf) =	vpush v7, $0xF;
	[tilespmem:s8+$0xFFFFFFF0] =	vst v0  }
0x253: {  	s0 =	sadd.s32 $0x20, s0;
	(v2sf) =	vpush v5, $0xF;
	[tilespmem:s7+$0xFFFFFFF0] =	vst v0  }
0x254: {  	(v2sf) =	vpush v6, $0xF;
	[tilespmem:s0+$0xFFFFFFF0] =	vst v0  }
0x255: {  	v5 =	vld [tilespmem:s31+$0x0]  }
0x256: {  	v6 =	vld [tilespmem:s1+$0x0]  }
0x257: {  	v7 =	vld [tilespmem:s6+$0x0];
	_ =	sdelay $0x2  }
0x258: {  	(xrf0) =	vadd.scan.msk.s32 $0xffff, v5  }
0x259: {  	(xrf0) =	vadd.scan.msk.s32 $0xffff, v6  }
0x25a: {  	(xrf0) =	vadd.scan.msk.s32 $0xffff, v7;
	_ =	sdelay $0x1  }
0x25b: {  	s9 =	spop (v2sf)  }
0x25c: {  	s10 =	spop (v2sf)  }
0x25d: {  	s26 =	spop (v2sf);
	v61, _, _ =	vpop (xrf0)  }
0x25e: {  	(v2sf) =	vpush v5, $0xF;
	s28 =	spop (v2sf);
	v62, _, _ =	vpop (xrf0)  }
0x25f: {  	(v2sf) =	vpush v7, $0xF;
	s3 =	sadd.s32 s9, s26;
	s25 =	spop (v2sf);
	v9 =	vsub.s32 v62, v6;
	v63, _, _ =	vpop (xrf0)  }
0x260: {  	(v2sf) =	vpush v6, $0xF;
	s5 =	sadd.s32 s10, s28;
	s26 =	spop (v2sf);
	v6 =	vadd.s32 s3, v9;
	v7 =	vsub.s32 v63, v7  }
0x261: {  	v5 =	vsub.s32 v61, v5;
	s28 =	sadd.s32 s25, s26;
	v7 =	vadd.s32 s5, v7;
	(v2sf) =	vpush v6, $0xF  }
0x262: {  	v5 =	vadd.s32 s28, v5;
	(v2sf) =	vpush v7, $0xF  }
0x263: {  	(v2sf) =	vpush v5, $0xF;
	_ =	sdelay $0x9  }
0x264: {  	[tilespmem:s1+$0x0] =	vst v6;
	s9 =	spop (v2sf)  }
0x265: {  	[tilespmem:s6+$0x0] =	vst v7;
	s10 =	spop (v2sf)  }
0x266: {  	[tilespmem:s31+$0x0] =	vst v5;
	s25 =	spop (v2sf)  }
0x267: {  	[tilespmem:s8+$0x0] =	vst v0;
	s26 =	spop (v2sf)  }
0x268: {  	[tilespmem:s7+$0x0] =	vst v0;
	s28 =	spop (v2sf)  }
0x269: {  	[tilespmem:s0+$0x0] =	vst v0;
	s31 =	spop (v2sf)  }
.LBB2_17:
0x26a: {  	v5 =	vadd.s32 s30, v4;
	_ =	sdelay $0x4  }
0x26b: {  	v6 =	vld.idx.msk [tilespmem:v5+s2+$0x0], $0xffff  }
0x26c: {  	v7 =	vld.idx.msk [tilespmem:v5+s13+$0x0], $0xffff  }
0x26d: {  	v5 =	vld.idx.msk [tilespmem:v5+s14+$0x0], $0xffff;
	_ =	sdelay $0x2  }
0x26e: {  	v8 =	vshrl.u32 v6, $0xC  }
0x26f: {  	v9 =	vshrl.u32 v7, $0xC;
	v8 =	vand.u32 $0xFF0, v8  }
0x270: {  	v10 =	vshrl.u32 v5, $0xC;
	v9 =	vand.u32 $0xFF0, v9;
	v8 =	vor.u32 v1, v8  }
0x271: {  	v10 =	vand.u32 $0xFF0, v10;
	v9 =	vor.u32 v1, v9  }
0x272: {  	v10 =	vor.u32 v1, v10;
	_ =	sdelay $0x2  }
0x273: {  	v11 =	vld.idx.msk [tilespmem:v8+s16+$0x0], $0xffff  }
0x274: {  	v12 =	vld.idx.msk [tilespmem:v9+s17+$0x0], $0xffff  }
0x275: {  	v13 =	vld.idx.msk [tilespmem:v10+s18+$0x0], $0xffff;
	_ =	sdelay $0x2  }
0x276: {  	v14 =	vadd.s32 $0x1, v11  }
0x277: {  	s0 =	sadd.s32 $0x1, s30;
	v41 =	vadd.s32 $0x1, v12;
	[tilespmem:v8+s16+$0x0] =	vst.idx.msk $0xffff, v14  }
0x278: {  	v43 =	vadd.s32 s0, v4;
	v42 =	vadd.s32 $0x1, v13;
	[tilespmem:v9+s17+$0x0] =	vst.idx.msk $0xffff, v41  }
0x279: {  	v6 =	vand.u32 $0x1, v6;
	[tilespmem:v10+s18+$0x0] =	vst.idx.msk $0xffff, v42  }
0x27a: {  	[tilespmem:v11+s19+$0x0] =	vst.idx.msk $0xffff, v6;
	v6 =	vand.u32 $0x1, v7  }
0x27b: {  	v5 =	vand.u32 $0x1, v5;
	[tilespmem:v12+s20+$0x0] =	vst.idx.msk $0xffff, v6  }
0x27c: {  	[tilespmem:v13+s21+$0x0] =	vst.idx.msk $0xffff, v5  }
0x27d: {  	v5 =	vld.idx.msk [tilespmem:v43+s2+$0x0], $0xffff  }
0x27e: {  	v6 =	vld.idx.msk [tilespmem:v43+s13+$0x0], $0xffff  }
0x27f: {  	v7 =	vld.idx.msk [tilespmem:v43+s14+$0x0], $0xffff;
	_ =	sdelay $0x2  }
0x280: {  	v44 =	vshrl.u32 v5, $0xC  }
0x281: {  	v45 =	vshrl.u32 v6, $0xC;
	v8 =	vand.u32 $0xFF0, v44  }
0x282: {  	v46 =	vshrl.u32 v7, $0xC;
	v9 =	vand.u32 $0xFF0, v45;
	v8 =	vor.u32 v1, v8  }
0x283: {  	v10 =	vand.u32 $0xFF0, v46;
	v9 =	vor.u32 v1, v9  }
0x284: {  	v10 =	vor.u32 v1, v10;
	_ =	sdelay $0x2  }
0x285: {  	v11 =	vld.idx.msk [tilespmem:v8+s16+$0x0], $0xffff  }
0x286: {  	v12 =	vld.idx.msk [tilespmem:v9+s17+$0x0], $0xffff  }
0x287: {  	v13 =	vld.idx.msk [tilespmem:v10+s18+$0x0], $0xffff;
	_ =	sdelay $0x2  }
0x288: {  	v47 =	vadd.s32 $0x1, v11  }
0x289: {  	s28 =	sadd.s32 $0x2, s30;
	v48 =	vadd.s32 $0x1, v12;
	[tilespmem:v8+s16+$0x0] =	vst.idx.msk $0xffff, v47  }
0x28a: {  	v50 =	vadd.s32 s28, v4;
	v49 =	vadd.s32 $0x1, v13;
	[tilespmem:v9+s17+$0x0] =	vst.idx.msk $0xffff, v48  }
0x28b: {  	v5 =	vand.u32 $0x1, v5;
	[tilespmem:v10+s18+$0x0] =	vst.idx.msk $0xffff, v49  }
0x28c: {  	[tilespmem:v11+s19+$0x0] =	vst.idx.msk $0xffff, v5;
	v5 =	vand.u32 $0x1, v6  }
0x28d: {  	[tilespmem:v12+s20+$0x0] =	vst.idx.msk $0xffff, v5;
	v5 =	vand.u32 $0x1, v7  }
0x28e: {  	[tilespmem:v13+s21+$0x0] =	vst.idx.msk $0xffff, v5  }
0x28f: {  	v5 =	vld.idx.msk [tilespmem:v50+s2+$0x0], $0xffff  }
0x290: {  	v6 =	vld.idx.msk [tilespmem:v50+s13+$0x0], $0xffff  }
0x291: {  	v7 =	vld.idx.msk [tilespmem:v50+s14+$0x0], $0xffff;
	_ =	sdelay $0x2  }
0x292: {  	v51 =	vshrl.u32 v5, $0xC  }
0x293: {  	v52 =	vshrl.u32 v6, $0xC;
	v8 =	vand.u32 $0xFF0, v51  }
0x294: {  	v53 =	vshrl.u32 v7, $0xC;
	v9 =	vand.u32 $0xFF0, v52;
	v8 =	vor.u32 v1, v8  }
0x295: {  	v10 =	vand.u32 $0xFF0, v53;
	v9 =	vor.u32 v1, v9  }
0x296: {  	v10 =	vor.u32 v1, v10;
	_ =	sdelay $0x2  }
0x297: {  	v11 =	vld.idx.msk [tilespmem:v8+s16+$0x0], $0xffff  }
0x298: {  	v12 =	vld.idx.msk [tilespmem:v9+s17+$0x0], $0xffff  }
0x299: {  	v13 =	vld.idx.msk [tilespmem:v10+s18+$0x0], $0xffff;
	_ =	sdelay $0x2  }
0x29a: {  	v54 =	vadd.s32 $0x1, v11  }
0x29b: {  	s31 =	sadd.s32 $0x3, s30;
	v55 =	vadd.s32 $0x1, v12;
	[tilespmem:v8+s16+$0x0] =	vst.idx.msk $0xffff, v54  }
0x29c: {  	v57 =	vadd.s32 s31, v4;
	v56 =	vadd.s32 $0x1, v13;
	[tilespmem:v9+s17+$0x0] =	vst.idx.msk $0xffff, v55  }
0x29d: {  	v5 =	vand.u32 $0x1, v5;
	[tilespmem:v10+s18+$0x0] =	vst.idx.msk $0xffff, v56  }
0x29e: {  	[tilespmem:v11+s19+$0x0] =	vst.idx.msk $0xffff, v5;
	v5 =	vand.u32 $0x1, v6  }
0x29f: {  	[tilespmem:v12+s20+$0x0] =	vst.idx.msk $0xffff, v5;
	v5 =	vand.u32 $0x1, v7  }
0x2a0: {  	[tilespmem:v13+s21+$0x0] =	vst.idx.msk $0xffff, v5  }
0x2a1: {  	v5 =	vld.idx.msk [tilespmem:v57+s2+$0x0], $0xffff  }
0x2a2: {  	v6 =	vld.idx.msk [tilespmem:v57+s13+$0x0], $0xffff  }
0x2a3: {  	v7 =	vld.idx.msk [tilespmem:v57+s14+$0x0], $0xffff;
	_ =	sdelay $0x2  }
0x2a4: {  	v58 =	vshrl.u32 v5, $0xC  }
0x2a5: {  	v59 =	vshrl.u32 v6, $0xC;
	v8 =	vand.u32 $0xFF0, v58  }
0x2a6: {  	v60 =	vshrl.u32 v7, $0xC;
	v9 =	vand.u32 $0xFF0, v59;
	v8 =	vor.u32 v1, v8  }
0x2a7: {  	v10 =	vand.u32 $0xFF0, v60;
	v9 =	vor.u32 v1, v9  }
0x2a8: {  	v10 =	vor.u32 v1, v10;
	_ =	sdelay $0x2  }
0x2a9: {  	v11 =	vld.idx.msk [tilespmem:v8+s16+$0x0], $0xffff  }
0x2aa: {  	v12 =	vld.idx.msk [tilespmem:v9+s17+$0x0], $0xffff  }
0x2ab: {  	v13 =	vld.idx.msk [tilespmem:v10+s18+$0x0], $0xffff;
	_ =	sdelay $0x2  }
0x2ac: {  	v61 =	vadd.s32 $0x1, v11  }
0x2ad: {  	p0 =	slt.u32 s30, $0x3FC;
	v62 =	vadd.s32 $0x1, v12;
	[tilespmem:v8+s16+$0x0] =	vst.idx.msk $0xffff, v61  }
.Ltmp7:
0x2ae: {  	v63 =	vadd.s32 $0x1, v13;
	[tilespmem:v9+s17+$0x0] =	vst.idx.msk $0xffff, v62;
	(pc) =	sbr.rel @p0 .LBB2_17-.Ltmp7, $4  }
0x2af: {  	v5 =	vand.u32 $0x1, v5;
	[tilespmem:v10+s18+$0x0] =	vst.idx.msk $0xffff, v63  }
0x2b0: {  	[tilespmem:v11+s19+$0x0] =	vst.idx.msk $0xffff, v5;
	v5 =	vand.u32 $0x1, v6  }
0x2b1: {  	[tilespmem:v12+s20+$0x0] =	vst.idx.msk $0xffff, v5;
	v5 =	vand.u32 $0x1, v7  }
0x2b2: {  	s30 =	sadd.s32 $0x4, s30;
	[tilespmem:v13+s21+$0x0] =	vst.idx.msk $0xffff, v5  }
0x2b3: {  	s30 =	sadd.s32 $0x1, s29  }
0x2b4: {  	s0 =	smin.u32 s30, $0x14  }
0x2b5: {  	s1 =	smul.u32 $0x3, s0  }
0x2b6: {  	s3 =	rddreg [dreg:$0x2]  }
0x2b7: {  	s0 =	smul.u32 $0x180, s0;
	s1 =	sadd.s32 s3, s1  }
0x2b8: {  	s3 =	sshll.u32 s1, $0xE  }
0x2b9: {  	s0 =	sor.u32 s0, s3  }
0x2ba: {  	s0 =	sand.u32 $0x3FE0380, s0  }
0x2bb: {  	s8 =	sadd.s32 $0x1, s1;
	s0 =	sshrl.u32 s0, $0x3  }
0x2bc: {  	s31 =	simm.s32 $0x0;
	s9 =	sshll.u32 s8, $0x4;
	s0 =	sadd.s32 s4, s0  }
0x2bd: {  	[tilespmem:s31], [sflag:$0x1] =	stream.strided.gather [hbm4b:s0+s11], $0x4000, s12, s11, $0x38;
	[tilespmem:$0x1E380] =	vst v63  }
0x2be: {  	s3 =	sand.u32 $0x70, s9;
	s0 =	sshll.u32 s8, $0xB  }
0x2bf: {  	s10 =	sadd.s32 $0x2, s1;
	s3 =	sadd.s32 s4, s3;
	s0 =	sand.u32 $0xFFC000, s0  }
0x2c0: {  	s1 =	sshll.u32 s10, $0x4;
	s0 =	sadd.s32 s0, s3  }
0x2c1: {  	[tilespmem:s13], [sflag:$0x1] =	stream.strided.gather [hbm4b:s0+s11], $0x4000, s12, s11, $0x38;
	[tilespmem:$0x1E380] =	vst v63  }
0x2c2: {  	s1 =	sand.u32 $0x70, s1;
	s0 =	sshll.u32 s10, $0xB  }
0x2c3: {  	s1 =	sadd.s32 s4, s1;
	s0 =	sand.u32 $0xFFC000, s0  }
0x2c4: {  	s25 =	simm.s32 $0x40A0;
	s0 =	sadd.s32 s0, s1  }
0x2c5: {  	[tilespmem:s14], [sflag:$0x1] =	stream.strided.gather [hbm4b:s0+s11], $0x4000, s12, s11, $0x38;
	[tilespmem:$0x1E380] =	vst v63  }
0x2c6: {  	v7 =	vld [tilespmem:s25+$0xFFFFFFE0]  }
0x2c7: {  	s0 =	simm.s32 $0x142A0;
	v8 =	vld [tilespmem:s25+$0x10]  }
0x2c8: {  	s26 =	simm.s32 $0xC1A0;
	v9 =	vld [tilespmem:s0+$0xFFFFFFE0]  }
0x2c9: {  	v11 =	vld [tilespmem:s26+$0xFFFFFFF0]  }
0x2ca: {  	v5 =	vadd.s32 $0x1, v1;
	v12 =	vld [tilespmem:s26+$0xFFFFFFE0]  }
0x2cb: {  	s6 =	simm.s32 $0x30;
	v6 =	vor.u32 s31, v5;
	v10 =	vld [tilespmem:s0+$0xFFFFFFF0]  }
0x2cc: {  	s5 =	simm.s32 $0x10;
	v15 =	vadd.s32 s6, v5;
	v6 =	vcvt.s32.f32 v6;
	v14 =	vld [tilespmem:s25+$0x0];
	(xrf0) =	vadd.scan.msk.s32 $0xffff, v7  }
0x2cd: {  	s28 =	simm.s32 $0x20;
	v13 =	vadd.s32 s5, v5;
	v15 =	vcvt.s32.f32 v15;
	v16 =	vld [tilespmem:s25+$0xFFFFFFF0];
	(xrf0) =	vadd.scan.msk.s32 $0xffff, v9  }
0x2ce: {  	v17 =	vor.u32 s28, v5;
	v13 =	vcvt.s32.f32 v13;
	(erf) = vrcp.f32 v6;
	v18 =	vld [tilespmem:s0+$0x0]  }
0x2cf: {  	v17 =	vcvt.s32.f32 v17;
	(erf) = vrcp.f32 v15;
	v19 =	vld [tilespmem:s26+$0x0];
	(xrf0) =	vadd.scan.msk.s32 $0xffff, v11  }
0x2d0: {  	(erf) = vrcp.f32 v13;
	v6 =	vcvt.s32.f32 v8;
	(xrf0) =	vadd.scan.msk.s32 $0xffff, v12  }
0x2d1: {  	v13 =	vld [tilespmem:s0+$0x10];
	v21 =	vcvt.s32.f32 v10;
	v15 =	vcvt.s32.f32 v14  }
0x2d2: {  	v23 =	vld [tilespmem:s26+$0x10];
	v22 =	vcvt.s32.f32 v7;
	v24 =	vcvt.s32.f32 v16;
	v20, _, _ =	vpop (xrf0)  }
0x2d3: {  	v7 =	vcvt.s32.f32 v18;
	v9 =	vcvt.s32.f32 v9;
	(xrf0) =	vadd.scan.msk.s32 $0xffff, v10;
	v20 =	vadd.s32 s31, v20;
	v25, _, _ =	vpop (xrf0)  }
0x2d4: {  	v12 =	vcvt.s32.f32 v12;
	(xrf0) =	vadd.scan.msk.s32 $0xffff, v19;
	v10 =	vadd.s32 s31, v25;
	v25 =	vcvt.s32.f32 v20  }
0x2d5: {  	v19 =	vcvt.s32.f32 v19;
	v26, _, _ =	vpop (xrf0);
	(xrf0) =	vadd.scan.msk.s32 $0xffff, v16;
	v20 =	vbroadcast v20, $0xF  }
0x2d6: {  	v27 =	vcvt.s32.f32 v10;
	v16 =	vbroadcast v10, $0xF;
	v28, _, _ =	vpop (xrf0);
	(xrf0) =	vadd.scan.msk.s32 $0xffff, v13  }
0x2d7: {  	v10 =	vcvt.s32.f32 v13;
	v28 =	vadd.s32 s31, v28;
	v22 =	vmul.f32 v25, v22;
	(xrf0) =	vadd.scan.msk.s32 $0xffff, v23  }
0x2d8: {  	v13 =	vmul.f32 v27, v9;
	v27 =	vbroadcast v28, $0xF;
	(xrf0) =	vadd.scan.msk.s32 $0xffff, v18;
	v25 =	vpop (erf)  }
0x2d9: {  	v9 =	vcvt.s32.f32 v23;
	v18, _, _ =	vpop (xrf0);
	(xrf0) =	vadd.scan.msk.s32 $0xffff, v14;
	v14 =	vcvt.s32.f32 v28  }
0x2da: {  	(erf) = vrcp.f32 v17;
	v13 =	vmul.f32 v13, v25  }
0x2db: {  	v23 =	vadd.s32 v27, v26;
	v26, _, _ =	vpop (xrf0);
	v16 =	vadd.s32 v16, v18;
	v18 =	vcvt.s32.f32 v11  }
0x2dc: {  	v22 =	vmul.f32 v22, v25;
	v27 =	vbroadcast v23, $0xF;
	v11, _, _ =	vpop (xrf0)  }
0x2dd: {  	v12 =	vmul.f32 v14, v12;
	v14 =	vadd.s32 v20, v11;
	v62, _, _ =	vpop (xrf0);
	v20 =	vbroadcast v16, $0xF  }
0x2de: {  	v23 =	vcvt.s32.f32 v23;
	v17 =	vbroadcast v14, $0xF;
	v29, _, _ =	vpop (xrf0)  }
0x2df: {  	(xrf0) =	vadd.scan.msk.s32 $0xffff, v8;
	v8 =	vadd.s32 v27, v26;
	v26 =	vcvt.s32.f32 v16;
	v14 =	vcvt.s32.f32 v14;
	v16, _, _ =	vpop (xrf0)  }
0x2e0: {  	v18 =	vmul.f32 v23, v18;
	v27 =	vadd.s32 v20, v16;
	v16 =	vbroadcast v8, $0xF  }
0x2e1: {  	v24 =	vmul.f32 v14, v24;
	v21 =	vmul.f32 v26, v21;
	v20, _, _ =	vpop (xrf0)  }
0x2e2: {  	v30 =	vbroadcast v27, $0xF;
	v17 =	vadd.s32 v17, v20;
	v16 =	vadd.s32 v16, v29  }
0x2e3: {  	v20 =	vcvt.s32.f32 v8;
	v8 =	vpop (erf);
	v63 =	vcvt.s32.f32 v17;
	(v2sf) =	vpush v16, $0xF  }
0x2e4: {  	v11 =	vimm.f32 $0.0e+00;
	v14 =	vpop (erf);
	v31 =	vbroadcast v17, $0xF;
	v17 =	vmul.f32 v12, v25  }
0x2e5: {  	v22 =	vadd.f32 v22, v11;
	v12 =	vmul.f32 v24, v14;
	v24, _, _ =	vpop (xrf0);
	v25 =	vmul.f32 v20, v19  }
0x2e6: {  	v18 =	vmul.f32 v18, v14;
	v31 =	vadd.s32 v31, v24;
	v23 =	vmul.f32 v63, v15  }
0x2e7: {  	v19 =	vpop (erf);
	v20 =	vadd.f32 v12, v22;
	v12 =	vadd.s32 v30, v62;
	(v2sf) =	vpush v31, $0xF  }
0x2e8: {  	v24 =	vcvt.s32.f32 v27;
	v15 =	vmul.f32 v25, v19;
	(v2sf) =	vpush v12, $0xF  }
0x2e9: {  	s7 =	simm.s32 $0xC1E0;
	s6 =	simm.s32 $0x40E0;
	s1 =	simm.s32 $0x0;
	v25 =	vcvt.s32.f32 v31;
	v22 =	vcvt.s32.f32 v12;
	v12 =	vimm.f32 $0.0e+00  }
.LBB2_19:
0x2ea: {  	v26 =	vld [tilespmem:s6+$0xFFFFFFE0];
	s1 =	sadd.s32 $0x4, s1;
	v11 =	vadd.f32 v13, v11;
	v13 =	vmul.f32 v23, v19;
	s31 =	sadd.s32 $0x40, s31;
	s0 =	sadd.s32 $0x40, s0  }
0x2eb: {  	v10 =	vmul.f32 v22, v10;
	v23 =	vor.u32 s31, v5;
	v27 =	vld [tilespmem:s6+$0x10];
	p0 =	slt.u32 s1, $0x3FC;
	v6 =	vmul.f32 v25, v6  }
0x2ec: {  	s3 =	sadd.s32 $0x10, s31;
	v7 =	vmul.f32 v24, v7;
	v22 =	vld [tilespmem:s0+$0xFFFFFFE0];
	v23 =	vcvt.s32.f32 v23;
	v13 =	vadd.f32 v13, v20  }
0x2ed: {  	v14 =	vmul.f32 v21, v14;
	v24 =	vadd.s32 s3, v5;
	s3 =	sadd.s32 $0x30, s31;
	v10 =	vmul.f32 v10, v8;
	v20 =	vld [tilespmem:s7+$0xFFFFFFF0]  }
0x2ee: {  	v16 =	vcvt.s32.f32 v16;
	v24 =	vcvt.s32.f32 v24;
	v25 =	vadd.s32 s3, v5;
	v21 =	vld [tilespmem:s7+$0xFFFFFFE0]  }
0x2ef: {  	v11 =	vadd.f32 v14, v11;
	s3 =	sadd.s32 $0x20, s31;
	v7 =	vmul.f32 v7, v19;
	v25 =	vcvt.s32.f32 v25;
	v28 =	vld [tilespmem:s0+$0xFFFFFFF0];
	(xrf0) =	vadd.scan.msk.s32 $0xffff, v26  }
0x2f0: {  	v12 =	vadd.f32 v17, v12;
	v14 =	vor.u32 s3, v5;
	v19 =	vld [tilespmem:s6+$0x0];
	(erf) = vrcp.f32 v23  }
0x2f1: {  	v9 =	vmul.f32 v16, v9;
	v7 =	vadd.f32 v7, v11;
	v23 =	vcvt.s32.f32 v14;
	v17 =	vld [tilespmem:s6+$0xFFFFFFF0];
	(xrf0) =	vadd.scan.msk.s32 $0xffff, v22  }
0x2f2: {  	v11 =	vmul.f32 v6, v8;
	v16 =	vld [tilespmem:s0+$0x0];
	(xrf0) =	vadd.scan.msk.s32 $0xffff, v20;
	(erf) = vrcp.f32 v25;
	s3 =	spop (v2sf)  }
0x2f3: {  	v12 =	vadd.f32 v18, v12;
	v6 =	vcvt.s32.f32 v27;
	v14 =	vld [tilespmem:s7+$0x0];
	(erf) = vrcp.f32 v24  }
0x2f4: {  	v18 =	vadd.f32 v11, v13;
	v11 =	vadd.f32 v10, v7;
	v24 =	vcvt.s32.f32 v28;
	(xrf0) =	vadd.scan.msk.s32 $0xffff, v21  }
0x2f5: {  	v8 =	vmul.f32 v9, v8;
	v10 =	vadd.f32 v15, v12;
	v25 =	vcvt.s32.f32 v19;
	v13 =	vld [tilespmem:s0+$0x10];
	v7, _, _ =	vpop (xrf0)  }
0x2f6: {  	v9 =	vcvt.s32.f32 v26;
	v15 =	vcvt.s32.f32 v17;
	v26 =	vld [tilespmem:s7+$0x10];
	s5 =	spop (v2sf)  }
0x2f7: {  	v12 =	vadd.f32 v8, v10;
	v29 =	vadd.s32 s5, v7;
	v7 =	vcvt.s32.f32 v16;
	v30, _, _ =	vpop (xrf0);
	(xrf0) =	vadd.scan.msk.s32 $0xffff, v28;
	s5 =	spop (v2sf)  }
0x2f8: {  	v22 =	vcvt.s32.f32 v22;
	v34 =	vadd.s32 s5, v30;
	v28 =	vcvt.s32.f32 v29;
	v30, _, _ =	vpop (xrf0);
	(xrf0) =	vadd.scan.msk.s32 $0xffff, v14  }
0x2f9: {  	v32 =	vcvt.s32.f32 v14;
	v31 =	vcvt.s32.f32 v34;
	v33 =	vpop (erf);
	(xrf0) =	vadd.scan.msk.s32 $0xffff, v17  }
0x2fa: {  	v17 =	vbroadcast v34, $0xF;
	v10 =	vcvt.s32.f32 v13;
	v8, _, _ =	vpop (xrf0);
	(xrf0) =	vadd.scan.msk.s32 $0xffff, v13  }
0x2fb: {  	v28 =	vmul.f32 v28, v9;
	v34 =	vadd.s32 s3, v8;
	v13 =	vmul.f32 v31, v22;
	(xrf0) =	vadd.scan.msk.s32 $0xffff, v26;
	v8 =	vpop (erf)  }
0x2fc: {  	v9 =	vcvt.s32.f32 v26;
	v22 =	vbroadcast v34, $0xF;
	v14 =	vpop (erf);
	(xrf0) =	vadd.scan.msk.s32 $0xffff, v16  }
0x2fd: {  	v16 =	vcvt.s32.f32 v21;
	v13 =	vmul.f32 v13, v33;
	v21, _, _ =	vpop (xrf0);
	(xrf0) =	vadd.scan.msk.s32 $0xffff, v19  }
0x2fe: {  	v31 =	vbroadcast v29, $0xF;
	v19 =	vcvt.s32.f32 v34;
	v22 =	vadd.s32 v22, v30;
	v29, _, _ =	vpop (xrf0)  }
0x2ff: {  	v20 =	vcvt.s32.f32 v20;
	v17 =	vadd.s32 v17, v21;
	v21 =	vbroadcast v22, $0xF;
	v30, _, _ =	vpop (xrf0)  }
0x300: {  	v19 =	vmul.f32 v19, v16;
	v16 =	vadd.s32 v31, v30;
	(erf) = vrcp.f32 v23;
	v26, _, _ =	vpop (xrf0)  }
0x301: {  	v23 =	vbroadcast v16, $0xF;
	v21 =	vadd.s32 v21, v29;
	v29 =	vbroadcast v17, $0xF;
	(xrf0) =	vadd.scan.msk.s32 $0xffff, v27;
	v27, _, _ =	vpop (xrf0)  }
0x302: {  	v28 =	vmul.f32 v28, v33;
	v30 =	vcvt.s32.f32 v17;
	v17, _, _ =	vpop (xrf0)  }
0x303: {  	v16 =	vcvt.s32.f32 v16;
	v29 =	vadd.s32 v29, v17;
	v17 =	vbroadcast v21, $0xF;
	v31, _, _ =	vpop (xrf0)  }
0x304: {  	v21 =	vcvt.s32.f32 v21;
	v23 =	vadd.s32 v23, v31;
	v31 =	vbroadcast v29, $0xF  }
0x305: {  	v22 =	vcvt.s32.f32 v22;
	v15 =	vmul.f32 v16, v15;
	v16 =	vadd.s32 v17, v27  }
0x306: {  	v27 =	vcvt.s32.f32 v23;
	v23 =	vbroadcast v23, $0xF;
	(v2sf) =	vpush v16, $0xF  }
0x307: {  	v18 =	vadd.f32 v28, v18;
	v17 =	vmul.f32 v19, v33;
	v15 =	vmul.f32 v15, v14;
	v19, _, _ =	vpop (xrf0)  }
.Ltmp8:
0x308: {  	v28 =	vmul.f32 v22, v20;
	v21 =	vmul.f32 v21, v32;
	v32 =	vadd.s32 v23, v19;
	(pc) =	sbr.rel @p0 .LBB2_19-.Ltmp8, $4  }
0x309: {  	v20 =	vadd.f32 v15, v18;
	v23 =	vmul.f32 v27, v25;
	v25 =	vadd.s32 v31, v26;
	v19 =	vpop (erf)  }
0x30a: {  	v22 =	vcvt.s32.f32 v25;
	v15 =	vmul.f32 v21, v19;
	(v2sf) =	vpush v32, $0xF  }
0x30b: {  	v18 =	vmul.f32 v28, v14;
	v21 =	vmul.f32 v30, v24;
	(v2sf) =	vpush v25, $0xF  }
0x30c: {  	s6 =	sadd.s32 $0x40, s6;
	s7 =	sadd.s32 $0x40, s7;
	v24 =	vcvt.s32.f32 v29;
	v25 =	vcvt.s32.f32 v32  }
0x30d: {  	_ =	sdelay $0x5  }
0x30e: {  	v23 =	vmul.f32 v23, v19;
	v16 =	vcvt.s32.f32 v16  }
0x30f: {  	v12 =	vadd.f32 v17, v12;
	v10 =	vmul.f32 v22, v10;
	v53 =	vmul.f32 v21, v14  }
0x310: {  	v11 =	vadd.f32 v13, v11;
	v6 =	vmul.f32 v25, v6;
	v7 =	vmul.f32 v24, v7  }
0x311: {  	v9 =	vmul.f32 v16, v9;
	v12 =	vadd.f32 v18, v12;
	v54 =	vadd.f32 v23, v20  }
0x312: {  	v11 =	vadd.f32 v53, v11;
	v6 =	vmul.f32 v6, v8;
	v7 =	vmul.f32 v7, v19  }
0x313: {  	v12 =	vadd.f32 v15, v12;
	v9 =	vmul.f32 v9, v8;
	s0 =	spop (v2sf)  }
0x314: {  	v55 =	vmul.f32 v10, v8;
	v6 =	vadd.f32 v6, v54;
	v7 =	vadd.f32 v7, v11;
	s1 =	spop (v2sf)  }
0x315: {  	v9 =	vadd.f32 v9, v12;
	s1 =	scvt.s32.f32 s1  }
0x316: {  	(xrf2) =	vadd.scan.msk.f32 $0xffff, v6;
	v6 =	vadd.f32 v55, v7;
	s0 =	scvt.s32.f32 s0;
	s3 =	spop (v2sf)  }
0x317: {  	(xrf2) =	vadd.scan.msk.f32 $0xffff, v9;
	s3 =	scvt.s32.f32 s3;
	s1 =	sadd.f32 $9.999999740e-06, s1  }
0x318: {  	(xrf2) =	vadd.scan.msk.f32 $0xffff, v6;
	s0 =	sadd.f32 $9.999999740e-06, s0  }
0x319: {  	s25 =	sadd.f32 $9.999999740e-06, s3;
	v7 =	vmov s1  }
0x31a: {  	v6 =	vmov s0;
	(erf) = vrcp.f32 v7  }
0x31b: {  	(erf) = vrcp.f32 v6;
	v6 =	vmov s25  }
0x31c: {  	(erf) = vrcp.f32 v6;
	_ =	sdelay $0x2  }
0x31d: {  	s26 =	smul.u32 $0x3, s29  }
0x31e: {  	v6, _, _ =	vpop (xrf2)  }
0x31f: {  	v56 =	vmov s26;
	s28 =	sadd.s32 $0x1, s26;
	v7, _, _ =	vpop (xrf2)  }
0x320: {  	v58 =	vmov s28;
	s0 =	sadd.s32 $0x2, s26;
	v6 =	vbroadcast v6, $0xF;
	v59, _, _ =	vpop (xrf2)  }
0x321: {  	p0 =	sne.s32 s30, $0x15;
	v60 =	vmov s0;
	v7 =	vbroadcast v7, $0xF;
	v57 =	vpop (erf)  }
.Ltmp9:
0x322: {  	v62 =	vbroadcast v59, $0xF;
	v61 =	vpop (erf);
	v6 =	vmul.f32 v57, v6;
	(pc) =	sbr.rel @p0 .LBB2_2-.Ltmp9, $4  }
0x323: {  	s31 =	simm.s32 $0x1E300;
	v7 =	vmul.f32 v61, v7;
	v63 =	vpop (erf)  }
0x324: {  	[tilespmem:v56+s31+$0x0] =	vst.idx.msk $0x1, v6;
	v6 =	vmul.f32 v63, v62  }
0x325: {  	[tilespmem:v58+s31+$0x0] =	vst.idx.msk $0x1, v7  }
0x326: {  	s29 =	smov.u32 s30;
	[tilespmem:v60+s31+$0x0] =	vst.idx.msk $0x1, v6  }
0x327: {  	_ =	swait.ge [sflag:s15], $0x4000  }
0x328: {  	[sflag:s15] =	ssyncset.done $0x0  }
0x329: {  	[sflag:s15] =	ssyncadd.s32 $0xFFFFC000  }
0x32a: {  	_ =	swait.ge [sflag:s15], $0x4000  }
0x32b: {  	[sflag:s15] =	ssyncset.done $0x0  }
0x32c: {  	[sflag:s15] =	ssyncadd.s32 $0xFFFFC000  }
0x32d: {  	_ =	swait.ge [sflag:s15], $0x4000  }
0x32e: {  	[sflag:s15] =	ssyncset.done $0x0  }
0x32f: {  	s9 =	simm.s32 $0x2;
	s0 =	rddreg [dreg:$0x6];
	[sflag:s15] =	ssyncadd.s32 $0xFFFFC000  }
0x330: {  	[tilespmem:s2], [sflag:$0x2] =	stream.strided.gather [hbm4b:s0+s11], $0x4000, s12, s11, $0x38;
	[tilespmem:$0x1E380] =	vst v63  }
0x331: {  	_ =	swait.ge [sflag:s9], $0x4000  }
0x332: {  	[sflag:s9] =	ssyncset.done $0x0  }
0x333: {  	s6 =	simm.s32 $0x18310;
	[sflag:s9] =	ssyncadd.s32 $0xFFFFC000  }
0x334: {  	s5 =	simm.s32 $0x19310;
	[tilespmem:s6+$0xFFFFFFF0] =	vst v0  }
0x335: {  	[tilespmem:s5+$0xFFFFFFF0] =	vst v0  }
0x336: {  	s7 =	simm.s32 $0x0;
	[tilespmem:s6+$0x0] =	vst v0  }
.LBB2_22:
0x337: {  	s7 =	sadd.s32 $0x2, s7  }
0x338: {  	[tilespmem:s5+$0x0] =	vst v0;
	s5 =	sadd.s32 $0x20, s5;
	s6 =	sadd.s32 $0x20, s6;
	p0 =	slt.u32 s7, $0xFE  }
.Ltmp10:
0x339: {  	(pc) =	sbr.rel @p0 .LBB2_22-.Ltmp10, $4  }
0x33a: {  	_ = 	snop  }
0x33b: {  	[tilespmem:s6+$0xFFFFFFF0] =	vst v0  }
0x33c: {  	[tilespmem:s5+$0xFFFFFFF0] =	vst v0  }
0x33d: {  	s0 =	simm.s32 $0xFFFFFFFC;
	s1 =	simm.s32 $0x20;
	[tilespmem:s6+$0x0] =	vst v0  }
0x33e: {  	[tilespmem:s5+$0x0] =	vst v0  }
.LBB2_24:
0x33f: {  	v6 =	vld [tilespmem:s1+$0xFFFFFFE0];
	_ =	sdelay $0x4  }
0x340: {  	v6 =	vshll.u32 v6, $0x4  }
0x341: {  	v6 =	vor.u32 v1, v6  }
0x342: {  	v6 =	vand.u32 $0xFFF, v6;
	_ =	sdelay $0x4  }
0x343: {  	v7 =	vld.idx.msk [tilespmem:v6+s16+$0x0], $0xffff;
	_ =	sdelay $0x4  }
0x344: {  	v7 =	vadd.s32 $0x1, v7  }
0x345: {  	[tilespmem:v6+s16+$0x0] =	vst.idx.msk $0xffff, v7  }
0x346: {  	v6 =	vld [tilespmem:s1+$0xFFFFFFF0];
	_ =	sdelay $0x4  }
0x347: {  	v6 =	vshll.u32 v6, $0x4  }
0x348: {  	v6 =	vor.u32 v1, v6  }
0x349: {  	v6 =	vand.u32 $0xFFF, v6;
	_ =	sdelay $0x4  }
0x34a: {  	v7 =	vld.idx.msk [tilespmem:v6+s16+$0x0], $0xffff;
	_ =	sdelay $0x4  }
0x34b: {  	v7 =	vadd.s32 $0x1, v7  }
0x34c: {  	[tilespmem:v6+s16+$0x0] =	vst.idx.msk $0xffff, v7  }
0x34d: {  	v6 =	vld [tilespmem:s1+$0x0];
	_ =	sdelay $0x4  }
0x34e: {  	v6 =	vshll.u32 v6, $0x4  }
0x34f: {  	v6 =	vor.u32 v1, v6  }
0x350: {  	v6 =	vand.u32 $0xFFF, v6;
	_ =	sdelay $0x4  }
0x351: {  	v7 =	vld.idx.msk [tilespmem:v6+s16+$0x0], $0xffff;
	_ =	sdelay $0x4  }
0x352: {  	v7 =	vadd.s32 $0x1, v7  }
0x353: {  	[tilespmem:v6+s16+$0x0] =	vst.idx.msk $0xffff, v7  }
0x354: {  	v6 =	vld [tilespmem:s1+$0x10];
	_ =	sdelay $0x4  }
0x355: {  	v6 =	vshll.u32 v6, $0x4  }
0x356: {  	v6 =	vor.u32 v1, v6  }
0x357: {  	v6 =	vand.u32 $0xFFF, v6;
	_ =	sdelay $0x4  }
0x358: {  	s0 =	sadd.s32 $0x4, s0;
	v7 =	vld.idx.msk [tilespmem:v6+s16+$0x0], $0xffff  }
0x359: {  	p0 =	slt.u32 s0, $0x3FC  }
.Ltmp11:
0x35a: {  	_ = 	snop;
	(pc) =	sbr.rel @p0 .LBB2_24-.Ltmp11, $3  }
0x35b: {  	_ =	sdelay $0x1  }
0x35c: {  	s3 =	simm.s32 $0x0;
	v7 =	vadd.s32 $0x1, v7  }
0x35d: {  	s5 =	simm.s32 $0xFFFFFFFE;
	s6 =	simm.s32 $0x18310;
	s1 =	sadd.s32 $0x40, s1;
	[tilespmem:v6+s16+$0x0] =	vst.idx.msk $0xffff, v7  }
0x35e: {  	v6 =	vld [tilespmem:s6+$0xFFFFFFF0];
	_ =	sdelay $0x4  }
0x35f: {  	(xrf0) =	vadd.scan.msk.s32 $0xffff, v6;
	_ =	sdelay $0x5  }
0x360: {  	v7, _, _ =	vpop (xrf0)  }
0x361: {  	v7 =	vsub.s32 v7, v6  }
0x362: {  	(v2sf) =	vpush v6, $0xF;
	v7 =	vadd.s32 s3, v7  }
0x363: {  	(v2sf) =	vpush v7, $0xF;
	_ =	sdelay $0x3  }
0x364: {  	v6 =	vld [tilespmem:s6+$0x0];
	_ =	sdelay $0x4  }
0x365: {  	(xrf0) =	vadd.scan.msk.s32 $0xffff, v6;
	_ =	sdelay $0x4  }
0x366: {  	s0 =	spop (v2sf)  }
0x367: {  	v8, _, _ =	vpop (xrf0);
	s1 =	spop (v2sf)  }
0x368: {  	v8 =	vsub.s32 v8, v6;
	s0 =	sadd.s32 s0, s1  }
0x369: {  	(v2sf) =	vpush v6, $0xF;
	v6 =	vadd.s32 s0, v8  }
0x36a: {  	(v2sf) =	vpush v6, $0xF;
	_ =	sdelay $0x1  }
0x36b: {  	[tilespmem:s6+$0xFFFFFFF0] =	vst v7  }
0x36c: {  	s0 =	sadd.s32 $0x20, s6;
	[tilespmem:s6+$0x0] =	vst v6  }
0x36d: {  	v6 =	vld [tilespmem:s0+$0xFFFFFFF0];
	_ =	sdelay $0x4  }
0x36e: {  	(xrf0) =	vadd.scan.msk.s32 $0xffff, v6;
	_ =	sdelay $0x4  }
0x36f: {  	s31 =	sadd.s32 $0x2, s5;
	s3 =	spop (v2sf)  }
0x370: {  	s1 =	sadd.s32 $0x2, s31;
	v7, _, _ =	vpop (xrf0);
	s5 =	spop (v2sf)  }
.LBB2_26:
0x371: {  	s1 =	sadd.s32 $0x2, s1;
	v7 =	vsub.s32 v7, v6;
	s3 =	sadd.s32 s3, s5  }
0x372: {  	p0 =	slt.u32 s1, $0xFE;
	v7 =	vadd.s32 s3, v7;
	(v2sf) =	vpush v6, $0xF  }
0x373: {  	[tilespmem:s0+$0xFFFFFFF0] =	vst v7;
	(v2sf) =	vpush v7, $0xF;
	_ =	sdelay $0x3  }
0x374: {  	v6 =	vld [tilespmem:s0+$0x0];
	_ =	sdelay $0x4  }
0x375: {  	(xrf0) =	vadd.scan.msk.s32 $0xffff, v6;
	_ =	sdelay $0x4  }
0x376: {  	s3 =	spop (v2sf)  }
0x377: {  	s5 =	spop (v2sf);
	v7, _, _ =	vpop (xrf0)  }
0x378: {  	s3 =	sadd.s32 s3, s5;
	v7 =	vsub.s32 v7, v6  }
0x379: {  	v7 =	vadd.s32 s3, v7;
	(v2sf) =	vpush v6, $0xF  }
0x37a: {  	[tilespmem:s0+$0x0] =	vst v7;
	(v2sf) =	vpush v7, $0xF;
	_ =	sdelay $0x2  }
0x37b: {  	s0 =	sadd.s32 $0x20, s0  }
0x37c: {  	v6 =	vld [tilespmem:s0+$0xFFFFFFF0];
	_ =	sdelay $0x4  }
0x37d: {  	(xrf0) =	vadd.scan.msk.s32 $0xffff, v6;
	_ =	sdelay $0x1  }
.Ltmp12:
0x37e: {  	(pc) =	sbr.rel @p0 .LBB2_26-.Ltmp12, $3  }
0x37f: {  	_ =	sdelay $0x1  }
0x380: {  	s3 =	spop (v2sf)  }
0x381: {  	v7, _, _ =	vpop (xrf0);
	s5 =	spop (v2sf)  }
0x382: {  	v7 =	vsub.s32 v7, v6;
	s1 =	sadd.s32 s3, s5  }
0x383: {  	(v2sf) =	vpush v6, $0xF;
	v7 =	vadd.s32 s1, v7  }
0x384: {  	(v2sf) =	vpush v7, $0xF;
	_ =	sdelay $0x3  }
0x385: {  	v6 =	vld [tilespmem:s0+$0x0];
	_ =	sdelay $0x4  }
0x386: {  	(xrf0) =	vadd.scan.msk.s32 $0xffff, v6;
	_ =	sdelay $0x4  }
0x387: {  	s28 =	spop (v2sf)  }
0x388: {  	[tilespmem:s0+$0xFFFFFFF0] =	vst v7;
	v7, _, _ =	vpop (xrf0);
	s29 =	spop (v2sf)  }
0x389: {  	v7 =	vsub.s32 v7, v6;
	s1 =	sadd.s32 s28, s29  }
0x38a: {  	(v2sf) =	vpush v6, $0xF;
	v7 =	vadd.s32 s1, v7  }
0x38b: {  	(v2sf) =	vpush v7, $0xF;
	_ =	sdelay $0xd  }
0x38c: {  	s30 =	spop (v2sf)  }
0x38d: {  	s5 =	simm.s32 $0x20;
	s6 =	simm.s32 $0xFFFFFFFC;
	[tilespmem:s0+$0x0] =	vst v7;
	s31 =	spop (v2sf)  }
.LBB2_28:
0x38e: {  	v6 =	vld [tilespmem:s5+$0xFFFFFFE0];
	_ =	sdelay $0x4  }
0x38f: {  	v7 =	vshll.u32 v6, $0x4  }
0x390: {  	v7 =	vor.u32 v1, v7  }
0x391: {  	v7 =	vand.u32 $0xFFF, v7;
	_ =	sdelay $0x4  }
0x392: {  	v8 =	vld.idx.msk [tilespmem:v7+s16+$0x0], $0xffff;
	_ =	sdelay $0x4  }
0x393: {  	v10 =	vshrl.u32 v6, $0x4;
	v9 =	vshra.s32 v8, $0xA  }
0x394: {  	v10 =	vand.u32 $0xFF0, v10;
	v11 =	vadd.s32 v8, v9  }
0x395: {  	v9 =	vadd.s32 v9, v10;
	_ =	sdelay $0x1  }
0x396: {  	v8 =	vadd.s32 $0x1, v8  }
0x397: {  	[tilespmem:v7+s16+$0x0] =	vst.idx.msk $0xffff, v8  }
0x398: {  	[tilespmem:v11+s19+$0x0] =	vst.idx.msk $0xffff, v6  }
0x399: {  	[tilespmem:v9+s22+$0x0] =	vst.idx.add.s32.msk $0xffff, v2  }
0x39a: {  	v6 =	vld [tilespmem:s5+$0xFFFFFFF0];
	_ =	sdelay $0x4  }
0x39b: {  	v7 =	vshll.u32 v6, $0x4  }
0x39c: {  	v7 =	vor.u32 v1, v7  }
0x39d: {  	v7 =	vand.u32 $0xFFF, v7;
	_ =	sdelay $0x4  }
0x39e: {  	v8 =	vld.idx.msk [tilespmem:v7+s16+$0x0], $0xffff;
	_ =	sdelay $0x4  }
0x39f: {  	v56 =	vshrl.u32 v6, $0x4;
	v55 =	vshra.s32 v8, $0xA  }
0x3a0: {  	v10 =	vand.u32 $0xFF0, v56;
	v57 =	vadd.s32 v8, v55  }
0x3a1: {  	v9 =	vadd.s32 v55, v10;
	_ =	sdelay $0x1  }
0x3a2: {  	v8 =	vadd.s32 $0x1, v8  }
0x3a3: {  	[tilespmem:v7+s16+$0x0] =	vst.idx.msk $0xffff, v8  }
0x3a4: {  	[tilespmem:v57+s19+$0x0] =	vst.idx.msk $0xffff, v6  }
0x3a5: {  	[tilespmem:v9+s22+$0x0] =	vst.idx.add.s32.msk $0xffff, v2  }
0x3a6: {  	v6 =	vld [tilespmem:s5+$0x0];
	_ =	sdelay $0x4  }
0x3a7: {  	v7 =	vshll.u32 v6, $0x4  }
0x3a8: {  	v7 =	vor.u32 v1, v7  }
0x3a9: {  	v7 =	vand.u32 $0xFFF, v7;
	_ =	sdelay $0x4  }
0x3aa: {  	v8 =	vld.idx.msk [tilespmem:v7+s16+$0x0], $0xffff;
	_ =	sdelay $0x4  }
0x3ab: {  	v59 =	vshrl.u32 v6, $0x4;
	v58 =	vshra.s32 v8, $0xA  }
0x3ac: {  	v10 =	vand.u32 $0xFF0, v59;
	v60 =	vadd.s32 v8, v58  }
0x3ad: {  	v9 =	vadd.s32 v58, v10;
	_ =	sdelay $0x1  }
0x3ae: {  	v8 =	vadd.s32 $0x1, v8  }
0x3af: {  	[tilespmem:v7+s16+$0x0] =	vst.idx.msk $0xffff, v8  }
0x3b0: {  	[tilespmem:v60+s19+$0x0] =	vst.idx.msk $0xffff, v6  }
0x3b1: {  	[tilespmem:v9+s22+$0x0] =	vst.idx.add.s32.msk $0xffff, v2  }
0x3b2: {  	v6 =	vld [tilespmem:s5+$0x10];
	_ =	sdelay $0x4  }
0x3b3: {  	v7 =	vshll.u32 v6, $0x4  }
0x3b4: {  	v7 =	vor.u32 v1, v7  }
0x3b5: {  	v7 =	vand.u32 $0xFFF, v7;
	_ =	sdelay $0x4  }
0x3b6: {  	v8 =	vld.idx.msk [tilespmem:v7+s16+$0x0], $0xffff;
	_ =	sdelay $0x4  }
0x3b7: {  	v62 =	vshrl.u32 v6, $0x4;
	v61 =	vshra.s32 v8, $0xA  }
0x3b8: {  	s6 =	sadd.s32 $0x4, s6;
	v10 =	vand.u32 $0xFF0, v62;
	v63 =	vadd.s32 v8, v61  }
0x3b9: {  	p0 =	slt.u32 s6, $0x3FC;
	v9 =	vadd.s32 v61, v10  }
.Ltmp13:
0x3ba: {  	_ = 	snop;
	(pc) =	sbr.rel @p0 .LBB2_28-.Ltmp13, $4  }
0x3bb: {  	v8 =	vadd.s32 $0x1, v8  }
0x3bc: {  	[tilespmem:v7+s16+$0x0] =	vst.idx.msk $0xffff, v8  }
0x3bd: {  	s1 =	simm.s32 $0x0;
	s7 =	simm.s32 $0xFFFFFFFE;
	[tilespmem:v63+s19+$0x0] =	vst.idx.msk $0xffff, v6  }
0x3be: {  	s0 =	simm.s32 $0x18310;
	s8 =	simm.s32 $0x19310;
	s5 =	sadd.s32 $0x40, s5;
	[tilespmem:v9+s22+$0x0] =	vst.idx.add.s32.msk $0xffff, v2  }
0x3bf: {  	v6 =	vld [tilespmem:s8+$0xFFFFFFF0];
	_ =	sdelay $0x4  }
0x3c0: {  	(xrf0) =	vadd.scan.msk.s32 $0xffff, v6;
	_ =	sdelay $0x5  }
0x3c1: {  	v7, _, _ =	vpop (xrf0)  }
0x3c2: {  	v7 =	vsub.s32 v7, v6  }
0x3c3: {  	(v2sf) =	vpush v6, $0xF;
	v7 =	vadd.s32 s1, v7  }
0x3c4: {  	(v2sf) =	vpush v7, $0xF;
	_ =	sdelay $0x1  }
0x3c5: {  	[tilespmem:s8+$0xFFFFFFF0] =	vst v7  }
0x3c6: {  	[tilespmem:s0+$0xFFFFFFF0] =	vst v0  }
0x3c7: {  	v6 =	vld [tilespmem:s8+$0x0];
	_ =	sdelay $0x4  }
0x3c8: {  	(xrf0) =	vadd.scan.msk.s32 $0xffff, v6;
	_ =	sdelay $0x4  }
0x3c9: {  	s3 =	spop (v2sf)  }
0x3ca: {  	v7, _, _ =	vpop (xrf0);
	s5 =	spop (v2sf)  }
0x3cb: {  	v7 =	vsub.s32 v7, v6;
	s3 =	sadd.s32 s3, s5  }
0x3cc: {  	(v2sf) =	vpush v6, $0xF;
	v7 =	vadd.s32 s3, v7  }
0x3cd: {  	(v2sf) =	vpush v7, $0xF;
	_ =	sdelay $0x1  }
0x3ce: {  	[tilespmem:s8+$0x0] =	vst v7  }
0x3cf: {  	s6 =	sadd.s32 $0x20, s8;
	[tilespmem:s0+$0x0] =	vst v0  }
0x3d0: {  	v6 =	vld [tilespmem:s6+$0xFFFFFFF0];
	_ =	sdelay $0x4  }
0x3d1: {  	(xrf0) =	vadd.scan.msk.s32 $0xffff, v6;
	_ =	sdelay $0x4  }
0x3d2: {  	s31 =	sadd.s32 $0x2, s7;
	s3 =	spop (v2sf)  }
0x3d3: {  	s5 =	sadd.s32 $0x2, s31;
	v7, _, _ =	vpop (xrf0);
	s7 =	spop (v2sf)  }
.LBB2_30:
0x3d4: {  	s5 =	sadd.s32 $0x2, s5;
	v7 =	vsub.s32 v7, v6;
	s3 =	sadd.s32 s3, s7;
	s0 =	sadd.s32 $0x20, s0  }
0x3d5: {  	p0 =	slt.u32 s5, $0xFE;
	v7 =	vadd.s32 s3, v7;
	(v2sf) =	vpush v6, $0xF  }
0x3d6: {  	[tilespmem:s6+$0xFFFFFFF0] =	vst v7;
	(v2sf) =	vpush v7, $0xF  }
0x3d7: {  	[tilespmem:s0+$0xFFFFFFF0] =	vst v0  }
0x3d8: {  	v6 =	vld [tilespmem:s6+$0x0];
	_ =	sdelay $0x4  }
0x3d9: {  	(xrf0) =	vadd.scan.msk.s32 $0xffff, v6;
	_ =	sdelay $0x5  }
0x3da: {  	v7, _, _ =	vpop (xrf0)  }
0x3db: {  	v7 =	vsub.s32 v7, v6;
	s3 =	spop (v2sf)  }
0x3dc: {  	s7 =	spop (v2sf)  }
0x3dd: {  	s3 =	sadd.s32 s3, s7  }
0x3de: {  	v7 =	vadd.s32 s3, v7;
	(v2sf) =	vpush v6, $0xF  }
0x3df: {  	[tilespmem:s6+$0x0] =	vst v7;
	(v2sf) =	vpush v7, $0xF  }
0x3e0: {  	[tilespmem:s0+$0x0] =	vst v0;
	_ =	sdelay $0x1  }
0x3e1: {  	s6 =	sadd.s32 $0x20, s6  }
0x3e2: {  	v6 =	vld [tilespmem:s6+$0xFFFFFFF0];
	_ =	sdelay $0x4  }
0x3e3: {  	(xrf0) =	vadd.scan.msk.s32 $0xffff, v6;
	_ =	sdelay $0x1  }
.Ltmp14:
0x3e4: {  	(pc) =	sbr.rel @p0 .LBB2_30-.Ltmp14, $3  }
0x3e5: {  	_ =	sdelay $0x1  }
0x3e6: {  	s3 =	spop (v2sf)  }
0x3e7: {  	v7, _, _ =	vpop (xrf0);
	s7 =	spop (v2sf)  }
0x3e8: {  	v7 =	vsub.s32 v7, v6;
	s3 =	sadd.s32 s3, s7  }
0x3e9: {  	(v2sf) =	vpush v6, $0xF;
	v7 =	vadd.s32 s3, v7  }
0x3ea: {  	(v2sf) =	vpush v7, $0xF;
	_ =	sdelay $0x1  }
0x3eb: {  	s0 =	sadd.s32 $0x20, s0;
	[tilespmem:s6+$0xFFFFFFF0] =	vst v7  }
0x3ec: {  	[tilespmem:s0+$0xFFFFFFF0] =	vst v0  }
0x3ed: {  	v6 =	vld [tilespmem:s6+$0x0];
	_ =	sdelay $0x4  }
0x3ee: {  	(xrf0) =	vadd.scan.msk.s32 $0xffff, v6;
	_ =	sdelay $0x4  }
0x3ef: {  	s29 =	spop (v2sf)  }
0x3f0: {  	v7, _, _ =	vpop (xrf0);
	s5 =	spop (v2sf)  }
0x3f1: {  	v7 =	vsub.s32 v7, v6;
	s3 =	sadd.s32 s29, s5  }
0x3f2: {  	(v2sf) =	vpush v6, $0xF;
	v7 =	vadd.s32 s3, v7  }
0x3f3: {  	(v2sf) =	vpush v7, $0xF;
	_ =	sdelay $0xd  }
0x3f4: {  	[tilespmem:s6+$0x0] =	vst v7;
	s30 =	spop (v2sf)  }
0x3f5: {  	[tilespmem:s0+$0x0] =	vst v0;
	s31 =	spop (v2sf)  }
.LBB2_32:
0x3f6: {  	v6 =	vadd.s32 s1, v4;
	_ =	sdelay $0x4  }
0x3f7: {  	v6 =	vld.idx.msk [tilespmem:v6+s19+$0x0], $0xffff;
	_ =	sdelay $0x4  }
0x3f8: {  	v7 =	vshrl.u32 v6, $0x4  }
0x3f9: {  	v7 =	vand.u32 $0xFF0, v7  }
0x3fa: {  	v7 =	vor.u32 v1, v7;
	_ =	sdelay $0x4  }
0x3fb: {  	v8 =	vld.idx.msk [tilespmem:v7+s22+$0x0], $0xffff;
	_ =	sdelay $0x4  }
0x3fc: {  	v10 =	vshrl.u32 v6, $0xC;
	v9 =	vshra.s32 v8, $0xA  }
0x3fd: {  	v10 =	vand.u32 $0xFF0, v10;
	v11 =	vadd.s32 v8, v9  }
0x3fe: {  	s0 =	sadd.s32 $0x1, s1;
	v9 =	vadd.s32 v9, v10  }
0x3ff: {  	v55 =	vadd.s32 s0, v4  }
0x400: {  	v8 =	vadd.s32 $0x1, v8  }
0x401: {  	s0 =	simm.s32 $0x0;
	[tilespmem:v7+s22+$0x0] =	vst.idx.msk $0xffff, v8  }
0x402: {  	[tilespmem:v11+s0+$0x0] =	vst.idx.msk $0xffff, v6  }
0x403: {  	[tilespmem:v9+s16+$0x0] =	vst.idx.add.s32.msk $0xffff, v2  }
0x404: {  	v6 =	vld.idx.msk [tilespmem:v55+s19+$0x0], $0xffff;
	_ =	sdelay $0x4  }
0x405: {  	v7 =	vshrl.u32 v6, $0x4  }
0x406: {  	v7 =	vand.u32 $0xFF0, v7  }
0x407: {  	v7 =	vor.u32 v1, v7;
	_ =	sdelay $0x4  }
0x408: {  	v8 =	vld.idx.msk [tilespmem:v7+s22+$0x0], $0xffff;
	_ =	sdelay $0x4  }
0x409: {  	v10 =	vshrl.u32 v6, $0xC;
	v56 =	vshra.s32 v8, $0xA  }
0x40a: {  	v10 =	vand.u32 $0xFF0, v10;
	v57 =	vadd.s32 v8, v56  }
0x40b: {  	s3 =	sadd.s32 $0x2, s1;
	v9 =	vadd.s32 v56, v10  }
0x40c: {  	v58 =	vadd.s32 s3, v4  }
0x40d: {  	v8 =	vadd.s32 $0x1, v8  }
0x40e: {  	[tilespmem:v7+s22+$0x0] =	vst.idx.msk $0xffff, v8  }
0x40f: {  	[tilespmem:v57+s0+$0x0] =	vst.idx.msk $0xffff, v6  }
0x410: {  	[tilespmem:v9+s16+$0x0] =	vst.idx.add.s32.msk $0xffff, v2  }
0x411: {  	v6 =	vld.idx.msk [tilespmem:v58+s19+$0x0], $0xffff;
	_ =	sdelay $0x4  }
0x412: {  	v7 =	vshrl.u32 v6, $0x4  }
0x413: {  	v7 =	vand.u32 $0xFF0, v7  }
0x414: {  	v7 =	vor.u32 v1, v7;
	_ =	sdelay $0x4  }
0x415: {  	v8 =	vld.idx.msk [tilespmem:v7+s22+$0x0], $0xffff;
	_ =	sdelay $0x4  }
0x416: {  	v10 =	vshrl.u32 v6, $0xC;
	v59 =	vshra.s32 v8, $0xA  }
0x417: {  	v10 =	vand.u32 $0xFF0, v10;
	v60 =	vadd.s32 v8, v59  }
0x418: {  	s31 =	sadd.s32 $0x3, s1;
	v9 =	vadd.s32 v59, v10  }
0x419: {  	v61 =	vadd.s32 s31, v4  }
0x41a: {  	v8 =	vadd.s32 $0x1, v8  }
0x41b: {  	[tilespmem:v7+s22+$0x0] =	vst.idx.msk $0xffff, v8  }
0x41c: {  	[tilespmem:v60+s0+$0x0] =	vst.idx.msk $0xffff, v6  }
0x41d: {  	[tilespmem:v9+s16+$0x0] =	vst.idx.add.s32.msk $0xffff, v2  }
0x41e: {  	v6 =	vld.idx.msk [tilespmem:v61+s19+$0x0], $0xffff;
	_ =	sdelay $0x4  }
0x41f: {  	v7 =	vshrl.u32 v6, $0x4  }
0x420: {  	v7 =	vand.u32 $0xFF0, v7  }
0x421: {  	v7 =	vor.u32 v1, v7;
	_ =	sdelay $0x4  }
0x422: {  	v8 =	vld.idx.msk [tilespmem:v7+s22+$0x0], $0xffff;
	_ =	sdelay $0x4  }
0x423: {  	v10 =	vshrl.u32 v6, $0xC;
	v62 =	vshra.s32 v8, $0xA  }
0x424: {  	v10 =	vand.u32 $0xFF0, v10;
	v63 =	vadd.s32 v8, v62  }
0x425: {  	p0 =	slt.u32 s1, $0x3FC;
	v9 =	vadd.s32 v62, v10  }
.Ltmp15:
0x426: {  	_ = 	snop;
	(pc) =	sbr.rel @p0 .LBB2_32-.Ltmp15, $4  }
0x427: {  	v8 =	vadd.s32 $0x1, v8  }
0x428: {  	[tilespmem:v7+s22+$0x0] =	vst.idx.msk $0xffff, v8  }
0x429: {  	s1 =	sadd.s32 $0x4, s1;
	[tilespmem:v63+s0+$0x0] =	vst.idx.msk $0xffff, v6  }
0x42a: {  	s5 =	simm.s32 $0xFFFFFFFE;
	s6 =	simm.s32 $0x19310;
	s7 =	simm.s32 $0x18310;
	[tilespmem:v9+s16+$0x0] =	vst.idx.add.s32.msk $0xffff, v2  }
0x42b: {  	v6 =	vld [tilespmem:s7+$0xFFFFFFF0];
	_ =	sdelay $0x4  }
0x42c: {  	(xrf0) =	vadd.scan.msk.s32 $0xffff, v6;
	_ =	sdelay $0x5  }
0x42d: {  	v7, _, _ =	vpop (xrf0)  }
0x42e: {  	v7 =	vsub.s32 v7, v6  }
0x42f: {  	(v2sf) =	vpush v6, $0xF;
	v7 =	vadd.s32 s0, v7  }
0x430: {  	(v2sf) =	vpush v7, $0xF;
	_ =	sdelay $0x1  }
0x431: {  	[tilespmem:s7+$0xFFFFFFF0] =	vst v7  }
0x432: {  	[tilespmem:s6+$0xFFFFFFF0] =	vst v0  }
0x433: {  	v6 =	vld [tilespmem:s7+$0x0];
	_ =	sdelay $0x4  }
0x434: {  	(xrf0) =	vadd.scan.msk.s32 $0xffff, v6;
	_ =	sdelay $0x4  }
0x435: {  	s1 =	spop (v2sf)  }
0x436: {  	v7, _, _ =	vpop (xrf0);
	s3 =	spop (v2sf)  }
0x437: {  	v7 =	vsub.s32 v7, v6;
	s1 =	sadd.s32 s1, s3  }
0x438: {  	(v2sf) =	vpush v6, $0xF;
	v7 =	vadd.s32 s1, v7  }
0x439: {  	(v2sf) =	vpush v7, $0xF;
	_ =	sdelay $0x1  }
0x43a: {  	[tilespmem:s7+$0x0] =	vst v7  }
0x43b: {  	s1 =	sadd.s32 $0x20, s7;
	[tilespmem:s6+$0x0] =	vst v0  }
0x43c: {  	v6 =	vld [tilespmem:s1+$0xFFFFFFF0];
	_ =	sdelay $0x4  }
0x43d: {  	(xrf0) =	vadd.scan.msk.s32 $0xffff, v6;
	_ =	sdelay $0x4  }
0x43e: {  	s5 =	sadd.s32 $0x2, s5;
	s3 =	spop (v2sf)  }
0x43f: {  	s5 =	sadd.s32 $0x2, s5;
	v7, _, _ =	vpop (xrf0);
	s7 =	spop (v2sf)  }
.LBB2_34:
0x440: {  	s5 =	sadd.s32 $0x2, s5;
	v7 =	vsub.s32 v7, v6;
	s3 =	sadd.s32 s3, s7;
	s6 =	sadd.s32 $0x20, s6  }
0x441: {  	p0 =	slt.u32 s5, $0xFE;
	v7 =	vadd.s32 s3, v7;
	(v2sf) =	vpush v6, $0xF  }
0x442: {  	[tilespmem:s1+$0xFFFFFFF0] =	vst v7;
	(v2sf) =	vpush v7, $0xF  }
0x443: {  	[tilespmem:s6+$0xFFFFFFF0] =	vst v0  }
0x444: {  	v6 =	vld [tilespmem:s1+$0x0];
	_ =	sdelay $0x4  }
0x445: {  	(xrf0) =	vadd.scan.msk.s32 $0xffff, v6;
	_ =	sdelay $0x5  }
0x446: {  	v7, _, _ =	vpop (xrf0)  }
0x447: {  	v7 =	vsub.s32 v7, v6;
	s3 =	spop (v2sf)  }
0x448: {  	s7 =	spop (v2sf)  }
0x449: {  	s3 =	sadd.s32 s3, s7  }
0x44a: {  	v7 =	vadd.s32 s3, v7;
	(v2sf) =	vpush v6, $0xF  }
0x44b: {  	[tilespmem:s1+$0x0] =	vst v7;
	(v2sf) =	vpush v7, $0xF  }
0x44c: {  	[tilespmem:s6+$0x0] =	vst v0;
	_ =	sdelay $0x1  }
0x44d: {  	s1 =	sadd.s32 $0x20, s1  }
0x44e: {  	v6 =	vld [tilespmem:s1+$0xFFFFFFF0];
	_ =	sdelay $0x4  }
0x44f: {  	(xrf0) =	vadd.scan.msk.s32 $0xffff, v6;
	_ =	sdelay $0x1  }
.Ltmp16:
0x450: {  	(pc) =	sbr.rel @p0 .LBB2_34-.Ltmp16, $3  }
0x451: {  	_ =	sdelay $0x1  }
0x452: {  	s3 =	spop (v2sf)  }
0x453: {  	v7, _, _ =	vpop (xrf0);
	s7 =	spop (v2sf)  }
0x454: {  	v7 =	vsub.s32 v7, v6;
	s3 =	sadd.s32 s3, s7  }
0x455: {  	(v2sf) =	vpush v6, $0xF;
	v7 =	vadd.s32 s3, v7  }
0x456: {  	(v2sf) =	vpush v7, $0xF;
	_ =	sdelay $0x1  }
0x457: {  	s28 =	sadd.s32 $0x20, s6;
	[tilespmem:s1+$0xFFFFFFF0] =	vst v7  }
0x458: {  	[tilespmem:s28+$0xFFFFFFF0] =	vst v0  }
0x459: {  	v6 =	vld [tilespmem:s1+$0x0];
	_ =	sdelay $0x4  }
0x45a: {  	(xrf0) =	vadd.scan.msk.s32 $0xffff, v6;
	_ =	sdelay $0x4  }
0x45b: {  	s5 =	spop (v2sf)  }
0x45c: {  	v7, _, _ =	vpop (xrf0);
	s29 =	spop (v2sf)  }
0x45d: {  	v7 =	vsub.s32 v7, v6;
	s5 =	sadd.s32 s5, s29  }
0x45e: {  	(v2sf) =	vpush v6, $0xF;
	v7 =	vadd.s32 s5, v7  }
0x45f: {  	(v2sf) =	vpush v7, $0xF;
	_ =	sdelay $0xd  }
0x460: {  	[tilespmem:s1+$0x0] =	vst v7;
	s30 =	spop (v2sf)  }
0x461: {  	[tilespmem:s28+$0x0] =	vst v0;
	s31 =	spop (v2sf)  }
.LBB2_36:
0x462: {  	v6 =	vadd.s32 s0, v4;
	_ =	sdelay $0x3  }
0x463: {  	s1 =	simm.s32 $0x0  }
0x464: {  	v6 =	vld.idx.msk [tilespmem:v6+s1+$0x0], $0xffff;
	_ =	sdelay $0x4  }
0x465: {  	v7 =	vshrl.u32 v6, $0xC  }
0x466: {  	v7 =	vand.u32 $0xFF0, v7  }
0x467: {  	v7 =	vor.u32 v1, v7;
	_ =	sdelay $0x4  }
0x468: {  	v8 =	vld.idx.msk [tilespmem:v7+s16+$0x0], $0xffff;
	_ =	sdelay $0x2  }
0x469: {  	s3 =	sadd.s32 $0x1, s0  }
0x46a: {  	v9 =	vadd.s32 s3, v4;
	_ =	sdelay $0x1  }
0x46b: {  	v10 =	vadd.s32 $0x1, v8  }
0x46c: {  	v6 =	vand.u32 $0x1, v6;
	[tilespmem:v7+s16+$0x0] =	vst.idx.msk $0xffff, v10  }
0x46d: {  	[tilespmem:v8+s19+$0x0] =	vst.idx.msk $0xffff, v6  }
0x46e: {  	v6 =	vld.idx.msk [tilespmem:v9+s1+$0x0], $0xffff;
	_ =	sdelay $0x4  }
0x46f: {  	v7 =	vshrl.u32 v6, $0xC  }
0x470: {  	v7 =	vand.u32 $0xFF0, v7  }
0x471: {  	v7 =	vor.u32 v1, v7;
	_ =	sdelay $0x4  }
0x472: {  	v8 =	vld.idx.msk [tilespmem:v7+s16+$0x0], $0xffff;
	_ =	sdelay $0x2  }
0x473: {  	s30 =	sadd.s32 $0x2, s0  }
0x474: {  	v59 =	vadd.s32 s30, v4;
	_ =	sdelay $0x1  }
0x475: {  	v60 =	vadd.s32 $0x1, v8  }
0x476: {  	v6 =	vand.u32 $0x1, v6;
	[tilespmem:v7+s16+$0x0] =	vst.idx.msk $0xffff, v60  }
0x477: {  	[tilespmem:v8+s19+$0x0] =	vst.idx.msk $0xffff, v6  }
0x478: {  	v6 =	vld.idx.msk [tilespmem:v59+s1+$0x0], $0xffff;
	_ =	sdelay $0x4  }
0x479: {  	v7 =	vshrl.u32 v6, $0xC  }
0x47a: {  	v7 =	vand.u32 $0xFF0, v7  }
0x47b: {  	v7 =	vor.u32 v1, v7;
	_ =	sdelay $0x4  }
0x47c: {  	v8 =	vld.idx.msk [tilespmem:v7+s16+$0x0], $0xffff;
	_ =	sdelay $0x2  }
0x47d: {  	s31 =	sadd.s32 $0x3, s0  }
0x47e: {  	v61 =	vadd.s32 s31, v4;
	_ =	sdelay $0x1  }
0x47f: {  	v62 =	vadd.s32 $0x1, v8  }
0x480: {  	v6 =	vand.u32 $0x1, v6;
	[tilespmem:v7+s16+$0x0] =	vst.idx.msk $0xffff, v62  }
0x481: {  	[tilespmem:v8+s19+$0x0] =	vst.idx.msk $0xffff, v6  }
0x482: {  	v6 =	vld.idx.msk [tilespmem:v61+s1+$0x0], $0xffff;
	_ =	sdelay $0x4  }
0x483: {  	v7 =	vshrl.u32 v6, $0xC  }
0x484: {  	v7 =	vand.u32 $0xFF0, v7  }
0x485: {  	v7 =	vor.u32 v1, v7;
	_ =	sdelay $0x4  }
0x486: {  	v8 =	vld.idx.msk [tilespmem:v7+s16+$0x0], $0xffff;
	_ =	sdelay $0x2  }
0x487: {  	p0 =	slt.u32 s0, $0x3FC  }
.Ltmp17:
0x488: {  	_ = 	snop;
	(pc) =	sbr.rel @p0 .LBB2_36-.Ltmp17, $4  }
0x489: {  	_ = 	snop  }
0x48a: {  	v63 =	vadd.s32 $0x1, v8  }
0x48b: {  	v6 =	vand.u32 $0x1, v6;
	[tilespmem:v7+s16+$0x0] =	vst.idx.msk $0xffff, v63  }
0x48c: {  	s0 =	sadd.s32 $0x4, s0;
	s5 =	simm.s32 $0xFFFFFFFC;
	s6 =	simm.s32 $0x40A0;
	[tilespmem:v8+s19+$0x0] =	vst.idx.msk $0xffff, v6;
	v6 =	vimm.f32 $0.0e+00  }
0x48d: {  	v4 =	vld [tilespmem:s6+$0xFFFFFFE0];
	_ =	sdelay $0x2  }
0x48e: {  	v7 =	vld [tilespmem:s6+$0xFFFFFFF0]  }
0x48f: {  	v8 =	vor.u32 s1, v5  }
0x490: {  	s0 =	sadd.s32 $0x10, s1;
	v8 =	vcvt.s32.f32 v8;
	(xrf0) =	vadd.scan.msk.s32 $0xffff, v4  }
0x491: {  	v9 =	vld [tilespmem:s6+$0x0];
	v10 =	vadd.s32 s0, v5  }
0x492: {  	(erf) = vrcp.f32 v8;
	v8 =	vcvt.s32.f32 v10  }
0x493: {  	s30 =	sadd.s32 $0x20, s1;
	(xrf0) =	vadd.scan.msk.s32 $0xffff, v7  }
0x494: {  	(erf) = vrcp.f32 v8;
	v8 =	vor.u32 s30, v5  }
0x495: {  	v8 =	vcvt.s32.f32 v8  }
0x496: {  	v10, _, _ =	vpop (xrf0);
	(xrf0) =	vadd.scan.msk.s32 $0xffff, v9  }
0x497: {  	v11 =	vcvt.s32.f32 v4;
	v10 =	vadd.s32 s1, v10  }
0x498: {  	v4 =	vld [tilespmem:s6+$0x10];
	v13 =	vcvt.s32.f32 v10;
	v10 =	vbroadcast v10, $0xF  }
0x499: {  	s31 =	sadd.s32 $0x30, s1;
	(erf) = vrcp.f32 v8;
	v8, _, _ =	vpop (xrf0)  }
0x49a: {  	v12 =	vadd.s32 s31, v5;
	v8 =	vadd.s32 v8, v10  }
0x49b: {  	v12 =	vcvt.s32.f32 v12  }
0x49c: {  	v11 =	vmul.f32 v13, v11;
	v10 =	vcvt.s32.f32 v8;
	v63, _, _ =	vpop (xrf0)  }
0x49d: {  	v62 =	vbroadcast v8, $0xF;
	(xrf0) =	vadd.scan.msk.s32 $0xffff, v4;
	v8 =	vpop (erf);
	(erf) = vrcp.f32 v12  }
0x49e: {  	v11 =	vmul.f32 v11, v8  }
0x49f: {  	v7 =	vcvt.s32.f32 v7;
	_ =	sdelay $0x1  }
0x4a0: {  	v8 =	vmul.f32 v10, v7;
	v10 =	vadd.s32 v63, v62;
	v7 =	vcvt.s32.f32 v9  }
0x4a1: {  	s0 =	sadd.s32 $0x4, s5;
	v9 =	vcvt.s32.f32 v10;
	v10 =	vbroadcast v10, $0xF;
	v6 =	vadd.f32 v11, v6;
	v11 =	vpop (erf)  }
.LBB2_38:
0x4a2: {  	s0 =	sadd.s32 $0x4, s0;
	v8 =	vmul.f32 v8, v11;
	v11, _, _ =	vpop (xrf0)  }
0x4a3: {  	v4 =	vcvt.s32.f32 v4;
	p0 =	slt.u32 s0, $0x3FC;
	v7 =	vmul.f32 v9, v7;
	v11 =	vadd.s32 v11, v10;
	v10 =	vpop (erf)  }
0x4a4: {  	v6 =	vadd.f32 v8, v6;
	v8 =	vcvt.s32.f32 v11;
	(v2sf) =	vpush v11, $0xF  }
0x4a5: {  	v7 =	vmul.f32 v7, v10;
	v9 =	vpop (erf)  }
0x4a6: {  	v4 =	vmul.f32 v8, v4  }
0x4a7: {  	s6 =	sadd.s32 $0x40, s6;
	v6 =	vadd.f32 v7, v6  }
0x4a8: {  	v7 =	vld [tilespmem:s6+$0xFFFFFFE0];
	v4 =	vmul.f32 v4, v9;
	_ =	sdelay $0x1  }
0x4a9: {  	v6 =	vadd.f32 v4, v6  }
0x4aa: {  	s1 =	sadd.s32 $0x40, s1;
	v8 =	vld [tilespmem:s6+$0xFFFFFFF0]  }
0x4ab: {  	v4 =	vor.u32 s1, v5  }
0x4ac: {  	v4 =	vcvt.s32.f32 v4;
	(xrf0) =	vadd.scan.msk.s32 $0xffff, v7  }
0x4ad: {  	s3 =	sadd.s32 $0x10, s1;
	v9 =	vld [tilespmem:s6+$0x0]  }
0x4ae: {  	v10 =	vadd.s32 s3, v5;
	(erf) = vrcp.f32 v4  }
0x4af: {  	s3 =	sadd.s32 $0x20, s1;
	v10 =	vcvt.s32.f32 v10;
	(xrf0) =	vadd.scan.msk.s32 $0xffff, v8  }
0x4b0: {  	v11 =	vor.u32 s3, v5;
	s3 =	sadd.s32 $0x30, s1;
	v4 =	vld [tilespmem:s6+$0x10]  }
0x4b1: {  	v11 =	vcvt.s32.f32 v11;
	v13 =	vadd.s32 s3, v5;
	(erf) = vrcp.f32 v10  }
0x4b2: {  	v10 =	vcvt.s32.f32 v13;
	v12, _, _ =	vpop (xrf0);
	(xrf0) =	vadd.scan.msk.s32 $0xffff, v9;
	s3 =	spop (v2sf)  }
0x4b3: {  	v7 =	vcvt.s32.f32 v7;
	v12 =	vadd.s32 s3, v12;
	(erf) = vrcp.f32 v11  }
0x4b4: {  	v11 =	vcvt.s32.f32 v12;
	v14 =	vbroadcast v12, $0xF  }
0x4b5: {  	v13, _, _ =	vpop (xrf0);
	(xrf0) =	vadd.scan.msk.s32 $0xffff, v4;
	(erf) = vrcp.f32 v10  }
.Ltmp18:
0x4b6: {  	v8 =	vcvt.s32.f32 v8;
	v15 =	vmul.f32 v11, v7;
	v10 =	vadd.s32 v13, v14;
	(pc) =	sbr.rel @p0 .LBB2_38-.Ltmp18, $4  }
0x4b7: {  	v13 =	vcvt.s32.f32 v10;
	v10 =	vbroadcast v10, $0xF;
	v12 =	vpop (erf)  }
0x4b8: {  	v12 =	vmul.f32 v15, v12;
	v7, _, _ =	vpop (xrf0)  }
0x4b9: {  	v8 =	vmul.f32 v13, v8;
	v10 =	vadd.s32 v7, v10;
	v7 =	vcvt.s32.f32 v9  }
0x4ba: {  	v6 =	vadd.f32 v12, v6;
	v9 =	vcvt.s32.f32 v10;
	v10 =	vbroadcast v10, $0xF;
	v11 =	vpop (erf)  }
0x4bb: {  	v5, _, _ =	vpop (xrf0)  }
0x4bc: {  	v5 =	vadd.s32 v5, v10  }
0x4bd: {  	(v2sf) =	vpush v5, $0xF;
	_ =	sdelay $0x8  }
0x4be: {  	v8 =	vmul.f32 v8, v11;
	v5 =	vcvt.s32.f32 v5  }
0x4bf: {  	v4 =	vcvt.s32.f32 v4;
	v7 =	vmul.f32 v9, v7  }
0x4c0: {  	v63 =	vpop (erf)  }
0x4c1: {  	v6 =	vadd.f32 v8, v6;
	v7 =	vmul.f32 v7, v63;
	v4 =	vmul.f32 v5, v4  }
0x4c2: {  	v5 =	vpop (erf)  }
0x4c3: {  	v6 =	vadd.f32 v7, v6;
	v4 =	vmul.f32 v4, v5  }
0x4c4: {  	s0 =	spop (v2sf)  }
0x4c5: {  	v4 =	vadd.f32 v4, v6;
	s0 =	scvt.s32.f32 s0;
	_ =	sdelay $0x1  }
0x4c6: {  	(xrf2) =	vadd.scan.msk.f32 $0xffff, v4;
	s0 =	sadd.f32 $9.999999740e-06, s0;
	_ =	sdelay $0x1  }
0x4c7: {  	v4 =	vmov s0  }
0x4c8: {  	(erf) = vrcp.f32 v4;
	_ =	sdelay $0x6  }
0x4c9: {  	v4, _, _ =	vpop (xrf2)  }
0x4ca: {  	v4 =	vbroadcast v4, $0xF  }
0x4cb: {  	v5 =	vpop (erf)  }
0x4cc: {  	v4 =	vmul.f32 v5, v4  }
0x4cd: {  	s1 =	simm.s32 $0x1E300  }
0x4ce: {  	s29 =	rddreg [dreg:$0x7];
	[tilespmem:v3+s1+$0x0] =	vst.idx.msk $0x1, v4  }
0x4cf: {  	[hbm4b:s29+s2] =	stream.linear.scatter [tilespmem:s1], [sflag:$0x2], $0x40, $0x38;
	[tilespmem:$0x1E380] =	vst v63  }
0x4d0: {  	_ =	swait.ge [sflag:s9], $0x40  }
0x4d1: {  	s30 =	rddreg [dreg:$0x9]  }
0x4d2: {  	s31 =	rddreg [dreg:$0x8];
	s1 =	sadd.s32 $0x1, s30  }
0x4d3: {  	p0 =	sne.s32 s1, s31  }
.Ltmp19:
0x4d4: {  	_ = 	snop;
	(pc) =	sbr.rel @p0 .LBB2_1-.Ltmp19, $3  }
0x4d5: {  	_ =	sdelay $0x1  }
0x4d6: {  	[sflag:s9] =	ssyncset.done $0x0  }
0x4d7: {  	[sflag:s9] =	ssyncadd.s32 $0xFFFFFFC0  }
0x4d8: {  	_ =	sfence.sel $0x180000  }
0x4d9: {  	[bflag:$0x0] =	sbarrier.arrive $0xFFFF  }
0x4da: {  	_ =	strace $0x90000047  }
0x4db: {  	s0 =	stileid.u32;
	[bflag:$0x2] =	sbarrier.arrive $0xFFFF  }
0x4dc: {  	p0 =	sne.s32 s0, $0x0;
	s0 =	rddreg [dreg:$0x1]  }
0x4dd: {  	s0 =	sadd.s32 @!p0 $0x100000, s0  }
0x4de: {  	[sflag:s0] =	ssyncadd.tile.s32 @!p0 $0x1;
	_ =	shalt  }
.Lfunc_end2:
_tile_overlayer_lowered:
.L_overlay_start_2:
0x4df: {  	(tag) =	ssettag $0x2  }
0x4e0: {  	s0 =	rddreg [dreg:$0x0];
	s2 =	stileid.u32  }
0x4e1: {  	s1 =	rddreg [dreg:$0x1];
	p0 =	sne.s32 s2, $0x0  }
0x4e2: {  	s3 =	rddreg [dreg:$0x2];
	[bflag:$0x3] =	sbarrier.arrive $0xFFFF;
	s2 =	simm.s32 @!p0 $0x1C02  }
0x4e3: {  	[timem:s3], [sflag:s2] =	dma.local @!p0 [hbm:s0], s1  }
0x4e4: {  	s0 =	simm.s32 @!p0 $0x2  }
0x4e5: {  	_ =	swait.ge @!p0 [sflag:s0], s1  }
0x4e6: {  	s1 =	ssub.s32 @!p0 $0x0, s1;
	[sflag:s0] =	ssyncset.done @!p0 $0x0  }
0x4e7: {  	[sflag:s0] =	ssyncadd.s32 @!p0 s1  }
0x4e8: {  	[bflag:$0x3] =	sbarrier.arrive $0xFFFF  }
0x4e9: {  	_ =	shalt  }

</sc_bundles>
